<compile_context>
chip_gen: v7x
topology: tpu7x:2x2x1
jax: 0.10.2.dev20260603
libtpu: 0.0.44.dev20260713+nightly
codegen_flags: <defaults>
</compile_context>

<pallas_src>
import functools

import jax
import jax.numpy as jnp
from jax import lax
from jax.experimental import pallas as pl
from jax.experimental.pallas import tpu as pltpu
from jax.experimental.pallas import tpu_sc as plsc

NV = 6890
NN = 689
K = 3
NB = 18

NNP = 1024
VP = 7168
NWORK = 32
VPT = VP // NWORK
WGRP = VPT // 16
AGRP = NNP // 16 // NWORK

_mesh = plsc.VectorSubcoreMesh(core_axis_name="c", subcore_axis_name="s")
_sc_params = pltpu.CompilerParams(needs_layout_passes=False)


def _wid():
    return lax.axis_index("s") * 2 + lax.axis_index("c")


@functools.partial(
    pl.kernel,
    mesh=_mesh,
    out_type=jax.ShapeDtypeStruct((3 * NNP,), jnp.float32),
    compiler_params=_sc_params,
    scratch_types=[
        pltpu.VMEM((3 * VP,), jnp.float32),
        pltpu.VMEM((32,), jnp.int32),
        pltpu.VMEM((3 * 32,), jnp.float32),
        pltpu.SemaphoreType.DMA,
    ],
)
def _gather_nodes(v_hbm, idx_hbm, out_hbm, v_v, idx_v, out_v, sem):
    wid = _wid()
    cps = [pltpu.async_copy(v_hbm, v_v, sem),
           pltpu.async_copy(idx_hbm.at[pl.ds(wid * 32, 32)], idx_v, sem)]
    for cp in cps:
        cp.wait()
    for gg in range(2):
        j = idx_v[pl.ds(gg * 16, 16)]
        for ci in range(3):
            out_v[pl.ds(ci * 32 + gg * 16, 16)] = plsc.load_gather(
                v_v, [j + ci * VP])
    ocps = [
        pltpu.async_copy(out_v.at[pl.ds(ci * 32, 32)],
                         out_hbm.at[pl.ds(ci * NNP + wid * 32, 32)], sem)
        for ci in range(3)
    ]
    for cp in ocps:
        cp.wait()


def _tc_body(r_ref, t_ref, n_ref, out_ref):
    x = r_ref[0]
    y = r_ref[1]
    z = r_ref[2]
    xa = x + 1e-8
    ya = y + 1e-8
    za = z + 1e-8
    ang = jnp.sqrt(xa * xa + ya * ya + za * za)
    ax = x / ang
    ay = y / ang
    az = z / ang
    c = jnp.cos(ang)
    s = jnp.sin(ang)
    cc = 1.0 - c
    r00 = c + cc * ax * ax
    r01 = cc * ax * ay - s * az
    r02 = cc * ax * az + s * ay
    r10 = cc * ax * ay + s * az
    r11 = c + cc * ay * ay
    r12 = cc * ay * az - s * ax
    r20 = cc * ax * az - s * ay
    r21 = cc * ay * az + s * ax
    r22 = c + cc * az * az
    nx = n_ref[0]
    ny = n_ref[1]
    nz = n_ref[2]
    pmx = nx + t_ref[0]
    pmy = ny + t_ref[1]
    pmz = nz + t_ref[2]
    out_ref[0] = r00
    out_ref[1] = r01
    out_ref[2] = r02
    out_ref[3] = r10
    out_ref[4] = r11
    out_ref[5] = r12
    out_ref[6] = r20
    out_ref[7] = r21
    out_ref[8] = r22
    out_ref[9] = pmx - (r00 * nx + r01 * ny + r02 * nz)
    out_ref[10] = pmy - (r10 * nx + r11 * ny + r12 * nz)
    out_ref[11] = pmz - (r20 * nx + r21 * ny + r22 * nz)
    out_ref[12] = pmx
    out_ref[13] = pmy
    out_ref[14] = pmz
    out_ref[15] = nx
    out_ref[16] = ny
    out_ref[17] = nz


_tc_table = pl.pallas_call(
    _tc_body,
    out_shape=jax.ShapeDtypeStruct((18, 8, 128), jnp.float32),
)


@functools.partial(
    pl.kernel,
    mesh=_mesh,
    out_type=(
        jax.ShapeDtypeStruct((3 * VP,), jnp.float32),
        jax.ShapeDtypeStruct((NWORK * 16,), jnp.float32),
    ),
    compiler_params=_sc_params,
    scratch_types=[
        pltpu.VMEM((18 * NNP,), jnp.float32),
        pltpu.VMEM((3 * VPT,), jnp.float32),
        pltpu.VMEM((3 * VPT,), jnp.float32),
        pltpu.VMEM((3 * VPT,), jnp.int32),
        pltpu.VMEM((AGRP * NB * 16,), jnp.int32),
        pltpu.VMEM((3 * VPT,), jnp.float32),
        pltpu.VMEM((16,), jnp.float32),
        pltpu.SemaphoreType.DMA,
    ],
)
def _warp_arap(v_hbm, w_hbm, ix_hbm, tab_hbm, ring_hbm, warp_hbm, loss_hbm,
               tab_v, v_v, w_v, ix_v, ring_v, wout_v, loss_v, sem):
    wid = _wid()
    base = wid * VPT
    cps = [pltpu.async_copy(tab_hbm, tab_v, sem)]
    for ci in range(3):
        sl_h = pl.ds(ci * VP + base, VPT)
        sl_v = pl.ds(ci * VPT, VPT)
        cps.append(pltpu.async_copy(v_hbm.at[sl_h], v_v.at[sl_v], sem))
        cps.append(pltpu.async_copy(w_hbm.at[sl_h], w_v.at[sl_v], sem))
        cps.append(pltpu.async_copy(ix_hbm.at[sl_h], ix_v.at[sl_v], sem))
    cps.append(pltpu.async_copy(
        ring_hbm.at[pl.ds(wid * AGRP * NB * 16, AGRP * NB * 16)], ring_v,
        sem))
    for cp in cps:
        cp.wait()

    def warp_group(g, carry):
        vx = v_v[pl.ds(g * 16, 16)]
        vy = v_v[pl.ds(VPT + g * 16, 16)]
        vz = v_v[pl.ds(2 * VPT + g * 16, 16)]
        acc = [jnp.zeros((16,), jnp.float32) for _ in range(12)]
        for k in range(K):
            j = ix_v[pl.ds(k * VPT + g * 16, 16)]
            w = w_v[pl.ds(k * VPT + g * 16, 16)]
            for t in range(12):
                acc[t] = acc[t] + w * plsc.load_gather(tab_v, [j + t * NNP])
        wout_v[pl.ds(g * 16, 16)] = (
            acc[0] * vx + acc[1] * vy + acc[2] * vz + acc[9])
        wout_v[pl.ds(VPT + g * 16, 16)] = (
            acc[3] * vx + acc[4] * vy + acc[5] * vz + acc[10])
        wout_v[pl.ds(2 * VPT + g * 16, 16)] = (
            acc[6] * vx + acc[7] * vy + acc[8] * vz + acc[11])
        return carry

    lax.fori_loop(0, WGRP, warp_group, 0, unroll=2)
    ocps = [
        pltpu.async_copy(wout_v.at[pl.ds(ci * VPT, VPT)],
                         warp_hbm.at[pl.ds(ci * VP + base, VPT)], sem)
        for ci in range(3)
    ]

    ids = lax.iota(jnp.int32, 16)
    acc_loss = jnp.zeros((16,), jnp.float32)
    for gg in range(AGRP):
        gbase = (wid * AGRP + gg) * 16
        r = [tab_v[pl.ds(t * NNP + gbase, 16)] for t in range(9)]
        pm = [tab_v[pl.ds((12 + ci) * NNP + gbase, 16)] for ci in range(3)]
        nn = [tab_v[pl.ds((15 + ci) * NNP + gbase, 16)] for ci in range(3)]
        valid = (gbase + ids) < NN
        for h in range(NB):
            m = ring_v[pl.ds((gg * NB + h) * 16, 16)]
            nm = [plsc.load_gather(tab_v, [m + (15 + ci) * NNP])
                  for ci in range(3)]
            pmm = [plsc.load_gather(tab_v, [m + (12 + ci) * NNP])
                   for ci in range(3)]
            dx = nn[0] - nm[0]
            dy = nn[1] - nm[1]
            dz = nn[2] - nm[2]
            ex = pm[0] - pmm[0] - (r[0] * dx + r[1] * dy + r[2] * dz)
            ey = pm[1] - pmm[1] - (r[3] * dx + r[4] * dy + r[5] * dz)
            ez = pm[2] - pmm[2] - (r[6] * dx + r[7] * dy + r[8] * dz)
            e2 = ex * ex + ey * ey + ez * ez
            acc_loss = acc_loss + jnp.where(valid, e2, 0.0)
    loss_v[...] = acc_loss
    ocps.append(pltpu.async_copy(loss_v, loss_hbm.at[pl.ds(wid * 16, 16)],
                                 sem))
    for cp in ocps:
        cp.wait()


def kernel(vertices, opt_d_rotations, opt_d_translations, weights, nodes_idx,
           influence_nodes_idx, one_ring_neigh):
    f32 = jnp.float32
    i32 = jnp.int32
    vp = jnp.zeros((3, VP), f32).at[:, :NV].set(vertices.T).reshape(-1)
    wp = jnp.zeros((3, VP), f32).at[:, :NV].set(weights.T).reshape(-1)
    ip = jnp.zeros((3, VP), i32).at[:, :NV].set(
        influence_nodes_idx.T.astype(i32)).reshape(-1)
    nidx = jnp.zeros((NNP,), i32).at[:NN].set(nodes_idx.astype(i32))
    rv = jnp.zeros((3, NNP), f32).at[:, :NN].set(opt_d_rotations[0].T)
    tv = jnp.zeros((3, NNP), f32).at[:, :NN].set(opt_d_translations[0].T)
    ring = jnp.zeros((NWORK * AGRP * 16, NB), i32).at[:NN].set(
        one_ring_neigh.astype(i32))
    ring = ring.reshape(NWORK * AGRP, 16, NB).transpose(0, 2, 1).reshape(-1)

    nplanes = _gather_nodes(vp, nidx)
    table = _tc_table(rv.reshape(3, 8, 128), tv.reshape(3, 8, 128),
                      nplanes.reshape(3, 8, 128))
    warp, loss_part = _warp_arap(vp, wp, ip, table.reshape(-1), ring)
    warped = warp.reshape(3, VP)[:, :NV].T[None]
    arap = jnp.sum(loss_part) / f32(NN)
    return warped, arap

# --- scband reference (transcript-rebuilt; emitter-appended) ---
"""Pipeline reference for scband-deformation-graph-13271448945111 (READ-ONLY COPY).

The authoritative reference and input builder live on the scoring server;
editing this copy changes nothing except your own understanding.
"""

import jax, jax.numpy as jnp
import numpy as np

N_VERTS = 6890
N_NODES = 689
K = 3
MAX_NEIGH = 18


def batch_rodrigues(rvec):
    # rvec: [N, 3] axis-angle -> [N, 3, 3] rotation matrices (Rodrigues formula)
    angle = jnp.linalg.norm(rvec + 1e-8, axis=1, keepdims=True)  # [N,1]
    axis = rvec / angle  # [N,3]
    c = jnp.cos(angle)[..., None]  # [N,1,1]
    s = jnp.sin(angle)[..., None]  # [N,1,1]
    x, y, z = axis[:, 0], axis[:, 1], axis[:, 2]
    zeros = jnp.zeros_like(x)
    K_mat = jnp.stack([zeros, -z, y, z, zeros, -x, -y, x, zeros], axis=1).reshape(-1, 3, 3)
    outer = axis[:, :, None] * axis[:, None, :]
    eye = jnp.eye(3, dtype=rvec.dtype)[None]
    R = c * eye + (1.0 - c) * outer + s * K_mat
    return R


def setup_inputs(seed: int = 0):
    key = jax.random.key(seed)
    ks = jax.random.split(key, 8)
    vertices = jax.random.normal(ks[0], (N_VERTS, 3), dtype=jnp.float32)
    opt_d_rotations = jax.random.normal(ks[1], (1, N_NODES, 3), dtype=jnp.float32) * 0.1
    opt_d_translations = jax.random.normal(ks[2], (1, N_NODES, 3), dtype=jnp.float32) * 0.1
    nodes_idx = jax.random.randint(ks[3], (N_NODES,), 0, N_VERTS, dtype=jnp.int32).astype(jnp.int64)
    influence_nodes_idx = jax.random.randint(ks[4], (N_VERTS, K), 0, N_NODES, dtype=jnp.int32).astype(jnp.int64)
    w = jax.random.uniform(ks[5], (N_VERTS, K), dtype=jnp.float32) + 1e-3
    weights = w / w.sum(axis=1, keepdims=True)
    one_ring_neigh = jax.random.randint(ks[6], (N_NODES, MAX_NEIGH), 0, N_NODES, dtype=jnp.int32).astype(jnp.int64)
    return {
        'vertices': vertices,
        'opt_d_rotations': opt_d_rotations,
        'opt_d_translations': opt_d_translations,
        'weights': weights,
        'nodes_idx': nodes_idx,
        'influence_nodes_idx': influence_nodes_idx,
        'one_ring_neigh': one_ring_neigh,
    }


def reference(vertices, opt_d_rotations, opt_d_translations, weights, nodes_idx, influence_nodes_idx, one_ring_neigh):
    opt_d_rotmat = batch_rodrigues(opt_d_rotations[0])[None]  # [1, N_NODES, 3, 3]
    nodes = jnp.take(vertices, nodes_idx, axis=0)  # [N_NODES, 3]
    flat_inf = influence_nodes_idx.reshape((-1,))  # [N_VERTS*K]
    influence_nodes_v = jnp.take(nodes, flat_inf, axis=0)  # [N_VERTS*K, 3]
    opt_d_r = jnp.take(opt_d_rotmat[0], flat_inf, axis=0)  # [N_VERTS*K, 3, 3]
    opt_d_t = jnp.take(opt_d_translations[0], flat_inf, axis=0)  # [N_VERTS*K, 3]
    verts_rep = jnp.repeat(vertices, K, axis=0)  # [N_VERTS*K, 3]
    diff = (verts_rep - influence_nodes_v)[:, None, :]  # [B,1,3]
    rotated = jnp.einsum('bij,bkj->bki', opt_d_r, diff)[:, 0, :]
    warpped_vertices = (rotated + influence_nodes_v + opt_d_t).reshape((N_VERTS, K, 3)) * weights[:, :, None]
    warpped_vertices = warpped_vertices.sum(axis=1).astype(jnp.float32)
    flat_ring = one_ring_neigh.reshape((-1,))  # [N_NODES*MAX_NEIGH]
    t0 = opt_d_translations[0]
    term1 = jnp.repeat(nodes + t0, MAX_NEIGH, axis=0)
    term2 = jnp.take(nodes, flat_ring, axis=0) + jnp.take(t0, flat_ring, axis=0)
    rot_rep = jnp.repeat(opt_d_rotmat[0], MAX_NEIGH, axis=0)
    d = (jnp.repeat(nodes, MAX_NEIGH, axis=0) - jnp.take(nodes, flat_ring, axis=0))[:, None, :]
    term3 = jnp.einsum('bij,bkj->bki', rot_rep, d)[:, 0, :]
    diff_term = term1 - term2 - term3
    arap_loss = jnp.sum(diff_term ** 2) / nodes_idx.shape[0]
    return (warpped_vertices[None], arap_loss)

if __name__ == "__main__":
    import jax
    _d = setup_inputs()
    print(jax.jit(kernel)(*tuple(_d.values())))

</pallas_src>

<mosaic_0001>
#map = affine_map<(d0, d1) -> (0)>
module attributes {stable_mosaic.version = 14 : i64} {
  func.func @_gather_nodes(%arg0: i32, %arg1: i32, %arg2: memref<21504xf32, #tpu.memory_space<hbm>>, %arg3: memref<1024xi32, #tpu.memory_space<hbm>>, %arg4: memref<3072xf32, #tpu.memory_space<hbm>>, %arg5: memref<21504xf32, #tpu.memory_space<vmem>>, %arg6: memref<32xi32, #tpu.memory_space<vmem>>, %arg7: memref<96xf32, #tpu.memory_space<vmem>>, %arg8: memref<!tpu.dma_semaphore, #tpu.memory_space<semaphore_mem>>) attributes {dimension_semantics = [#tpu.dimension_semantics<core_parallel>, #tpu.dimension_semantics<subcore_parallel>], iteration_bounds = array<i64: 2, 16>, scalar_prefetch = 0 : i64, scratch_operands = 4 : i64, tpu.core_type = #tpu.core_type<sc_vector_subcore>, window_params = [{transform_indices = #map}, {transform_indices = #map}, {transform_indices = #map}]} {
    %mul3A = arith.constant 2 : i32
    %mul3A_0 = arith.muli %arg1, %mul3A : i32
    %add3A = arith.addi %mul3A_0, %arg0 : i32
    tpu.enqueue_dma source(%arg2 : memref<21504xf32, #tpu.memory_space<hbm>>) target(%arg5 : memref<21504xf32, #tpu.memory_space<vmem>>) target_semaphore(%arg8 : memref<!tpu.dma_semaphore, #tpu.memory_space<semaphore_mem>>)
    %mul3A_1 = arith.constant 32 : i32
    %mul3A_2 = arith.muli %add3A, %mul3A_1 : i32
    %dma_start3A = tpu.memref_slice %arg3[%mul3A_2] : memref<1024xi32, #tpu.memory_space<hbm>> -> memref<32xi32, #tpu.memory_space<hbm>>
    %dma_start3A_3 = tpu.memref_slice %arg3[%mul3A_2] : memref<1024xi32, #tpu.memory_space<hbm>> -> memref<32xi32, #tpu.memory_space<hbm>>
    tpu.enqueue_dma source(%dma_start3A_3 : memref<32xi32, #tpu.memory_space<hbm>>) target(%arg6 : memref<32xi32, #tpu.memory_space<vmem>>) target_semaphore(%arg8 : memref<!tpu.dma_semaphore, #tpu.memory_space<semaphore_mem>>)
    tpu.wait_dma2 semaphore(%arg8 : memref<!tpu.dma_semaphore, #tpu.memory_space<semaphore_mem>>) src(%arg2 : memref<21504xf32, #tpu.memory_space<hbm>>) dst(%arg5 : memref<21504xf32, #tpu.memory_space<vmem>>)
    %dma_wait3A = tpu.memref_slice %arg3[%mul3A_2] : memref<1024xi32, #tpu.memory_space<hbm>> -> memref<32xi32, #tpu.memory_space<hbm>>
    %dma_wait3A_4 = tpu.memref_slice %arg3[%mul3A_2] : memref<1024xi32, #tpu.memory_space<hbm>> -> memref<32xi32, #tpu.memory_space<hbm>>
    tpu.wait_dma2 semaphore(%arg8 : memref<!tpu.dma_semaphore, #tpu.memory_space<semaphore_mem>>) src(%dma_wait3A_4 : memref<32xi32, #tpu.memory_space<hbm>>) dst(%arg6 : memref<32xi32, #tpu.memory_space<vmem>>)
    %get3A = arith.constant 0 : index
    %get3A_5 = tpu.vector_load %arg6[%get3A] {strides = array<i32>} : memref<32xi32, #tpu.memory_space<vmem>>, vector<16xi32>,
    %add3A_6 = arith.constant 0 : i32
    %add3A_7 = vector.broadcast %add3A_6 : i32 to vector<16xi32>
    %add3A_8 = arith.addi %get3A_5, %add3A_7 : vector<16xi32>
    %gather3A = tpu.vector_load_idx %arg5[%add3A_8] : memref<21504xf32, #tpu.memory_space<vmem>>[vector<16xi32>], vector<16xf32>,
    %swap3A = arith.constant 0 : index
    %swap3A_9 = tpu.vector_load %arg7[%swap3A] {strides = array<i32>} : memref<96xf32, #tpu.memory_space<vmem>>, vector<16xf32>,
    tpu.vector_store %arg7[%swap3A], %gather3A {strides = array<i32>} : memref<96xf32, #tpu.memory_space<vmem>>, vector<16xf32>,
    %add3A_10 = arith.constant 7168 : i32
    %add3A_11 = vector.broadcast %add3A_10 : i32 to vector<16xi32>
    %add3A_12 = arith.addi %get3A_5, %add3A_11 : vector<16xi32>
    %gather3A_13 = tpu.vector_load_idx %arg5[%add3A_12] : memref<21504xf32, #tpu.memory_space<vmem>>[vector<16xi32>], vector<16xf32>,
    %swap3A_14 = arith.constant 32 : index
    %swap3A_15 = tpu.vector_load %arg7[%swap3A_14] {strides = array<i32>} : memref<96xf32, #tpu.memory_space<vmem>>, vector<16xf32>,
    tpu.vector_store %arg7[%swap3A_14], %gather3A_13 {strides = array<i32>} : memref<96xf32, #tpu.memory_space<vmem>>, vector<16xf32>,
    %add3A_16 = arith.constant 14336 : i32
    %add3A_17 = vector.broadcast %add3A_16 : i32 to vector<16xi32>
    %add3A_18 = arith.addi %get3A_5, %add3A_17 : vector<16xi32>
    %gather3A_19 = tpu.vector_load_idx %arg5[%add3A_18] : memref<21504xf32, #tpu.memory_space<vmem>>[vector<16xi32>], vector<16xf32>,
    %swap3A_20 = arith.constant 64 : index
    %swap3A_21 = tpu.vector_load %arg7[%swap3A_20] {strides = array<i32>} : memref<96xf32, #tpu.memory_space<vmem>>, vector<16xf32>,
    tpu.vector_store %arg7[%swap3A_20], %gather3A_19 {strides = array<i32>} : memref<96xf32, #tpu.memory_space<vmem>>, vector<16xf32>,
    %get3A_22 = arith.constant 16 : index
    %get3A_23 = tpu.vector_load %arg6[%get3A_22] {strides = array<i32>} : memref<32xi32, #tpu.memory_space<vmem>>, vector<16xi32>,
    %add3A_24 = arith.constant 0 : i32
    %add3A_25 = vector.broadcast %add3A_24 : i32 to vector<16xi32>
    %add3A_26 = arith.addi %get3A_23, %add3A_25 : vector<16xi32>
    %gather3A_27 = tpu.vector_load_idx %arg5[%add3A_26] : memref<21504xf32, #tpu.memory_space<vmem>>[vector<16xi32>], vector<16xf32>,
    %swap3A_28 = arith.constant 16 : index
    %swap3A_29 = tpu.vector_load %arg7[%swap3A_28] {strides = array<i32>} : memref<96xf32, #tpu.memory_space<vmem>>, vector<16xf32>,
    tpu.vector_store %arg7[%swap3A_28], %gather3A_27 {strides = array<i32>} : memref<96xf32, #tpu.memory_space<vmem>>, vector<16xf32>,
    %add3A_30 = arith.constant 7168 : i32
    %add3A_31 = vector.broadcast %add3A_30 : i32 to vector<16xi32>
    %add3A_32 = arith.addi %get3A_23, %add3A_31 : vector<16xi32>
    %gather3A_33 = tpu.vector_load_idx %arg5[%add3A_32] : memref<21504xf32, #tpu.memory_space<vmem>>[vector<16xi32>], vector<16xf32>,
    %swap3A_34 = arith.constant 48 : index
    %swap3A_35 = tpu.vector_load %arg7[%swap3A_34] {strides = array<i32>} : memref<96xf32, #tpu.memory_space<vmem>>, vector<16xf32>,
    tpu.vector_store %arg7[%swap3A_34], %gather3A_33 {strides = array<i32>} : memref<96xf32, #tpu.memory_space<vmem>>, vector<16xf32>,
    %add3A_36 = arith.constant 14336 : i32
    %add3A_37 = vector.broadcast %add3A_36 : i32 to vector<16xi32>
    %add3A_38 = arith.addi %get3A_23, %add3A_37 : vector<16xi32>
    %gather3A_39 = tpu.vector_load_idx %arg5[%add3A_38] : memref<21504xf32, #tpu.memory_space<vmem>>[vector<16xi32>], vector<16xf32>,
    %swap3A_40 = arith.constant 80 : index
    %swap3A_41 = tpu.vector_load %arg7[%swap3A_40] {strides = array<i32>} : memref<96xf32, #tpu.memory_space<vmem>>, vector<16xf32>,
    tpu.vector_store %arg7[%swap3A_40], %gather3A_39 {strides = array<i32>} : memref<96xf32, #tpu.memory_space<vmem>>, vector<16xf32>,
    %mul3A_42 = arith.constant 32 : i32
    %mul3A_43 = arith.muli %add3A, %mul3A_42 : i32
    %add3A_44 = arith.constant 0 : i32
    %add3A_45 = arith.addi %add3A_44, %mul3A_43 : i32
    %dma_start3A_46 = arith.constant 0 : i32
    %dma_start3A_47 = tpu.memref_slice %arg7[%dma_start3A_46] : memref<96xf32, #tpu.memory_space<vmem>> -> memref<32xf32, #tpu.memory_space<vmem>>
    %dma_start3A_48 = tpu.memref_slice %arg4[%add3A_45] : memref<3072xf32, #tpu.memory_space<hbm>> -> memref<32xf32, #tpu.memory_space<hbm>>
    %dma_start3A_49 = tpu.memref_slice %arg4[%add3A_45] : memref<3072xf32, #tpu.memory_space<hbm>> -> memref<32xf32, #tpu.memory_space<hbm>>
    %dma_start3A_50 = arith.constant 0 : i32
    %dma_start3A_51 = tpu.memref_slice %arg7[%dma_start3A_50] : memref<96xf32, #tpu.memory_space<vmem>> -> memref<32xf32, #tpu.memory_space<vmem>>
    tpu.enqueue_dma source(%dma_start3A_51 : memref<32xf32, #tpu.memory_space<vmem>>) target(%dma_start3A_49 : memref<32xf32, #tpu.memory_space<hbm>>) target_semaphore(%arg8 : memref<!tpu.dma_semaphore, #tpu.memory_space<semaphore_mem>>)
    %mul3A_52 = arith.constant 32 : i32
    %mul3A_53 = arith.muli %add3A, %mul3A_52 : i32
    %add3A_54 = arith.constant 1024 : i32
    %add3A_55 = arith.addi %add3A_54, %mul3A_53 : i32
    %dma_start3A_56 = arith.constant 32 : i32
    %dma_start3A_57 = tpu.memref_slice %arg7[%dma_start3A_56] : memref<96xf32, #tpu.memory_space<vmem>> -> memref<32xf32, #tpu.memory_space<vmem>>
    %dma_start3A_58 = tpu.memref_slice %arg4[%add3A_55] : memref<3072xf32, #tpu.memory_space<hbm>> -> memref<32xf32, #tpu.memory_space<hbm>>
    %dma_start3A_59 = tpu.memref_slice %arg4[%add3A_55] : memref<3072xf32, #tpu.memory_space<hbm>> -> memref<32xf32, #tpu.memory_space<hbm>>
    %dma_start3A_60 = arith.constant 32 : i32
    %dma_start3A_61 = tpu.memref_slice %arg7[%dma_start3A_60] : memref<96xf32, #tpu.memory_space<vmem>> -> memref<32xf32, #tpu.memory_space<vmem>>
    tpu.enqueue_dma source(%dma_start3A_61 : memref<32xf32, #tpu.memory_space<vmem>>) target(%dma_start3A_59 : memref<32xf32, #tpu.memory_space<hbm>>) target_semaphore(%arg8 : memref<!tpu.dma_semaphore, #tpu.memory_space<semaphore_mem>>)
    %mul3A_62 = arith.constant 32 : i32
    %mul3A_63 = arith.muli %add3A, %mul3A_62 : i32
    %add3A_64 = arith.constant 2048 : i32
    %add3A_65 = arith.addi %add3A_64, %mul3A_63 : i32
    %dma_start3A_66 = arith.constant 64 : i32
    %dma_start3A_67 = tpu.memref_slice %arg7[%dma_start3A_66] : memref<96xf32, #tpu.memory_space<vmem>> -> memref<32xf32, #tpu.memory_space<vmem>>
    %dma_start3A_68 = tpu.memref_slice %arg4[%add3A_65] : memref<3072xf32, #tpu.memory_space<hbm>> -> memref<32xf32, #tpu.memory_space<hbm>>
    %dma_start3A_69 = tpu.memref_slice %arg4[%add3A_65] : memref<3072xf32, #tpu.memory_space<hbm>> -> memref<32xf32, #tpu.memory_space<hbm>>
    %dma_start3A_70 = arith.constant 64 : i32
    %dma_start3A_71 = tpu.memref_slice %arg7[%dma_start3A_70] : memref<96xf32, #tpu.memory_space<vmem>> -> memref<32xf32, #tpu.memory_space<vmem>>
    tpu.enqueue_dma source(%dma_start3A_71 : memref<32xf32, #tpu.memory_space<vmem>>) target(%dma_start3A_69 : memref<32xf32, #tpu.memory_space<hbm>>) target_semaphore(%arg8 : memref<!tpu.dma_semaphore, #tpu.memory_space<semaphore_mem>>)
    %dma_wait3A_72 = arith.constant 0 : i32
    %dma_wait3A_73 = tpu.memref_slice %arg7[%dma_wait3A_72] : memref<96xf32, #tpu.memory_space<vmem>> -> memref<32xf32, #tpu.memory_space<vmem>>
    %dma_wait3A_74 = tpu.memref_slice %arg4[%add3A_45] : memref<3072xf32, #tpu.memory_space<hbm>> -> memref<32xf32, #tpu.memory_space<hbm>>
    %dma_wait3A_75 = tpu.memref_slice %arg4[%add3A_45] : memref<3072xf32, #tpu.memory_space<hbm>> -> memref<32xf32, #tpu.memory_space<hbm>>
    %dma_wait3A_76 = arith.constant 0 : i32
    %dma_wait3A_77 = tpu.memref_slice %arg7[%dma_wait3A_76] : memref<96xf32, #tpu.memory_space<vmem>> -> memref<32xf32, #tpu.memory_space<vmem>>
    tpu.wait_dma2 semaphore(%arg8 : memref<!tpu.dma_semaphore, #tpu.memory_space<semaphore_mem>>) src(%dma_wait3A_77 : memref<32xf32, #tpu.memory_space<vmem>>) dst(%dma_wait3A_75 : memref<32xf32, #tpu.memory_space<hbm>>)
    %dma_wait3A_78 = arith.constant 32 : i32
    %dma_wait3A_79 = tpu.memref_slice %arg7[%dma_wait3A_78] : memref<96xf32, #tpu.memory_space<vmem>> -> memref<32xf32, #tpu.memory_space<vmem>>
    %dma_wait3A_80 = tpu.memref_slice %arg4[%add3A_55] : memref<3072xf32, #tpu.memory_space<hbm>> -> memref<32xf32, #tpu.memory_space<hbm>>
    %dma_wait3A_81 = tpu.memref_slice %arg4[%add3A_55] : memref<3072xf32, #tpu.memory_space<hbm>> -> memref<32xf32, #tpu.memory_space<hbm>>
    %dma_wait3A_82 = arith.constant 32 : i32
    %dma_wait3A_83 = tpu.memref_slice %arg7[%dma_wait3A_82] : memref<96xf32, #tpu.memory_space<vmem>> -> memref<32xf32, #tpu.memory_space<vmem>>
    tpu.wait_dma2 semaphore(%arg8 : memref<!tpu.dma_semaphore, #tpu.memory_space<semaphore_mem>>) src(%dma_wait3A_83 : memref<32xf32, #tpu.memory_space<vmem>>) dst(%dma_wait3A_81 : memref<32xf32, #tpu.memory_space<hbm>>)
    %dma_wait3A_84 = arith.constant 64 : i32
    %dma_wait3A_85 = tpu.memref_slice %arg7[%dma_wait3A_84] : memref<96xf32, #tpu.memory_space<vmem>> -> memref<32xf32, #tpu.memory_space<vmem>>
    %dma_wait3A_86 = tpu.memref_slice %arg4[%add3A_65] : memref<3072xf32, #tpu.memory_space<hbm>> -> memref<32xf32, #tpu.memory_space<hbm>>
    %dma_wait3A_87 = tpu.memref_slice %arg4[%add3A_65] : memref<3072xf32, #tpu.memory_space<hbm>> -> memref<32xf32, #tpu.memory_space<hbm>>
    %dma_wait3A_88 = arith.constant 64 : i32
    %dma_wait3A_89 = tpu.memref_slice %arg7[%dma_wait3A_88] : memref<96xf32, #tpu.memory_space<vmem>> -> memref<32xf32, #tpu.memory_space<vmem>>
    tpu.wait_dma2 semaphore(%arg8 : memref<!tpu.dma_semaphore, #tpu.memory_space<semaphore_mem>>) src(%dma_wait3A_89 : memref<32xf32, #tpu.memory_space<vmem>>) dst(%dma_wait3A_87 : memref<32xf32, #tpu.memory_space<hbm>>)
    return
  }
}

#map = affine_map<(d0, d1) -> (0)>
module attributes {stable_mosaic.version = 14 : i64} {
  func.func @_warp_arap(%arg0: i32, %arg1: i32, %arg2: memref<21504xf32, #tpu.memory_space<hbm>>, %arg3: memref<21504xf32, #tpu.memory_space<hbm>>, %arg4: memref<21504xi32, #tpu.memory_space<hbm>>, %arg5: memref<18432xf32, #tpu.memory_space<hbm>>, %arg6: memref<18432xi32, #tpu.memory_space<hbm>>, %arg7: memref<21504xf32, #tpu.memory_space<hbm>>, %arg8: memref<512xf32, #tpu.memory_space<hbm>>, %arg9: memref<18432xf32, #tpu.memory_space<vmem>>, %arg10: memref<672xf32, #tpu.memory_space<vmem>>, %arg11: memref<672xf32, #tpu.memory_space<vmem>>, %arg12: memref<672xi32, #tpu.memory_space<vmem>>, %arg13: memref<576xi32, #tpu.memory_space<vmem>>, %arg14: memref<672xf32, #tpu.memory_space<vmem>>, %arg15: memref<16xf32, #tpu.memory_space<vmem>>, %arg16: memref<!tpu.dma_semaphore, #tpu.memory_space<semaphore_mem>>) attributes {dimension_semantics = [#tpu.dimension_semantics<core_parallel>, #tpu.dimension_semantics<subcore_parallel>], iteration_bounds = array<i64: 2, 16>, scalar_prefetch = 0 : i64, scratch_operands = 8 : i64, tpu.core_type = #tpu.core_type<sc_vector_subcore>, window_params = [{transform_indices = #map}, {transform_indices = #map}, {transform_indices = #map}, {transform_indices = #map}, {transform_indices = #map}, {transform_indices = #map}, {transform_indices = #map}]} {
    %mul3A = arith.constant 2 : i32
    %mul3A_0 = arith.muli %arg1, %mul3A : i32
    %add3A = arith.addi %mul3A_0, %arg0 : i32
    %mul3A_1 = arith.constant 224 : i32
    %mul3A_2 = arith.muli %add3A, %mul3A_1 : i32
    tpu.enqueue_dma source(%arg5 : memref<18432xf32, #tpu.memory_space<hbm>>) target(%arg9 : memref<18432xf32, #tpu.memory_space<vmem>>) target_semaphore(%arg16 : memref<!tpu.dma_semaphore, #tpu.memory_space<semaphore_mem>>)
    %add3A_3 = arith.constant 0 : i32
    %add3A_4 = arith.addi %add3A_3, %mul3A_2 : i32
    %dma_start3A = arith.constant 0 : i32
    %dma_start3A_5 = tpu.memref_slice %arg10[%dma_start3A] : memref<672xf32, #tpu.memory_space<vmem>> -> memref<224xf32, #tpu.memory_space<vmem>>
    %dma_start3A_6 = tpu.memref_slice %arg2[%add3A_4] : memref<21504xf32, #tpu.memory_space<hbm>> -> memref<224xf32, #tpu.memory_space<hbm>>
    %dma_start3A_7 = arith.constant 0 : i32
    %dma_start3A_8 = tpu.memref_slice %arg10[%dma_start3A_7] : memref<672xf32, #tpu.memory_space<vmem>> -> memref<224xf32, #tpu.memory_space<vmem>>
    %dma_start3A_9 = tpu.memref_slice %arg2[%add3A_4] : memref<21504xf32, #tpu.memory_space<hbm>> -> memref<224xf32, #tpu.memory_space<hbm>>
    tpu.enqueue_dma source(%dma_start3A_9 : memref<224xf32, #tpu.memory_space<hbm>>) target(%dma_start3A_8 : memref<224xf32, #tpu.memory_space<vmem>>) target_semaphore(%arg16 : memref<!tpu.dma_semaphore, #tpu.memory_space<semaphore_mem>>)
    %dma_start3A_10 = arith.constant 0 : i32
    %dma_start3A_11 = tpu.memref_slice %arg11[%dma_start3A_10] : memref<672xf32, #tpu.memory_space<vmem>> -> memref<224xf32, #tpu.memory_space<vmem>>
    %dma_start3A_12 = tpu.memref_slice %arg3[%add3A_4] : memref<21504xf32, #tpu.memory_space<hbm>> -> memref<224xf32, #tpu.memory_space<hbm>>
    %dma_start3A_13 = arith.constant 0 : i32
    %dma_start3A_14 = tpu.memref_slice %arg11[%dma_start3A_13] : memref<672xf32, #tpu.memory_space<vmem>> -> memref<224xf32, #tpu.memory_space<vmem>>
    %dma_start3A_15 = tpu.memref_slice %arg3[%add3A_4] : memref<21504xf32, #tpu.memory_space<hbm>> -> memref<224xf32, #tpu.memory_space<hbm>>
    tpu.enqueue_dma source(%dma_start3A_15 : memref<224xf32, #tpu.memory_space<hbm>>) target(%dma_start3A_14 : memref<224xf32, #tpu.memory_space<vmem>>) target_semaphore(%arg16 : memref<!tpu.dma_semaphore, #tpu.memory_space<semaphore_mem>>)
    %dma_start3A_16 = arith.constant 0 : i32
    %dma_start3A_17 = tpu.memref_slice %arg12[%dma_start3A_16] : memref<672xi32, #tpu.memory_space<vmem>> -> memref<224xi32, #tpu.memory_space<vmem>>
    %dma_start3A_18 = tpu.memref_slice %arg4[%add3A_4] : memref<21504xi32, #tpu.memory_space<hbm>> -> memref<224xi32, #tpu.memory_space<hbm>>
    %dma_start3A_19 = arith.constant 0 : i32
    %dma_start3A_20 = tpu.memref_slice %arg12[%dma_start3A_19] : memref<672xi32, #tpu.memory_space<vmem>> -> memref<224xi32, #tpu.memory_space<vmem>>
    %dma_start3A_21 = tpu.memref_slice %arg4[%add3A_4] : memref<21504xi32, #tpu.memory_space<hbm>> -> memref<224xi32, #tpu.memory_space<hbm>>
    tpu.enqueue_dma source(%dma_start3A_21 : memref<224xi32, #tpu.memory_space<hbm>>) target(%dma_start3A_20 : memref<224xi32, #tpu.memory_space<vmem>>) target_semaphore(%arg16 : memref<!tpu.dma_semaphore, #tpu.memory_space<semaphore_mem>>)
    %add3A_22 = arith.constant 7168 : i32
    %add3A_23 = arith.addi %add3A_22, %mul3A_2 : i32
    %dma_start3A_24 = arith.constant 224 : i32
    %dma_start3A_25 = tpu.memref_slice %arg10[%dma_start3A_24] : memref<672xf32, #tpu.memory_space<vmem>> -> memref<224xf32, #tpu.memory_space<vmem>>
    %dma_start3A_26 = tpu.memref_slice %arg2[%add3A_23] : memref<21504xf32, #tpu.memory_space<hbm>> -> memref<224xf32, #tpu.memory_space<hbm>>
    %dma_start3A_27 = arith.constant 224 : i32
    %dma_start3A_28 = tpu.memref_slice %arg10[%dma_start3A_27] : memref<672xf32, #tpu.memory_space<vmem>> -> memref<224xf32, #tpu.memory_space<vmem>>
    %dma_start3A_29 = tpu.memref_slice %arg2[%add3A_23] : memref<21504xf32, #tpu.memory_space<hbm>> -> memref<224xf32, #tpu.memory_space<hbm>>
    tpu.enqueue_dma source(%dma_start3A_29 : memref<224xf32, #tpu.memory_space<hbm>>) target(%dma_start3A_28 : memref<224xf32, #tpu.memory_space<vmem>>) target_semaphore(%arg16 : memref<!tpu.dma_semaphore, #tpu.memory_space<semaphore_mem>>)
    %dma_start3A_30 = arith.constant 224 : i32
    %dma_start3A_31 = tpu.memref_slice %arg11[%dma_start3A_30] : memref<672xf32, #tpu.memory_space<vmem>> -> memref<224xf32, #tpu.memory_space<vmem>>
    %dma_start3A_32 = tpu.memref_slice %arg3[%add3A_23] : memref<21504xf32, #tpu.memory_space<hbm>> -> memref<224xf32, #tpu.memory_space<hbm>>
    %dma_start3A_33 = arith.constant 224 : i32
    %dma_start3A_34 = tpu.memref_slice %arg11[%dma_start3A_33] : memref<672xf32, #tpu.memory_space<vmem>> -> memref<224xf32, #tpu.memory_space<vmem>>
    %dma_start3A_35 = tpu.memref_slice %arg3[%add3A_23] : memref<21504xf32, #tpu.memory_space<hbm>> -> memref<224xf32, #tpu.memory_space<hbm>>
    tpu.enqueue_dma source(%dma_start3A_35 : memref<224xf32, #tpu.memory_space<hbm>>) target(%dma_start3A_34 : memref<224xf32, #tpu.memory_space<vmem>>) target_semaphore(%arg16 : memref<!tpu.dma_semaphore, #tpu.memory_space<semaphore_mem>>)
    %dma_start3A_36 = arith.constant 224 : i32
    %dma_start3A_37 = tpu.memref_slice %arg12[%dma_start3A_36] : memref<672xi32, #tpu.memory_space<vmem>> -> memref<224xi32, #tpu.memory_space<vmem>>
    %dma_start3A_38 = tpu.memref_slice %arg4[%add3A_23] : memref<21504xi32, #tpu.memory_space<hbm>> -> memref<224xi32, #tpu.memory_space<hbm>>
    %dma_start3A_39 = arith.constant 224 : i32
    %dma_start3A_40 = tpu.memref_slice %arg12[%dma_start3A_39] : memref<672xi32, #tpu.memory_space<vmem>> -> memref<224xi32, #tpu.memory_space<vmem>>
    %dma_start3A_41 = tpu.memref_slice %arg4[%add3A_23] : memref<21504xi32, #tpu.memory_space<hbm>> -> memref<224xi32, #tpu.memory_space<hbm>>
    tpu.enqueue_dma source(%dma_start3A_41 : memref<224xi32, #tpu.memory_space<hbm>>) target(%dma_start3A_40 : memref<224xi32, #tpu.memory_space<vmem>>) target_semaphore(%arg16 : memref<!tpu.dma_semaphore, #tpu.memory_space<semaphore_mem>>)
    %add3A_42 = arith.constant 14336 : i32
    %add3A_43 = arith.addi %add3A_42, %mul3A_2 : i32
    %dma_start3A_44 = arith.constant 448 : i32
    %dma_start3A_45 = tpu.memref_slice %arg10[%dma_start3A_44] : memref<672xf32, #tpu.memory_space<vmem>> -> memref<224xf32, #tpu.memory_space<vmem>>
    %dma_start3A_46 = tpu.memref_slice %arg2[%add3A_43] : memref<21504xf32, #tpu.memory_space<hbm>> -> memref<224xf32, #tpu.memory_space<hbm>>
    %dma_start3A_47 = arith.constant 448 : i32
    %dma_start3A_48 = tpu.memref_slice %arg10[%dma_start3A_47] : memref<672xf32, #tpu.memory_space<vmem>> -> memref<224xf32, #tpu.memory_space<vmem>>
    %dma_start3A_49 = tpu.memref_slice %arg2[%add3A_43] : memref<21504xf32, #tpu.memory_space<hbm>> -> memref<224xf32, #tpu.memory_space<hbm>>
    tpu.enqueue_dma source(%dma_start3A_49 : memref<224xf32, #tpu.memory_space<hbm>>) target(%dma_start3A_48 : memref<224xf32, #tpu.memory_space<vmem>>) target_semaphore(%arg16 : memref<!tpu.dma_semaphore, #tpu.memory_space<semaphore_mem>>)
    %dma_start3A_50 = arith.constant 448 : i32
    %dma_start3A_51 = tpu.memref_slice %arg11[%dma_start3A_50] : memref<672xf32, #tpu.memory_space<vmem>> -> memref<224xf32, #tpu.memory_space<vmem>>
    %dma_start3A_52 = tpu.memref_slice %arg3[%add3A_43] : memref<21504xf32, #tpu.memory_space<hbm>> -> memref<224xf32, #tpu.memory_space<hbm>>
    %dma_start3A_53 = arith.constant 448 : i32
    %dma_start3A_54 = tpu.memref_slice %arg11[%dma_start3A_53] : memref<672xf32, #tpu.memory_space<vmem>> -> memref<224xf32, #tpu.memory_space<vmem>>
    %dma_start3A_55 = tpu.memref_slice %arg3[%add3A_43] : memref<21504xf32, #tpu.memory_space<hbm>> -> memref<224xf32, #tpu.memory_space<hbm>>
    tpu.enqueue_dma source(%dma_start3A_55 : memref<224xf32, #tpu.memory_space<hbm>>) target(%dma_start3A_54 : memref<224xf32, #tpu.memory_space<vmem>>) target_semaphore(%arg16 : memref<!tpu.dma_semaphore, #tpu.memory_space<semaphore_mem>>)
    %dma_start3A_56 = arith.constant 448 : i32
    %dma_start3A_57 = tpu.memref_slice %arg12[%dma_start3A_56] : memref<672xi32, #tpu.memory_space<vmem>> -> memref<224xi32, #tpu.memory_space<vmem>>
    %dma_start3A_58 = tpu.memref_slice %arg4[%add3A_43] : memref<21504xi32, #tpu.memory_space<hbm>> -> memref<224xi32, #tpu.memory_space<hbm>>
    %dma_start3A_59 = arith.constant 448 : i32
    %dma_start3A_60 = tpu.memref_slice %arg12[%dma_start3A_59] : memref<672xi32, #tpu.memory_space<vmem>> -> memref<224xi32, #tpu.memory_space<vmem>>
    %dma_start3A_61 = tpu.memref_slice %arg4[%add3A_43] : memref<21504xi32, #tpu.memory_space<hbm>> -> memref<224xi32, #tpu.memory_space<hbm>>
    tpu.enqueue_dma source(%dma_start3A_61 : memref<224xi32, #tpu.memory_space<hbm>>) target(%dma_start3A_60 : memref<224xi32, #tpu.memory_space<vmem>>) target_semaphore(%arg16 : memref<!tpu.dma_semaphore, #tpu.memory_space<semaphore_mem>>)
    %mul3A_62 = arith.constant 2 : i32
    %mul3A_63 = arith.muli %add3A, %mul3A_62 : i32
    %mul3A_64 = arith.constant 18 : i32
    %mul3A_65 = arith.muli %mul3A_63, %mul3A_64 : i32
    %mul3A_66 = arith.constant 16 : i32
    %mul3A_67 = arith.muli %mul3A_65, %mul3A_66 : i32
    %dma_start3A_68 = tpu.memref_slice %arg6[%mul3A_67] : memref<18432xi32, #tpu.memory_space<hbm>> -> memref<576xi32, #tpu.memory_space<hbm>>
    %dma_start3A_69 = tpu.memref_slice %arg6[%mul3A_67] : memref<18432xi32, #tpu.memory_space<hbm>> -> memref<576xi32, #tpu.memory_space<hbm>>
    tpu.enqueue_dma source(%dma_start3A_69 : memref<576xi32, #tpu.memory_space<hbm>>) target(%arg13 : memref<576xi32, #tpu.memory_space<vmem>>) target_semaphore(%arg16 : memref<!tpu.dma_semaphore, #tpu.memory_space<semaphore_mem>>)
    tpu.wait_dma2 semaphore(%arg16 : memref<!tpu.dma_semaphore, #tpu.memory_space<semaphore_mem>>) src(%arg5 : memref<18432xf32, #tpu.memory_space<hbm>>) dst(%arg9 : memref<18432xf32, #tpu.memory_space<vmem>>)
    %dma_wait3A = arith.constant 0 : i32
    %dma_wait3A_70 = tpu.memref_slice %arg10[%dma_wait3A] : memref<672xf32, #tpu.memory_space<vmem>> -> memref<224xf32, #tpu.memory_space<vmem>>
    %dma_wait3A_71 = tpu.memref_slice %arg2[%add3A_4] : memref<21504xf32, #tpu.memory_space<hbm>> -> memref<224xf32, #tpu.memory_space<hbm>>
    %dma_wait3A_72 = arith.constant 0 : i32
    %dma_wait3A_73 = tpu.memref_slice %arg10[%dma_wait3A_72] : memref<672xf32, #tpu.memory_space<vmem>> -> memref<224xf32, #tpu.memory_space<vmem>>
    %dma_wait3A_74 = tpu.memref_slice %arg2[%add3A_4] : memref<21504xf32, #tpu.memory_space<hbm>> -> memref<224xf32, #tpu.memory_space<hbm>>
    tpu.wait_dma2 semaphore(%arg16 : memref<!tpu.dma_semaphore, #tpu.memory_space<semaphore_mem>>) src(%dma_wait3A_74 : memref<224xf32, #tpu.memory_space<hbm>>) dst(%dma_wait3A_73 : memref<224xf32, #tpu.memory_space<vmem>>)
    %dma_wait3A_75 = arith.constant 0 : i32
    %dma_wait3A_76 = tpu.memref_slice %arg11[%dma_wait3A_75] : memref<672xf32, #tpu.memory_space<vmem>> -> memref<224xf32, #tpu.memory_space<vmem>>
    %dma_wait3A_77 = tpu.memref_slice %arg3[%add3A_4] : memref<21504xf32, #tpu.memory_space<hbm>> -> memref<224xf32, #tpu.memory_space<hbm>>
    %dma_wait3A_78 = arith.constant 0 : i32
    %dma_wait3A_79 = tpu.memref_slice %arg11[%dma_wait3A_78] : memref<672xf32, #tpu.memory_space<vmem>> -> memref<224xf32, #tpu.memory_space<vmem>>
    %dma_wait3A_80 = tpu.memref_slice %arg3[%add3A_4] : memref<21504xf32, #tpu.memory_space<hbm>> -> memref<224xf32, #tpu.memory_space<hbm>>
    tpu.wait_dma2 semaphore(%arg16 : memref<!tpu.dma_semaphore, #tpu.memory_space<semaphore_mem>>) src(%dma_wait3A_80 : memref<224xf32, #tpu.memory_space<hbm>>) dst(%dma_wait3A_79 : memref<224xf32, #tpu.memory_space<vmem>>)
    %dma_wait3A_81 = arith.constant 0 : i32
    %dma_wait3A_82 = tpu.memref_slice %arg12[%dma_wait3A_81] : memref<672xi32, #tpu.memory_space<vmem>> -> memref<224xi32, #tpu.memory_space<vmem>>
    %dma_wait3A_83 = tpu.memref_slice %arg4[%add3A_4] : memref<21504xi32, #tpu.memory_space<hbm>> -> memref<224xi32, #tpu.memory_space<hbm>>
    %dma_wait3A_84 = arith.constant 0 : i32
    %dma_wait3A_85 = tpu.memref_slice %arg12[%dma_wait3A_84] : memref<672xi32, #tpu.memory_space<vmem>> -> memref<224xi32, #tpu.memory_space<vmem>>
    %dma_wait3A_86 = tpu.memref_slice %arg4[%add3A_4] : memref<21504xi32, #tpu.memory_space<hbm>> -> memref<224xi32, #tpu.memory_space<hbm>>
    tpu.wait_dma2 semaphore(%arg16 : memref<!tpu.dma_semaphore, #tpu.memory_space<semaphore_mem>>) src(%dma_wait3A_86 : memref<224xi32, #tpu.memory_space<hbm>>) dst(%dma_wait3A_85 : memref<224xi32, #tpu.memory_space<vmem>>)
    %dma_wait3A_87 = arith.constant 224 : i32
    %dma_wait3A_88 = tpu.memref_slice %arg10[%dma_wait3A_87] : memref<672xf32, #tpu.memory_space<vmem>> -> memref<224xf32, #tpu.memory_space<vmem>>
    %dma_wait3A_89 = tpu.memref_slice %arg2[%add3A_23] : memref<21504xf32, #tpu.memory_space<hbm>> -> memref<224xf32, #tpu.memory_space<hbm>>
    %dma_wait3A_90 = arith.constant 224 : i32
    %dma_wait3A_91 = tpu.memref_slice %arg10[%dma_wait3A_90] : memref<672xf32, #tpu.memory_space<vmem>> -> memref<224xf32, #tpu.memory_space<vmem>>
    %dma_wait3A_92 = tpu.memref_slice %arg2[%add3A_23] : memref<21504xf32, #tpu.memory_space<hbm>> -> memref<224xf32, #tpu.memory_space<hbm>>
    tpu.wait_dma2 semaphore(%arg16 : memref<!tpu.dma_semaphore, #tpu.memory_space<semaphore_mem>>) src(%dma_wait3A_92 : memref<224xf32, #tpu.memory_space<hbm>>) dst(%dma_wait3A_91 : memref<224xf32, #tpu.memory_space<vmem>>)
    %dma_wait3A_93 = arith.constant 224 : i32
    %dma_wait3A_94 = tpu.memref_slice %arg11[%dma_wait3A_93] : memref<672xf32, #tpu.memory_space<vmem>> -> memref<224xf32, #tpu.memory_space<vmem>>
    %dma_wait3A_95 = tpu.memref_slice %arg3[%add3A_23] : memref<21504xf32, #tpu.memory_space<hbm>> -> memref<224xf32, #tpu.memory_space<hbm>>
    %dma_wait3A_96 = arith.constant 224 : i32
    %dma_wait3A_97 = tpu.memref_slice %arg11[%dma_wait3A_96] : memref<672xf32, #tpu.memory_space<vmem>> -> memref<224xf32, #tpu.memory_space<vmem>>
    %dma_wait3A_98 = tpu.memref_slice %arg3[%add3A_23] : memref<21504xf32, #tpu.memory_space<hbm>> -> memref<224xf32, #tpu.memory_space<hbm>>
    tpu.wait_dma2 semaphore(%arg16 : memref<!tpu.dma_semaphore, #tpu.memory_space<semaphore_mem>>) src(%dma_wait3A_98 : memref<224xf32, #tpu.memory_space<hbm>>) dst(%dma_wait3A_97 : memref<224xf32, #tpu.memory_space<vmem>>)
    %dma_wait3A_99 = arith.constant 224 : i32
    %dma_wait3A_100 = tpu.memref_slice %arg12[%dma_wait3A_99] : memref<672xi32, #tpu.memory_space<vmem>> -> memref<224xi32, #tpu.memory_space<vmem>>
    %dma_wait3A_101 = tpu.memref_slice %arg4[%add3A_23] : memref<21504xi32, #tpu.memory_space<hbm>> -> memref<224xi32, #tpu.memory_space<hbm>>
    %dma_wait3A_102 = arith.constant 224 : i32
    %dma_wait3A_103 = tpu.memref_slice %arg12[%dma_wait3A_102] : memref<672xi32, #tpu.memory_space<vmem>> -> memref<224xi32, #tpu.memory_space<vmem>>
    %dma_wait3A_104 = tpu.memref_slice %arg4[%add3A_23] : memref<21504xi32, #tpu.memory_space<hbm>> -> memref<224xi32, #tpu.memory_space<hbm>>
    tpu.wait_dma2 semaphore(%arg16 : memref<!tpu.dma_semaphore, #tpu.memory_space<semaphore_mem>>) src(%dma_wait3A_104 : memref<224xi32, #tpu.memory_space<hbm>>) dst(%dma_wait3A_103 : memref<224xi32, #tpu.memory_space<vmem>>)
    %dma_wait3A_105 = arith.constant 448 : i32
    %dma_wait3A_106 = tpu.memref_slice %arg10[%dma_wait3A_105] : memref<672xf32, #tpu.memory_space<vmem>> -> memref<224xf32, #tpu.memory_space<vmem>>
    %dma_wait3A_107 = tpu.memref_slice %arg2[%add3A_43] : memref<21504xf32, #tpu.memory_space<hbm>> -> memref<224xf32, #tpu.memory_space<hbm>>
    %dma_wait3A_108 = arith.constant 448 : i32
    %dma_wait3A_109 = tpu.memref_slice %arg10[%dma_wait3A_108] : memref<672xf32, #tpu.memory_space<vmem>> -> memref<224xf32, #tpu.memory_space<vmem>>
    %dma_wait3A_110 = tpu.memref_slice %arg2[%add3A_43] : memref<21504xf32, #tpu.memory_space<hbm>> -> memref<224xf32, #tpu.memory_space<hbm>>
    tpu.wait_dma2 semaphore(%arg16 : memref<!tpu.dma_semaphore, #tpu.memory_space<semaphore_mem>>) src(%dma_wait3A_110 : memref<224xf32, #tpu.memory_space<hbm>>) dst(%dma_wait3A_109 : memref<224xf32, #tpu.memory_space<vmem>>)
    %dma_wait3A_111 = arith.constant 448 : i32
    %dma_wait3A_112 = tpu.memref_slice %arg11[%dma_wait3A_111] : memref<672xf32, #tpu.memory_space<vmem>> -> memref<224xf32, #tpu.memory_space<vmem>>
    %dma_wait3A_113 = tpu.memref_slice %arg3[%add3A_43] : memref<21504xf32, #tpu.memory_space<hbm>> -> memref<224xf32, #tpu.memory_space<hbm>>
    %dma_wait3A_114 = arith.constant 448 : i32
    %dma_wait3A_115 = tpu.memref_slice %arg11[%dma_wait3A_114] : memref<672xf32, #tpu.memory_space<vmem>> -> memref<224xf32, #tpu.memory_space<vmem>>
    %dma_wait3A_116 = tpu.memref_slice %arg3[%add3A_43] : memref<21504xf32, #tpu.memory_space<hbm>> -> memref<224xf32, #tpu.memory_space<hbm>>
    tpu.wait_dma2 semaphore(%arg16 : memref<!tpu.dma_semaphore, #tpu.memory_space<semaphore_mem>>) src(%dma_wait3A_116 : memref<224xf32, #tpu.memory_space<hbm>>) dst(%dma_wait3A_115 : memref<224xf32, #tpu.memory_space<vmem>>)
    %dma_wait3A_117 = arith.constant 448 : i32
    %dma_wait3A_118 = tpu.memref_slice %arg12[%dma_wait3A_117] : memref<672xi32, #tpu.memory_space<vmem>> -> memref<224xi32, #tpu.memory_space<vmem>>
    %dma_wait3A_119 = tpu.memref_slice %arg4[%add3A_43] : memref<21504xi32, #tpu.memory_space<hbm>> -> memref<224xi32, #tpu.memory_space<hbm>>
    %dma_wait3A_120 = arith.constant 448 : i32
    %dma_wait3A_121 = tpu.memref_slice %arg12[%dma_wait3A_120] : memref<672xi32, #tpu.memory_space<vmem>> -> memref<224xi32, #tpu.memory_space<vmem>>
    %dma_wait3A_122 = tpu.memref_slice %arg4[%add3A_43] : memref<21504xi32, #tpu.memory_space<hbm>> -> memref<224xi32, #tpu.memory_space<hbm>>
    tpu.wait_dma2 semaphore(%arg16 : memref<!tpu.dma_semaphore, #tpu.memory_space<semaphore_mem>>) src(%dma_wait3A_122 : memref<224xi32, #tpu.memory_space<hbm>>) dst(%dma_wait3A_121 : memref<224xi32, #tpu.memory_space<vmem>>)
    %dma_wait3A_123 = tpu.memref_slice %arg6[%mul3A_67] : memref<18432xi32, #tpu.memory_space<hbm>> -> memref<576xi32, #tpu.memory_space<hbm>>
    %dma_wait3A_124 = tpu.memref_slice %arg6[%mul3A_67] : memref<18432xi32, #tpu.memory_space<hbm>> -> memref<576xi32, #tpu.memory_space<hbm>>
    tpu.wait_dma2 semaphore(%arg16 : memref<!tpu.dma_semaphore, #tpu.memory_space<semaphore_mem>>) src(%dma_wait3A_124 : memref<576xi32, #tpu.memory_space<hbm>>) dst(%arg13 : memref<576xi32, #tpu.memory_space<vmem>>)
    %scan3A = arith.constant 0 : i32
    %scan3A_125 = arith.constant 0 : i32
    %scan3A_126 = arith.constant 14 : i32
    %scan3A_127 = arith.addi %scan3A_125, %scan3A_126 : i32
    %scan3A_128 = arith.constant 2 : i32
    scf.for %scan3A_2440 = %scan3A_125 to %scan3A_127 step %scan3A_128  : i32 {
      %mul3A_2441 = arith.constant 16 : i32
      %mul3A_2442 = arith.muli %scan3A_2440, %mul3A_2441 : i32
      %get3A_2443 = arith.index_cast %mul3A_2442 : i32 to index
      %get3A_2444 = tpu.vector_load %arg10[%get3A_2443] {strides = array<i32>} : memref<672xf32, #tpu.memory_space<vmem>>, vector<16xf32>,
      %mul3A_2445 = arith.constant 16 : i32
      %mul3A_2446 = arith.muli %scan3A_2440, %mul3A_2445 : i32
      %add3A_2447 = arith.constant 224 : i32
      %add3A_2448 = arith.addi %add3A_2447, %mul3A_2446 : i32
      %get3A_2449 = arith.index_cast %add3A_2448 : i32 to index
      %get3A_2450 = tpu.vector_load %arg10[%get3A_2449] {strides = array<i32>} : memref<672xf32, #tpu.memory_space<vmem>>, vector<16xf32>,
      %mul3A_2451 = arith.constant 16 : i32
      %mul3A_2452 = arith.muli %scan3A_2440, %mul3A_2451 : i32
      %add3A_2453 = arith.constant 448 : i32
      %add3A_2454 = arith.addi %add3A_2453, %mul3A_2452 : i32
      %get3A_2455 = arith.index_cast %add3A_2454 : i32 to index
      %get3A_2456 = tpu.vector_load %arg10[%get3A_2455] {strides = array<i32>} : memref<672xf32, #tpu.memory_space<vmem>>, vector<16xf32>,
      %broadcast_in_dim3A_2457 = arith.constant 0.000000e+00 : f32
      %broadcast_in_dim3A_2458 = vector.broadcast %broadcast_in_dim3A_2457 : f32 to vector<16xf32>
      %broadcast_in_dim3A_2459 = arith.constant 0.000000e+00 : f32
      %broadcast_in_dim3A_2460 = vector.broadcast %broadcast_in_dim3A_2459 : f32 to vector<16xf32>
      %broadcast_in_dim3A_2461 = arith.constant 0.000000e+00 : f32
      %broadcast_in_dim3A_2462 = vector.broadcast %broadcast_in_dim3A_2461 : f32 to vector<16xf32>
      %broadcast_in_dim3A_2463 = arith.constant 0.000000e+00 : f32
      %broadcast_in_dim3A_2464 = vector.broadcast %broadcast_in_dim3A_2463 : f32 to vector<16xf32>
      %broadcast_in_dim3A_2465 = arith.constant 0.000000e+00 : f32
      %broadcast_in_dim3A_2466 = vector.broadcast %broadcast_in_dim3A_2465 : f32 to vector<16xf32>
      %broadcast_in_dim3A_2467 = arith.constant 0.000000e+00 : f32
      %broadcast_in_dim3A_2468 = vector.broadcast %broadcast_in_dim3A_2467 : f32 to vector<16xf32>
      %broadcast_in_dim3A_2469 = arith.constant 0.000000e+00 : f32
      %broadcast_in_dim3A_2470 = vector.broadcast %broadcast_in_dim3A_2469 : f32 to vector<16xf32>
      %broadcast_in_dim3A_2471 = arith.constant 0.000000e+00 : f32
      %broadcast_in_dim3A_2472 = vector.broadcast %broadcast_in_dim3A_2471 : f32 to vector<16xf32>
      %broadcast_in_dim3A_2473 = arith.constant 0.000000e+00 : f32
      %broadcast_in_dim3A_2474 = vector.broadcast %broadcast_in_dim3A_2473 : f32 to vector<16xf32>
      %broadcast_in_dim3A_2475 = arith.constant 0.000000e+00 : f32
      %broadcast_in_dim3A_2476 = vector.broadcast %broadcast_in_dim3A_2475 : f32 to vector<16xf32>
      %broadcast_in_dim3A_2477 = arith.constant 0.000000e+00 : f32
      %broadcast_in_dim3A_2478 = vector.broadcast %broadcast_in_dim3A_2477 : f32 to vector<16xf32>
      %broadcast_in_dim3A_2479 = arith.constant 0.000000e+00 : f32
      %broadcast_in_dim3A_2480 = vector.broadcast %broadcast_in_dim3A_2479 : f32 to vector<16xf32>
      %mul3A_2481 = arith.constant 16 : i32
      %mul3A_2482 = arith.muli %scan3A_2440, %mul3A_2481 : i32
      %add3A_2483 = arith.constant 0 : i32
      %add3A_2484 = arith.addi %add3A_2483, %mul3A_2482 : i32
      %get3A_2485 = arith.index_cast %add3A_2484 : i32 to index
      %get3A_2486 = tpu.vector_load %arg12[%get3A_2485] {strides = array<i32>} : memref<672xi32, #tpu.memory_space<vmem>>, vector<16xi32>,
      %mul3A_2487 = arith.constant 16 : i32
      %mul3A_2488 = arith.muli %scan3A_2440, %mul3A_2487 : i32
      %add3A_2489 = arith.constant 0 : i32
      %add3A_2490 = arith.addi %add3A_2489, %mul3A_2488 : i32
      %get3A_2491 = arith.index_cast %add3A_2490 : i32 to index
      %get3A_2492 = tpu.vector_load %arg11[%get3A_2491] {strides = array<i32>} : memref<672xf32, #tpu.memory_space<vmem>>, vector<16xf32>,
      %add3A_2493 = arith.constant 0 : i32
      %add3A_2494 = vector.broadcast %add3A_2493 : i32 to vector<16xi32>
      %add3A_2495 = arith.addi %get3A_2486, %add3A_2494 : vector<16xi32>
      %gather3A_2496 = tpu.vector_load_idx %arg9[%add3A_2495] : memref<18432xf32, #tpu.memory_space<vmem>>[vector<16xi32>], vector<16xf32>,
      %mul3A_2497 = arith.mulf %get3A_2492, %gather3A_2496 : vector<16xf32>
      %add3A_2498 = arith.addf %broadcast_in_dim3A_2458, %mul3A_2497 : vector<16xf32>
      %add3A_2499 = arith.constant 1024 : i32
      %add3A_2500 = vector.broadcast %add3A_2499 : i32 to vector<16xi32>
      %add3A_2501 = arith.addi %get3A_2486, %add3A_2500 : vector<16xi32>
      %gather3A_2502 = tpu.vector_load_idx %arg9[%add3A_2501] : memref<18432xf32, #tpu.memory_space<vmem>>[vector<16xi32>], vector<16xf32>,
      %mul3A_2503 = arith.mulf %get3A_2492, %gather3A_2502 : vector<16xf32>
      %add3A_2504 = arith.addf %broadcast_in_dim3A_2460, %mul3A_2503 : vector<16xf32>
      %add3A_2505 = arith.constant 2048 : i32
      %add3A_2506 = vector.broadcast %add3A_2505 : i32 to vector<16xi32>
      %add3A_2507 = arith.addi %get3A_2486, %add3A_2506 : vector<16xi32>
      %gather3A_2508 = tpu.vector_load_idx %arg9[%add3A_2507] : memref<18432xf32, #tpu.memory_space<vmem>>[vector<16xi32>], vector<16xf32>,
      %mul3A_2509 = arith.mulf %get3A_2492, %gather3A_2508 : vector<16xf32>
      %add3A_2510 = arith.addf %broadcast_in_dim3A_2462, %mul3A_2509 : vector<16xf32>
      %add3A_2511 = arith.constant 3072 : i32
      %add3A_2512 = vector.broadcast %add3A_2511 : i32 to vector<16xi32>
      %add3A_2513 = arith.addi %get3A_2486, %add3A_2512 : vector<16xi32>
      %gather3A_2514 = tpu.vector_load_idx %arg9[%add3A_2513] : memref<18432xf32, #tpu.memory_space<vmem>>[vector<16xi32>], vector<16xf32>,
      %mul3A_2515 = arith.mulf %get3A_2492, %gather3A_2514 : vector<16xf32>
      %add3A_2516 = arith.addf %broadcast_in_dim3A_2464, %mul3A_2515 : vector<16xf32>
      %add3A_2517 = arith.constant 4096 : i32
      %add3A_2518 = vector.broadcast %add3A_2517 : i32 to vector<16xi32>
      %add3A_2519 = arith.addi %get3A_2486, %add3A_2518 : vector<16xi32>
      %gather3A_2520 = tpu.vector_load_idx %arg9[%add3A_2519] : memref<18432xf32, #tpu.memory_space<vmem>>[vector<16xi32>], vector<16xf32>,
      %mul3A_2521 = arith.mulf %get3A_2492, %gather3A_2520 : vector<16xf32>
      %add3A_2522 = arith.addf %broadcast_in_dim3A_2466, %mul3A_2521 : vector<16xf32>
      %add3A_2523 = arith.constant 5120 : i32
      %add3A_2524 = vector.broadcast %add3A_2523 : i32 to vector<16xi32>
      %add3A_2525 = arith.addi %get3A_2486, %add3A_2524 : vector<16xi32>
      %gather3A_2526 = tpu.vector_load_idx %arg9[%add3A_2525] : memref<18432xf32, #tpu.memory_space<vmem>>[vector<16xi32>], vector<16xf32>,
      %mul3A_2527 = arith.mulf %get3A_2492, %gather3A_2526 : vector<16xf32>
      %add3A_2528 = arith.addf %broadcast_in_dim3A_2468, %mul3A_2527 : vector<16xf32>
      %add3A_2529 = arith.constant 6144 : i32
      %add3A_2530 = vector.broadcast %add3A_2529 : i32 to vector<16xi32>
      %add3A_2531 = arith.addi %get3A_2486, %add3A_2530 : vector<16xi32>
      %gather3A_2532 = tpu.vector_load_idx %arg9[%add3A_2531] : memref<18432xf32, #tpu.memory_space<vmem>>[vector<16xi32>], vector<16xf32>,
      %mul3A_2533 = arith.mulf %get3A_2492, %gather3A_2532 : vector<16xf32>
      %add3A_2534 = arith.addf %broadcast_in_dim3A_2470, %mul3A_2533 : vector<16xf32>
      %add3A_2535 = arith.constant 7168 : i32
      %add3A_2536 = vector.broadcast %add3A_2535 : i32 to vector<16xi32>
      %add3A_2537 = arith.addi %get3A_2486, %add3A_2536 : vector<16xi32>
      %gather3A_2538 = tpu.vector_load_idx %arg9[%add3A_2537] : memref<18432xf32, #tpu.memory_space<vmem>>[vector<16xi32>], vector<16xf32>,
      %mul3A_2539 = arith.mulf %get3A_2492, %gather3A_2538 : vector<16xf32>
      %add3A_2540 = arith.addf %broadcast_in_dim3A_2472, %mul3A_2539 : vector<16xf32>
      %add3A_2541 = arith.constant 8192 : i32
      %add3A_2542 = vector.broadcast %add3A_2541 : i32 to vector<16xi32>
      %add3A_2543 = arith.addi %get3A_2486, %add3A_2542 : vector<16xi32>
      %gather3A_2544 = tpu.vector_load_idx %arg9[%add3A_2543] : memref<18432xf32, #tpu.memory_space<vmem>>[vector<16xi32>], vector<16xf32>,
      %mul3A_2545 = arith.mulf %get3A_2492, %gather3A_2544 : vector<16xf32>
      %add3A_2546 = arith.addf %broadcast_in_dim3A_2474, %mul3A_2545 : vector<16xf32>
      %add3A_2547 = arith.constant 9216 : i32
      %add3A_2548 = vector.broadcast %add3A_2547 : i32 to vector<16xi32>
      %add3A_2549 = arith.addi %get3A_2486, %add3A_2548 : vector<16xi32>
      %gather3A_2550 = tpu.vector_load_idx %arg9[%add3A_2549] : memref<18432xf32, #tpu.memory_space<vmem>>[vector<16xi32>], vector<16xf32>,
      %mul3A_2551 = arith.mulf %get3A_2492, %gather3A_2550 : vector<16xf32>
      %add3A_2552 = arith.addf %broadcast_in_dim3A_2476, %mul3A_2551 : vector<16xf32>
      %add3A_2553 = arith.constant 10240 : i32
      %add3A_2554 = vector.broadcast %add3A_2553 : i32 to vector<16xi32>
      %add3A_2555 = arith.addi %get3A_2486, %add3A_2554 : vector<16xi32>
      %gather3A_2556 = tpu.vector_load_idx %arg9[%add3A_2555] : memref<18432xf32, #tpu.memory_space<vmem>>[vector<16xi32>], vector<16xf32>,
      %mul3A_2557 = arith.mulf %get3A_2492, %gather3A_2556 : vector<16xf32>
      %add3A_2558 = arith.addf %broadcast_in_dim3A_2478, %mul3A_2557 : vector<16xf32>
      %add3A_2559 = arith.constant 11264 : i32
      %add3A_2560 = vector.broadcast %add3A_2559 : i32 to vector<16xi32>
      %add3A_2561 = arith.addi %get3A_2486, %add3A_2560 : vector<16xi32>
      %gather3A_2562 = tpu.vector_load_idx %arg9[%add3A_2561] : memref<18432xf32, #tpu.memory_space<vmem>>[vector<16xi32>], vector<16xf32>,
      %mul3A_2563 = arith.mulf %get3A_2492, %gather3A_2562 : vector<16xf32>
      %add3A_2564 = arith.addf %broadcast_in_dim3A_2480, %mul3A_2563 : vector<16xf32>
      %mul3A_2565 = arith.constant 16 : i32
      %mul3A_2566 = arith.muli %scan3A_2440, %mul3A_2565 : i32
      %add3A_2567 = arith.constant 224 : i32
      %add3A_2568 = arith.addi %add3A_2567, %mul3A_2566 : i32
      %get3A_2569 = arith.index_cast %add3A_2568 : i32 to index
      %get3A_2570 = tpu.vector_load %arg12[%get3A_2569] {strides = array<i32>} : memref<672xi32, #tpu.memory_space<vmem>>, vector<16xi32>,
      %mul3A_2571 = arith.constant 16 : i32
      %mul3A_2572 = arith.muli %scan3A_2440, %mul3A_2571 : i32
      %add3A_2573 = arith.constant 224 : i32
      %add3A_2574 = arith.addi %add3A_2573, %mul3A_2572 : i32
      %get3A_2575 = arith.index_cast %add3A_2574 : i32 to index
      %get3A_2576 = tpu.vector_load %arg11[%get3A_2575] {strides = array<i32>} : memref<672xf32, #tpu.memory_space<vmem>>, vector<16xf32>,
      %add3A_2577 = arith.constant 0 : i32
      %add3A_2578 = vector.broadcast %add3A_2577 : i32 to vector<16xi32>
      %add3A_2579 = arith.addi %get3A_2570, %add3A_2578 : vector<16xi32>
      %gather3A_2580 = tpu.vector_load_idx %arg9[%add3A_2579] : memref<18432xf32, #tpu.memory_space<vmem>>[vector<16xi32>], vector<16xf32>,
      %mul3A_2581 = arith.mulf %get3A_2576, %gather3A_2580 : vector<16xf32>
      %add3A_2582 = arith.addf %add3A_2498, %mul3A_2581 : vector<16xf32>
      %add3A_2583 = arith.constant 1024 : i32
      %add3A_2584 = vector.broadcast %add3A_2583 : i32 to vector<16xi32>
      %add3A_2585 = arith.addi %get3A_2570, %add3A_2584 : vector<16xi32>
      %gather3A_2586 = tpu.vector_load_idx %arg9[%add3A_2585] : memref<18432xf32, #tpu.memory_space<vmem>>[vector<16xi32>], vector<16xf32>,
      %mul3A_2587 = arith.mulf %get3A_2576, %gather3A_2586 : vector<16xf32>
      %add3A_2588 = arith.addf %add3A_2504, %mul3A_2587 : vector<16xf32>
      %add3A_2589 = arith.constant 2048 : i32
      %add3A_2590 = vector.broadcast %add3A_2589 : i32 to vector<16xi32>
      %add3A_2591 = arith.addi %get3A_2570, %add3A_2590 : vector<16xi32>
      %gather3A_2592 = tpu.vector_load_idx %arg9[%add3A_2591] : memref<18432xf32, #tpu.memory_space<vmem>>[vector<16xi32>], vector<16xf32>,
      %mul3A_2593 = arith.mulf %get3A_2576, %gather3A_2592 : vector<16xf32>
      %add3A_2594 = arith.addf %add3A_2510, %mul3A_2593 : vector<16xf32>
      %add3A_2595 = arith.constant 3072 : i32
      %add3A_2596 = vector.broadcast %add3A_2595 : i32 to vector<16xi32>
      %add3A_2597 = arith.addi %get3A_2570, %add3A_2596 : vector<16xi32>
      %gather3A_2598 = tpu.vector_load_idx %arg9[%add3A_2597] : memref<18432xf32, #tpu.memory_space<vmem>>[vector<16xi32>], vector<16xf32>,
      %mul3A_2599 = arith.mulf %get3A_2576, %gather3A_2598 : vector<16xf32>
      %add3A_2600 = arith.addf %add3A_2516, %mul3A_2599 : vector<16xf32>
      %add3A_2601 = arith.constant 4096 : i32
      %add3A_2602 = vector.broadcast %add3A_2601 : i32 to vector<16xi32>
      %add3A_2603 = arith.addi %get3A_2570, %add3A_2602 : vector<16xi32>
      %gather3A_2604 = tpu.vector_load_idx %arg9[%add3A_2603] : memref<18432xf32, #tpu.memory_space<vmem>>[vector<16xi32>], vector<16xf32>,
      %mul3A_2605 = arith.mulf %get3A_2576, %gather3A_2604 : vector<16xf32>
      %add3A_2606 = arith.addf %add3A_2522, %mul3A_2605 : vector<16xf32>
      %add3A_2607 = arith.constant 5120 : i32
      %add3A_2608 = vector.broadcast %add3A_2607 : i32 to vector<16xi32>
      %add3A_2609 = arith.addi %get3A_2570, %add3A_2608 : vector<16xi32>
      %gather3A_2610 = tpu.vector_load_idx %arg9[%add3A_2609] : memref<18432xf32, #tpu.memory_space<vmem>>[vector<16xi32>], vector<16xf32>,
      %mul3A_2611 = arith.mulf %get3A_2576, %gather3A_2610 : vector<16xf32>
      %add3A_2612 = arith.addf %add3A_2528, %mul3A_2611 : vector<16xf32>
      %add3A_2613 = arith.constant 6144 : i32
      %add3A_2614 = vector.broadcast %add3A_2613 : i32 to vector<16xi32>
      %add3A_2615 = arith.addi %get3A_2570, %add3A_2614 : vector<16xi32>
      %gather3A_2616 = tpu.vector_load_idx %arg9[%add3A_2615] : memref<18432xf32, #tpu.memory_space<vmem>>[vector<16xi32>], vector<16xf32>,
      %mul3A_2617 = arith.mulf %get3A_2576, %gather3A_2616 : vector<16xf32>
      %add3A_2618 = arith.addf %add3A_2534, %mul3A_2617 : vector<16xf32>
      %add3A_2619 = arith.constant 7168 : i32
      %add3A_2620 = vector.broadcast %add3A_2619 : i32 to vector<16xi32>
      %add3A_2621 = arith.addi %get3A_2570, %add3A_2620 : vector<16xi32>
      %gather3A_2622 = tpu.vector_load_idx %arg9[%add3A_2621] : memref<18432xf32, #tpu.memory_space<vmem>>[vector<16xi32>], vector<16xf32>,
      %mul3A_2623 = arith.mulf %get3A_2576, %gather3A_2622 : vector<16xf32>
      %add3A_2624 = arith.addf %add3A_2540, %mul3A_2623 : vector<16xf32>
      %add3A_2625 = arith.constant 8192 : i32
      %add3A_2626 = vector.broadcast %add3A_2625 : i32 to vector<16xi32>
      %add3A_2627 = arith.addi %get3A_2570, %add3A_2626 : vector<16xi32>
      %gather3A_2628 = tpu.vector_load_idx %arg9[%add3A_2627] : memref<18432xf32, #tpu.memory_space<vmem>>[vector<16xi32>], vector<16xf32>,
      %mul3A_2629 = arith.mulf %get3A_2576, %gather3A_2628 : vector<16xf32>
      %add3A_2630 = arith.addf %add3A_2546, %mul3A_2629 : vector<16xf32>
      %add3A_2631 = arith.constant 9216 : i32
      %add3A_2632 = vector.broadcast %add3A_2631 : i32 to vector<16xi32>
      %add3A_2633 = arith.addi %get3A_2570, %add3A_2632 : vector<16xi32>
      %gather3A_2634 = tpu.vector_load_idx %arg9[%add3A_2633] : memref<18432xf32, #tpu.memory_space<vmem>>[vector<16xi32>], vector<16xf32>,
      %mul3A_2635 = arith.mulf %get3A_2576, %gather3A_2634 : vector<16xf32>
      %add3A_2636 = arith.addf %add3A_2552, %mul3A_2635 : vector<16xf32>
      %add3A_2637 = arith.constant 10240 : i32
      %add3A_2638 = vector.broadcast %add3A_2637 : i32 to vector<16xi32>
      %add3A_2639 = arith.addi %get3A_2570, %add3A_2638 : vector<16xi32>
      %gather3A_2640 = tpu.vector_load_idx %arg9[%add3A_2639] : memref<18432xf32, #tpu.memory_space<vmem>>[vector<16xi32>], vector<16xf32>,
      %mul3A_2641 = arith.mulf %get3A_2576, %gather3A_2640 : vector<16xf32>
      %add3A_2642 = arith.addf %add3A_2558, %mul3A_2641 : vector<16xf32>
      %add3A_2643 = arith.constant 11264 : i32
      %add3A_2644 = vector.broadcast %add3A_2643 : i32 to vector<16xi32>
      %add3A_2645 = arith.addi %get3A_2570, %add3A_2644 : vector<16xi32>
      %gather3A_2646 = tpu.vector_load_idx %arg9[%add3A_2645] : memref<18432xf32, #tpu.memory_space<vmem>>[vector<16xi32>], vector<16xf32>,
      %mul3A_2647 = arith.mulf %get3A_2576, %gather3A_2646 : vector<16xf32>
      %add3A_2648 = arith.addf %add3A_2564, %mul3A_2647 : vector<16xf32>
      %mul3A_2649 = arith.constant 16 : i32
      %mul3A_2650 = arith.muli %scan3A_2440, %mul3A_2649 : i32
      %add3A_2651 = arith.constant 448 : i32
      %add3A_2652 = arith.addi %add3A_2651, %mul3A_2650 : i32
      %get3A_2653 = arith.index_cast %add3A_2652 : i32 to index
      %get3A_2654 = tpu.vector_load %arg12[%get3A_2653] {strides = array<i32>} : memref<672xi32, #tpu.memory_space<vmem>>, vector<16xi32>,
      %mul3A_2655 = arith.constant 16 : i32
      %mul3A_2656 = arith.muli %scan3A_2440, %mul3A_2655 : i32
      %add3A_2657 = arith.constant 448 : i32
      %add3A_2658 = arith.addi %add3A_2657, %mul3A_2656 : i32
      %get3A_2659 = arith.index_cast %add3A_2658 : i32 to index
      %get3A_2660 = tpu.vector_load %arg11[%get3A_2659] {strides = array<i32>} : memref<672xf32, #tpu.memory_space<vmem>>, vector<16xf32>,
      %add3A_2661 = arith.constant 0 : i32
      %add3A_2662 = vector.broadcast %add3A_2661 : i32 to vector<16xi32>
      %add3A_2663 = arith.addi %get3A_2654, %add3A_2662 : vector<16xi32>
      %gather3A_2664 = tpu.vector_load_idx %arg9[%add3A_2663] : memref<18432xf32, #tpu.memory_space<vmem>>[vector<16xi32>], vector<16xf32>,
      %mul3A_2665 = arith.mulf %get3A_2660, %gather3A_2664 : vector<16xf32>
      %add3A_2666 = arith.addf %add3A_2582, %mul3A_2665 : vector<16xf32>
      %add3A_2667 = arith.constant 1024 : i32
      %add3A_2668 = vector.broadcast %add3A_2667 : i32 to vector<16xi32>
      %add3A_2669 = arith.addi %get3A_2654, %add3A_2668 : vector<16xi32>
      %gather3A_2670 = tpu.vector_load_idx %arg9[%add3A_2669] : memref<18432xf32, #tpu.memory_space<vmem>>[vector<16xi32>], vector<16xf32>,
      %mul3A_2671 = arith.mulf %get3A_2660, %gather3A_2670 : vector<16xf32>
      %add3A_2672 = arith.addf %add3A_2588, %mul3A_2671 : vector<16xf32>
      %add3A_2673 = arith.constant 2048 : i32
      %add3A_2674 = vector.broadcast %add3A_2673 : i32 to vector<16xi32>
      %add3A_2675 = arith.addi %get3A_2654, %add3A_2674 : vector<16xi32>
      %gather3A_2676 = tpu.vector_load_idx %arg9[%add3A_2675] : memref<18432xf32, #tpu.memory_space<vmem>>[vector<16xi32>], vector<16xf32>,
      %mul3A_2677 = arith.mulf %get3A_2660, %gather3A_2676 : vector<16xf32>
      %add3A_2678 = arith.addf %add3A_2594, %mul3A_2677 : vector<16xf32>
      %add3A_2679 = arith.constant 3072 : i32
      %add3A_2680 = vector.broadcast %add3A_2679 : i32 to vector<16xi32>
      %add3A_2681 = arith.addi %get3A_2654, %add3A_2680 : vector<16xi32>
      %gather3A_2682 = tpu.vector_load_idx %arg9[%add3A_2681] : memref<18432xf32, #tpu.memory_space<vmem>>[vector<16xi32>], vector<16xf32>,
      %mul3A_2683 = arith.mulf %get3A_2660, %gather3A_2682 : vector<16xf32>
      %add3A_2684 = arith.addf %add3A_2600, %mul3A_2683 : vector<16xf32>
      %add3A_2685 = arith.constant 4096 : i32
      %add3A_2686 = vector.broadcast %add3A_2685 : i32 to vector<16xi32>
      %add3A_2687 = arith.addi %get3A_2654, %add3A_2686 : vector<16xi32>
      %gather3A_2688 = tpu.vector_load_idx %arg9[%add3A_2687] : memref<18432xf32, #tpu.memory_space<vmem>>[vector<16xi32>], vector<16xf32>,
      %mul3A_2689 = arith.mulf %get3A_2660, %gather3A_2688 : vector<16xf32>
      %add3A_2690 = arith.addf %add3A_2606, %mul3A_2689 : vector<16xf32>
      %add3A_2691 = arith.constant 5120 : i32
      %add3A_2692 = vector.broadcast %add3A_2691 : i32 to vector<16xi32>
      %add3A_2693 = arith.addi %get3A_2654, %add3A_2692 : vector<16xi32>
      %gather3A_2694 = tpu.vector_load_idx %arg9[%add3A_2693] : memref<18432xf32, #tpu.memory_space<vmem>>[vector<16xi32>], vector<16xf32>,
      %mul3A_2695 = arith.mulf %get3A_2660, %gather3A_2694 : vector<16xf32>
      %add3A_2696 = arith.addf %add3A_2612, %mul3A_2695 : vector<16xf32>
      %add3A_2697 = arith.constant 6144 : i32
      %add3A_2698 = vector.broadcast %add3A_2697 : i32 to vector<16xi32>
      %add3A_2699 = arith.addi %get3A_2654, %add3A_2698 : vector<16xi32>
      %gather3A_2700 = tpu.vector_load_idx %arg9[%add3A_2699] : memref<18432xf32, #tpu.memory_space<vmem>>[vector<16xi32>], vector<16xf32>,
      %mul3A_2701 = arith.mulf %get3A_2660, %gather3A_2700 : vector<16xf32>
      %add3A_2702 = arith.addf %add3A_2618, %mul3A_2701 : vector<16xf32>
      %add3A_2703 = arith.constant 7168 : i32
      %add3A_2704 = vector.broadcast %add3A_2703 : i32 to vector<16xi32>
      %add3A_2705 = arith.addi %get3A_2654, %add3A_2704 : vector<16xi32>
      %gather3A_2706 = tpu.vector_load_idx %arg9[%add3A_2705] : memref<18432xf32, #tpu.memory_space<vmem>>[vector<16xi32>], vector<16xf32>,
      %mul3A_2707 = arith.mulf %get3A_2660, %gather3A_2706 : vector<16xf32>
      %add3A_2708 = arith.addf %add3A_2624, %mul3A_2707 : vector<16xf32>
      %add3A_2709 = arith.constant 8192 : i32
      %add3A_2710 = vector.broadcast %add3A_2709 : i32 to vector<16xi32>
      %add3A_2711 = arith.addi %get3A_2654, %add3A_2710 : vector<16xi32>
      %gather3A_2712 = tpu.vector_load_idx %arg9[%add3A_2711] : memref<18432xf32, #tpu.memory_space<vmem>>[vector<16xi32>], vector<16xf32>,
      %mul3A_2713 = arith.mulf %get3A_2660, %gather3A_2712 : vector<16xf32>
      %add3A_2714 = arith.addf %add3A_2630, %mul3A_2713 : vector<16xf32>
      %add3A_2715 = arith.constant 9216 : i32
      %add3A_2716 = vector.broadcast %add3A_2715 : i32 to vector<16xi32>
      %add3A_2717 = arith.addi %get3A_2654, %add3A_2716 : vector<16xi32>
      %gather3A_2718 = tpu.vector_load_idx %arg9[%add3A_2717] : memref<18432xf32, #tpu.memory_space<vmem>>[vector<16xi32>], vector<16xf32>,
      %mul3A_2719 = arith.mulf %get3A_2660, %gather3A_2718 : vector<16xf32>
      %add3A_2720 = arith.addf %add3A_2636, %mul3A_2719 : vector<16xf32>
      %add3A_2721 = arith.constant 10240 : i32
      %add3A_2722 = vector.broadcast %add3A_2721 : i32 to vector<16xi32>
      %add3A_2723 = arith.addi %get3A_2654, %add3A_2722 : vector<16xi32>
      %gather3A_2724 = tpu.vector_load_idx %arg9[%add3A_2723] : memref<18432xf32, #tpu.memory_space<vmem>>[vector<16xi32>], vector<16xf32>,
      %mul3A_2725 = arith.mulf %get3A_2660, %gather3A_2724 : vector<16xf32>
      %add3A_2726 = arith.addf %add3A_2642, %mul3A_2725 : vector<16xf32>
      %add3A_2727 = arith.constant 11264 : i32
      %add3A_2728 = vector.broadcast %add3A_2727 : i32 to vector<16xi32>
      %add3A_2729 = arith.addi %get3A_2654, %add3A_2728 : vector<16xi32>
      %gather3A_2730 = tpu.vector_load_idx %arg9[%add3A_2729] : memref<18432xf32, #tpu.memory_space<vmem>>[vector<16xi32>], vector<16xf32>,
      %mul3A_2731 = arith.mulf %get3A_2660, %gather3A_2730 : vector<16xf32>
      %add3A_2732 = arith.addf %add3A_2648, %mul3A_2731 : vector<16xf32>
      %mul3A_2733 = arith.mulf %add3A_2666, %get3A_2444 : vector<16xf32>
      %mul3A_2734 = arith.mulf %add3A_2672, %get3A_2450 : vector<16xf32>
      %add3A_2735 = arith.addf %mul3A_2733, %mul3A_2734 : vector<16xf32>
      %mul3A_2736 = arith.mulf %add3A_2678, %get3A_2456 : vector<16xf32>
      %add3A_2737 = arith.addf %add3A_2735, %mul3A_2736 : vector<16xf32>
      %add3A_2738 = arith.addf %add3A_2737, %add3A_2720 : vector<16xf32>
      %mul3A_2739 = arith.constant 16 : i32
      %mul3A_2740 = arith.muli %scan3A_2440, %mul3A_2739 : i32
      %swap3A_2741 = arith.index_cast %mul3A_2740 : i32 to index
      %swap3A_2742 = tpu.vector_load %arg14[%swap3A_2741] {strides = array<i32>} : memref<672xf32, #tpu.memory_space<vmem>>, vector<16xf32>,
      tpu.vector_store %arg14[%swap3A_2741], %add3A_2738 {strides = array<i32>} : memref<672xf32, #tpu.memory_space<vmem>>, vector<16xf32>,
      %mul3A_2743 = arith.mulf %add3A_2684, %get3A_2444 : vector<16xf32>
      %mul3A_2744 = arith.mulf %add3A_2690, %get3A_2450 : vector<16xf32>
      %add3A_2745 = arith.addf %mul3A_2743, %mul3A_2744 : vector<16xf32>
      %mul3A_2746 = arith.mulf %add3A_2696, %get3A_2456 : vector<16xf32>
      %add3A_2747 = arith.addf %add3A_2745, %mul3A_2746 : vector<16xf32>
      %add3A_2748 = arith.addf %add3A_2747, %add3A_2726 : vector<16xf32>
      %mul3A_2749 = arith.constant 16 : i32
      %mul3A_2750 = arith.muli %scan3A_2440, %mul3A_2749 : i32
      %add3A_2751 = arith.constant 224 : i32
      %add3A_2752 = arith.addi %add3A_2751, %mul3A_2750 : i32
      %swap3A_2753 = arith.index_cast %add3A_2752 : i32 to index
      %swap3A_2754 = tpu.vector_load %arg14[%swap3A_2753] {strides = array<i32>} : memref<672xf32, #tpu.memory_space<vmem>>, vector<16xf32>,
      tpu.vector_store %arg14[%swap3A_2753], %add3A_2748 {strides = array<i32>} : memref<672xf32, #tpu.memory_space<vmem>>, vector<16xf32>,
      %mul3A_2755 = arith.mulf %add3A_2702, %get3A_2444 : vector<16xf32>
      %mul3A_2756 = arith.mulf %add3A_2708, %get3A_2450 : vector<16xf32>
      %add3A_2757 = arith.addf %mul3A_2755, %mul3A_2756 : vector<16xf32>
      %mul3A_2758 = arith.mulf %add3A_2714, %get3A_2456 : vector<16xf32>
      %add3A_2759 = arith.addf %add3A_2757, %mul3A_2758 : vector<16xf32>
      %add3A_2760 = arith.addf %add3A_2759, %add3A_2732 : vector<16xf32>
      %mul3A_2761 = arith.constant 16 : i32
      %mul3A_2762 = arith.muli %scan3A_2440, %mul3A_2761 : i32
      %add3A_2763 = arith.constant 448 : i32
      %add3A_2764 = arith.addi %add3A_2763, %mul3A_2762 : i32
      %swap3A_2765 = arith.index_cast %add3A_2764 : i32 to index
      %swap3A_2766 = tpu.vector_load %arg14[%swap3A_2765] {strides = array<i32>} : memref<672xf32, #tpu.memory_space<vmem>>, vector<16xf32>,
      tpu.vector_store %arg14[%swap3A_2765], %add3A_2760 {strides = array<i32>} : memref<672xf32, #tpu.memory_space<vmem>>, vector<16xf32>,
      %scan3A_2767 = arith.constant 1 : i32
      %scan3A_2768 = arith.addi %scan3A_2440, %scan3A_2767 : i32
      %mul3A_2769 = arith.constant 16 : i32
      %mul3A_2770 = arith.muli %scan3A_2768, %mul3A_2769 : i32
      %get3A_2771 = arith.index_cast %mul3A_2770 : i32 to index
      %get3A_2772 = tpu.vector_load %arg10[%get3A_2771] {strides = array<i32>} : memref<672xf32, #tpu.memory_space<vmem>>, vector<16xf32>,
      %mul3A_2773 = arith.constant 16 : i32
      %mul3A_2774 = arith.muli %scan3A_2768, %mul3A_2773 : i32
      %add3A_2775 = arith.constant 224 : i32
      %add3A_2776 = arith.addi %add3A_2775, %mul3A_2774 : i32
      %get3A_2777 = arith.index_cast %add3A_2776 : i32 to index
      %get3A_2778 = tpu.vector_load %arg10[%get3A_2777] {strides = array<i32>} : memref<672xf32, #tpu.memory_space<vmem>>, vector<16xf32>,
      %mul3A_2779 = arith.constant 16 : i32
      %mul3A_2780 = arith.muli %scan3A_2768, %mul3A_2779 : i32
      %add3A_2781 = arith.constant 448 : i32
      %add3A_2782 = arith.addi %add3A_2781, %mul3A_2780 : i32
      %get3A_2783 = arith.index_cast %add3A_2782 : i32 to index
      %get3A_2784 = tpu.vector_load %arg10[%get3A_2783] {strides = array<i32>} : memref<672xf32, #tpu.memory_space<vmem>>, vector<16xf32>,
      %broadcast_in_dim3A_2785 = arith.constant 0.000000e+00 : f32
      %broadcast_in_dim3A_2786 = vector.broadcast %broadcast_in_dim3A_2785 : f32 to vector<16xf32>
      %broadcast_in_dim3A_2787 = arith.constant 0.000000e+00 : f32
      %broadcast_in_dim3A_2788 = vector.broadcast %broadcast_in_dim3A_2787 : f32 to vector<16xf32>
      %broadcast_in_dim3A_2789 = arith.constant 0.000000e+00 : f32
      %broadcast_in_dim3A_2790 = vector.broadcast %broadcast_in_dim3A_2789 : f32 to vector<16xf32>
      %broadcast_in_dim3A_2791 = arith.constant 0.000000e+00 : f32
      %broadcast_in_dim3A_2792 = vector.broadcast %broadcast_in_dim3A_2791 : f32 to vector<16xf32>
      %broadcast_in_dim3A_2793 = arith.constant 0.000000e+00 : f32
      %broadcast_in_dim3A_2794 = vector.broadcast %broadcast_in_dim3A_2793 : f32 to vector<16xf32>
      %broadcast_in_dim3A_2795 = arith.constant 0.000000e+00 : f32
      %broadcast_in_dim3A_2796 = vector.broadcast %broadcast_in_dim3A_2795 : f32 to vector<16xf32>
      %broadcast_in_dim3A_2797 = arith.constant 0.000000e+00 : f32
      %broadcast_in_dim3A_2798 = vector.broadcast %broadcast_in_dim3A_2797 : f32 to vector<16xf32>
      %broadcast_in_dim3A_2799 = arith.constant 0.000000e+00 : f32
      %broadcast_in_dim3A_2800 = vector.broadcast %broadcast_in_dim3A_2799 : f32 to vector<16xf32>
      %broadcast_in_dim3A_2801 = arith.constant 0.000000e+00 : f32
      %broadcast_in_dim3A_2802 = vector.broadcast %broadcast_in_dim3A_2801 : f32 to vector<16xf32>
      %broadcast_in_dim3A_2803 = arith.constant 0.000000e+00 : f32
      %broadcast_in_dim3A_2804 = vector.broadcast %broadcast_in_dim3A_2803 : f32 to vector<16xf32>
      %broadcast_in_dim3A_2805 = arith.constant 0.000000e+00 : f32
      %broadcast_in_dim3A_2806 = vector.broadcast %broadcast_in_dim3A_2805 : f32 to vector<16xf32>
      %broadcast_in_dim3A_2807 = arith.constant 0.000000e+00 : f32
      %broadcast_in_dim3A_2808 = vector.broadcast %broadcast_in_dim3A_2807 : f32 to vector<16xf32>
      %mul3A_2809 = arith.constant 16 : i32
      %mul3A_2810 = arith.muli %scan3A_2768, %mul3A_2809 : i32
      %add3A_2811 = arith.constant 0 : i32
      %add3A_2812 = arith.addi %add3A_2811, %mul3A_2810 : i32
      %get3A_2813 = arith.index_cast %add3A_2812 : i32 to index
      %get3A_2814 = tpu.vector_load %arg12[%get3A_2813] {strides = array<i32>} : memref<672xi32, #tpu.memory_space<vmem>>, vector<16xi32>,
      %mul3A_2815 = arith.constant 16 : i32
      %mul3A_2816 = arith.muli %scan3A_2768, %mul3A_2815 : i32
      %add3A_2817 = arith.constant 0 : i32
      %add3A_2818 = arith.addi %add3A_2817, %mul3A_2816 : i32
      %get3A_2819 = arith.index_cast %add3A_2818 : i32 to index
      %get3A_2820 = tpu.vector_load %arg11[%get3A_2819] {strides = array<i32>} : memref<672xf32, #tpu.memory_space<vmem>>, vector<16xf32>,
      %add3A_2821 = arith.constant 0 : i32
      %add3A_2822 = vector.broadcast %add3A_2821 : i32 to vector<16xi32>
      %add3A_2823 = arith.addi %get3A_2814, %add3A_2822 : vector<16xi32>
      %gather3A_2824 = tpu.vector_load_idx %arg9[%add3A_2823] : memref<18432xf32, #tpu.memory_space<vmem>>[vector<16xi32>], vector<16xf32>,
      %mul3A_2825 = arith.mulf %get3A_2820, %gather3A_2824 : vector<16xf32>
      %add3A_2826 = arith.addf %broadcast_in_dim3A_2786, %mul3A_2825 : vector<16xf32>
      %add3A_2827 = arith.constant 1024 : i32
      %add3A_2828 = vector.broadcast %add3A_2827 : i32 to vector<16xi32>
      %add3A_2829 = arith.addi %get3A_2814, %add3A_2828 : vector<16xi32>
      %gather3A_2830 = tpu.vector_load_idx %arg9[%add3A_2829] : memref<18432xf32, #tpu.memory_space<vmem>>[vector<16xi32>], vector<16xf32>,
      %mul3A_2831 = arith.mulf %get3A_2820, %gather3A_2830 : vector<16xf32>
      %add3A_2832 = arith.addf %broadcast_in_dim3A_2788, %mul3A_2831 : vector<16xf32>
      %add3A_2833 = arith.constant 2048 : i32
      %add3A_2834 = vector.broadcast %add3A_2833 : i32 to vector<16xi32>
      %add3A_2835 = arith.addi %get3A_2814, %add3A_2834 : vector<16xi32>
      %gather3A_2836 = tpu.vector_load_idx %arg9[%add3A_2835] : memref<18432xf32, #tpu.memory_space<vmem>>[vector<16xi32>], vector<16xf32>,
      %mul3A_2837 = arith.mulf %get3A_2820, %gather3A_2836 : vector<16xf32>
      %add3A_2838 = arith.addf %broadcast_in_dim3A_2790, %mul3A_2837 : vector<16xf32>
      %add3A_2839 = arith.constant 3072 : i32
      %add3A_2840 = vector.broadcast %add3A_2839 : i32 to vector<16xi32>
      %add3A_2841 = arith.addi %get3A_2814, %add3A_2840 : vector<16xi32>
      %gather3A_2842 = tpu.vector_load_idx %arg9[%add3A_2841] : memref<18432xf32, #tpu.memory_space<vmem>>[vector<16xi32>], vector<16xf32>,
      %mul3A_2843 = arith.mulf %get3A_2820, %gather3A_2842 : vector<16xf32>
      %add3A_2844 = arith.addf %broadcast_in_dim3A_2792, %mul3A_2843 : vector<16xf32>
      %add3A_2845 = arith.constant 4096 : i32
      %add3A_2846 = vector.broadcast %add3A_2845 : i32 to vector<16xi32>
      %add3A_2847 = arith.addi %get3A_2814, %add3A_2846 : vector<16xi32>
      %gather3A_2848 = tpu.vector_load_idx %arg9[%add3A_2847] : memref<18432xf32, #tpu.memory_space<vmem>>[vector<16xi32>], vector<16xf32>,
      %mul3A_2849 = arith.mulf %get3A_2820, %gather3A_2848 : vector<16xf32>
      %add3A_2850 = arith.addf %broadcast_in_dim3A_2794, %mul3A_2849 : vector<16xf32>
      %add3A_2851 = arith.constant 5120 : i32
      %add3A_2852 = vector.broadcast %add3A_2851 : i32 to vector<16xi32>
      %add3A_2853 = arith.addi %get3A_2814, %add3A_2852 : vector<16xi32>
      %gather3A_2854 = tpu.vector_load_idx %arg9[%add3A_2853] : memref<18432xf32, #tpu.memory_space<vmem>>[vector<16xi32>], vector<16xf32>,
      %mul3A_2855 = arith.mulf %get3A_2820, %gather3A_2854 : vector<16xf32>
      %add3A_2856 = arith.addf %broadcast_in_dim3A_2796, %mul3A_2855 : vector<16xf32>
      %add3A_2857 = arith.constant 6144 : i32
      %add3A_2858 = vector.broadcast %add3A_2857 : i32 to vector<16xi32>
      %add3A_2859 = arith.addi %get3A_2814, %add3A_2858 : vector<16xi32>
      %gather3A_2860 = tpu.vector_load_idx %arg9[%add3A_2859] : memref<18432xf32, #tpu.memory_space<vmem>>[vector<16xi32>], vector<16xf32>,
      %mul3A_2861 = arith.mulf %get3A_2820, %gather3A_2860 : vector<16xf32>
      %add3A_2862 = arith.addf %broadcast_in_dim3A_2798, %mul3A_2861 : vector<16xf32>
      %add3A_2863 = arith.constant 7168 : i32
      %add3A_2864 = vector.broadcast %add3A_2863 : i32 to vector<16xi32>
      %add3A_2865 = arith.addi %get3A_2814, %add3A_2864 : vector<16xi32>
      %gather3A_2866 = tpu.vector_load_idx %arg9[%add3A_2865] : memref<18432xf32, #tpu.memory_space<vmem>>[vector<16xi32>], vector<16xf32>,
      %mul3A_2867 = arith.mulf %get3A_2820, %gather3A_2866 : vector<16xf32>
      %add3A_2868 = arith.addf %broadcast_in_dim3A_2800, %mul3A_2867 : vector<16xf32>
      %add3A_2869 = arith.constant 8192 : i32
      %add3A_2870 = vector.broadcast %add3A_2869 : i32 to vector<16xi32>
      %add3A_2871 = arith.addi %get3A_2814, %add3A_2870 : vector<16xi32>
      %gather3A_2872 = tpu.vector_load_idx %arg9[%add3A_2871] : memref<18432xf32, #tpu.memory_space<vmem>>[vector<16xi32>], vector<16xf32>,
      %mul3A_2873 = arith.mulf %get3A_2820, %gather3A_2872 : vector<16xf32>
      %add3A_2874 = arith.addf %broadcast_in_dim3A_2802, %mul3A_2873 : vector<16xf32>
      %add3A_2875 = arith.constant 9216 : i32
      %add3A_2876 = vector.broadcast %add3A_2875 : i32 to vector<16xi32>
      %add3A_2877 = arith.addi %get3A_2814, %add3A_2876 : vector<16xi32>
      %gather3A_2878 = tpu.vector_load_idx %arg9[%add3A_2877] : memref<18432xf32, #tpu.memory_space<vmem>>[vector<16xi32>], vector<16xf32>,
      %mul3A_2879 = arith.mulf %get3A_2820, %gather3A_2878 : vector<16xf32>
      %add3A_2880 = arith.addf %broadcast_in_dim3A_2804, %mul3A_2879 : vector<16xf32>
      %add3A_2881 = arith.constant 10240 : i32
      %add3A_2882 = vector.broadcast %add3A_2881 : i32 to vector<16xi32>
      %add3A_2883 = arith.addi %get3A_2814, %add3A_2882 : vector<16xi32>
      %gather3A_2884 = tpu.vector_load_idx %arg9[%add3A_2883] : memref<18432xf32, #tpu.memory_space<vmem>>[vector<16xi32>], vector<16xf32>,
      %mul3A_2885 = arith.mulf %get3A_2820, %gather3A_2884 : vector<16xf32>
      %add3A_2886 = arith.addf %broadcast_in_dim3A_2806, %mul3A_2885 : vector<16xf32>
      %add3A_2887 = arith.constant 11264 : i32
      %add3A_2888 = vector.broadcast %add3A_2887 : i32 to vector<16xi32>
      %add3A_2889 = arith.addi %get3A_2814, %add3A_2888 : vector<16xi32>
      %gather3A_2890 = tpu.vector_load_idx %arg9[%add3A_2889] : memref<18432xf32, #tpu.memory_space<vmem>>[vector<16xi32>], vector<16xf32>,
      %mul3A_2891 = arith.mulf %get3A_2820, %gather3A_2890 : vector<16xf32>
      %add3A_2892 = arith.addf %broadcast_in_dim3A_2808, %mul3A_2891 : vector<16xf32>
      %mul3A_2893 = arith.constant 16 : i32
      %mul3A_2894 = arith.muli %scan3A_2768, %mul3A_2893 : i32
      %add3A_2895 = arith.constant 224 : i32
      %add3A_2896 = arith.addi %add3A_2895, %mul3A_2894 : i32
      %get3A_2897 = arith.index_cast %add3A_2896 : i32 to index
      %get3A_2898 = tpu.vector_load %arg12[%get3A_2897] {strides = array<i32>} : memref<672xi32, #tpu.memory_space<vmem>>, vector<16xi32>,
      %mul3A_2899 = arith.constant 16 : i32
      %mul3A_2900 = arith.muli %scan3A_2768, %mul3A_2899 : i32
      %add3A_2901 = arith.constant 224 : i32
      %add3A_2902 = arith.addi %add3A_2901, %mul3A_2900 : i32
      %get3A_2903 = arith.index_cast %add3A_2902 : i32 to index
      %get3A_2904 = tpu.vector_load %arg11[%get3A_2903] {strides = array<i32>} : memref<672xf32, #tpu.memory_space<vmem>>, vector<16xf32>,
      %add3A_2905 = arith.constant 0 : i32
      %add3A_2906 = vector.broadcast %add3A_2905 : i32 to vector<16xi32>
      %add3A_2907 = arith.addi %get3A_2898, %add3A_2906 : vector<16xi32>
      %gather3A_2908 = tpu.vector_load_idx %arg9[%add3A_2907] : memref<18432xf32, #tpu.memory_space<vmem>>[vector<16xi32>], vector<16xf32>,
      %mul3A_2909 = arith.mulf %get3A_2904, %gather3A_2908 : vector<16xf32>
      %add3A_2910 = arith.addf %add3A_2826, %mul3A_2909 : vector<16xf32>
      %add3A_2911 = arith.constant 1024 : i32
      %add3A_2912 = vector.broadcast %add3A_2911 : i32 to vector<16xi32>
      %add3A_2913 = arith.addi %get3A_2898, %add3A_2912 : vector<16xi32>
      %gather3A_2914 = tpu.vector_load_idx %arg9[%add3A_2913] : memref<18432xf32, #tpu.memory_space<vmem>>[vector<16xi32>], vector<16xf32>,
      %mul3A_2915 = arith.mulf %get3A_2904, %gather3A_2914 : vector<16xf32>
      %add3A_2916 = arith.addf %add3A_2832, %mul3A_2915 : vector<16xf32>
      %add3A_2917 = arith.constant 2048 : i32
      %add3A_2918 = vector.broadcast %add3A_2917 : i32 to vector<16xi32>
      %add3A_2919 = arith.addi %get3A_2898, %add3A_2918 : vector<16xi32>
      %gather3A_2920 = tpu.vector_load_idx %arg9[%add3A_2919] : memref<18432xf32, #tpu.memory_space<vmem>>[vector<16xi32>], vector<16xf32>,
      %mul3A_2921 = arith.mulf %get3A_2904, %gather3A_2920 : vector<16xf32>
      %add3A_2922 = arith.addf %add3A_2838, %mul3A_2921 : vector<16xf32>
      %add3A_2923 = arith.constant 3072 : i32
      %add3A_2924 = vector.broadcast %add3A_2923 : i32 to vector<16xi32>
      %add3A_2925 = arith.addi %get3A_2898, %add3A_2924 : vector<16xi32>
      %gather3A_2926 = tpu.vector_load_idx %arg9[%add3A_2925] : memref<18432xf32, #tpu.memory_space<vmem>>[vector<16xi32>], vector<16xf32>,
      %mul3A_2927 = arith.mulf %get3A_2904, %gather3A_2926 : vector<16xf32>
      %add3A_2928 = arith.addf %add3A_2844, %mul3A_2927 : vector<16xf32>
      %add3A_2929 = arith.constant 4096 : i32
      %add3A_2930 = vector.broadcast %add3A_2929 : i32 to vector<16xi32>
      %add3A_2931 = arith.addi %get3A_2898, %add3A_2930 : vector<16xi32>
      %gather3A_2932 = tpu.vector_load_idx %arg9[%add3A_2931] : memref<18432xf32, #tpu.memory_space<vmem>>[vector<16xi32>], vector<16xf32>,
      %mul3A_2933 = arith.mulf %get3A_2904, %gather3A_2932 : vector<16xf32>
      %add3A_2934 = arith.addf %add3A_2850, %mul3A_2933 : vector<16xf32>
      %add3A_2935 = arith.constant 5120 : i32
      %add3A_2936 = vector.broadcast %add3A_2935 : i32 to vector<16xi32>
      %add3A_2937 = arith.addi %get3A_2898, %add3A_2936 : vector<16xi32>
      %gather3A_2938 = tpu.vector_load_idx %arg9[%add3A_2937] : memref<18432xf32, #tpu.memory_space<vmem>>[vector<16xi32>], vector<16xf32>,
      %mul3A_2939 = arith.mulf %get3A_2904, %gather3A_2938 : vector<16xf32>
      %add3A_2940 = arith.addf %add3A_2856, %mul3A_2939 : vector<16xf32>
      %add3A_2941 = arith.constant 6144 : i32
      %add3A_2942 = vector.broadcast %add3A_2941 : i32 to vector<16xi32>
      %add3A_2943 = arith.addi %get3A_2898, %add3A_2942 : vector<16xi32>
      %gather3A_2944 = tpu.vector_load_idx %arg9[%add3A_2943] : memref<18432xf32, #tpu.memory_space<vmem>>[vector<16xi32>], vector<16xf32>,
      %mul3A_2945 = arith.mulf %get3A_2904, %gather3A_2944 : vector<16xf32>
      %add3A_2946 = arith.addf %add3A_2862, %mul3A_2945 : vector<16xf32>
      %add3A_2947 = arith.constant 7168 : i32
      %add3A_2948 = vector.broadcast %add3A_2947 : i32 to vector<16xi32>
      %add3A_2949 = arith.addi %get3A_2898, %add3A_2948 : vector<16xi32>
      %gather3A_2950 = tpu.vector_load_idx %arg9[%add3A_2949] : memref<18432xf32, #tpu.memory_space<vmem>>[vector<16xi32>], vector<16xf32>,
      %mul3A_2951 = arith.mulf %get3A_2904, %gather3A_2950 : vector<16xf32>
      %add3A_2952 = arith.addf %add3A_2868, %mul3A_2951 : vector<16xf32>
      %add3A_2953 = arith.constant 8192 : i32
      %add3A_2954 = vector.broadcast %add3A_2953 : i32 to vector<16xi32>
      %add3A_2955 = arith.addi %get3A_2898, %add3A_2954 : vector<16xi32>
      %gather3A_2956 = tpu.vector_load_idx %arg9[%add3A_2955] : memref<18432xf32, #tpu.memory_space<vmem>>[vector<16xi32>], vector<16xf32>,
      %mul3A_2957 = arith.mulf %get3A_2904, %gather3A_2956 : vector<16xf32>
      %add3A_2958 = arith.addf %add3A_2874, %mul3A_2957 : vector<16xf32>
      %add3A_2959 = arith.constant 9216 : i32
      %add3A_2960 = vector.broadcast %add3A_2959 : i32 to vector<16xi32>
      %add3A_2961 = arith.addi %get3A_2898, %add3A_2960 : vector<16xi32>
      %gather3A_2962 = tpu.vector_load_idx %arg9[%add3A_2961] : memref<18432xf32, #tpu.memory_space<vmem>>[vector<16xi32>], vector<16xf32>,
      %mul3A_2963 = arith.mulf %get3A_2904, %gather3A_2962 : vector<16xf32>
      %add3A_2964 = arith.addf %add3A_2880, %mul3A_2963 : vector<16xf32>
      %add3A_2965 = arith.constant 10240 : i32
      %add3A_2966 = vector.broadcast %add3A_2965 : i32 to vector<16xi32>
      %add3A_2967 = arith.addi %get3A_2898, %add3A_2966 : vector<16xi32>
      %gather3A_2968 = tpu.vector_load_idx %arg9[%add3A_2967] : memref<18432xf32, #tpu.memory_space<vmem>>[vector<16xi32>], vector<16xf32>,
      %mul3A_2969 = arith.mulf %get3A_2904, %gather3A_2968 : vector<16xf32>
      %add3A_2970 = arith.addf %add3A_2886, %mul3A_2969 : vector<16xf32>
      %add3A_2971 = arith.constant 11264 : i32
      %add3A_2972 = vector.broadcast %add3A_2971 : i32 to vector<16xi32>
      %add3A_2973 = arith.addi %get3A_2898, %add3A_2972 : vector<16xi32>
      %gather3A_2974 = tpu.vector_load_idx %arg9[%add3A_2973] : memref<18432xf32, #tpu.memory_space<vmem>>[vector<16xi32>], vector<16xf32>,
      %mul3A_2975 = arith.mulf %get3A_2904, %gather3A_2974 : vector<16xf32>
      %add3A_2976 = arith.addf %add3A_2892, %mul3A_2975 : vector<16xf32>
      %mul3A_2977 = arith.constant 16 : i32
      %mul3A_2978 = arith.muli %scan3A_2768, %mul3A_2977 : i32
      %add3A_2979 = arith.constant 448 : i32
      %add3A_2980 = arith.addi %add3A_2979, %mul3A_2978 : i32
      %get3A_2981 = arith.index_cast %add3A_2980 : i32 to index
      %get3A_2982 = tpu.vector_load %arg12[%get3A_2981] {strides = array<i32>} : memref<672xi32, #tpu.memory_space<vmem>>, vector<16xi32>,
      %mul3A_2983 = arith.constant 16 : i32
      %mul3A_2984 = arith.muli %scan3A_2768, %mul3A_2983 : i32
      %add3A_2985 = arith.constant 448 : i32
      %add3A_2986 = arith.addi %add3A_2985, %mul3A_2984 : i32
      %get3A_2987 = arith.index_cast %add3A_2986 : i32 to index
      %get3A_2988 = tpu.vector_load %arg11[%get3A_2987] {strides = array<i32>} : memref<672xf32, #tpu.memory_space<vmem>>, vector<16xf32>,
      %add3A_2989 = arith.constant 0 : i32
      %add3A_2990 = vector.broadcast %add3A_2989 : i32 to vector<16xi32>
      %add3A_2991 = arith.addi %get3A_2982, %add3A_2990 : vector<16xi32>
      %gather3A_2992 = tpu.vector_load_idx %arg9[%add3A_2991] : memref<18432xf32, #tpu.memory_space<vmem>>[vector<16xi32>], vector<16xf32>,
      %mul3A_2993 = arith.mulf %get3A_2988, %gather3A_2992 : vector<16xf32>
      %add3A_2994 = arith.addf %add3A_2910, %mul3A_2993 : vector<16xf32>
      %add3A_2995 = arith.constant 1024 : i32
      %add3A_2996 = vector.broadcast %add3A_2995 : i32 to vector<16xi32>
      %add3A_2997 = arith.addi %get3A_2982, %add3A_2996 : vector<16xi32>
      %gather3A_2998 = tpu.vector_load_idx %arg9[%add3A_2997] : memref<18432xf32, #tpu.memory_space<vmem>>[vector<16xi32>], vector<16xf32>,
      %mul3A_2999 = arith.mulf %get3A_2988, %gather3A_2998 : vector<16xf32>
      %add3A_3000 = arith.addf %add3A_2916, %mul3A_2999 : vector<16xf32>
      %add3A_3001 = arith.constant 2048 : i32
      %add3A_3002 = vector.broadcast %add3A_3001 : i32 to vector<16xi32>
      %add3A_3003 = arith.addi %get3A_2982, %add3A_3002 : vector<16xi32>
      %gather3A_3004 = tpu.vector_load_idx %arg9[%add3A_3003] : memref<18432xf32, #tpu.memory_space<vmem>>[vector<16xi32>], vector<16xf32>,
      %mul3A_3005 = arith.mulf %get3A_2988, %gather3A_3004 : vector<16xf32>
      %add3A_3006 = arith.addf %add3A_2922, %mul3A_3005 : vector<16xf32>
      %add3A_3007 = arith.constant 3072 : i32
      %add3A_3008 = vector.broadcast %add3A_3007 : i32 to vector<16xi32>
      %add3A_3009 = arith.addi %get3A_2982, %add3A_3008 : vector<16xi32>
      %gather3A_3010 = tpu.vector_load_idx %arg9[%add3A_3009] : memref<18432xf32, #tpu.memory_space<vmem>>[vector<16xi32>], vector<16xf32>,
      %mul3A_3011 = arith.mulf %get3A_2988, %gather3A_3010 : vector<16xf32>
      %add3A_3012 = arith.addf %add3A_2928, %mul3A_3011 : vector<16xf32>
      %add3A_3013 = arith.constant 4096 : i32
      %add3A_3014 = vector.broadcast %add3A_3013 : i32 to vector<16xi32>
      %add3A_3015 = arith.addi %get3A_2982, %add3A_3014 : vector<16xi32>
      %gather3A_3016 = tpu.vector_load_idx %arg9[%add3A_3015] : memref<18432xf32, #tpu.memory_space<vmem>>[vector<16xi32>], vector<16xf32>,
      %mul3A_3017 = arith.mulf %get3A_2988, %gather3A_3016 : vector<16xf32>
      %add3A_3018 = arith.addf %add3A_2934, %mul3A_3017 : vector<16xf32>
      %add3A_3019 = arith.constant 5120 : i32
      %add3A_3020 = vector.broadcast %add3A_3019 : i32 to vector<16xi32>
      %add3A_3021 = arith.addi %get3A_2982, %add3A_3020 : vector<16xi32>
      %gather3A_3022 = tpu.vector_load_idx %arg9[%add3A_3021] : memref<18432xf32, #tpu.memory_space<vmem>>[vector<16xi32>], vector<16xf32>,
      %mul3A_3023 = arith.mulf %get3A_2988, %gather3A_3022 : vector<16xf32>
      %add3A_3024 = arith.addf %add3A_2940, %mul3A_3023 : vector<16xf32>
      %add3A_3025 = arith.constant 6144 : i32
      %add3A_3026 = vector.broadcast %add3A_3025 : i32 to vector<16xi32>
      %add3A_3027 = arith.addi %get3A_2982, %add3A_3026 : vector<16xi32>
      %gather3A_3028 = tpu.vector_load_idx %arg9[%add3A_3027] : memref<18432xf32, #tpu.memory_space<vmem>>[vector<16xi32>], vector<16xf32>,
      %mul3A_3029 = arith.mulf %get3A_2988, %gather3A_3028 : vector<16xf32>
      %add3A_3030 = arith.addf %add3A_2946, %mul3A_3029 : vector<16xf32>
      %add3A_3031 = arith.constant 7168 : i32
      %add3A_3032 = vector.broadcast %add3A_3031 : i32 to vector<16xi32>
      %add3A_3033 = arith.addi %get3A_2982, %add3A_3032 : vector<16xi32>
      %gather3A_3034 = tpu.vector_load_idx %arg9[%add3A_3033] : memref<18432xf32, #tpu.memory_space<vmem>>[vector<16xi32>], vector<16xf32>,
      %mul3A_3035 = arith.mulf %get3A_2988, %gather3A_3034 : vector<16xf32>
      %add3A_3036 = arith.addf %add3A_2952, %mul3A_3035 : vector<16xf32>
      %add3A_3037 = arith.constant 8192 : i32
      %add3A_3038 = vector.broadcast %add3A_3037 : i32 to vector<16xi32>
      %add3A_3039 = arith.addi %get3A_2982, %add3A_3038 : vector<16xi32>
      %gather3A_3040 = tpu.vector_load_idx %arg9[%add3A_3039] : memref<18432xf32, #tpu.memory_space<vmem>>[vector<16xi32>], vector<16xf32>,
      %mul3A_3041 = arith.mulf %get3A_2988, %gather3A_3040 : vector<16xf32>
      %add3A_3042 = arith.addf %add3A_2958, %mul3A_3041 : vector<16xf32>
      %add3A_3043 = arith.constant 9216 : i32
      %add3A_3044 = vector.broadcast %add3A_3043 : i32 to vector<16xi32>
      %add3A_3045 = arith.addi %get3A_2982, %add3A_3044 : vector<16xi32>
      %gather3A_3046 = tpu.vector_load_idx %arg9[%add3A_3045] : memref<18432xf32, #tpu.memory_space<vmem>>[vector<16xi32>], vector<16xf32>,
      %mul3A_3047 = arith.mulf %get3A_2988, %gather3A_3046 : vector<16xf32>
      %add3A_3048 = arith.addf %add3A_2964, %mul3A_3047 : vector<16xf32>
      %add3A_3049 = arith.constant 10240 : i32
      %add3A_3050 = vector.broadcast %add3A_3049 : i32 to vector<16xi32>
      %add3A_3051 = arith.addi %get3A_2982, %add3A_3050 : vector<16xi32>
      %gather3A_3052 = tpu.vector_load_idx %arg9[%add3A_3051] : memref<18432xf32, #tpu.memory_space<vmem>>[vector<16xi32>], vector<16xf32>,
      %mul3A_3053 = arith.mulf %get3A_2988, %gather3A_3052 : vector<16xf32>
      %add3A_3054 = arith.addf %add3A_2970, %mul3A_3053 : vector<16xf32>
      %add3A_3055 = arith.constant 11264 : i32
      %add3A_3056 = vector.broadcast %add3A_3055 : i32 to vector<16xi32>
      %add3A_3057 = arith.addi %get3A_2982, %add3A_3056 : vector<16xi32>
      %gather3A_3058 = tpu.vector_load_idx %arg9[%add3A_3057] : memref<18432xf32, #tpu.memory_space<vmem>>[vector<16xi32>], vector<16xf32>,
      %mul3A_3059 = arith.mulf %get3A_2988, %gather3A_3058 : vector<16xf32>
      %add3A_3060 = arith.addf %add3A_2976, %mul3A_3059 : vector<16xf32>
      %mul3A_3061 = arith.mulf %add3A_2994, %get3A_2772 : vector<16xf32>
      %mul3A_3062 = arith.mulf %add3A_3000, %get3A_2778 : vector<16xf32>
      %add3A_3063 = arith.addf %mul3A_3061, %mul3A_3062 : vector<16xf32>
      %mul3A_3064 = arith.mulf %add3A_3006, %get3A_2784 : vector<16xf32>
      %add3A_3065 = arith.addf %add3A_3063, %mul3A_3064 : vector<16xf32>
      %add3A_3066 = arith.addf %add3A_3065, %add3A_3048 : vector<16xf32>
      %mul3A_3067 = arith.constant 16 : i32
      %mul3A_3068 = arith.muli %scan3A_2768, %mul3A_3067 : i32
      %swap3A_3069 = arith.index_cast %mul3A_3068 : i32 to index
      %swap3A_3070 = tpu.vector_load %arg14[%swap3A_3069] {strides = array<i32>} : memref<672xf32, #tpu.memory_space<vmem>>, vector<16xf32>,
      tpu.vector_store %arg14[%swap3A_3069], %add3A_3066 {strides = array<i32>} : memref<672xf32, #tpu.memory_space<vmem>>, vector<16xf32>,
      %mul3A_3071 = arith.mulf %add3A_3012, %get3A_2772 : vector<16xf32>
      %mul3A_3072 = arith.mulf %add3A_3018, %get3A_2778 : vector<16xf32>
      %add3A_3073 = arith.addf %mul3A_3071, %mul3A_3072 : vector<16xf32>
      %mul3A_3074 = arith.mulf %add3A_3024, %get3A_2784 : vector<16xf32>
      %add3A_3075 = arith.addf %add3A_3073, %mul3A_3074 : vector<16xf32>
      %add3A_3076 = arith.addf %add3A_3075, %add3A_3054 : vector<16xf32>
      %mul3A_3077 = arith.constant 16 : i32
      %mul3A_3078 = arith.muli %scan3A_2768, %mul3A_3077 : i32
      %add3A_3079 = arith.constant 224 : i32
      %add3A_3080 = arith.addi %add3A_3079, %mul3A_3078 : i32
      %swap3A_3081 = arith.index_cast %add3A_3080 : i32 to index
      %swap3A_3082 = tpu.vector_load %arg14[%swap3A_3081] {strides = array<i32>} : memref<672xf32, #tpu.memory_space<vmem>>, vector<16xf32>,
      tpu.vector_store %arg14[%swap3A_3081], %add3A_3076 {strides = array<i32>} : memref<672xf32, #tpu.memory_space<vmem>>, vector<16xf32>,
      %mul3A_3083 = arith.mulf %add3A_3030, %get3A_2772 : vector<16xf32>
      %mul3A_3084 = arith.mulf %add3A_3036, %get3A_2778 : vector<16xf32>
      %add3A_3085 = arith.addf %mul3A_3083, %mul3A_3084 : vector<16xf32>
      %mul3A_3086 = arith.mulf %add3A_3042, %get3A_2784 : vector<16xf32>
      %add3A_3087 = arith.addf %add3A_3085, %mul3A_3086 : vector<16xf32>
      %add3A_3088 = arith.addf %add3A_3087, %add3A_3060 : vector<16xf32>
      %mul3A_3089 = arith.constant 16 : i32
      %mul3A_3090 = arith.muli %scan3A_2768, %mul3A_3089 : i32
      %add3A_3091 = arith.constant 448 : i32
      %add3A_3092 = arith.addi %add3A_3091, %mul3A_3090 : i32
      %swap3A_3093 = arith.index_cast %add3A_3092 : i32 to index
      %swap3A_3094 = tpu.vector_load %arg14[%swap3A_3093] {strides = array<i32>} : memref<672xf32, #tpu.memory_space<vmem>>, vector<16xf32>,
      tpu.vector_store %arg14[%swap3A_3093], %add3A_3088 {strides = array<i32>} : memref<672xf32, #tpu.memory_space<vmem>>, vector<16xf32>,
    }
    %scan3A_129 = arith.constant 14 : i32
    %add3A_130 = arith.constant 0 : i32
    %add3A_131 = arith.addi %add3A_130, %mul3A_2 : i32
    %dma_start3A_132 = arith.constant 0 : i32
    %dma_start3A_133 = tpu.memref_slice %arg14[%dma_start3A_132] : memref<672xf32, #tpu.memory_space<vmem>> -> memref<224xf32, #tpu.memory_space<vmem>>
    %dma_start3A_134 = tpu.memref_slice %arg7[%add3A_131] : memref<21504xf32, #tpu.memory_space<hbm>> -> memref<224xf32, #tpu.memory_space<hbm>>
    %dma_start3A_135 = tpu.memref_slice %arg7[%add3A_131] : memref<21504xf32, #tpu.memory_space<hbm>> -> memref<224xf32, #tpu.memory_space<hbm>>
    %dma_start3A_136 = arith.constant 0 : i32
    %dma_start3A_137 = tpu.memref_slice %arg14[%dma_start3A_136] : memref<672xf32, #tpu.memory_space<vmem>> -> memref<224xf32, #tpu.memory_space<vmem>>
    tpu.enqueue_dma source(%dma_start3A_137 : memref<224xf32, #tpu.memory_space<vmem>>) target(%dma_start3A_135 : memref<224xf32, #tpu.memory_space<hbm>>) target_semaphore(%arg16 : memref<!tpu.dma_semaphore, #tpu.memory_space<semaphore_mem>>)
    %add3A_138 = arith.constant 7168 : i32
    %add3A_139 = arith.addi %add3A_138, %mul3A_2 : i32
    %dma_start3A_140 = arith.constant 224 : i32
    %dma_start3A_141 = tpu.memref_slice %arg14[%dma_start3A_140] : memref<672xf32, #tpu.memory_space<vmem>> -> memref<224xf32, #tpu.memory_space<vmem>>
    %dma_start3A_142 = tpu.memref_slice %arg7[%add3A_139] : memref<21504xf32, #tpu.memory_space<hbm>> -> memref<224xf32, #tpu.memory_space<hbm>>
    %dma_start3A_143 = tpu.memref_slice %arg7[%add3A_139] : memref<21504xf32, #tpu.memory_space<hbm>> -> memref<224xf32, #tpu.memory_space<hbm>>
    %dma_start3A_144 = arith.constant 224 : i32
    %dma_start3A_145 = tpu.memref_slice %arg14[%dma_start3A_144] : memref<672xf32, #tpu.memory_space<vmem>> -> memref<224xf32, #tpu.memory_space<vmem>>
    tpu.enqueue_dma source(%dma_start3A_145 : memref<224xf32, #tpu.memory_space<vmem>>) target(%dma_start3A_143 : memref<224xf32, #tpu.memory_space<hbm>>) target_semaphore(%arg16 : memref<!tpu.dma_semaphore, #tpu.memory_space<semaphore_mem>>)
    %add3A_146 = arith.constant 14336 : i32
    %add3A_147 = arith.addi %add3A_146, %mul3A_2 : i32
    %dma_start3A_148 = arith.constant 448 : i32
    %dma_start3A_149 = tpu.memref_slice %arg14[%dma_start3A_148] : memref<672xf32, #tpu.memory_space<vmem>> -> memref<224xf32, #tpu.memory_space<vmem>>
    %dma_start3A_150 = tpu.memref_slice %arg7[%add3A_147] : memref<21504xf32, #tpu.memory_space<hbm>> -> memref<224xf32, #tpu.memory_space<hbm>>
    %dma_start3A_151 = tpu.memref_slice %arg7[%add3A_147] : memref<21504xf32, #tpu.memory_space<hbm>> -> memref<224xf32, #tpu.memory_space<hbm>>
    %dma_start3A_152 = arith.constant 448 : i32
    %dma_start3A_153 = tpu.memref_slice %arg14[%dma_start3A_152] : memref<672xf32, #tpu.memory_space<vmem>> -> memref<224xf32, #tpu.memory_space<vmem>>
    tpu.enqueue_dma source(%dma_start3A_153 : memref<224xf32, #tpu.memory_space<vmem>>) target(%dma_start3A_151 : memref<224xf32, #tpu.memory_space<hbm>>) target_semaphore(%arg16 : memref<!tpu.dma_semaphore, #tpu.memory_space<semaphore_mem>>)
    %iota3A = tpu.iota {dimensions = array<i32: 0>} : vector<16xi32>
    %broadcast_in_dim3A = arith.constant 0.000000e+00 : f32
    %broadcast_in_dim3A_154 = vector.broadcast %broadcast_in_dim3A : f32 to vector<16xf32>
    %mul3A_155 = arith.constant 2 : i32
    %mul3A_156 = arith.muli %add3A, %mul3A_155 : i32
    %add3A_157 = arith.constant 0 : i32
    %add3A_158 = arith.addi %mul3A_156, %add3A_157 : i32
    %mul3A_159 = arith.constant 16 : i32
    %mul3A_160 = arith.muli %add3A_158, %mul3A_159 : i32
    %add3A_161 = arith.constant 0 : i32
    %add3A_162 = arith.addi %add3A_161, %mul3A_160 : i32
    %get3A = arith.index_cast %add3A_162 : i32 to index
    %get3A_163 = tpu.vector_load %arg9[%get3A] {strides = array<i32>} : memref<18432xf32, #tpu.memory_space<vmem>>, vector<16xf32>,
    %add3A_164 = arith.constant 1024 : i32
    %add3A_165 = arith.addi %add3A_164, %mul3A_160 : i32
    %get3A_166 = arith.index_cast %add3A_165 : i32 to index
    %get3A_167 = tpu.vector_load %arg9[%get3A_166] {strides = array<i32>} : memref<18432xf32, #tpu.memory_space<vmem>>, vector<16xf32>,
    %add3A_168 = arith.constant 2048 : i32
    %add3A_169 = arith.addi %add3A_168, %mul3A_160 : i32
    %get3A_170 = arith.index_cast %add3A_169 : i32 to index
    %get3A_171 = tpu.vector_load %arg9[%get3A_170] {strides = array<i32>} : memref<18432xf32, #tpu.memory_space<vmem>>, vector<16xf32>,
    %add3A_172 = arith.constant 3072 : i32
    %add3A_173 = arith.addi %add3A_172, %mul3A_160 : i32
    %get3A_174 = arith.index_cast %add3A_173 : i32 to index
    %get3A_175 = tpu.vector_load %arg9[%get3A_174] {strides = array<i32>} : memref<18432xf32, #tpu.memory_space<vmem>>, vector<16xf32>,
    %add3A_176 = arith.constant 4096 : i32
    %add3A_177 = arith.addi %add3A_176, %mul3A_160 : i32
    %get3A_178 = arith.index_cast %add3A_177 : i32 to index
    %get3A_179 = tpu.vector_load %arg9[%get3A_178] {strides = array<i32>} : memref<18432xf32, #tpu.memory_space<vmem>>, vector<16xf32>,
    %add3A_180 = arith.constant 5120 : i32
    %add3A_181 = arith.addi %add3A_180, %mul3A_160 : i32
    %get3A_182 = arith.index_cast %add3A_181 : i32 to index
    %get3A_183 = tpu.vector_load %arg9[%get3A_182] {strides = array<i32>} : memref<18432xf32, #tpu.memory_space<vmem>>, vector<16xf32>,
    %add3A_184 = arith.constant 6144 : i32
    %add3A_185 = arith.addi %add3A_184, %mul3A_160 : i32
    %get3A_186 = arith.index_cast %add3A_185 : i32 to index
    %get3A_187 = tpu.vector_load %arg9[%get3A_186] {strides = array<i32>} : memref<18432xf32, #tpu.memory_space<vmem>>, vector<16xf32>,
    %add3A_188 = arith.constant 7168 : i32
    %add3A_189 = arith.addi %add3A_188, %mul3A_160 : i32
    %get3A_190 = arith.index_cast %add3A_189 : i32 to index
    %get3A_191 = tpu.vector_load %arg9[%get3A_190] {strides = array<i32>} : memref<18432xf32, #tpu.memory_space<vmem>>, vector<16xf32>,
    %add3A_192 = arith.constant 8192 : i32
    %add3A_193 = arith.addi %add3A_192, %mul3A_160 : i32
    %get3A_194 = arith.index_cast %add3A_193 : i32 to index
    %get3A_195 = tpu.vector_load %arg9[%get3A_194] {strides = array<i32>} : memref<18432xf32, #tpu.memory_space<vmem>>, vector<16xf32>,
    %add3A_196 = arith.constant 12288 : i32
    %add3A_197 = arith.addi %add3A_196, %mul3A_160 : i32
    %get3A_198 = arith.index_cast %add3A_197 : i32 to index
    %get3A_199 = tpu.vector_load %arg9[%get3A_198] {strides = array<i32>} : memref<18432xf32, #tpu.memory_space<vmem>>, vector<16xf32>,
    %add3A_200 = arith.constant 13312 : i32
    %add3A_201 = arith.addi %add3A_200, %mul3A_160 : i32
    %get3A_202 = arith.index_cast %add3A_201 : i32 to index
    %get3A_203 = tpu.vector_load %arg9[%get3A_202] {strides = array<i32>} : memref<18432xf32, #tpu.memory_space<vmem>>, vector<16xf32>,
    %add3A_204 = arith.constant 14336 : i32
    %add3A_205 = arith.addi %add3A_204, %mul3A_160 : i32
    %get3A_206 = arith.index_cast %add3A_205 : i32 to index
    %get3A_207 = tpu.vector_load %arg9[%get3A_206] {strides = array<i32>} : memref<18432xf32, #tpu.memory_space<vmem>>, vector<16xf32>,
    %add3A_208 = arith.constant 15360 : i32
    %add3A_209 = arith.addi %add3A_208, %mul3A_160 : i32
    %get3A_210 = arith.index_cast %add3A_209 : i32 to index
    %get3A_211 = tpu.vector_load %arg9[%get3A_210] {strides = array<i32>} : memref<18432xf32, #tpu.memory_space<vmem>>, vector<16xf32>,
    %add3A_212 = arith.constant 16384 : i32
    %add3A_213 = arith.addi %add3A_212, %mul3A_160 : i32
    %get3A_214 = arith.index_cast %add3A_213 : i32 to index
    %get3A_215 = tpu.vector_load %arg9[%get3A_214] {strides = array<i32>} : memref<18432xf32, #tpu.memory_space<vmem>>, vector<16xf32>,
    %add3A_216 = arith.constant 17408 : i32
    %add3A_217 = arith.addi %add3A_216, %mul3A_160 : i32
    %get3A_218 = arith.index_cast %add3A_217 : i32 to index
    %get3A_219 = tpu.vector_load %arg9[%get3A_218] {strides = array<i32>} : memref<18432xf32, #tpu.memory_space<vmem>>, vector<16xf32>,
    %add3A_220 = vector.broadcast %mul3A_160 : i32 to vector<16xi32>
    %add3A_221 = arith.addi %add3A_220, %iota3A : vector<16xi32>
    %lt3A = arith.constant 689 : i32
    %lt3A_222 = vector.broadcast %lt3A : i32 to vector<16xi32>
    %lt3A_223 = arith.cmpi slt, %add3A_221, %lt3A_222 : vector<16xi32>
    %get3A_224 = arith.constant 0 : index
    %get3A_225 = tpu.vector_load %arg13[%get3A_224] {strides = array<i32>} : memref<576xi32, #tpu.memory_space<vmem>>, vector<16xi32>,
    %add3A_226 = arith.constant 15360 : i32
    %add3A_227 = vector.broadcast %add3A_226 : i32 to vector<16xi32>
    %add3A_228 = arith.addi %get3A_225, %add3A_227 : vector<16xi32>
    %gather3A = tpu.vector_load_idx %arg9[%add3A_228] : memref<18432xf32, #tpu.memory_space<vmem>>[vector<16xi32>], vector<16xf32>,
    %add3A_229 = arith.constant 16384 : i32
    %add3A_230 = vector.broadcast %add3A_229 : i32 to vector<16xi32>
    %add3A_231 = arith.addi %get3A_225, %add3A_230 : vector<16xi32>
    %gather3A_232 = tpu.vector_load_idx %arg9[%add3A_231] : memref<18432xf32, #tpu.memory_space<vmem>>[vector<16xi32>], vector<16xf32>,
    %add3A_233 = arith.constant 17408 : i32
    %add3A_234 = vector.broadcast %add3A_233 : i32 to vector<16xi32>
    %add3A_235 = arith.addi %get3A_225, %add3A_234 : vector<16xi32>
    %gather3A_236 = tpu.vector_load_idx %arg9[%add3A_235] : memref<18432xf32, #tpu.memory_space<vmem>>[vector<16xi32>], vector<16xf32>,
    %add3A_237 = arith.constant 12288 : i32
    %add3A_238 = vector.broadcast %add3A_237 : i32 to vector<16xi32>
    %add3A_239 = arith.addi %get3A_225, %add3A_238 : vector<16xi32>
    %gather3A_240 = tpu.vector_load_idx %arg9[%add3A_239] : memref<18432xf32, #tpu.memory_space<vmem>>[vector<16xi32>], vector<16xf32>,
    %add3A_241 = arith.constant 13312 : i32
    %add3A_242 = vector.broadcast %add3A_241 : i32 to vector<16xi32>
    %add3A_243 = arith.addi %get3A_225, %add3A_242 : vector<16xi32>
    %gather3A_244 = tpu.vector_load_idx %arg9[%add3A_243] : memref<18432xf32, #tpu.memory_space<vmem>>[vector<16xi32>], vector<16xf32>,
    %add3A_245 = arith.constant 14336 : i32
    %add3A_246 = vector.broadcast %add3A_245 : i32 to vector<16xi32>
    %add3A_247 = arith.addi %get3A_225, %add3A_246 : vector<16xi32>
    %gather3A_248 = tpu.vector_load_idx %arg9[%add3A_247] : memref<18432xf32, #tpu.memory_space<vmem>>[vector<16xi32>], vector<16xf32>,
    %sub3A = arith.subf %get3A_211, %gather3A : vector<16xf32>
    %sub3A_249 = arith.subf %get3A_215, %gather3A_232 : vector<16xf32>
    %sub3A_250 = arith.subf %get3A_219, %gather3A_236 : vector<16xf32>
    %sub3A_251 = arith.subf %get3A_199, %gather3A_240 : vector<16xf32>
    %mul3A_252 = arith.mulf %get3A_163, %sub3A : vector<16xf32>
    %mul3A_253 = arith.mulf %get3A_167, %sub3A_249 : vector<16xf32>
    %add3A_254 = arith.addf %mul3A_252, %mul3A_253 : vector<16xf32>
    %mul3A_255 = arith.mulf %get3A_171, %sub3A_250 : vector<16xf32>
    %add3A_256 = arith.addf %add3A_254, %mul3A_255 : vector<16xf32>
    %sub3A_257 = arith.subf %sub3A_251, %add3A_256 : vector<16xf32>
    %sub3A_258 = arith.subf %get3A_203, %gather3A_244 : vector<16xf32>
    %mul3A_259 = arith.mulf %get3A_175, %sub3A : vector<16xf32>
    %mul3A_260 = arith.mulf %get3A_179, %sub3A_249 : vector<16xf32>
    %add3A_261 = arith.addf %mul3A_259, %mul3A_260 : vector<16xf32>
    %mul3A_262 = arith.mulf %get3A_183, %sub3A_250 : vector<16xf32>
    %add3A_263 = arith.addf %add3A_261, %mul3A_262 : vector<16xf32>
    %sub3A_264 = arith.subf %sub3A_258, %add3A_263 : vector<16xf32>
    %sub3A_265 = arith.subf %get3A_207, %gather3A_248 : vector<16xf32>
    %mul3A_266 = arith.mulf %get3A_187, %sub3A : vector<16xf32>
    %mul3A_267 = arith.mulf %get3A_191, %sub3A_249 : vector<16xf32>
    %add3A_268 = arith.addf %mul3A_266, %mul3A_267 : vector<16xf32>
    %mul3A_269 = arith.mulf %get3A_195, %sub3A_250 : vector<16xf32>
    %add3A_270 = arith.addf %add3A_268, %mul3A_269 : vector<16xf32>
    %sub3A_271 = arith.subf %sub3A_265, %add3A_270 : vector<16xf32>
    %mul3A_272 = arith.mulf %sub3A_257, %sub3A_257 : vector<16xf32>
    %mul3A_273 = arith.mulf %sub3A_264, %sub3A_264 : vector<16xf32>
    %add3A_274 = arith.addf %mul3A_272, %mul3A_273 : vector<16xf32>
    %mul3A_275 = arith.mulf %sub3A_271, %sub3A_271 : vector<16xf32>
    %add3A_276 = arith.addf %add3A_274, %mul3A_275 : vector<16xf32>
    %jit3A = arith.constant 0.000000e+00 : f32
    %broadcast_in_dim3A_277 = vector.broadcast %jit3A : f32 to vector<16xf32>
    %select_n3A = arith.select %lt3A_223, %add3A_276, %broadcast_in_dim3A_277 : vector<16xi1>, vector<16xf32>
    %add3A_278 = arith.addf %broadcast_in_dim3A_154, %select_n3A : vector<16xf32>
    %get3A_279 = arith.constant 16 : index
    %get3A_280 = tpu.vector_load %arg13[%get3A_279] {strides = array<i32>} : memref<576xi32, #tpu.memory_space<vmem>>, vector<16xi32>,
    %add3A_281 = arith.constant 15360 : i32
    %add3A_282 = vector.broadcast %add3A_281 : i32 to vector<16xi32>
    %add3A_283 = arith.addi %get3A_280, %add3A_282 : vector<16xi32>
    %gather3A_284 = tpu.vector_load_idx %arg9[%add3A_283] : memref<18432xf32, #tpu.memory_space<vmem>>[vector<16xi32>], vector<16xf32>,
    %add3A_285 = arith.constant 16384 : i32
    %add3A_286 = vector.broadcast %add3A_285 : i32 to vector<16xi32>
    %add3A_287 = arith.addi %get3A_280, %add3A_286 : vector<16xi32>
    %gather3A_288 = tpu.vector_load_idx %arg9[%add3A_287] : memref<18432xf32, #tpu.memory_space<vmem>>[vector<16xi32>], vector<16xf32>,
    %add3A_289 = arith.constant 17408 : i32
    %add3A_290 = vector.broadcast %add3A_289 : i32 to vector<16xi32>
    %add3A_291 = arith.addi %get3A_280, %add3A_290 : vector<16xi32>
    %gather3A_292 = tpu.vector_load_idx %arg9[%add3A_291] : memref<18432xf32, #tpu.memory_space<vmem>>[vector<16xi32>], vector<16xf32>,
    %add3A_293 = arith.constant 12288 : i32
    %add3A_294 = vector.broadcast %add3A_293 : i32 to vector<16xi32>
    %add3A_295 = arith.addi %get3A_280, %add3A_294 : vector<16xi32>
    %gather3A_296 = tpu.vector_load_idx %arg9[%add3A_295] : memref<18432xf32, #tpu.memory_space<vmem>>[vector<16xi32>], vector<16xf32>,
    %add3A_297 = arith.constant 13312 : i32
    %add3A_298 = vector.broadcast %add3A_297 : i32 to vector<16xi32>
    %add3A_299 = arith.addi %get3A_280, %add3A_298 : vector<16xi32>
    %gather3A_300 = tpu.vector_load_idx %arg9[%add3A_299] : memref<18432xf32, #tpu.memory_space<vmem>>[vector<16xi32>], vector<16xf32>,
    %add3A_301 = arith.constant 14336 : i32
    %add3A_302 = vector.broadcast %add3A_301 : i32 to vector<16xi32>
    %add3A_303 = arith.addi %get3A_280, %add3A_302 : vector<16xi32>
    %gather3A_304 = tpu.vector_load_idx %arg9[%add3A_303] : memref<18432xf32, #tpu.memory_space<vmem>>[vector<16xi32>], vector<16xf32>,
    %sub3A_305 = arith.subf %get3A_211, %gather3A_284 : vector<16xf32>
    %sub3A_306 = arith.subf %get3A_215, %gather3A_288 : vector<16xf32>
    %sub3A_307 = arith.subf %get3A_219, %gather3A_292 : vector<16xf32>
    %sub3A_308 = arith.subf %get3A_199, %gather3A_296 : vector<16xf32>
    %mul3A_309 = arith.mulf %get3A_163, %sub3A_305 : vector<16xf32>
    %mul3A_310 = arith.mulf %get3A_167, %sub3A_306 : vector<16xf32>
    %add3A_311 = arith.addf %mul3A_309, %mul3A_310 : vector<16xf32>
    %mul3A_312 = arith.mulf %get3A_171, %sub3A_307 : vector<16xf32>
    %add3A_313 = arith.addf %add3A_311, %mul3A_312 : vector<16xf32>
    %sub3A_314 = arith.subf %sub3A_308, %add3A_313 : vector<16xf32>
    %sub3A_315 = arith.subf %get3A_203, %gather3A_300 : vector<16xf32>
    %mul3A_316 = arith.mulf %get3A_175, %sub3A_305 : vector<16xf32>
    %mul3A_317 = arith.mulf %get3A_179, %sub3A_306 : vector<16xf32>
    %add3A_318 = arith.addf %mul3A_316, %mul3A_317 : vector<16xf32>
    %mul3A_319 = arith.mulf %get3A_183, %sub3A_307 : vector<16xf32>
    %add3A_320 = arith.addf %add3A_318, %mul3A_319 : vector<16xf32>
    %sub3A_321 = arith.subf %sub3A_315, %add3A_320 : vector<16xf32>
    %sub3A_322 = arith.subf %get3A_207, %gather3A_304 : vector<16xf32>
    %mul3A_323 = arith.mulf %get3A_187, %sub3A_305 : vector<16xf32>
    %mul3A_324 = arith.mulf %get3A_191, %sub3A_306 : vector<16xf32>
    %add3A_325 = arith.addf %mul3A_323, %mul3A_324 : vector<16xf32>
    %mul3A_326 = arith.mulf %get3A_195, %sub3A_307 : vector<16xf32>
    %add3A_327 = arith.addf %add3A_325, %mul3A_326 : vector<16xf32>
    %sub3A_328 = arith.subf %sub3A_322, %add3A_327 : vector<16xf32>
    %mul3A_329 = arith.mulf %sub3A_314, %sub3A_314 : vector<16xf32>
    %mul3A_330 = arith.mulf %sub3A_321, %sub3A_321 : vector<16xf32>
    %add3A_331 = arith.addf %mul3A_329, %mul3A_330 : vector<16xf32>
    %mul3A_332 = arith.mulf %sub3A_328, %sub3A_328 : vector<16xf32>
    %add3A_333 = arith.addf %add3A_331, %mul3A_332 : vector<16xf32>
    %jit3A_334 = arith.constant 0.000000e+00 : f32
    %broadcast_in_dim3A_335 = vector.broadcast %jit3A_334 : f32 to vector<16xf32>
    %select_n3A_336 = arith.select %lt3A_223, %add3A_333, %broadcast_in_dim3A_335 : vector<16xi1>, vector<16xf32>
    %add3A_337 = arith.addf %add3A_278, %select_n3A_336 : vector<16xf32>
    %get3A_338 = arith.constant 32 : index
    %get3A_339 = tpu.vector_load %arg13[%get3A_338] {strides = array<i32>} : memref<576xi32, #tpu.memory_space<vmem>>, vector<16xi32>,
    %add3A_340 = arith.constant 15360 : i32
    %add3A_341 = vector.broadcast %add3A_340 : i32 to vector<16xi32>
    %add3A_342 = arith.addi %get3A_339, %add3A_341 : vector<16xi32>
    %gather3A_343 = tpu.vector_load_idx %arg9[%add3A_342] : memref<18432xf32, #tpu.memory_space<vmem>>[vector<16xi32>], vector<16xf32>,
    %add3A_344 = arith.constant 16384 : i32
    %add3A_345 = vector.broadcast %add3A_344 : i32 to vector<16xi32>
    %add3A_346 = arith.addi %get3A_339, %add3A_345 : vector<16xi32>
    %gather3A_347 = tpu.vector_load_idx %arg9[%add3A_346] : memref<18432xf32, #tpu.memory_space<vmem>>[vector<16xi32>], vector<16xf32>,
    %add3A_348 = arith.constant 17408 : i32
    %add3A_349 = vector.broadcast %add3A_348 : i32 to vector<16xi32>
    %add3A_350 = arith.addi %get3A_339, %add3A_349 : vector<16xi32>
    %gather3A_351 = tpu.vector_load_idx %arg9[%add3A_350] : memref<18432xf32, #tpu.memory_space<vmem>>[vector<16xi32>], vector<16xf32>,
    %add3A_352 = arith.constant 12288 : i32
    %add3A_353 = vector.broadcast %add3A_352 : i32 to vector<16xi32>
    %add3A_354 = arith.addi %get3A_339, %add3A_353 : vector<16xi32>
    %gather3A_355 = tpu.vector_load_idx %arg9[%add3A_354] : memref<18432xf32, #tpu.memory_space<vmem>>[vector<16xi32>], vector<16xf32>,
    %add3A_356 = arith.constant 13312 : i32
    %add3A_357 = vector.broadcast %add3A_356 : i32 to vector<16xi32>
    %add3A_358 = arith.addi %get3A_339, %add3A_357 : vector<16xi32>
    %gather3A_359 = tpu.vector_load_idx %arg9[%add3A_358] : memref<18432xf32, #tpu.memory_space<vmem>>[vector<16xi32>], vector<16xf32>,
    %add3A_360 = arith.constant 14336 : i32
    %add3A_361 = vector.broadcast %add3A_360 : i32 to vector<16xi32>
    %add3A_362 = arith.addi %get3A_339, %add3A_361 : vector<16xi32>
    %gather3A_363 = tpu.vector_load_idx %arg9[%add3A_362] : memref<18432xf32, #tpu.memory_space<vmem>>[vector<16xi32>], vector<16xf32>,
    %sub3A_364 = arith.subf %get3A_211, %gather3A_343 : vector<16xf32>
    %sub3A_365 = arith.subf %get3A_215, %gather3A_347 : vector<16xf32>
    %sub3A_366 = arith.subf %get3A_219, %gather3A_351 : vector<16xf32>
    %sub3A_367 = arith.subf %get3A_199, %gather3A_355 : vector<16xf32>
    %mul3A_368 = arith.mulf %get3A_163, %sub3A_364 : vector<16xf32>
    %mul3A_369 = arith.mulf %get3A_167, %sub3A_365 : vector<16xf32>
    %add3A_370 = arith.addf %mul3A_368, %mul3A_369 : vector<16xf32>
    %mul3A_371 = arith.mulf %get3A_171, %sub3A_366 : vector<16xf32>
    %add3A_372 = arith.addf %add3A_370, %mul3A_371 : vector<16xf32>
    %sub3A_373 = arith.subf %sub3A_367, %add3A_372 : vector<16xf32>
    %sub3A_374 = arith.subf %get3A_203, %gather3A_359 : vector<16xf32>
    %mul3A_375 = arith.mulf %get3A_175, %sub3A_364 : vector<16xf32>
    %mul3A_376 = arith.mulf %get3A_179, %sub3A_365 : vector<16xf32>
    %add3A_377 = arith.addf %mul3A_375, %mul3A_376 : vector<16xf32>
    %mul3A_378 = arith.mulf %get3A_183, %sub3A_366 : vector<16xf32>
    %add3A_379 = arith.addf %add3A_377, %mul3A_378 : vector<16xf32>
    %sub3A_380 = arith.subf %sub3A_374, %add3A_379 : vector<16xf32>
    %sub3A_381 = arith.subf %get3A_207, %gather3A_363 : vector<16xf32>
    %mul3A_382 = arith.mulf %get3A_187, %sub3A_364 : vector<16xf32>
    %mul3A_383 = arith.mulf %get3A_191, %sub3A_365 : vector<16xf32>
    %add3A_384 = arith.addf %mul3A_382, %mul3A_383 : vector<16xf32>
    %mul3A_385 = arith.mulf %get3A_195, %sub3A_366 : vector<16xf32>
    %add3A_386 = arith.addf %add3A_384, %mul3A_385 : vector<16xf32>
    %sub3A_387 = arith.subf %sub3A_381, %add3A_386 : vector<16xf32>
    %mul3A_388 = arith.mulf %sub3A_373, %sub3A_373 : vector<16xf32>
    %mul3A_389 = arith.mulf %sub3A_380, %sub3A_380 : vector<16xf32>
    %add3A_390 = arith.addf %mul3A_388, %mul3A_389 : vector<16xf32>
    %mul3A_391 = arith.mulf %sub3A_387, %sub3A_387 : vector<16xf32>
    %add3A_392 = arith.addf %add3A_390, %mul3A_391 : vector<16xf32>
    %jit3A_393 = arith.constant 0.000000e+00 : f32
    %broadcast_in_dim3A_394 = vector.broadcast %jit3A_393 : f32 to vector<16xf32>
    %select_n3A_395 = arith.select %lt3A_223, %add3A_392, %broadcast_in_dim3A_394 : vector<16xi1>, vector<16xf32>
    %add3A_396 = arith.addf %add3A_337, %select_n3A_395 : vector<16xf32>
    %get3A_397 = arith.constant 48 : index
    %get3A_398 = tpu.vector_load %arg13[%get3A_397] {strides = array<i32>} : memref<576xi32, #tpu.memory_space<vmem>>, vector<16xi32>,
    %add3A_399 = arith.constant 15360 : i32
    %add3A_400 = vector.broadcast %add3A_399 : i32 to vector<16xi32>
    %add3A_401 = arith.addi %get3A_398, %add3A_400 : vector<16xi32>
    %gather3A_402 = tpu.vector_load_idx %arg9[%add3A_401] : memref<18432xf32, #tpu.memory_space<vmem>>[vector<16xi32>], vector<16xf32>,
    %add3A_403 = arith.constant 16384 : i32
    %add3A_404 = vector.broadcast %add3A_403 : i32 to vector<16xi32>
    %add3A_405 = arith.addi %get3A_398, %add3A_404 : vector<16xi32>
    %gather3A_406 = tpu.vector_load_idx %arg9[%add3A_405] : memref<18432xf32, #tpu.memory_space<vmem>>[vector<16xi32>], vector<16xf32>,
    %add3A_407 = arith.constant 17408 : i32
    %add3A_408 = vector.broadcast %add3A_407 : i32 to vector<16xi32>
    %add3A_409 = arith.addi %get3A_398, %add3A_408 : vector<16xi32>
    %gather3A_410 = tpu.vector_load_idx %arg9[%add3A_409] : memref<18432xf32, #tpu.memory_space<vmem>>[vector<16xi32>], vector<16xf32>,
    %add3A_411 = arith.constant 12288 : i32
    %add3A_412 = vector.broadcast %add3A_411 : i32 to vector<16xi32>
    %add3A_413 = arith.addi %get3A_398, %add3A_412 : vector<16xi32>
    %gather3A_414 = tpu.vector_load_idx %arg9[%add3A_413] : memref<18432xf32, #tpu.memory_space<vmem>>[vector<16xi32>], vector<16xf32>,
    %add3A_415 = arith.constant 13312 : i32
    %add3A_416 = vector.broadcast %add3A_415 : i32 to vector<16xi32>
    %add3A_417 = arith.addi %get3A_398, %add3A_416 : vector<16xi32>
    %gather3A_418 = tpu.vector_load_idx %arg9[%add3A_417] : memref<18432xf32, #tpu.memory_space<vmem>>[vector<16xi32>], vector<16xf32>,
    %add3A_419 = arith.constant 14336 : i32
    %add3A_420 = vector.broadcast %add3A_419 : i32 to vector<16xi32>
    %add3A_421 = arith.addi %get3A_398, %add3A_420 : vector<16xi32>
    %gather3A_422 = tpu.vector_load_idx %arg9[%add3A_421] : memref<18432xf32, #tpu.memory_space<vmem>>[vector<16xi32>], vector<16xf32>,
    %sub3A_423 = arith.subf %get3A_211, %gather3A_402 : vector<16xf32>
    %sub3A_424 = arith.subf %get3A_215, %gather3A_406 : vector<16xf32>
    %sub3A_425 = arith.subf %get3A_219, %gather3A_410 : vector<16xf32>
    %sub3A_426 = arith.subf %get3A_199, %gather3A_414 : vector<16xf32>
    %mul3A_427 = arith.mulf %get3A_163, %sub3A_423 : vector<16xf32>
    %mul3A_428 = arith.mulf %get3A_167, %sub3A_424 : vector<16xf32>
    %add3A_429 = arith.addf %mul3A_427, %mul3A_428 : vector<16xf32>
    %mul3A_430 = arith.mulf %get3A_171, %sub3A_425 : vector<16xf32>
    %add3A_431 = arith.addf %add3A_429, %mul3A_430 : vector<16xf32>
    %sub3A_432 = arith.subf %sub3A_426, %add3A_431 : vector<16xf32>
    %sub3A_433 = arith.subf %get3A_203, %gather3A_418 : vector<16xf32>
    %mul3A_434 = arith.mulf %get3A_175, %sub3A_423 : vector<16xf32>
    %mul3A_435 = arith.mulf %get3A_179, %sub3A_424 : vector<16xf32>
    %add3A_436 = arith.addf %mul3A_434, %mul3A_435 : vector<16xf32>
    %mul3A_437 = arith.mulf %get3A_183, %sub3A_425 : vector<16xf32>
    %add3A_438 = arith.addf %add3A_436, %mul3A_437 : vector<16xf32>
    %sub3A_439 = arith.subf %sub3A_433, %add3A_438 : vector<16xf32>
    %sub3A_440 = arith.subf %get3A_207, %gather3A_422 : vector<16xf32>
    %mul3A_441 = arith.mulf %get3A_187, %sub3A_423 : vector<16xf32>
    %mul3A_442 = arith.mulf %get3A_191, %sub3A_424 : vector<16xf32>
    %add3A_443 = arith.addf %mul3A_441, %mul3A_442 : vector<16xf32>
    %mul3A_444 = arith.mulf %get3A_195, %sub3A_425 : vector<16xf32>
    %add3A_445 = arith.addf %add3A_443, %mul3A_444 : vector<16xf32>
    %sub3A_446 = arith.subf %sub3A_440, %add3A_445 : vector<16xf32>
    %mul3A_447 = arith.mulf %sub3A_432, %sub3A_432 : vector<16xf32>
    %mul3A_448 = arith.mulf %sub3A_439, %sub3A_439 : vector<16xf32>
    %add3A_449 = arith.addf %mul3A_447, %mul3A_448 : vector<16xf32>
    %mul3A_450 = arith.mulf %sub3A_446, %sub3A_446 : vector<16xf32>
    %add3A_451 = arith.addf %add3A_449, %mul3A_450 : vector<16xf32>
    %jit3A_452 = arith.constant 0.000000e+00 : f32
    %broadcast_in_dim3A_453 = vector.broadcast %jit3A_452 : f32 to vector<16xf32>
    %select_n3A_454 = arith.select %lt3A_223, %add3A_451, %broadcast_in_dim3A_453 : vector<16xi1>, vector<16xf32>
    %add3A_455 = arith.addf %add3A_396, %select_n3A_454 : vector<16xf32>
    %get3A_456 = arith.constant 64 : index
    %get3A_457 = tpu.vector_load %arg13[%get3A_456] {strides = array<i32>} : memref<576xi32, #tpu.memory_space<vmem>>, vector<16xi32>,
    %add3A_458 = arith.constant 15360 : i32
    %add3A_459 = vector.broadcast %add3A_458 : i32 to vector<16xi32>
    %add3A_460 = arith.addi %get3A_457, %add3A_459 : vector<16xi32>
    %gather3A_461 = tpu.vector_load_idx %arg9[%add3A_460] : memref<18432xf32, #tpu.memory_space<vmem>>[vector<16xi32>], vector<16xf32>,
    %add3A_462 = arith.constant 16384 : i32
    %add3A_463 = vector.broadcast %add3A_462 : i32 to vector<16xi32>
    %add3A_464 = arith.addi %get3A_457, %add3A_463 : vector<16xi32>
    %gather3A_465 = tpu.vector_load_idx %arg9[%add3A_464] : memref<18432xf32, #tpu.memory_space<vmem>>[vector<16xi32>], vector<16xf32>,
    %add3A_466 = arith.constant 17408 : i32
    %add3A_467 = vector.broadcast %add3A_466 : i32 to vector<16xi32>
    %add3A_468 = arith.addi %get3A_457, %add3A_467 : vector<16xi32>
    %gather3A_469 = tpu.vector_load_idx %arg9[%add3A_468] : memref<18432xf32, #tpu.memory_space<vmem>>[vector<16xi32>], vector<16xf32>,
    %add3A_470 = arith.constant 12288 : i32
    %add3A_471 = vector.broadcast %add3A_470 : i32 to vector<16xi32>
    %add3A_472 = arith.addi %get3A_457, %add3A_471 : vector<16xi32>
    %gather3A_473 = tpu.vector_load_idx %arg9[%add3A_472] : memref<18432xf32, #tpu.memory_space<vmem>>[vector<16xi32>], vector<16xf32>,
    %add3A_474 = arith.constant 13312 : i32
    %add3A_475 = vector.broadcast %add3A_474 : i32 to vector<16xi32>
    %add3A_476 = arith.addi %get3A_457, %add3A_475 : vector<16xi32>
    %gather3A_477 = tpu.vector_load_idx %arg9[%add3A_476] : memref<18432xf32, #tpu.memory_space<vmem>>[vector<16xi32>], vector<16xf32>,
    %add3A_478 = arith.constant 14336 : i32
    %add3A_479 = vector.broadcast %add3A_478 : i32 to vector<16xi32>
    %add3A_480 = arith.addi %get3A_457, %add3A_479 : vector<16xi32>
    %gather3A_481 = tpu.vector_load_idx %arg9[%add3A_480] : memref<18432xf32, #tpu.memory_space<vmem>>[vector<16xi32>], vector<16xf32>,
    %sub3A_482 = arith.subf %get3A_211, %gather3A_461 : vector<16xf32>
    %sub3A_483 = arith.subf %get3A_215, %gather3A_465 : vector<16xf32>
    %sub3A_484 = arith.subf %get3A_219, %gather3A_469 : vector<16xf32>
    %sub3A_485 = arith.subf %get3A_199, %gather3A_473 : vector<16xf32>
    %mul3A_486 = arith.mulf %get3A_163, %sub3A_482 : vector<16xf32>
    %mul3A_487 = arith.mulf %get3A_167, %sub3A_483 : vector<16xf32>
    %add3A_488 = arith.addf %mul3A_486, %mul3A_487 : vector<16xf32>
    %mul3A_489 = arith.mulf %get3A_171, %sub3A_484 : vector<16xf32>
    %add3A_490 = arith.addf %add3A_488, %mul3A_489 : vector<16xf32>
    %sub3A_491 = arith.subf %sub3A_485, %add3A_490 : vector<16xf32>
    %sub3A_492 = arith.subf %get3A_203, %gather3A_477 : vector<16xf32>
    %mul3A_493 = arith.mulf %get3A_175, %sub3A_482 : vector<16xf32>
    %mul3A_494 = arith.mulf %get3A_179, %sub3A_483 : vector<16xf32>
    %add3A_495 = arith.addf %mul3A_493, %mul3A_494 : vector<16xf32>
    %mul3A_496 = arith.mulf %get3A_183, %sub3A_484 : vector<16xf32>
    %add3A_497 = arith.addf %add3A_495, %mul3A_496 : vector<16xf32>
    %sub3A_498 = arith.subf %sub3A_492, %add3A_497 : vector<16xf32>
    %sub3A_499 = arith.subf %get3A_207, %gather3A_481 : vector<16xf32>
    %mul3A_500 = arith.mulf %get3A_187, %sub3A_482 : vector<16xf32>
    %mul3A_501 = arith.mulf %get3A_191, %sub3A_483 : vector<16xf32>
    %add3A_502 = arith.addf %mul3A_500, %mul3A_501 : vector<16xf32>
    %mul3A_503 = arith.mulf %get3A_195, %sub3A_484 : vector<16xf32>
    %add3A_504 = arith.addf %add3A_502, %mul3A_503 : vector<16xf32>
    %sub3A_505 = arith.subf %sub3A_499, %add3A_504 : vector<16xf32>
    %mul3A_506 = arith.mulf %sub3A_491, %sub3A_491 : vector<16xf32>
    %mul3A_507 = arith.mulf %sub3A_498, %sub3A_498 : vector<16xf32>
    %add3A_508 = arith.addf %mul3A_506, %mul3A_507 : vector<16xf32>
    %mul3A_509 = arith.mulf %sub3A_505, %sub3A_505 : vector<16xf32>
    %add3A_510 = arith.addf %add3A_508, %mul3A_509 : vector<16xf32>
    %jit3A_511 = arith.constant 0.000000e+00 : f32
    %broadcast_in_dim3A_512 = vector.broadcast %jit3A_511 : f32 to vector<16xf32>
    %select_n3A_513 = arith.select %lt3A_223, %add3A_510, %broadcast_in_dim3A_512 : vector<16xi1>, vector<16xf32>
    %add3A_514 = arith.addf %add3A_455, %select_n3A_513 : vector<16xf32>
    %get3A_515 = arith.constant 80 : index
    %get3A_516 = tpu.vector_load %arg13[%get3A_515] {strides = array<i32>} : memref<576xi32, #tpu.memory_space<vmem>>, vector<16xi32>,
    %add3A_517 = arith.constant 15360 : i32
    %add3A_518 = vector.broadcast %add3A_517 : i32 to vector<16xi32>
    %add3A_519 = arith.addi %get3A_516, %add3A_518 : vector<16xi32>
    %gather3A_520 = tpu.vector_load_idx %arg9[%add3A_519] : memref<18432xf32, #tpu.memory_space<vmem>>[vector<16xi32>], vector<16xf32>,
    %add3A_521 = arith.constant 16384 : i32
    %add3A_522 = vector.broadcast %add3A_521 : i32 to vector<16xi32>
    %add3A_523 = arith.addi %get3A_516, %add3A_522 : vector<16xi32>
    %gather3A_524 = tpu.vector_load_idx %arg9[%add3A_523] : memref<18432xf32, #tpu.memory_space<vmem>>[vector<16xi32>], vector<16xf32>,
    %add3A_525 = arith.constant 17408 : i32
    %add3A_526 = vector.broadcast %add3A_525 : i32 to vector<16xi32>
    %add3A_527 = arith.addi %get3A_516, %add3A_526 : vector<16xi32>
    %gather3A_528 = tpu.vector_load_idx %arg9[%add3A_527] : memref<18432xf32, #tpu.memory_space<vmem>>[vector<16xi32>], vector<16xf32>,
    %add3A_529 = arith.constant 12288 : i32
    %add3A_530 = vector.broadcast %add3A_529 : i32 to vector<16xi32>
    %add3A_531 = arith.addi %get3A_516, %add3A_530 : vector<16xi32>
    %gather3A_532 = tpu.vector_load_idx %arg9[%add3A_531] : memref<18432xf32, #tpu.memory_space<vmem>>[vector<16xi32>], vector<16xf32>,
    %add3A_533 = arith.constant 13312 : i32
    %add3A_534 = vector.broadcast %add3A_533 : i32 to vector<16xi32>
    %add3A_535 = arith.addi %get3A_516, %add3A_534 : vector<16xi32>
    %gather3A_536 = tpu.vector_load_idx %arg9[%add3A_535] : memref<18432xf32, #tpu.memory_space<vmem>>[vector<16xi32>], vector<16xf32>,
    %add3A_537 = arith.constant 14336 : i32
    %add3A_538 = vector.broadcast %add3A_537 : i32 to vector<16xi32>
    %add3A_539 = arith.addi %get3A_516, %add3A_538 : vector<16xi32>
    %gather3A_540 = tpu.vector_load_idx %arg9[%add3A_539] : memref<18432xf32, #tpu.memory_space<vmem>>[vector<16xi32>], vector<16xf32>,
    %sub3A_541 = arith.subf %get3A_211, %gather3A_520 : vector<16xf32>
    %sub3A_542 = arith.subf %get3A_215, %gather3A_524 : vector<16xf32>
    %sub3A_543 = arith.subf %get3A_219, %gather3A_528 : vector<16xf32>
    %sub3A_544 = arith.subf %get3A_199, %gather3A_532 : vector<16xf32>
    %mul3A_545 = arith.mulf %get3A_163, %sub3A_541 : vector<16xf32>
    %mul3A_546 = arith.mulf %get3A_167, %sub3A_542 : vector<16xf32>
    %add3A_547 = arith.addf %mul3A_545, %mul3A_546 : vector<16xf32>
    %mul3A_548 = arith.mulf %get3A_171, %sub3A_543 : vector<16xf32>
    %add3A_549 = arith.addf %add3A_547, %mul3A_548 : vector<16xf32>
    %sub3A_550 = arith.subf %sub3A_544, %add3A_549 : vector<16xf32>
    %sub3A_551 = arith.subf %get3A_203, %gather3A_536 : vector<16xf32>
    %mul3A_552 = arith.mulf %get3A_175, %sub3A_541 : vector<16xf32>
    %mul3A_553 = arith.mulf %get3A_179, %sub3A_542 : vector<16xf32>
    %add3A_554 = arith.addf %mul3A_552, %mul3A_553 : vector<16xf32>
    %mul3A_555 = arith.mulf %get3A_183, %sub3A_543 : vector<16xf32>
    %add3A_556 = arith.addf %add3A_554, %mul3A_555 : vector<16xf32>
    %sub3A_557 = arith.subf %sub3A_551, %add3A_556 : vector<16xf32>
    %sub3A_558 = arith.subf %get3A_207, %gather3A_540 : vector<16xf32>
    %mul3A_559 = arith.mulf %get3A_187, %sub3A_541 : vector<16xf32>
    %mul3A_560 = arith.mulf %get3A_191, %sub3A_542 : vector<16xf32>
    %add3A_561 = arith.addf %mul3A_559, %mul3A_560 : vector<16xf32>
    %mul3A_562 = arith.mulf %get3A_195, %sub3A_543 : vector<16xf32>
    %add3A_563 = arith.addf %add3A_561, %mul3A_562 : vector<16xf32>
    %sub3A_564 = arith.subf %sub3A_558, %add3A_563 : vector<16xf32>
    %mul3A_565 = arith.mulf %sub3A_550, %sub3A_550 : vector<16xf32>
    %mul3A_566 = arith.mulf %sub3A_557, %sub3A_557 : vector<16xf32>
    %add3A_567 = arith.addf %mul3A_565, %mul3A_566 : vector<16xf32>
    %mul3A_568 = arith.mulf %sub3A_564, %sub3A_564 : vector<16xf32>
    %add3A_569 = arith.addf %add3A_567, %mul3A_568 : vector<16xf32>
    %jit3A_570 = arith.constant 0.000000e+00 : f32
    %broadcast_in_dim3A_571 = vector.broadcast %jit3A_570 : f32 to vector<16xf32>
    %select_n3A_572 = arith.select %lt3A_223, %add3A_569, %broadcast_in_dim3A_571 : vector<16xi1>, vector<16xf32>
    %add3A_573 = arith.addf %add3A_514, %select_n3A_572 : vector<16xf32>
    %get3A_574 = arith.constant 96 : index
    %get3A_575 = tpu.vector_load %arg13[%get3A_574] {strides = array<i32>} : memref<576xi32, #tpu.memory_space<vmem>>, vector<16xi32>,
    %add3A_576 = arith.constant 15360 : i32
    %add3A_577 = vector.broadcast %add3A_576 : i32 to vector<16xi32>
    %add3A_578 = arith.addi %get3A_575, %add3A_577 : vector<16xi32>
    %gather3A_579 = tpu.vector_load_idx %arg9[%add3A_578] : memref<18432xf32, #tpu.memory_space<vmem>>[vector<16xi32>], vector<16xf32>,
    %add3A_580 = arith.constant 16384 : i32
    %add3A_581 = vector.broadcast %add3A_580 : i32 to vector<16xi32>
    %add3A_582 = arith.addi %get3A_575, %add3A_581 : vector<16xi32>
    %gather3A_583 = tpu.vector_load_idx %arg9[%add3A_582] : memref<18432xf32, #tpu.memory_space<vmem>>[vector<16xi32>], vector<16xf32>,
    %add3A_584 = arith.constant 17408 : i32
    %add3A_585 = vector.broadcast %add3A_584 : i32 to vector<16xi32>
    %add3A_586 = arith.addi %get3A_575, %add3A_585 : vector<16xi32>
    %gather3A_587 = tpu.vector_load_idx %arg9[%add3A_586] : memref<18432xf32, #tpu.memory_space<vmem>>[vector<16xi32>], vector<16xf32>,
    %add3A_588 = arith.constant 12288 : i32
    %add3A_589 = vector.broadcast %add3A_588 : i32 to vector<16xi32>
    %add3A_590 = arith.addi %get3A_575, %add3A_589 : vector<16xi32>
    %gather3A_591 = tpu.vector_load_idx %arg9[%add3A_590] : memref<18432xf32, #tpu.memory_space<vmem>>[vector<16xi32>], vector<16xf32>,
    %add3A_592 = arith.constant 13312 : i32
    %add3A_593 = vector.broadcast %add3A_592 : i32 to vector<16xi32>
    %add3A_594 = arith.addi %get3A_575, %add3A_593 : vector<16xi32>
    %gather3A_595 = tpu.vector_load_idx %arg9[%add3A_594] : memref<18432xf32, #tpu.memory_space<vmem>>[vector<16xi32>], vector<16xf32>,
    %add3A_596 = arith.constant 14336 : i32
    %add3A_597 = vector.broadcast %add3A_596 : i32 to vector<16xi32>
    %add3A_598 = arith.addi %get3A_575, %add3A_597 : vector<16xi32>
    %gather3A_599 = tpu.vector_load_idx %arg9[%add3A_598] : memref<18432xf32, #tpu.memory_space<vmem>>[vector<16xi32>], vector<16xf32>,
    %sub3A_600 = arith.subf %get3A_211, %gather3A_579 : vector<16xf32>
    %sub3A_601 = arith.subf %get3A_215, %gather3A_583 : vector<16xf32>
    %sub3A_602 = arith.subf %get3A_219, %gather3A_587 : vector<16xf32>
    %sub3A_603 = arith.subf %get3A_199, %gather3A_591 : vector<16xf32>
    %mul3A_604 = arith.mulf %get3A_163, %sub3A_600 : vector<16xf32>
    %mul3A_605 = arith.mulf %get3A_167, %sub3A_601 : vector<16xf32>
    %add3A_606 = arith.addf %mul3A_604, %mul3A_605 : vector<16xf32>
    %mul3A_607 = arith.mulf %get3A_171, %sub3A_602 : vector<16xf32>
    %add3A_608 = arith.addf %add3A_606, %mul3A_607 : vector<16xf32>
    %sub3A_609 = arith.subf %sub3A_603, %add3A_608 : vector<16xf32>
    %sub3A_610 = arith.subf %get3A_203, %gather3A_595 : vector<16xf32>
    %mul3A_611 = arith.mulf %get3A_175, %sub3A_600 : vector<16xf32>
    %mul3A_612 = arith.mulf %get3A_179, %sub3A_601 : vector<16xf32>
    %add3A_613 = arith.addf %mul3A_611, %mul3A_612 : vector<16xf32>
    %mul3A_614 = arith.mulf %get3A_183, %sub3A_602 : vector<16xf32>
    %add3A_615 = arith.addf %add3A_613, %mul3A_614 : vector<16xf32>
    %sub3A_616 = arith.subf %sub3A_610, %add3A_615 : vector<16xf32>
    %sub3A_617 = arith.subf %get3A_207, %gather3A_599 : vector<16xf32>
    %mul3A_618 = arith.mulf %get3A_187, %sub3A_600 : vector<16xf32>
    %mul3A_619 = arith.mulf %get3A_191, %sub3A_601 : vector<16xf32>
    %add3A_620 = arith.addf %mul3A_618, %mul3A_619 : vector<16xf32>
    %mul3A_621 = arith.mulf %get3A_195, %sub3A_602 : vector<16xf32>
    %add3A_622 = arith.addf %add3A_620, %mul3A_621 : vector<16xf32>
    %sub3A_623 = arith.subf %sub3A_617, %add3A_622 : vector<16xf32>
    %mul3A_624 = arith.mulf %sub3A_609, %sub3A_609 : vector<16xf32>
    %mul3A_625 = arith.mulf %sub3A_616, %sub3A_616 : vector<16xf32>
    %add3A_626 = arith.addf %mul3A_624, %mul3A_625 : vector<16xf32>
    %mul3A_627 = arith.mulf %sub3A_623, %sub3A_623 : vector<16xf32>
    %add3A_628 = arith.addf %add3A_626, %mul3A_627 : vector<16xf32>
    %jit3A_629 = arith.constant 0.000000e+00 : f32
    %broadcast_in_dim3A_630 = vector.broadcast %jit3A_629 : f32 to vector<16xf32>
    %select_n3A_631 = arith.select %lt3A_223, %add3A_628, %broadcast_in_dim3A_630 : vector<16xi1>, vector<16xf32>
    %add3A_632 = arith.addf %add3A_573, %select_n3A_631 : vector<16xf32>
    %get3A_633 = arith.constant 112 : index
    %get3A_634 = tpu.vector_load %arg13[%get3A_633] {strides = array<i32>} : memref<576xi32, #tpu.memory_space<vmem>>, vector<16xi32>,
    %add3A_635 = arith.constant 15360 : i32
    %add3A_636 = vector.broadcast %add3A_635 : i32 to vector<16xi32>
    %add3A_637 = arith.addi %get3A_634, %add3A_636 : vector<16xi32>
    %gather3A_638 = tpu.vector_load_idx %arg9[%add3A_637] : memref<18432xf32, #tpu.memory_space<vmem>>[vector<16xi32>], vector<16xf32>,
    %add3A_639 = arith.constant 16384 : i32
    %add3A_640 = vector.broadcast %add3A_639 : i32 to vector<16xi32>
    %add3A_641 = arith.addi %get3A_634, %add3A_640 : vector<16xi32>
    %gather3A_642 = tpu.vector_load_idx %arg9[%add3A_641] : memref<18432xf32, #tpu.memory_space<vmem>>[vector<16xi32>], vector<16xf32>,
    %add3A_643 = arith.constant 17408 : i32
    %add3A_644 = vector.broadcast %add3A_643 : i32 to vector<16xi32>
    %add3A_645 = arith.addi %get3A_634, %add3A_644 : vector<16xi32>
    %gather3A_646 = tpu.vector_load_idx %arg9[%add3A_645] : memref<18432xf32, #tpu.memory_space<vmem>>[vector<16xi32>], vector<16xf32>,
    %add3A_647 = arith.constant 12288 : i32
    %add3A_648 = vector.broadcast %add3A_647 : i32 to vector<16xi32>
    %add3A_649 = arith.addi %get3A_634, %add3A_648 : vector<16xi32>
    %gather3A_650 = tpu.vector_load_idx %arg9[%add3A_649] : memref<18432xf32, #tpu.memory_space<vmem>>[vector<16xi32>], vector<16xf32>,
    %add3A_651 = arith.constant 13312 : i32
    %add3A_652 = vector.broadcast %add3A_651 : i32 to vector<16xi32>
    %add3A_653 = arith.addi %get3A_634, %add3A_652 : vector<16xi32>
    %gather3A_654 = tpu.vector_load_idx %arg9[%add3A_653] : memref<18432xf32, #tpu.memory_space<vmem>>[vector<16xi32>], vector<16xf32>,
    %add3A_655 = arith.constant 14336 : i32
    %add3A_656 = vector.broadcast %add3A_655 : i32 to vector<16xi32>
    %add3A_657 = arith.addi %get3A_634, %add3A_656 : vector<16xi32>
    %gather3A_658 = tpu.vector_load_idx %arg9[%add3A_657] : memref<18432xf32, #tpu.memory_space<vmem>>[vector<16xi32>], vector<16xf32>,
    %sub3A_659 = arith.subf %get3A_211, %gather3A_638 : vector<16xf32>
    %sub3A_660 = arith.subf %get3A_215, %gather3A_642 : vector<16xf32>
    %sub3A_661 = arith.subf %get3A_219, %gather3A_646 : vector<16xf32>
    %sub3A_662 = arith.subf %get3A_199, %gather3A_650 : vector<16xf32>
    %mul3A_663 = arith.mulf %get3A_163, %sub3A_659 : vector<16xf32>
    %mul3A_664 = arith.mulf %get3A_167, %sub3A_660 : vector<16xf32>
    %add3A_665 = arith.addf %mul3A_663, %mul3A_664 : vector<16xf32>
    %mul3A_666 = arith.mulf %get3A_171, %sub3A_661 : vector<16xf32>
    %add3A_667 = arith.addf %add3A_665, %mul3A_666 : vector<16xf32>
    %sub3A_668 = arith.subf %sub3A_662, %add3A_667 : vector<16xf32>
    %sub3A_669 = arith.subf %get3A_203, %gather3A_654 : vector<16xf32>
    %mul3A_670 = arith.mulf %get3A_175, %sub3A_659 : vector<16xf32>
    %mul3A_671 = arith.mulf %get3A_179, %sub3A_660 : vector<16xf32>
    %add3A_672 = arith.addf %mul3A_670, %mul3A_671 : vector<16xf32>
    %mul3A_673 = arith.mulf %get3A_183, %sub3A_661 : vector<16xf32>
    %add3A_674 = arith.addf %add3A_672, %mul3A_673 : vector<16xf32>
    %sub3A_675 = arith.subf %sub3A_669, %add3A_674 : vector<16xf32>
    %sub3A_676 = arith.subf %get3A_207, %gather3A_658 : vector<16xf32>
    %mul3A_677 = arith.mulf %get3A_187, %sub3A_659 : vector<16xf32>
    %mul3A_678 = arith.mulf %get3A_191, %sub3A_660 : vector<16xf32>
    %add3A_679 = arith.addf %mul3A_677, %mul3A_678 : vector<16xf32>
    %mul3A_680 = arith.mulf %get3A_195, %sub3A_661 : vector<16xf32>
    %add3A_681 = arith.addf %add3A_679, %mul3A_680 : vector<16xf32>
    %sub3A_682 = arith.subf %sub3A_676, %add3A_681 : vector<16xf32>
    %mul3A_683 = arith.mulf %sub3A_668, %sub3A_668 : vector<16xf32>
    %mul3A_684 = arith.mulf %sub3A_675, %sub3A_675 : vector<16xf32>
    %add3A_685 = arith.addf %mul3A_683, %mul3A_684 : vector<16xf32>
    %mul3A_686 = arith.mulf %sub3A_682, %sub3A_682 : vector<16xf32>
    %add3A_687 = arith.addf %add3A_685, %mul3A_686 : vector<16xf32>
    %jit3A_688 = arith.constant 0.000000e+00 : f32
    %broadcast_in_dim3A_689 = vector.broadcast %jit3A_688 : f32 to vector<16xf32>
    %select_n3A_690 = arith.select %lt3A_223, %add3A_687, %broadcast_in_dim3A_689 : vector<16xi1>, vector<16xf32>
    %add3A_691 = arith.addf %add3A_632, %select_n3A_690 : vector<16xf32>
    %get3A_692 = arith.constant 128 : index
    %get3A_693 = tpu.vector_load %arg13[%get3A_692] {strides = array<i32>} : memref<576xi32, #tpu.memory_space<vmem>>, vector<16xi32>,
    %add3A_694 = arith.constant 15360 : i32
    %add3A_695 = vector.broadcast %add3A_694 : i32 to vector<16xi32>
    %add3A_696 = arith.addi %get3A_693, %add3A_695 : vector<16xi32>
    %gather3A_697 = tpu.vector_load_idx %arg9[%add3A_696] : memref<18432xf32, #tpu.memory_space<vmem>>[vector<16xi32>], vector<16xf32>,
    %add3A_698 = arith.constant 16384 : i32
    %add3A_699 = vector.broadcast %add3A_698 : i32 to vector<16xi32>
    %add3A_700 = arith.addi %get3A_693, %add3A_699 : vector<16xi32>
    %gather3A_701 = tpu.vector_load_idx %arg9[%add3A_700] : memref<18432xf32, #tpu.memory_space<vmem>>[vector<16xi32>], vector<16xf32>,
    %add3A_702 = arith.constant 17408 : i32
    %add3A_703 = vector.broadcast %add3A_702 : i32 to vector<16xi32>
    %add3A_704 = arith.addi %get3A_693, %add3A_703 : vector<16xi32>
    %gather3A_705 = tpu.vector_load_idx %arg9[%add3A_704] : memref<18432xf32, #tpu.memory_space<vmem>>[vector<16xi32>], vector<16xf32>,
    %add3A_706 = arith.constant 12288 : i32
    %add3A_707 = vector.broadcast %add3A_706 : i32 to vector<16xi32>
    %add3A_708 = arith.addi %get3A_693, %add3A_707 : vector<16xi32>
    %gather3A_709 = tpu.vector_load_idx %arg9[%add3A_708] : memref<18432xf32, #tpu.memory_space<vmem>>[vector<16xi32>], vector<16xf32>,
    %add3A_710 = arith.constant 13312 : i32
    %add3A_711 = vector.broadcast %add3A_710 : i32 to vector<16xi32>
    %add3A_712 = arith.addi %get3A_693, %add3A_711 : vector<16xi32>
    %gather3A_713 = tpu.vector_load_idx %arg9[%add3A_712] : memref<18432xf32, #tpu.memory_space<vmem>>[vector<16xi32>], vector<16xf32>,
    %add3A_714 = arith.constant 14336 : i32
    %add3A_715 = vector.broadcast %add3A_714 : i32 to vector<16xi32>
    %add3A_716 = arith.addi %get3A_693, %add3A_715 : vector<16xi32>
    %gather3A_717 = tpu.vector_load_idx %arg9[%add3A_716] : memref<18432xf32, #tpu.memory_space<vmem>>[vector<16xi32>], vector<16xf32>,
    %sub3A_718 = arith.subf %get3A_211, %gather3A_697 : vector<16xf32>
    %sub3A_719 = arith.subf %get3A_215, %gather3A_701 : vector<16xf32>
    %sub3A_720 = arith.subf %get3A_219, %gather3A_705 : vector<16xf32>
    %sub3A_721 = arith.subf %get3A_199, %gather3A_709 : vector<16xf32>
    %mul3A_722 = arith.mulf %get3A_163, %sub3A_718 : vector<16xf32>
    %mul3A_723 = arith.mulf %get3A_167, %sub3A_719 : vector<16xf32>
    %add3A_724 = arith.addf %mul3A_722, %mul3A_723 : vector<16xf32>
    %mul3A_725 = arith.mulf %get3A_171, %sub3A_720 : vector<16xf32>
    %add3A_726 = arith.addf %add3A_724, %mul3A_725 : vector<16xf32>
    %sub3A_727 = arith.subf %sub3A_721, %add3A_726 : vector<16xf32>
    %sub3A_728 = arith.subf %get3A_203, %gather3A_713 : vector<16xf32>
    %mul3A_729 = arith.mulf %get3A_175, %sub3A_718 : vector<16xf32>
    %mul3A_730 = arith.mulf %get3A_179, %sub3A_719 : vector<16xf32>
    %add3A_731 = arith.addf %mul3A_729, %mul3A_730 : vector<16xf32>
    %mul3A_732 = arith.mulf %get3A_183, %sub3A_720 : vector<16xf32>
    %add3A_733 = arith.addf %add3A_731, %mul3A_732 : vector<16xf32>
    %sub3A_734 = arith.subf %sub3A_728, %add3A_733 : vector<16xf32>
    %sub3A_735 = arith.subf %get3A_207, %gather3A_717 : vector<16xf32>
    %mul3A_736 = arith.mulf %get3A_187, %sub3A_718 : vector<16xf32>
    %mul3A_737 = arith.mulf %get3A_191, %sub3A_719 : vector<16xf32>
    %add3A_738 = arith.addf %mul3A_736, %mul3A_737 : vector<16xf32>
    %mul3A_739 = arith.mulf %get3A_195, %sub3A_720 : vector<16xf32>
    %add3A_740 = arith.addf %add3A_738, %mul3A_739 : vector<16xf32>
    %sub3A_741 = arith.subf %sub3A_735, %add3A_740 : vector<16xf32>
    %mul3A_742 = arith.mulf %sub3A_727, %sub3A_727 : vector<16xf32>
    %mul3A_743 = arith.mulf %sub3A_734, %sub3A_734 : vector<16xf32>
    %add3A_744 = arith.addf %mul3A_742, %mul3A_743 : vector<16xf32>
    %mul3A_745 = arith.mulf %sub3A_741, %sub3A_741 : vector<16xf32>
    %add3A_746 = arith.addf %add3A_744, %mul3A_745 : vector<16xf32>
    %jit3A_747 = arith.constant 0.000000e+00 : f32
    %broadcast_in_dim3A_748 = vector.broadcast %jit3A_747 : f32 to vector<16xf32>
    %select_n3A_749 = arith.select %lt3A_223, %add3A_746, %broadcast_in_dim3A_748 : vector<16xi1>, vector<16xf32>
    %add3A_750 = arith.addf %add3A_691, %select_n3A_749 : vector<16xf32>
    %get3A_751 = arith.constant 144 : index
    %get3A_752 = tpu.vector_load %arg13[%get3A_751] {strides = array<i32>} : memref<576xi32, #tpu.memory_space<vmem>>, vector<16xi32>,
    %add3A_753 = arith.constant 15360 : i32
    %add3A_754 = vector.broadcast %add3A_753 : i32 to vector<16xi32>
    %add3A_755 = arith.addi %get3A_752, %add3A_754 : vector<16xi32>
    %gather3A_756 = tpu.vector_load_idx %arg9[%add3A_755] : memref<18432xf32, #tpu.memory_space<vmem>>[vector<16xi32>], vector<16xf32>,
    %add3A_757 = arith.constant 16384 : i32
    %add3A_758 = vector.broadcast %add3A_757 : i32 to vector<16xi32>
    %add3A_759 = arith.addi %get3A_752, %add3A_758 : vector<16xi32>
    %gather3A_760 = tpu.vector_load_idx %arg9[%add3A_759] : memref<18432xf32, #tpu.memory_space<vmem>>[vector<16xi32>], vector<16xf32>,
    %add3A_761 = arith.constant 17408 : i32
    %add3A_762 = vector.broadcast %add3A_761 : i32 to vector<16xi32>
    %add3A_763 = arith.addi %get3A_752, %add3A_762 : vector<16xi32>
    %gather3A_764 = tpu.vector_load_idx %arg9[%add3A_763] : memref<18432xf32, #tpu.memory_space<vmem>>[vector<16xi32>], vector<16xf32>,
    %add3A_765 = arith.constant 12288 : i32
    %add3A_766 = vector.broadcast %add3A_765 : i32 to vector<16xi32>
    %add3A_767 = arith.addi %get3A_752, %add3A_766 : vector<16xi32>
    %gather3A_768 = tpu.vector_load_idx %arg9[%add3A_767] : memref<18432xf32, #tpu.memory_space<vmem>>[vector<16xi32>], vector<16xf32>,
    %add3A_769 = arith.constant 13312 : i32
    %add3A_770 = vector.broadcast %add3A_769 : i32 to vector<16xi32>
    %add3A_771 = arith.addi %get3A_752, %add3A_770 : vector<16xi32>
    %gather3A_772 = tpu.vector_load_idx %arg9[%add3A_771] : memref<18432xf32, #tpu.memory_space<vmem>>[vector<16xi32>], vector<16xf32>,
    %add3A_773 = arith.constant 14336 : i32
    %add3A_774 = vector.broadcast %add3A_773 : i32 to vector<16xi32>
    %add3A_775 = arith.addi %get3A_752, %add3A_774 : vector<16xi32>
    %gather3A_776 = tpu.vector_load_idx %arg9[%add3A_775] : memref<18432xf32, #tpu.memory_space<vmem>>[vector<16xi32>], vector<16xf32>,
    %sub3A_777 = arith.subf %get3A_211, %gather3A_756 : vector<16xf32>
    %sub3A_778 = arith.subf %get3A_215, %gather3A_760 : vector<16xf32>
    %sub3A_779 = arith.subf %get3A_219, %gather3A_764 : vector<16xf32>
    %sub3A_780 = arith.subf %get3A_199, %gather3A_768 : vector<16xf32>
    %mul3A_781 = arith.mulf %get3A_163, %sub3A_777 : vector<16xf32>
    %mul3A_782 = arith.mulf %get3A_167, %sub3A_778 : vector<16xf32>
    %add3A_783 = arith.addf %mul3A_781, %mul3A_782 : vector<16xf32>
    %mul3A_784 = arith.mulf %get3A_171, %sub3A_779 : vector<16xf32>
    %add3A_785 = arith.addf %add3A_783, %mul3A_784 : vector<16xf32>
    %sub3A_786 = arith.subf %sub3A_780, %add3A_785 : vector<16xf32>
    %sub3A_787 = arith.subf %get3A_203, %gather3A_772 : vector<16xf32>
    %mul3A_788 = arith.mulf %get3A_175, %sub3A_777 : vector<16xf32>
    %mul3A_789 = arith.mulf %get3A_179, %sub3A_778 : vector<16xf32>
    %add3A_790 = arith.addf %mul3A_788, %mul3A_789 : vector<16xf32>
    %mul3A_791 = arith.mulf %get3A_183, %sub3A_779 : vector<16xf32>
    %add3A_792 = arith.addf %add3A_790, %mul3A_791 : vector<16xf32>
    %sub3A_793 = arith.subf %sub3A_787, %add3A_792 : vector<16xf32>
    %sub3A_794 = arith.subf %get3A_207, %gather3A_776 : vector<16xf32>
    %mul3A_795 = arith.mulf %get3A_187, %sub3A_777 : vector<16xf32>
    %mul3A_796 = arith.mulf %get3A_191, %sub3A_778 : vector<16xf32>
    %add3A_797 = arith.addf %mul3A_795, %mul3A_796 : vector<16xf32>
    %mul3A_798 = arith.mulf %get3A_195, %sub3A_779 : vector<16xf32>
    %add3A_799 = arith.addf %add3A_797, %mul3A_798 : vector<16xf32>
    %sub3A_800 = arith.subf %sub3A_794, %add3A_799 : vector<16xf32>
    %mul3A_801 = arith.mulf %sub3A_786, %sub3A_786 : vector<16xf32>
    %mul3A_802 = arith.mulf %sub3A_793, %sub3A_793 : vector<16xf32>
    %add3A_803 = arith.addf %mul3A_801, %mul3A_802 : vector<16xf32>
    %mul3A_804 = arith.mulf %sub3A_800, %sub3A_800 : vector<16xf32>
    %add3A_805 = arith.addf %add3A_803, %mul3A_804 : vector<16xf32>
    %jit3A_806 = arith.constant 0.000000e+00 : f32
    %broadcast_in_dim3A_807 = vector.broadcast %jit3A_806 : f32 to vector<16xf32>
    %select_n3A_808 = arith.select %lt3A_223, %add3A_805, %broadcast_in_dim3A_807 : vector<16xi1>, vector<16xf32>
    %add3A_809 = arith.addf %add3A_750, %select_n3A_808 : vector<16xf32>
    %get3A_810 = arith.constant 160 : index
    %get3A_811 = tpu.vector_load %arg13[%get3A_810] {strides = array<i32>} : memref<576xi32, #tpu.memory_space<vmem>>, vector<16xi32>,
    %add3A_812 = arith.constant 15360 : i32
    %add3A_813 = vector.broadcast %add3A_812 : i32 to vector<16xi32>
    %add3A_814 = arith.addi %get3A_811, %add3A_813 : vector<16xi32>
    %gather3A_815 = tpu.vector_load_idx %arg9[%add3A_814] : memref<18432xf32, #tpu.memory_space<vmem>>[vector<16xi32>], vector<16xf32>,
    %add3A_816 = arith.constant 16384 : i32
    %add3A_817 = vector.broadcast %add3A_816 : i32 to vector<16xi32>
    %add3A_818 = arith.addi %get3A_811, %add3A_817 : vector<16xi32>
    %gather3A_819 = tpu.vector_load_idx %arg9[%add3A_818] : memref<18432xf32, #tpu.memory_space<vmem>>[vector<16xi32>], vector<16xf32>,
    %add3A_820 = arith.constant 17408 : i32
    %add3A_821 = vector.broadcast %add3A_820 : i32 to vector<16xi32>
    %add3A_822 = arith.addi %get3A_811, %add3A_821 : vector<16xi32>
    %gather3A_823 = tpu.vector_load_idx %arg9[%add3A_822] : memref<18432xf32, #tpu.memory_space<vmem>>[vector<16xi32>], vector<16xf32>,
    %add3A_824 = arith.constant 12288 : i32
    %add3A_825 = vector.broadcast %add3A_824 : i32 to vector<16xi32>
    %add3A_826 = arith.addi %get3A_811, %add3A_825 : vector<16xi32>
    %gather3A_827 = tpu.vector_load_idx %arg9[%add3A_826] : memref<18432xf32, #tpu.memory_space<vmem>>[vector<16xi32>], vector<16xf32>,
    %add3A_828 = arith.constant 13312 : i32
    %add3A_829 = vector.broadcast %add3A_828 : i32 to vector<16xi32>
    %add3A_830 = arith.addi %get3A_811, %add3A_829 : vector<16xi32>
    %gather3A_831 = tpu.vector_load_idx %arg9[%add3A_830] : memref<18432xf32, #tpu.memory_space<vmem>>[vector<16xi32>], vector<16xf32>,
    %add3A_832 = arith.constant 14336 : i32
    %add3A_833 = vector.broadcast %add3A_832 : i32 to vector<16xi32>
    %add3A_834 = arith.addi %get3A_811, %add3A_833 : vector<16xi32>
    %gather3A_835 = tpu.vector_load_idx %arg9[%add3A_834] : memref<18432xf32, #tpu.memory_space<vmem>>[vector<16xi32>], vector<16xf32>,
    %sub3A_836 = arith.subf %get3A_211, %gather3A_815 : vector<16xf32>
    %sub3A_837 = arith.subf %get3A_215, %gather3A_819 : vector<16xf32>
    %sub3A_838 = arith.subf %get3A_219, %gather3A_823 : vector<16xf32>
    %sub3A_839 = arith.subf %get3A_199, %gather3A_827 : vector<16xf32>
    %mul3A_840 = arith.mulf %get3A_163, %sub3A_836 : vector<16xf32>
    %mul3A_841 = arith.mulf %get3A_167, %sub3A_837 : vector<16xf32>
    %add3A_842 = arith.addf %mul3A_840, %mul3A_841 : vector<16xf32>
    %mul3A_843 = arith.mulf %get3A_171, %sub3A_838 : vector<16xf32>
    %add3A_844 = arith.addf %add3A_842, %mul3A_843 : vector<16xf32>
    %sub3A_845 = arith.subf %sub3A_839, %add3A_844 : vector<16xf32>
    %sub3A_846 = arith.subf %get3A_203, %gather3A_831 : vector<16xf32>
    %mul3A_847 = arith.mulf %get3A_175, %sub3A_836 : vector<16xf32>
    %mul3A_848 = arith.mulf %get3A_179, %sub3A_837 : vector<16xf32>
    %add3A_849 = arith.addf %mul3A_847, %mul3A_848 : vector<16xf32>
    %mul3A_850 = arith.mulf %get3A_183, %sub3A_838 : vector<16xf32>
    %add3A_851 = arith.addf %add3A_849, %mul3A_850 : vector<16xf32>
    %sub3A_852 = arith.subf %sub3A_846, %add3A_851 : vector<16xf32>
    %sub3A_853 = arith.subf %get3A_207, %gather3A_835 : vector<16xf32>
    %mul3A_854 = arith.mulf %get3A_187, %sub3A_836 : vector<16xf32>
    %mul3A_855 = arith.mulf %get3A_191, %sub3A_837 : vector<16xf32>
    %add3A_856 = arith.addf %mul3A_854, %mul3A_855 : vector<16xf32>
    %mul3A_857 = arith.mulf %get3A_195, %sub3A_838 : vector<16xf32>
    %add3A_858 = arith.addf %add3A_856, %mul3A_857 : vector<16xf32>
    %sub3A_859 = arith.subf %sub3A_853, %add3A_858 : vector<16xf32>
    %mul3A_860 = arith.mulf %sub3A_845, %sub3A_845 : vector<16xf32>
    %mul3A_861 = arith.mulf %sub3A_852, %sub3A_852 : vector<16xf32>
    %add3A_862 = arith.addf %mul3A_860, %mul3A_861 : vector<16xf32>
    %mul3A_863 = arith.mulf %sub3A_859, %sub3A_859 : vector<16xf32>
    %add3A_864 = arith.addf %add3A_862, %mul3A_863 : vector<16xf32>
    %jit3A_865 = arith.constant 0.000000e+00 : f32
    %broadcast_in_dim3A_866 = vector.broadcast %jit3A_865 : f32 to vector<16xf32>
    %select_n3A_867 = arith.select %lt3A_223, %add3A_864, %broadcast_in_dim3A_866 : vector<16xi1>, vector<16xf32>
    %add3A_868 = arith.addf %add3A_809, %select_n3A_867 : vector<16xf32>
    %get3A_869 = arith.constant 176 : index
    %get3A_870 = tpu.vector_load %arg13[%get3A_869] {strides = array<i32>} : memref<576xi32, #tpu.memory_space<vmem>>, vector<16xi32>,
    %add3A_871 = arith.constant 15360 : i32
    %add3A_872 = vector.broadcast %add3A_871 : i32 to vector<16xi32>
    %add3A_873 = arith.addi %get3A_870, %add3A_872 : vector<16xi32>
    %gather3A_874 = tpu.vector_load_idx %arg9[%add3A_873] : memref<18432xf32, #tpu.memory_space<vmem>>[vector<16xi32>], vector<16xf32>,
    %add3A_875 = arith.constant 16384 : i32
    %add3A_876 = vector.broadcast %add3A_875 : i32 to vector<16xi32>
    %add3A_877 = arith.addi %get3A_870, %add3A_876 : vector<16xi32>
    %gather3A_878 = tpu.vector_load_idx %arg9[%add3A_877] : memref<18432xf32, #tpu.memory_space<vmem>>[vector<16xi32>], vector<16xf32>,
    %add3A_879 = arith.constant 17408 : i32
    %add3A_880 = vector.broadcast %add3A_879 : i32 to vector<16xi32>
    %add3A_881 = arith.addi %get3A_870, %add3A_880 : vector<16xi32>
    %gather3A_882 = tpu.vector_load_idx %arg9[%add3A_881] : memref<18432xf32, #tpu.memory_space<vmem>>[vector<16xi32>], vector<16xf32>,
    %add3A_883 = arith.constant 12288 : i32
    %add3A_884 = vector.broadcast %add3A_883 : i32 to vector<16xi32>
    %add3A_885 = arith.addi %get3A_870, %add3A_884 : vector<16xi32>
    %gather3A_886 = tpu.vector_load_idx %arg9[%add3A_885] : memref<18432xf32, #tpu.memory_space<vmem>>[vector<16xi32>], vector<16xf32>,
    %add3A_887 = arith.constant 13312 : i32
    %add3A_888 = vector.broadcast %add3A_887 : i32 to vector<16xi32>
    %add3A_889 = arith.addi %get3A_870, %add3A_888 : vector<16xi32>
    %gather3A_890 = tpu.vector_load_idx %arg9[%add3A_889] : memref<18432xf32, #tpu.memory_space<vmem>>[vector<16xi32>], vector<16xf32>,
    %add3A_891 = arith.constant 14336 : i32
    %add3A_892 = vector.broadcast %add3A_891 : i32 to vector<16xi32>
    %add3A_893 = arith.addi %get3A_870, %add3A_892 : vector<16xi32>
    %gather3A_894 = tpu.vector_load_idx %arg9[%add3A_893] : memref<18432xf32, #tpu.memory_space<vmem>>[vector<16xi32>], vector<16xf32>,
    %sub3A_895 = arith.subf %get3A_211, %gather3A_874 : vector<16xf32>
    %sub3A_896 = arith.subf %get3A_215, %gather3A_878 : vector<16xf32>
    %sub3A_897 = arith.subf %get3A_219, %gather3A_882 : vector<16xf32>
    %sub3A_898 = arith.subf %get3A_199, %gather3A_886 : vector<16xf32>
    %mul3A_899 = arith.mulf %get3A_163, %sub3A_895 : vector<16xf32>
    %mul3A_900 = arith.mulf %get3A_167, %sub3A_896 : vector<16xf32>
    %add3A_901 = arith.addf %mul3A_899, %mul3A_900 : vector<16xf32>
    %mul3A_902 = arith.mulf %get3A_171, %sub3A_897 : vector<16xf32>
    %add3A_903 = arith.addf %add3A_901, %mul3A_902 : vector<16xf32>
    %sub3A_904 = arith.subf %sub3A_898, %add3A_903 : vector<16xf32>
    %sub3A_905 = arith.subf %get3A_203, %gather3A_890 : vector<16xf32>
    %mul3A_906 = arith.mulf %get3A_175, %sub3A_895 : vector<16xf32>
    %mul3A_907 = arith.mulf %get3A_179, %sub3A_896 : vector<16xf32>
    %add3A_908 = arith.addf %mul3A_906, %mul3A_907 : vector<16xf32>
    %mul3A_909 = arith.mulf %get3A_183, %sub3A_897 : vector<16xf32>
    %add3A_910 = arith.addf %add3A_908, %mul3A_909 : vector<16xf32>
    %sub3A_911 = arith.subf %sub3A_905, %add3A_910 : vector<16xf32>
    %sub3A_912 = arith.subf %get3A_207, %gather3A_894 : vector<16xf32>
    %mul3A_913 = arith.mulf %get3A_187, %sub3A_895 : vector<16xf32>
    %mul3A_914 = arith.mulf %get3A_191, %sub3A_896 : vector<16xf32>
    %add3A_915 = arith.addf %mul3A_913, %mul3A_914 : vector<16xf32>
    %mul3A_916 = arith.mulf %get3A_195, %sub3A_897 : vector<16xf32>
    %add3A_917 = arith.addf %add3A_915, %mul3A_916 : vector<16xf32>
    %sub3A_918 = arith.subf %sub3A_912, %add3A_917 : vector<16xf32>
    %mul3A_919 = arith.mulf %sub3A_904, %sub3A_904 : vector<16xf32>
    %mul3A_920 = arith.mulf %sub3A_911, %sub3A_911 : vector<16xf32>
    %add3A_921 = arith.addf %mul3A_919, %mul3A_920 : vector<16xf32>
    %mul3A_922 = arith.mulf %sub3A_918, %sub3A_918 : vector<16xf32>
    %add3A_923 = arith.addf %add3A_921, %mul3A_922 : vector<16xf32>
    %jit3A_924 = arith.constant 0.000000e+00 : f32
    %broadcast_in_dim3A_925 = vector.broadcast %jit3A_924 : f32 to vector<16xf32>
    %select_n3A_926 = arith.select %lt3A_223, %add3A_923, %broadcast_in_dim3A_925 : vector<16xi1>, vector<16xf32>
    %add3A_927 = arith.addf %add3A_868, %select_n3A_926 : vector<16xf32>
    %get3A_928 = arith.constant 192 : index
    %get3A_929 = tpu.vector_load %arg13[%get3A_928] {strides = array<i32>} : memref<576xi32, #tpu.memory_space<vmem>>, vector<16xi32>,
    %add3A_930 = arith.constant 15360 : i32
    %add3A_931 = vector.broadcast %add3A_930 : i32 to vector<16xi32>
    %add3A_932 = arith.addi %get3A_929, %add3A_931 : vector<16xi32>
    %gather3A_933 = tpu.vector_load_idx %arg9[%add3A_932] : memref<18432xf32, #tpu.memory_space<vmem>>[vector<16xi32>], vector<16xf32>,
    %add3A_934 = arith.constant 16384 : i32
    %add3A_935 = vector.broadcast %add3A_934 : i32 to vector<16xi32>
    %add3A_936 = arith.addi %get3A_929, %add3A_935 : vector<16xi32>
    %gather3A_937 = tpu.vector_load_idx %arg9[%add3A_936] : memref<18432xf32, #tpu.memory_space<vmem>>[vector<16xi32>], vector<16xf32>,
    %add3A_938 = arith.constant 17408 : i32
    %add3A_939 = vector.broadcast %add3A_938 : i32 to vector<16xi32>
    %add3A_940 = arith.addi %get3A_929, %add3A_939 : vector<16xi32>
    %gather3A_941 = tpu.vector_load_idx %arg9[%add3A_940] : memref<18432xf32, #tpu.memory_space<vmem>>[vector<16xi32>], vector<16xf32>,
    %add3A_942 = arith.constant 12288 : i32
    %add3A_943 = vector.broadcast %add3A_942 : i32 to vector<16xi32>
    %add3A_944 = arith.addi %get3A_929, %add3A_943 : vector<16xi32>
    %gather3A_945 = tpu.vector_load_idx %arg9[%add3A_944] : memref<18432xf32, #tpu.memory_space<vmem>>[vector<16xi32>], vector<16xf32>,
    %add3A_946 = arith.constant 13312 : i32
    %add3A_947 = vector.broadcast %add3A_946 : i32 to vector<16xi32>
    %add3A_948 = arith.addi %get3A_929, %add3A_947 : vector<16xi32>
    %gather3A_949 = tpu.vector_load_idx %arg9[%add3A_948] : memref<18432xf32, #tpu.memory_space<vmem>>[vector<16xi32>], vector<16xf32>,
    %add3A_950 = arith.constant 14336 : i32
    %add3A_951 = vector.broadcast %add3A_950 : i32 to vector<16xi32>
    %add3A_952 = arith.addi %get3A_929, %add3A_951 : vector<16xi32>
    %gather3A_953 = tpu.vector_load_idx %arg9[%add3A_952] : memref<18432xf32, #tpu.memory_space<vmem>>[vector<16xi32>], vector<16xf32>,
    %sub3A_954 = arith.subf %get3A_211, %gather3A_933 : vector<16xf32>
    %sub3A_955 = arith.subf %get3A_215, %gather3A_937 : vector<16xf32>
    %sub3A_956 = arith.subf %get3A_219, %gather3A_941 : vector<16xf32>
    %sub3A_957 = arith.subf %get3A_199, %gather3A_945 : vector<16xf32>
    %mul3A_958 = arith.mulf %get3A_163, %sub3A_954 : vector<16xf32>
    %mul3A_959 = arith.mulf %get3A_167, %sub3A_955 : vector<16xf32>
    %add3A_960 = arith.addf %mul3A_958, %mul3A_959 : vector<16xf32>
    %mul3A_961 = arith.mulf %get3A_171, %sub3A_956 : vector<16xf32>
    %add3A_962 = arith.addf %add3A_960, %mul3A_961 : vector<16xf32>
    %sub3A_963 = arith.subf %sub3A_957, %add3A_962 : vector<16xf32>
    %sub3A_964 = arith.subf %get3A_203, %gather3A_949 : vector<16xf32>
    %mul3A_965 = arith.mulf %get3A_175, %sub3A_954 : vector<16xf32>
    %mul3A_966 = arith.mulf %get3A_179, %sub3A_955 : vector<16xf32>
    %add3A_967 = arith.addf %mul3A_965, %mul3A_966 : vector<16xf32>
    %mul3A_968 = arith.mulf %get3A_183, %sub3A_956 : vector<16xf32>
    %add3A_969 = arith.addf %add3A_967, %mul3A_968 : vector<16xf32>
    %sub3A_970 = arith.subf %sub3A_964, %add3A_969 : vector<16xf32>
    %sub3A_971 = arith.subf %get3A_207, %gather3A_953 : vector<16xf32>
    %mul3A_972 = arith.mulf %get3A_187, %sub3A_954 : vector<16xf32>
    %mul3A_973 = arith.mulf %get3A_191, %sub3A_955 : vector<16xf32>
    %add3A_974 = arith.addf %mul3A_972, %mul3A_973 : vector<16xf32>
    %mul3A_975 = arith.mulf %get3A_195, %sub3A_956 : vector<16xf32>
    %add3A_976 = arith.addf %add3A_974, %mul3A_975 : vector<16xf32>
    %sub3A_977 = arith.subf %sub3A_971, %add3A_976 : vector<16xf32>
    %mul3A_978 = arith.mulf %sub3A_963, %sub3A_963 : vector<16xf32>
    %mul3A_979 = arith.mulf %sub3A_970, %sub3A_970 : vector<16xf32>
    %add3A_980 = arith.addf %mul3A_978, %mul3A_979 : vector<16xf32>
    %mul3A_981 = arith.mulf %sub3A_977, %sub3A_977 : vector<16xf32>
    %add3A_982 = arith.addf %add3A_980, %mul3A_981 : vector<16xf32>
    %jit3A_983 = arith.constant 0.000000e+00 : f32
    %broadcast_in_dim3A_984 = vector.broadcast %jit3A_983 : f32 to vector<16xf32>
    %select_n3A_985 = arith.select %lt3A_223, %add3A_982, %broadcast_in_dim3A_984 : vector<16xi1>, vector<16xf32>
    %add3A_986 = arith.addf %add3A_927, %select_n3A_985 : vector<16xf32>
    %get3A_987 = arith.constant 208 : index
    %get3A_988 = tpu.vector_load %arg13[%get3A_987] {strides = array<i32>} : memref<576xi32, #tpu.memory_space<vmem>>, vector<16xi32>,
    %add3A_989 = arith.constant 15360 : i32
    %add3A_990 = vector.broadcast %add3A_989 : i32 to vector<16xi32>
    %add3A_991 = arith.addi %get3A_988, %add3A_990 : vector<16xi32>
    %gather3A_992 = tpu.vector_load_idx %arg9[%add3A_991] : memref<18432xf32, #tpu.memory_space<vmem>>[vector<16xi32>], vector<16xf32>,
    %add3A_993 = arith.constant 16384 : i32
    %add3A_994 = vector.broadcast %add3A_993 : i32 to vector<16xi32>
    %add3A_995 = arith.addi %get3A_988, %add3A_994 : vector<16xi32>
    %gather3A_996 = tpu.vector_load_idx %arg9[%add3A_995] : memref<18432xf32, #tpu.memory_space<vmem>>[vector<16xi32>], vector<16xf32>,
    %add3A_997 = arith.constant 17408 : i32
    %add3A_998 = vector.broadcast %add3A_997 : i32 to vector<16xi32>
    %add3A_999 = arith.addi %get3A_988, %add3A_998 : vector<16xi32>
    %gather3A_1000 = tpu.vector_load_idx %arg9[%add3A_999] : memref<18432xf32, #tpu.memory_space<vmem>>[vector<16xi32>], vector<16xf32>,
    %add3A_1001 = arith.constant 12288 : i32
    %add3A_1002 = vector.broadcast %add3A_1001 : i32 to vector<16xi32>
    %add3A_1003 = arith.addi %get3A_988, %add3A_1002 : vector<16xi32>
    %gather3A_1004 = tpu.vector_load_idx %arg9[%add3A_1003] : memref<18432xf32, #tpu.memory_space<vmem>>[vector<16xi32>], vector<16xf32>,
    %add3A_1005 = arith.constant 13312 : i32
    %add3A_1006 = vector.broadcast %add3A_1005 : i32 to vector<16xi32>
    %add3A_1007 = arith.addi %get3A_988, %add3A_1006 : vector<16xi32>
    %gather3A_1008 = tpu.vector_load_idx %arg9[%add3A_1007] : memref<18432xf32, #tpu.memory_space<vmem>>[vector<16xi32>], vector<16xf32>,
    %add3A_1009 = arith.constant 14336 : i32
    %add3A_1010 = vector.broadcast %add3A_1009 : i32 to vector<16xi32>
    %add3A_1011 = arith.addi %get3A_988, %add3A_1010 : vector<16xi32>
    %gather3A_1012 = tpu.vector_load_idx %arg9[%add3A_1011] : memref<18432xf32, #tpu.memory_space<vmem>>[vector<16xi32>], vector<16xf32>,
    %sub3A_1013 = arith.subf %get3A_211, %gather3A_992 : vector<16xf32>
    %sub3A_1014 = arith.subf %get3A_215, %gather3A_996 : vector<16xf32>
    %sub3A_1015 = arith.subf %get3A_219, %gather3A_1000 : vector<16xf32>
    %sub3A_1016 = arith.subf %get3A_199, %gather3A_1004 : vector<16xf32>
    %mul3A_1017 = arith.mulf %get3A_163, %sub3A_1013 : vector<16xf32>
    %mul3A_1018 = arith.mulf %get3A_167, %sub3A_1014 : vector<16xf32>
    %add3A_1019 = arith.addf %mul3A_1017, %mul3A_1018 : vector<16xf32>
    %mul3A_1020 = arith.mulf %get3A_171, %sub3A_1015 : vector<16xf32>
    %add3A_1021 = arith.addf %add3A_1019, %mul3A_1020 : vector<16xf32>
    %sub3A_1022 = arith.subf %sub3A_1016, %add3A_1021 : vector<16xf32>
    %sub3A_1023 = arith.subf %get3A_203, %gather3A_1008 : vector<16xf32>
    %mul3A_1024 = arith.mulf %get3A_175, %sub3A_1013 : vector<16xf32>
    %mul3A_1025 = arith.mulf %get3A_179, %sub3A_1014 : vector<16xf32>
    %add3A_1026 = arith.addf %mul3A_1024, %mul3A_1025 : vector<16xf32>
    %mul3A_1027 = arith.mulf %get3A_183, %sub3A_1015 : vector<16xf32>
    %add3A_1028 = arith.addf %add3A_1026, %mul3A_1027 : vector<16xf32>
    %sub3A_1029 = arith.subf %sub3A_1023, %add3A_1028 : vector<16xf32>
    %sub3A_1030 = arith.subf %get3A_207, %gather3A_1012 : vector<16xf32>
    %mul3A_1031 = arith.mulf %get3A_187, %sub3A_1013 : vector<16xf32>
    %mul3A_1032 = arith.mulf %get3A_191, %sub3A_1014 : vector<16xf32>
    %add3A_1033 = arith.addf %mul3A_1031, %mul3A_1032 : vector<16xf32>
    %mul3A_1034 = arith.mulf %get3A_195, %sub3A_1015 : vector<16xf32>
    %add3A_1035 = arith.addf %add3A_1033, %mul3A_1034 : vector<16xf32>
    %sub3A_1036 = arith.subf %sub3A_1030, %add3A_1035 : vector<16xf32>
    %mul3A_1037 = arith.mulf %sub3A_1022, %sub3A_1022 : vector<16xf32>
    %mul3A_1038 = arith.mulf %sub3A_1029, %sub3A_1029 : vector<16xf32>
    %add3A_1039 = arith.addf %mul3A_1037, %mul3A_1038 : vector<16xf32>
    %mul3A_1040 = arith.mulf %sub3A_1036, %sub3A_1036 : vector<16xf32>
    %add3A_1041 = arith.addf %add3A_1039, %mul3A_1040 : vector<16xf32>
    %jit3A_1042 = arith.constant 0.000000e+00 : f32
    %broadcast_in_dim3A_1043 = vector.broadcast %jit3A_1042 : f32 to vector<16xf32>
    %select_n3A_1044 = arith.select %lt3A_223, %add3A_1041, %broadcast_in_dim3A_1043 : vector<16xi1>, vector<16xf32>
    %add3A_1045 = arith.addf %add3A_986, %select_n3A_1044 : vector<16xf32>
    %get3A_1046 = arith.constant 224 : index
    %get3A_1047 = tpu.vector_load %arg13[%get3A_1046] {strides = array<i32>} : memref<576xi32, #tpu.memory_space<vmem>>, vector<16xi32>,
    %add3A_1048 = arith.constant 15360 : i32
    %add3A_1049 = vector.broadcast %add3A_1048 : i32 to vector<16xi32>
    %add3A_1050 = arith.addi %get3A_1047, %add3A_1049 : vector<16xi32>
    %gather3A_1051 = tpu.vector_load_idx %arg9[%add3A_1050] : memref<18432xf32, #tpu.memory_space<vmem>>[vector<16xi32>], vector<16xf32>,
    %add3A_1052 = arith.constant 16384 : i32
    %add3A_1053 = vector.broadcast %add3A_1052 : i32 to vector<16xi32>
    %add3A_1054 = arith.addi %get3A_1047, %add3A_1053 : vector<16xi32>
    %gather3A_1055 = tpu.vector_load_idx %arg9[%add3A_1054] : memref<18432xf32, #tpu.memory_space<vmem>>[vector<16xi32>], vector<16xf32>,
    %add3A_1056 = arith.constant 17408 : i32
    %add3A_1057 = vector.broadcast %add3A_1056 : i32 to vector<16xi32>
    %add3A_1058 = arith.addi %get3A_1047, %add3A_1057 : vector<16xi32>
    %gather3A_1059 = tpu.vector_load_idx %arg9[%add3A_1058] : memref<18432xf32, #tpu.memory_space<vmem>>[vector<16xi32>], vector<16xf32>,
    %add3A_1060 = arith.constant 12288 : i32
    %add3A_1061 = vector.broadcast %add3A_1060 : i32 to vector<16xi32>
    %add3A_1062 = arith.addi %get3A_1047, %add3A_1061 : vector<16xi32>
    %gather3A_1063 = tpu.vector_load_idx %arg9[%add3A_1062] : memref<18432xf32, #tpu.memory_space<vmem>>[vector<16xi32>], vector<16xf32>,
    %add3A_1064 = arith.constant 13312 : i32
    %add3A_1065 = vector.broadcast %add3A_1064 : i32 to vector<16xi32>
    %add3A_1066 = arith.addi %get3A_1047, %add3A_1065 : vector<16xi32>
    %gather3A_1067 = tpu.vector_load_idx %arg9[%add3A_1066] : memref<18432xf32, #tpu.memory_space<vmem>>[vector<16xi32>], vector<16xf32>,
    %add3A_1068 = arith.constant 14336 : i32
    %add3A_1069 = vector.broadcast %add3A_1068 : i32 to vector<16xi32>
    %add3A_1070 = arith.addi %get3A_1047, %add3A_1069 : vector<16xi32>
    %gather3A_1071 = tpu.vector_load_idx %arg9[%add3A_1070] : memref<18432xf32, #tpu.memory_space<vmem>>[vector<16xi32>], vector<16xf32>,
    %sub3A_1072 = arith.subf %get3A_211, %gather3A_1051 : vector<16xf32>
    %sub3A_1073 = arith.subf %get3A_215, %gather3A_1055 : vector<16xf32>
    %sub3A_1074 = arith.subf %get3A_219, %gather3A_1059 : vector<16xf32>
    %sub3A_1075 = arith.subf %get3A_199, %gather3A_1063 : vector<16xf32>
    %mul3A_1076 = arith.mulf %get3A_163, %sub3A_1072 : vector<16xf32>
    %mul3A_1077 = arith.mulf %get3A_167, %sub3A_1073 : vector<16xf32>
    %add3A_1078 = arith.addf %mul3A_1076, %mul3A_1077 : vector<16xf32>
    %mul3A_1079 = arith.mulf %get3A_171, %sub3A_1074 : vector<16xf32>
    %add3A_1080 = arith.addf %add3A_1078, %mul3A_1079 : vector<16xf32>
    %sub3A_1081 = arith.subf %sub3A_1075, %add3A_1080 : vector<16xf32>
    %sub3A_1082 = arith.subf %get3A_203, %gather3A_1067 : vector<16xf32>
    %mul3A_1083 = arith.mulf %get3A_175, %sub3A_1072 : vector<16xf32>
    %mul3A_1084 = arith.mulf %get3A_179, %sub3A_1073 : vector<16xf32>
    %add3A_1085 = arith.addf %mul3A_1083, %mul3A_1084 : vector<16xf32>
    %mul3A_1086 = arith.mulf %get3A_183, %sub3A_1074 : vector<16xf32>
    %add3A_1087 = arith.addf %add3A_1085, %mul3A_1086 : vector<16xf32>
    %sub3A_1088 = arith.subf %sub3A_1082, %add3A_1087 : vector<16xf32>
    %sub3A_1089 = arith.subf %get3A_207, %gather3A_1071 : vector<16xf32>
    %mul3A_1090 = arith.mulf %get3A_187, %sub3A_1072 : vector<16xf32>
    %mul3A_1091 = arith.mulf %get3A_191, %sub3A_1073 : vector<16xf32>
    %add3A_1092 = arith.addf %mul3A_1090, %mul3A_1091 : vector<16xf32>
    %mul3A_1093 = arith.mulf %get3A_195, %sub3A_1074 : vector<16xf32>
    %add3A_1094 = arith.addf %add3A_1092, %mul3A_1093 : vector<16xf32>
    %sub3A_1095 = arith.subf %sub3A_1089, %add3A_1094 : vector<16xf32>
    %mul3A_1096 = arith.mulf %sub3A_1081, %sub3A_1081 : vector<16xf32>
    %mul3A_1097 = arith.mulf %sub3A_1088, %sub3A_1088 : vector<16xf32>
    %add3A_1098 = arith.addf %mul3A_1096, %mul3A_1097 : vector<16xf32>
    %mul3A_1099 = arith.mulf %sub3A_1095, %sub3A_1095 : vector<16xf32>
    %add3A_1100 = arith.addf %add3A_1098, %mul3A_1099 : vector<16xf32>
    %jit3A_1101 = arith.constant 0.000000e+00 : f32
    %broadcast_in_dim3A_1102 = vector.broadcast %jit3A_1101 : f32 to vector<16xf32>
    %select_n3A_1103 = arith.select %lt3A_223, %add3A_1100, %broadcast_in_dim3A_1102 : vector<16xi1>, vector<16xf32>
    %add3A_1104 = arith.addf %add3A_1045, %select_n3A_1103 : vector<16xf32>
    %get3A_1105 = arith.constant 240 : index
    %get3A_1106 = tpu.vector_load %arg13[%get3A_1105] {strides = array<i32>} : memref<576xi32, #tpu.memory_space<vmem>>, vector<16xi32>,
    %add3A_1107 = arith.constant 15360 : i32
    %add3A_1108 = vector.broadcast %add3A_1107 : i32 to vector<16xi32>
    %add3A_1109 = arith.addi %get3A_1106, %add3A_1108 : vector<16xi32>
    %gather3A_1110 = tpu.vector_load_idx %arg9[%add3A_1109] : memref<18432xf32, #tpu.memory_space<vmem>>[vector<16xi32>], vector<16xf32>,
    %add3A_1111 = arith.constant 16384 : i32
    %add3A_1112 = vector.broadcast %add3A_1111 : i32 to vector<16xi32>
    %add3A_1113 = arith.addi %get3A_1106, %add3A_1112 : vector<16xi32>
    %gather3A_1114 = tpu.vector_load_idx %arg9[%add3A_1113] : memref<18432xf32, #tpu.memory_space<vmem>>[vector<16xi32>], vector<16xf32>,
    %add3A_1115 = arith.constant 17408 : i32
    %add3A_1116 = vector.broadcast %add3A_1115 : i32 to vector<16xi32>
    %add3A_1117 = arith.addi %get3A_1106, %add3A_1116 : vector<16xi32>
    %gather3A_1118 = tpu.vector_load_idx %arg9[%add3A_1117] : memref<18432xf32, #tpu.memory_space<vmem>>[vector<16xi32>], vector<16xf32>,
    %add3A_1119 = arith.constant 12288 : i32
    %add3A_1120 = vector.broadcast %add3A_1119 : i32 to vector<16xi32>
    %add3A_1121 = arith.addi %get3A_1106, %add3A_1120 : vector<16xi32>
    %gather3A_1122 = tpu.vector_load_idx %arg9[%add3A_1121] : memref<18432xf32, #tpu.memory_space<vmem>>[vector<16xi32>], vector<16xf32>,
    %add3A_1123 = arith.constant 13312 : i32
    %add3A_1124 = vector.broadcast %add3A_1123 : i32 to vector<16xi32>
    %add3A_1125 = arith.addi %get3A_1106, %add3A_1124 : vector<16xi32>
    %gather3A_1126 = tpu.vector_load_idx %arg9[%add3A_1125] : memref<18432xf32, #tpu.memory_space<vmem>>[vector<16xi32>], vector<16xf32>,
    %add3A_1127 = arith.constant 14336 : i32
    %add3A_1128 = vector.broadcast %add3A_1127 : i32 to vector<16xi32>
    %add3A_1129 = arith.addi %get3A_1106, %add3A_1128 : vector<16xi32>
    %gather3A_1130 = tpu.vector_load_idx %arg9[%add3A_1129] : memref<18432xf32, #tpu.memory_space<vmem>>[vector<16xi32>], vector<16xf32>,
    %sub3A_1131 = arith.subf %get3A_211, %gather3A_1110 : vector<16xf32>
    %sub3A_1132 = arith.subf %get3A_215, %gather3A_1114 : vector<16xf32>
    %sub3A_1133 = arith.subf %get3A_219, %gather3A_1118 : vector<16xf32>
    %sub3A_1134 = arith.subf %get3A_199, %gather3A_1122 : vector<16xf32>
    %mul3A_1135 = arith.mulf %get3A_163, %sub3A_1131 : vector<16xf32>
    %mul3A_1136 = arith.mulf %get3A_167, %sub3A_1132 : vector<16xf32>
    %add3A_1137 = arith.addf %mul3A_1135, %mul3A_1136 : vector<16xf32>
    %mul3A_1138 = arith.mulf %get3A_171, %sub3A_1133 : vector<16xf32>
    %add3A_1139 = arith.addf %add3A_1137, %mul3A_1138 : vector<16xf32>
    %sub3A_1140 = arith.subf %sub3A_1134, %add3A_1139 : vector<16xf32>
    %sub3A_1141 = arith.subf %get3A_203, %gather3A_1126 : vector<16xf32>
    %mul3A_1142 = arith.mulf %get3A_175, %sub3A_1131 : vector<16xf32>
    %mul3A_1143 = arith.mulf %get3A_179, %sub3A_1132 : vector<16xf32>
    %add3A_1144 = arith.addf %mul3A_1142, %mul3A_1143 : vector<16xf32>
    %mul3A_1145 = arith.mulf %get3A_183, %sub3A_1133 : vector<16xf32>
    %add3A_1146 = arith.addf %add3A_1144, %mul3A_1145 : vector<16xf32>
    %sub3A_1147 = arith.subf %sub3A_1141, %add3A_1146 : vector<16xf32>
    %sub3A_1148 = arith.subf %get3A_207, %gather3A_1130 : vector<16xf32>
    %mul3A_1149 = arith.mulf %get3A_187, %sub3A_1131 : vector<16xf32>
    %mul3A_1150 = arith.mulf %get3A_191, %sub3A_1132 : vector<16xf32>
    %add3A_1151 = arith.addf %mul3A_1149, %mul3A_1150 : vector<16xf32>
    %mul3A_1152 = arith.mulf %get3A_195, %sub3A_1133 : vector<16xf32>
    %add3A_1153 = arith.addf %add3A_1151, %mul3A_1152 : vector<16xf32>
    %sub3A_1154 = arith.subf %sub3A_1148, %add3A_1153 : vector<16xf32>
    %mul3A_1155 = arith.mulf %sub3A_1140, %sub3A_1140 : vector<16xf32>
    %mul3A_1156 = arith.mulf %sub3A_1147, %sub3A_1147 : vector<16xf32>
    %add3A_1157 = arith.addf %mul3A_1155, %mul3A_1156 : vector<16xf32>
    %mul3A_1158 = arith.mulf %sub3A_1154, %sub3A_1154 : vector<16xf32>
    %add3A_1159 = arith.addf %add3A_1157, %mul3A_1158 : vector<16xf32>
    %jit3A_1160 = arith.constant 0.000000e+00 : f32
    %broadcast_in_dim3A_1161 = vector.broadcast %jit3A_1160 : f32 to vector<16xf32>
    %select_n3A_1162 = arith.select %lt3A_223, %add3A_1159, %broadcast_in_dim3A_1161 : vector<16xi1>, vector<16xf32>
    %add3A_1163 = arith.addf %add3A_1104, %select_n3A_1162 : vector<16xf32>
    %get3A_1164 = arith.constant 256 : index
    %get3A_1165 = tpu.vector_load %arg13[%get3A_1164] {strides = array<i32>} : memref<576xi32, #tpu.memory_space<vmem>>, vector<16xi32>,
    %add3A_1166 = arith.constant 15360 : i32
    %add3A_1167 = vector.broadcast %add3A_1166 : i32 to vector<16xi32>
    %add3A_1168 = arith.addi %get3A_1165, %add3A_1167 : vector<16xi32>
    %gather3A_1169 = tpu.vector_load_idx %arg9[%add3A_1168] : memref<18432xf32, #tpu.memory_space<vmem>>[vector<16xi32>], vector<16xf32>,
    %add3A_1170 = arith.constant 16384 : i32
    %add3A_1171 = vector.broadcast %add3A_1170 : i32 to vector<16xi32>
    %add3A_1172 = arith.addi %get3A_1165, %add3A_1171 : vector<16xi32>
    %gather3A_1173 = tpu.vector_load_idx %arg9[%add3A_1172] : memref<18432xf32, #tpu.memory_space<vmem>>[vector<16xi32>], vector<16xf32>,
    %add3A_1174 = arith.constant 17408 : i32
    %add3A_1175 = vector.broadcast %add3A_1174 : i32 to vector<16xi32>
    %add3A_1176 = arith.addi %get3A_1165, %add3A_1175 : vector<16xi32>
    %gather3A_1177 = tpu.vector_load_idx %arg9[%add3A_1176] : memref<18432xf32, #tpu.memory_space<vmem>>[vector<16xi32>], vector<16xf32>,
    %add3A_1178 = arith.constant 12288 : i32
    %add3A_1179 = vector.broadcast %add3A_1178 : i32 to vector<16xi32>
    %add3A_1180 = arith.addi %get3A_1165, %add3A_1179 : vector<16xi32>
    %gather3A_1181 = tpu.vector_load_idx %arg9[%add3A_1180] : memref<18432xf32, #tpu.memory_space<vmem>>[vector<16xi32>], vector<16xf32>,
    %add3A_1182 = arith.constant 13312 : i32
    %add3A_1183 = vector.broadcast %add3A_1182 : i32 to vector<16xi32>
    %add3A_1184 = arith.addi %get3A_1165, %add3A_1183 : vector<16xi32>
    %gather3A_1185 = tpu.vector_load_idx %arg9[%add3A_1184] : memref<18432xf32, #tpu.memory_space<vmem>>[vector<16xi32>], vector<16xf32>,
    %add3A_1186 = arith.constant 14336 : i32
    %add3A_1187 = vector.broadcast %add3A_1186 : i32 to vector<16xi32>
    %add3A_1188 = arith.addi %get3A_1165, %add3A_1187 : vector<16xi32>
    %gather3A_1189 = tpu.vector_load_idx %arg9[%add3A_1188] : memref<18432xf32, #tpu.memory_space<vmem>>[vector<16xi32>], vector<16xf32>,
    %sub3A_1190 = arith.subf %get3A_211, %gather3A_1169 : vector<16xf32>
    %sub3A_1191 = arith.subf %get3A_215, %gather3A_1173 : vector<16xf32>
    %sub3A_1192 = arith.subf %get3A_219, %gather3A_1177 : vector<16xf32>
    %sub3A_1193 = arith.subf %get3A_199, %gather3A_1181 : vector<16xf32>
    %mul3A_1194 = arith.mulf %get3A_163, %sub3A_1190 : vector<16xf32>
    %mul3A_1195 = arith.mulf %get3A_167, %sub3A_1191 : vector<16xf32>
    %add3A_1196 = arith.addf %mul3A_1194, %mul3A_1195 : vector<16xf32>
    %mul3A_1197 = arith.mulf %get3A_171, %sub3A_1192 : vector<16xf32>
    %add3A_1198 = arith.addf %add3A_1196, %mul3A_1197 : vector<16xf32>
    %sub3A_1199 = arith.subf %sub3A_1193, %add3A_1198 : vector<16xf32>
    %sub3A_1200 = arith.subf %get3A_203, %gather3A_1185 : vector<16xf32>
    %mul3A_1201 = arith.mulf %get3A_175, %sub3A_1190 : vector<16xf32>
    %mul3A_1202 = arith.mulf %get3A_179, %sub3A_1191 : vector<16xf32>
    %add3A_1203 = arith.addf %mul3A_1201, %mul3A_1202 : vector<16xf32>
    %mul3A_1204 = arith.mulf %get3A_183, %sub3A_1192 : vector<16xf32>
    %add3A_1205 = arith.addf %add3A_1203, %mul3A_1204 : vector<16xf32>
    %sub3A_1206 = arith.subf %sub3A_1200, %add3A_1205 : vector<16xf32>
    %sub3A_1207 = arith.subf %get3A_207, %gather3A_1189 : vector<16xf32>
    %mul3A_1208 = arith.mulf %get3A_187, %sub3A_1190 : vector<16xf32>
    %mul3A_1209 = arith.mulf %get3A_191, %sub3A_1191 : vector<16xf32>
    %add3A_1210 = arith.addf %mul3A_1208, %mul3A_1209 : vector<16xf32>
    %mul3A_1211 = arith.mulf %get3A_195, %sub3A_1192 : vector<16xf32>
    %add3A_1212 = arith.addf %add3A_1210, %mul3A_1211 : vector<16xf32>
    %sub3A_1213 = arith.subf %sub3A_1207, %add3A_1212 : vector<16xf32>
    %mul3A_1214 = arith.mulf %sub3A_1199, %sub3A_1199 : vector<16xf32>
    %mul3A_1215 = arith.mulf %sub3A_1206, %sub3A_1206 : vector<16xf32>
    %add3A_1216 = arith.addf %mul3A_1214, %mul3A_1215 : vector<16xf32>
    %mul3A_1217 = arith.mulf %sub3A_1213, %sub3A_1213 : vector<16xf32>
    %add3A_1218 = arith.addf %add3A_1216, %mul3A_1217 : vector<16xf32>
    %jit3A_1219 = arith.constant 0.000000e+00 : f32
    %broadcast_in_dim3A_1220 = vector.broadcast %jit3A_1219 : f32 to vector<16xf32>
    %select_n3A_1221 = arith.select %lt3A_223, %add3A_1218, %broadcast_in_dim3A_1220 : vector<16xi1>, vector<16xf32>
    %add3A_1222 = arith.addf %add3A_1163, %select_n3A_1221 : vector<16xf32>
    %get3A_1223 = arith.constant 272 : index
    %get3A_1224 = tpu.vector_load %arg13[%get3A_1223] {strides = array<i32>} : memref<576xi32, #tpu.memory_space<vmem>>, vector<16xi32>,
    %add3A_1225 = arith.constant 15360 : i32
    %add3A_1226 = vector.broadcast %add3A_1225 : i32 to vector<16xi32>
    %add3A_1227 = arith.addi %get3A_1224, %add3A_1226 : vector<16xi32>
    %gather3A_1228 = tpu.vector_load_idx %arg9[%add3A_1227] : memref<18432xf32, #tpu.memory_space<vmem>>[vector<16xi32>], vector<16xf32>,
    %add3A_1229 = arith.constant 16384 : i32
    %add3A_1230 = vector.broadcast %add3A_1229 : i32 to vector<16xi32>
    %add3A_1231 = arith.addi %get3A_1224, %add3A_1230 : vector<16xi32>
    %gather3A_1232 = tpu.vector_load_idx %arg9[%add3A_1231] : memref<18432xf32, #tpu.memory_space<vmem>>[vector<16xi32>], vector<16xf32>,
    %add3A_1233 = arith.constant 17408 : i32
    %add3A_1234 = vector.broadcast %add3A_1233 : i32 to vector<16xi32>
    %add3A_1235 = arith.addi %get3A_1224, %add3A_1234 : vector<16xi32>
    %gather3A_1236 = tpu.vector_load_idx %arg9[%add3A_1235] : memref<18432xf32, #tpu.memory_space<vmem>>[vector<16xi32>], vector<16xf32>,
    %add3A_1237 = arith.constant 12288 : i32
    %add3A_1238 = vector.broadcast %add3A_1237 : i32 to vector<16xi32>
    %add3A_1239 = arith.addi %get3A_1224, %add3A_1238 : vector<16xi32>
    %gather3A_1240 = tpu.vector_load_idx %arg9[%add3A_1239] : memref<18432xf32, #tpu.memory_space<vmem>>[vector<16xi32>], vector<16xf32>,
    %add3A_1241 = arith.constant 13312 : i32
    %add3A_1242 = vector.broadcast %add3A_1241 : i32 to vector<16xi32>
    %add3A_1243 = arith.addi %get3A_1224, %add3A_1242 : vector<16xi32>
    %gather3A_1244 = tpu.vector_load_idx %arg9[%add3A_1243] : memref<18432xf32, #tpu.memory_space<vmem>>[vector<16xi32>], vector<16xf32>,
    %add3A_1245 = arith.constant 14336 : i32
    %add3A_1246 = vector.broadcast %add3A_1245 : i32 to vector<16xi32>
    %add3A_1247 = arith.addi %get3A_1224, %add3A_1246 : vector<16xi32>
    %gather3A_1248 = tpu.vector_load_idx %arg9[%add3A_1247] : memref<18432xf32, #tpu.memory_space<vmem>>[vector<16xi32>], vector<16xf32>,
    %sub3A_1249 = arith.subf %get3A_211, %gather3A_1228 : vector<16xf32>
    %sub3A_1250 = arith.subf %get3A_215, %gather3A_1232 : vector<16xf32>
    %sub3A_1251 = arith.subf %get3A_219, %gather3A_1236 : vector<16xf32>
    %sub3A_1252 = arith.subf %get3A_199, %gather3A_1240 : vector<16xf32>
    %mul3A_1253 = arith.mulf %get3A_163, %sub3A_1249 : vector<16xf32>
    %mul3A_1254 = arith.mulf %get3A_167, %sub3A_1250 : vector<16xf32>
    %add3A_1255 = arith.addf %mul3A_1253, %mul3A_1254 : vector<16xf32>
    %mul3A_1256 = arith.mulf %get3A_171, %sub3A_1251 : vector<16xf32>
    %add3A_1257 = arith.addf %add3A_1255, %mul3A_1256 : vector<16xf32>
    %sub3A_1258 = arith.subf %sub3A_1252, %add3A_1257 : vector<16xf32>
    %sub3A_1259 = arith.subf %get3A_203, %gather3A_1244 : vector<16xf32>
    %mul3A_1260 = arith.mulf %get3A_175, %sub3A_1249 : vector<16xf32>
    %mul3A_1261 = arith.mulf %get3A_179, %sub3A_1250 : vector<16xf32>
    %add3A_1262 = arith.addf %mul3A_1260, %mul3A_1261 : vector<16xf32>
    %mul3A_1263 = arith.mulf %get3A_183, %sub3A_1251 : vector<16xf32>
    %add3A_1264 = arith.addf %add3A_1262, %mul3A_1263 : vector<16xf32>
    %sub3A_1265 = arith.subf %sub3A_1259, %add3A_1264 : vector<16xf32>
    %sub3A_1266 = arith.subf %get3A_207, %gather3A_1248 : vector<16xf32>
    %mul3A_1267 = arith.mulf %get3A_187, %sub3A_1249 : vector<16xf32>
    %mul3A_1268 = arith.mulf %get3A_191, %sub3A_1250 : vector<16xf32>
    %add3A_1269 = arith.addf %mul3A_1267, %mul3A_1268 : vector<16xf32>
    %mul3A_1270 = arith.mulf %get3A_195, %sub3A_1251 : vector<16xf32>
    %add3A_1271 = arith.addf %add3A_1269, %mul3A_1270 : vector<16xf32>
    %sub3A_1272 = arith.subf %sub3A_1266, %add3A_1271 : vector<16xf32>
    %mul3A_1273 = arith.mulf %sub3A_1258, %sub3A_1258 : vector<16xf32>
    %mul3A_1274 = arith.mulf %sub3A_1265, %sub3A_1265 : vector<16xf32>
    %add3A_1275 = arith.addf %mul3A_1273, %mul3A_1274 : vector<16xf32>
    %mul3A_1276 = arith.mulf %sub3A_1272, %sub3A_1272 : vector<16xf32>
    %add3A_1277 = arith.addf %add3A_1275, %mul3A_1276 : vector<16xf32>
    %jit3A_1278 = arith.constant 0.000000e+00 : f32
    %broadcast_in_dim3A_1279 = vector.broadcast %jit3A_1278 : f32 to vector<16xf32>
    %select_n3A_1280 = arith.select %lt3A_223, %add3A_1277, %broadcast_in_dim3A_1279 : vector<16xi1>, vector<16xf32>
    %add3A_1281 = arith.addf %add3A_1222, %select_n3A_1280 : vector<16xf32>
    %mul3A_1282 = arith.constant 2 : i32
    %mul3A_1283 = arith.muli %add3A, %mul3A_1282 : i32
    %add3A_1284 = arith.constant 1 : i32
    %add3A_1285 = arith.addi %mul3A_1283, %add3A_1284 : i32
    %mul3A_1286 = arith.constant 16 : i32
    %mul3A_1287 = arith.muli %add3A_1285, %mul3A_1286 : i32
    %add3A_1288 = arith.constant 0 : i32
    %add3A_1289 = arith.addi %add3A_1288, %mul3A_1287 : i32
    %get3A_1290 = arith.index_cast %add3A_1289 : i32 to index
    %get3A_1291 = tpu.vector_load %arg9[%get3A_1290] {strides = array<i32>} : memref<18432xf32, #tpu.memory_space<vmem>>, vector<16xf32>,
    %add3A_1292 = arith.constant 1024 : i32
    %add3A_1293 = arith.addi %add3A_1292, %mul3A_1287 : i32
    %get3A_1294 = arith.index_cast %add3A_1293 : i32 to index
    %get3A_1295 = tpu.vector_load %arg9[%get3A_1294] {strides = array<i32>} : memref<18432xf32, #tpu.memory_space<vmem>>, vector<16xf32>,
    %add3A_1296 = arith.constant 2048 : i32
    %add3A_1297 = arith.addi %add3A_1296, %mul3A_1287 : i32
    %get3A_1298 = arith.index_cast %add3A_1297 : i32 to index
    %get3A_1299 = tpu.vector_load %arg9[%get3A_1298] {strides = array<i32>} : memref<18432xf32, #tpu.memory_space<vmem>>, vector<16xf32>,
    %add3A_1300 = arith.constant 3072 : i32
    %add3A_1301 = arith.addi %add3A_1300, %mul3A_1287 : i32
    %get3A_1302 = arith.index_cast %add3A_1301 : i32 to index
    %get3A_1303 = tpu.vector_load %arg9[%get3A_1302] {strides = array<i32>} : memref<18432xf32, #tpu.memory_space<vmem>>, vector<16xf32>,
    %add3A_1304 = arith.constant 4096 : i32
    %add3A_1305 = arith.addi %add3A_1304, %mul3A_1287 : i32
    %get3A_1306 = arith.index_cast %add3A_1305 : i32 to index
    %get3A_1307 = tpu.vector_load %arg9[%get3A_1306] {strides = array<i32>} : memref<18432xf32, #tpu.memory_space<vmem>>, vector<16xf32>,
    %add3A_1308 = arith.constant 5120 : i32
    %add3A_1309 = arith.addi %add3A_1308, %mul3A_1287 : i32
    %get3A_1310 = arith.index_cast %add3A_1309 : i32 to index
    %get3A_1311 = tpu.vector_load %arg9[%get3A_1310] {strides = array<i32>} : memref<18432xf32, #tpu.memory_space<vmem>>, vector<16xf32>,
    %add3A_1312 = arith.constant 6144 : i32
    %add3A_1313 = arith.addi %add3A_1312, %mul3A_1287 : i32
    %get3A_1314 = arith.index_cast %add3A_1313 : i32 to index
    %get3A_1315 = tpu.vector_load %arg9[%get3A_1314] {strides = array<i32>} : memref<18432xf32, #tpu.memory_space<vmem>>, vector<16xf32>,
    %add3A_1316 = arith.constant 7168 : i32
    %add3A_1317 = arith.addi %add3A_1316, %mul3A_1287 : i32
    %get3A_1318 = arith.index_cast %add3A_1317 : i32 to index
    %get3A_1319 = tpu.vector_load %arg9[%get3A_1318] {strides = array<i32>} : memref<18432xf32, #tpu.memory_space<vmem>>, vector<16xf32>,
    %add3A_1320 = arith.constant 8192 : i32
    %add3A_1321 = arith.addi %add3A_1320, %mul3A_1287 : i32
    %get3A_1322 = arith.index_cast %add3A_1321 : i32 to index
    %get3A_1323 = tpu.vector_load %arg9[%get3A_1322] {strides = array<i32>} : memref<18432xf32, #tpu.memory_space<vmem>>, vector<16xf32>,
    %add3A_1324 = arith.constant 12288 : i32
    %add3A_1325 = arith.addi %add3A_1324, %mul3A_1287 : i32
    %get3A_1326 = arith.index_cast %add3A_1325 : i32 to index
    %get3A_1327 = tpu.vector_load %arg9[%get3A_1326] {strides = array<i32>} : memref<18432xf32, #tpu.memory_space<vmem>>, vector<16xf32>,
    %add3A_1328 = arith.constant 13312 : i32
    %add3A_1329 = arith.addi %add3A_1328, %mul3A_1287 : i32
    %get3A_1330 = arith.index_cast %add3A_1329 : i32 to index
    %get3A_1331 = tpu.vector_load %arg9[%get3A_1330] {strides = array<i32>} : memref<18432xf32, #tpu.memory_space<vmem>>, vector<16xf32>,
    %add3A_1332 = arith.constant 14336 : i32
    %add3A_1333 = arith.addi %add3A_1332, %mul3A_1287 : i32
    %get3A_1334 = arith.index_cast %add3A_1333 : i32 to index
    %get3A_1335 = tpu.vector_load %arg9[%get3A_1334] {strides = array<i32>} : memref<18432xf32, #tpu.memory_space<vmem>>, vector<16xf32>,
    %add3A_1336 = arith.constant 15360 : i32
    %add3A_1337 = arith.addi %add3A_1336, %mul3A_1287 : i32
    %get3A_1338 = arith.index_cast %add3A_1337 : i32 to index
    %get3A_1339 = tpu.vector_load %arg9[%get3A_1338] {strides = array<i32>} : memref<18432xf32, #tpu.memory_space<vmem>>, vector<16xf32>,
    %add3A_1340 = arith.constant 16384 : i32
    %add3A_1341 = arith.addi %add3A_1340, %mul3A_1287 : i32
    %get3A_1342 = arith.index_cast %add3A_1341 : i32 to index
    %get3A_1343 = tpu.vector_load %arg9[%get3A_1342] {strides = array<i32>} : memref<18432xf32, #tpu.memory_space<vmem>>, vector<16xf32>,
    %add3A_1344 = arith.constant 17408 : i32
    %add3A_1345 = arith.addi %add3A_1344, %mul3A_1287 : i32
    %get3A_1346 = arith.index_cast %add3A_1345 : i32 to index
    %get3A_1347 = tpu.vector_load %arg9[%get3A_1346] {strides = array<i32>} : memref<18432xf32, #tpu.memory_space<vmem>>, vector<16xf32>,
    %add3A_1348 = vector.broadcast %mul3A_1287 : i32 to vector<16xi32>
    %add3A_1349 = arith.addi %add3A_1348, %iota3A : vector<16xi32>
    %lt3A_1350 = arith.constant 689 : i32
    %lt3A_1351 = vector.broadcast %lt3A_1350 : i32 to vector<16xi32>
    %lt3A_1352 = arith.cmpi slt, %add3A_1349, %lt3A_1351 : vector<16xi32>
    %get3A_1353 = arith.constant 288 : index
    %get3A_1354 = tpu.vector_load %arg13[%get3A_1353] {strides = array<i32>} : memref<576xi32, #tpu.memory_space<vmem>>, vector<16xi32>,
    %add3A_1355 = arith.constant 15360 : i32
    %add3A_1356 = vector.broadcast %add3A_1355 : i32 to vector<16xi32>
    %add3A_1357 = arith.addi %get3A_1354, %add3A_1356 : vector<16xi32>
    %gather3A_1358 = tpu.vector_load_idx %arg9[%add3A_1357] : memref<18432xf32, #tpu.memory_space<vmem>>[vector<16xi32>], vector<16xf32>,
    %add3A_1359 = arith.constant 16384 : i32
    %add3A_1360 = vector.broadcast %add3A_1359 : i32 to vector<16xi32>
    %add3A_1361 = arith.addi %get3A_1354, %add3A_1360 : vector<16xi32>
    %gather3A_1362 = tpu.vector_load_idx %arg9[%add3A_1361] : memref<18432xf32, #tpu.memory_space<vmem>>[vector<16xi32>], vector<16xf32>,
    %add3A_1363 = arith.constant 17408 : i32
    %add3A_1364 = vector.broadcast %add3A_1363 : i32 to vector<16xi32>
    %add3A_1365 = arith.addi %get3A_1354, %add3A_1364 : vector<16xi32>
    %gather3A_1366 = tpu.vector_load_idx %arg9[%add3A_1365] : memref<18432xf32, #tpu.memory_space<vmem>>[vector<16xi32>], vector<16xf32>,
    %add3A_1367 = arith.constant 12288 : i32
    %add3A_1368 = vector.broadcast %add3A_1367 : i32 to vector<16xi32>
    %add3A_1369 = arith.addi %get3A_1354, %add3A_1368 : vector<16xi32>
    %gather3A_1370 = tpu.vector_load_idx %arg9[%add3A_1369] : memref<18432xf32, #tpu.memory_space<vmem>>[vector<16xi32>], vector<16xf32>,
    %add3A_1371 = arith.constant 13312 : i32
    %add3A_1372 = vector.broadcast %add3A_1371 : i32 to vector<16xi32>
    %add3A_1373 = arith.addi %get3A_1354, %add3A_1372 : vector<16xi32>
    %gather3A_1374 = tpu.vector_load_idx %arg9[%add3A_1373] : memref<18432xf32, #tpu.memory_space<vmem>>[vector<16xi32>], vector<16xf32>,
    %add3A_1375 = arith.constant 14336 : i32
    %add3A_1376 = vector.broadcast %add3A_1375 : i32 to vector<16xi32>
    %add3A_1377 = arith.addi %get3A_1354, %add3A_1376 : vector<16xi32>
    %gather3A_1378 = tpu.vector_load_idx %arg9[%add3A_1377] : memref<18432xf32, #tpu.memory_space<vmem>>[vector<16xi32>], vector<16xf32>,
    %sub3A_1379 = arith.subf %get3A_1339, %gather3A_1358 : vector<16xf32>
    %sub3A_1380 = arith.subf %get3A_1343, %gather3A_1362 : vector<16xf32>
    %sub3A_1381 = arith.subf %get3A_1347, %gather3A_1366 : vector<16xf32>
    %sub3A_1382 = arith.subf %get3A_1327, %gather3A_1370 : vector<16xf32>
    %mul3A_1383 = arith.mulf %get3A_1291, %sub3A_1379 : vector<16xf32>
    %mul3A_1384 = arith.mulf %get3A_1295, %sub3A_1380 : vector<16xf32>
    %add3A_1385 = arith.addf %mul3A_1383, %mul3A_1384 : vector<16xf32>
    %mul3A_1386 = arith.mulf %get3A_1299, %sub3A_1381 : vector<16xf32>
    %add3A_1387 = arith.addf %add3A_1385, %mul3A_1386 : vector<16xf32>
    %sub3A_1388 = arith.subf %sub3A_1382, %add3A_1387 : vector<16xf32>
    %sub3A_1389 = arith.subf %get3A_1331, %gather3A_1374 : vector<16xf32>
    %mul3A_1390 = arith.mulf %get3A_1303, %sub3A_1379 : vector<16xf32>
    %mul3A_1391 = arith.mulf %get3A_1307, %sub3A_1380 : vector<16xf32>
    %add3A_1392 = arith.addf %mul3A_1390, %mul3A_1391 : vector<16xf32>
    %mul3A_1393 = arith.mulf %get3A_1311, %sub3A_1381 : vector<16xf32>
    %add3A_1394 = arith.addf %add3A_1392, %mul3A_1393 : vector<16xf32>
    %sub3A_1395 = arith.subf %sub3A_1389, %add3A_1394 : vector<16xf32>
    %sub3A_1396 = arith.subf %get3A_1335, %gather3A_1378 : vector<16xf32>
    %mul3A_1397 = arith.mulf %get3A_1315, %sub3A_1379 : vector<16xf32>
    %mul3A_1398 = arith.mulf %get3A_1319, %sub3A_1380 : vector<16xf32>
    %add3A_1399 = arith.addf %mul3A_1397, %mul3A_1398 : vector<16xf32>
    %mul3A_1400 = arith.mulf %get3A_1323, %sub3A_1381 : vector<16xf32>
    %add3A_1401 = arith.addf %add3A_1399, %mul3A_1400 : vector<16xf32>
    %sub3A_1402 = arith.subf %sub3A_1396, %add3A_1401 : vector<16xf32>
    %mul3A_1403 = arith.mulf %sub3A_1388, %sub3A_1388 : vector<16xf32>
    %mul3A_1404 = arith.mulf %sub3A_1395, %sub3A_1395 : vector<16xf32>
    %add3A_1405 = arith.addf %mul3A_1403, %mul3A_1404 : vector<16xf32>
    %mul3A_1406 = arith.mulf %sub3A_1402, %sub3A_1402 : vector<16xf32>
    %add3A_1407 = arith.addf %add3A_1405, %mul3A_1406 : vector<16xf32>
    %jit3A_1408 = arith.constant 0.000000e+00 : f32
    %broadcast_in_dim3A_1409 = vector.broadcast %jit3A_1408 : f32 to vector<16xf32>
    %select_n3A_1410 = arith.select %lt3A_1352, %add3A_1407, %broadcast_in_dim3A_1409 : vector<16xi1>, vector<16xf32>
    %add3A_1411 = arith.addf %add3A_1281, %select_n3A_1410 : vector<16xf32>
    %get3A_1412 = arith.constant 304 : index
    %get3A_1413 = tpu.vector_load %arg13[%get3A_1412] {strides = array<i32>} : memref<576xi32, #tpu.memory_space<vmem>>, vector<16xi32>,
    %add3A_1414 = arith.constant 15360 : i32
    %add3A_1415 = vector.broadcast %add3A_1414 : i32 to vector<16xi32>
    %add3A_1416 = arith.addi %get3A_1413, %add3A_1415 : vector<16xi32>
    %gather3A_1417 = tpu.vector_load_idx %arg9[%add3A_1416] : memref<18432xf32, #tpu.memory_space<vmem>>[vector<16xi32>], vector<16xf32>,
    %add3A_1418 = arith.constant 16384 : i32
    %add3A_1419 = vector.broadcast %add3A_1418 : i32 to vector<16xi32>
    %add3A_1420 = arith.addi %get3A_1413, %add3A_1419 : vector<16xi32>
    %gather3A_1421 = tpu.vector_load_idx %arg9[%add3A_1420] : memref<18432xf32, #tpu.memory_space<vmem>>[vector<16xi32>], vector<16xf32>,
    %add3A_1422 = arith.constant 17408 : i32
    %add3A_1423 = vector.broadcast %add3A_1422 : i32 to vector<16xi32>
    %add3A_1424 = arith.addi %get3A_1413, %add3A_1423 : vector<16xi32>
    %gather3A_1425 = tpu.vector_load_idx %arg9[%add3A_1424] : memref<18432xf32, #tpu.memory_space<vmem>>[vector<16xi32>], vector<16xf32>,
    %add3A_1426 = arith.constant 12288 : i32
    %add3A_1427 = vector.broadcast %add3A_1426 : i32 to vector<16xi32>
    %add3A_1428 = arith.addi %get3A_1413, %add3A_1427 : vector<16xi32>
    %gather3A_1429 = tpu.vector_load_idx %arg9[%add3A_1428] : memref<18432xf32, #tpu.memory_space<vmem>>[vector<16xi32>], vector<16xf32>,
    %add3A_1430 = arith.constant 13312 : i32
    %add3A_1431 = vector.broadcast %add3A_1430 : i32 to vector<16xi32>
    %add3A_1432 = arith.addi %get3A_1413, %add3A_1431 : vector<16xi32>
    %gather3A_1433 = tpu.vector_load_idx %arg9[%add3A_1432] : memref<18432xf32, #tpu.memory_space<vmem>>[vector<16xi32>], vector<16xf32>,
    %add3A_1434 = arith.constant 14336 : i32
    %add3A_1435 = vector.broadcast %add3A_1434 : i32 to vector<16xi32>
    %add3A_1436 = arith.addi %get3A_1413, %add3A_1435 : vector<16xi32>
    %gather3A_1437 = tpu.vector_load_idx %arg9[%add3A_1436] : memref<18432xf32, #tpu.memory_space<vmem>>[vector<16xi32>], vector<16xf32>,
    %sub3A_1438 = arith.subf %get3A_1339, %gather3A_1417 : vector<16xf32>
    %sub3A_1439 = arith.subf %get3A_1343, %gather3A_1421 : vector<16xf32>
    %sub3A_1440 = arith.subf %get3A_1347, %gather3A_1425 : vector<16xf32>
    %sub3A_1441 = arith.subf %get3A_1327, %gather3A_1429 : vector<16xf32>
    %mul3A_1442 = arith.mulf %get3A_1291, %sub3A_1438 : vector<16xf32>
    %mul3A_1443 = arith.mulf %get3A_1295, %sub3A_1439 : vector<16xf32>
    %add3A_1444 = arith.addf %mul3A_1442, %mul3A_1443 : vector<16xf32>
    %mul3A_1445 = arith.mulf %get3A_1299, %sub3A_1440 : vector<16xf32>
    %add3A_1446 = arith.addf %add3A_1444, %mul3A_1445 : vector<16xf32>
    %sub3A_1447 = arith.subf %sub3A_1441, %add3A_1446 : vector<16xf32>
    %sub3A_1448 = arith.subf %get3A_1331, %gather3A_1433 : vector<16xf32>
    %mul3A_1449 = arith.mulf %get3A_1303, %sub3A_1438 : vector<16xf32>
    %mul3A_1450 = arith.mulf %get3A_1307, %sub3A_1439 : vector<16xf32>
    %add3A_1451 = arith.addf %mul3A_1449, %mul3A_1450 : vector<16xf32>
    %mul3A_1452 = arith.mulf %get3A_1311, %sub3A_1440 : vector<16xf32>
    %add3A_1453 = arith.addf %add3A_1451, %mul3A_1452 : vector<16xf32>
    %sub3A_1454 = arith.subf %sub3A_1448, %add3A_1453 : vector<16xf32>
    %sub3A_1455 = arith.subf %get3A_1335, %gather3A_1437 : vector<16xf32>
    %mul3A_1456 = arith.mulf %get3A_1315, %sub3A_1438 : vector<16xf32>
    %mul3A_1457 = arith.mulf %get3A_1319, %sub3A_1439 : vector<16xf32>
    %add3A_1458 = arith.addf %mul3A_1456, %mul3A_1457 : vector<16xf32>
    %mul3A_1459 = arith.mulf %get3A_1323, %sub3A_1440 : vector<16xf32>
    %add3A_1460 = arith.addf %add3A_1458, %mul3A_1459 : vector<16xf32>
    %sub3A_1461 = arith.subf %sub3A_1455, %add3A_1460 : vector<16xf32>
    %mul3A_1462 = arith.mulf %sub3A_1447, %sub3A_1447 : vector<16xf32>
    %mul3A_1463 = arith.mulf %sub3A_1454, %sub3A_1454 : vector<16xf32>
    %add3A_1464 = arith.addf %mul3A_1462, %mul3A_1463 : vector<16xf32>
    %mul3A_1465 = arith.mulf %sub3A_1461, %sub3A_1461 : vector<16xf32>
    %add3A_1466 = arith.addf %add3A_1464, %mul3A_1465 : vector<16xf32>
    %jit3A_1467 = arith.constant 0.000000e+00 : f32
    %broadcast_in_dim3A_1468 = vector.broadcast %jit3A_1467 : f32 to vector<16xf32>
    %select_n3A_1469 = arith.select %lt3A_1352, %add3A_1466, %broadcast_in_dim3A_1468 : vector<16xi1>, vector<16xf32>
    %add3A_1470 = arith.addf %add3A_1411, %select_n3A_1469 : vector<16xf32>
    %get3A_1471 = arith.constant 320 : index
    %get3A_1472 = tpu.vector_load %arg13[%get3A_1471] {strides = array<i32>} : memref<576xi32, #tpu.memory_space<vmem>>, vector<16xi32>,
    %add3A_1473 = arith.constant 15360 : i32
    %add3A_1474 = vector.broadcast %add3A_1473 : i32 to vector<16xi32>
    %add3A_1475 = arith.addi %get3A_1472, %add3A_1474 : vector<16xi32>
    %gather3A_1476 = tpu.vector_load_idx %arg9[%add3A_1475] : memref<18432xf32, #tpu.memory_space<vmem>>[vector<16xi32>], vector<16xf32>,
    %add3A_1477 = arith.constant 16384 : i32
    %add3A_1478 = vector.broadcast %add3A_1477 : i32 to vector<16xi32>
    %add3A_1479 = arith.addi %get3A_1472, %add3A_1478 : vector<16xi32>
    %gather3A_1480 = tpu.vector_load_idx %arg9[%add3A_1479] : memref<18432xf32, #tpu.memory_space<vmem>>[vector<16xi32>], vector<16xf32>,
    %add3A_1481 = arith.constant 17408 : i32
    %add3A_1482 = vector.broadcast %add3A_1481 : i32 to vector<16xi32>
    %add3A_1483 = arith.addi %get3A_1472, %add3A_1482 : vector<16xi32>
    %gather3A_1484 = tpu.vector_load_idx %arg9[%add3A_1483] : memref<18432xf32, #tpu.memory_space<vmem>>[vector<16xi32>], vector<16xf32>,
    %add3A_1485 = arith.constant 12288 : i32
    %add3A_1486 = vector.broadcast %add3A_1485 : i32 to vector<16xi32>
    %add3A_1487 = arith.addi %get3A_1472, %add3A_1486 : vector<16xi32>
    %gather3A_1488 = tpu.vector_load_idx %arg9[%add3A_1487] : memref<18432xf32, #tpu.memory_space<vmem>>[vector<16xi32>], vector<16xf32>,
    %add3A_1489 = arith.constant 13312 : i32
    %add3A_1490 = vector.broadcast %add3A_1489 : i32 to vector<16xi32>
    %add3A_1491 = arith.addi %get3A_1472, %add3A_1490 : vector<16xi32>
    %gather3A_1492 = tpu.vector_load_idx %arg9[%add3A_1491] : memref<18432xf32, #tpu.memory_space<vmem>>[vector<16xi32>], vector<16xf32>,
    %add3A_1493 = arith.constant 14336 : i32
    %add3A_1494 = vector.broadcast %add3A_1493 : i32 to vector<16xi32>
    %add3A_1495 = arith.addi %get3A_1472, %add3A_1494 : vector<16xi32>
    %gather3A_1496 = tpu.vector_load_idx %arg9[%add3A_1495] : memref<18432xf32, #tpu.memory_space<vmem>>[vector<16xi32>], vector<16xf32>,
    %sub3A_1497 = arith.subf %get3A_1339, %gather3A_1476 : vector<16xf32>
    %sub3A_1498 = arith.subf %get3A_1343, %gather3A_1480 : vector<16xf32>
    %sub3A_1499 = arith.subf %get3A_1347, %gather3A_1484 : vector<16xf32>
    %sub3A_1500 = arith.subf %get3A_1327, %gather3A_1488 : vector<16xf32>
    %mul3A_1501 = arith.mulf %get3A_1291, %sub3A_1497 : vector<16xf32>
    %mul3A_1502 = arith.mulf %get3A_1295, %sub3A_1498 : vector<16xf32>
    %add3A_1503 = arith.addf %mul3A_1501, %mul3A_1502 : vector<16xf32>
    %mul3A_1504 = arith.mulf %get3A_1299, %sub3A_1499 : vector<16xf32>
    %add3A_1505 = arith.addf %add3A_1503, %mul3A_1504 : vector<16xf32>
    %sub3A_1506 = arith.subf %sub3A_1500, %add3A_1505 : vector<16xf32>
    %sub3A_1507 = arith.subf %get3A_1331, %gather3A_1492 : vector<16xf32>
    %mul3A_1508 = arith.mulf %get3A_1303, %sub3A_1497 : vector<16xf32>
    %mul3A_1509 = arith.mulf %get3A_1307, %sub3A_1498 : vector<16xf32>
    %add3A_1510 = arith.addf %mul3A_1508, %mul3A_1509 : vector<16xf32>
    %mul3A_1511 = arith.mulf %get3A_1311, %sub3A_1499 : vector<16xf32>
    %add3A_1512 = arith.addf %add3A_1510, %mul3A_1511 : vector<16xf32>
    %sub3A_1513 = arith.subf %sub3A_1507, %add3A_1512 : vector<16xf32>
    %sub3A_1514 = arith.subf %get3A_1335, %gather3A_1496 : vector<16xf32>
    %mul3A_1515 = arith.mulf %get3A_1315, %sub3A_1497 : vector<16xf32>
    %mul3A_1516 = arith.mulf %get3A_1319, %sub3A_1498 : vector<16xf32>
    %add3A_1517 = arith.addf %mul3A_1515, %mul3A_1516 : vector<16xf32>
    %mul3A_1518 = arith.mulf %get3A_1323, %sub3A_1499 : vector<16xf32>
    %add3A_1519 = arith.addf %add3A_1517, %mul3A_1518 : vector<16xf32>
    %sub3A_1520 = arith.subf %sub3A_1514, %add3A_1519 : vector<16xf32>
    %mul3A_1521 = arith.mulf %sub3A_1506, %sub3A_1506 : vector<16xf32>
    %mul3A_1522 = arith.mulf %sub3A_1513, %sub3A_1513 : vector<16xf32>
    %add3A_1523 = arith.addf %mul3A_1521, %mul3A_1522 : vector<16xf32>
    %mul3A_1524 = arith.mulf %sub3A_1520, %sub3A_1520 : vector<16xf32>
    %add3A_1525 = arith.addf %add3A_1523, %mul3A_1524 : vector<16xf32>
    %jit3A_1526 = arith.constant 0.000000e+00 : f32
    %broadcast_in_dim3A_1527 = vector.broadcast %jit3A_1526 : f32 to vector<16xf32>
    %select_n3A_1528 = arith.select %lt3A_1352, %add3A_1525, %broadcast_in_dim3A_1527 : vector<16xi1>, vector<16xf32>
    %add3A_1529 = arith.addf %add3A_1470, %select_n3A_1528 : vector<16xf32>
    %get3A_1530 = arith.constant 336 : index
    %get3A_1531 = tpu.vector_load %arg13[%get3A_1530] {strides = array<i32>} : memref<576xi32, #tpu.memory_space<vmem>>, vector<16xi32>,
    %add3A_1532 = arith.constant 15360 : i32
    %add3A_1533 = vector.broadcast %add3A_1532 : i32 to vector<16xi32>
    %add3A_1534 = arith.addi %get3A_1531, %add3A_1533 : vector<16xi32>
    %gather3A_1535 = tpu.vector_load_idx %arg9[%add3A_1534] : memref<18432xf32, #tpu.memory_space<vmem>>[vector<16xi32>], vector<16xf32>,
    %add3A_1536 = arith.constant 16384 : i32
    %add3A_1537 = vector.broadcast %add3A_1536 : i32 to vector<16xi32>
    %add3A_1538 = arith.addi %get3A_1531, %add3A_1537 : vector<16xi32>
    %gather3A_1539 = tpu.vector_load_idx %arg9[%add3A_1538] : memref<18432xf32, #tpu.memory_space<vmem>>[vector<16xi32>], vector<16xf32>,
    %add3A_1540 = arith.constant 17408 : i32
    %add3A_1541 = vector.broadcast %add3A_1540 : i32 to vector<16xi32>
    %add3A_1542 = arith.addi %get3A_1531, %add3A_1541 : vector<16xi32>
    %gather3A_1543 = tpu.vector_load_idx %arg9[%add3A_1542] : memref<18432xf32, #tpu.memory_space<vmem>>[vector<16xi32>], vector<16xf32>,
    %add3A_1544 = arith.constant 12288 : i32
    %add3A_1545 = vector.broadcast %add3A_1544 : i32 to vector<16xi32>
    %add3A_1546 = arith.addi %get3A_1531, %add3A_1545 : vector<16xi32>
    %gather3A_1547 = tpu.vector_load_idx %arg9[%add3A_1546] : memref<18432xf32, #tpu.memory_space<vmem>>[vector<16xi32>], vector<16xf32>,
    %add3A_1548 = arith.constant 13312 : i32
    %add3A_1549 = vector.broadcast %add3A_1548 : i32 to vector<16xi32>
    %add3A_1550 = arith.addi %get3A_1531, %add3A_1549 : vector<16xi32>
    %gather3A_1551 = tpu.vector_load_idx %arg9[%add3A_1550] : memref<18432xf32, #tpu.memory_space<vmem>>[vector<16xi32>], vector<16xf32>,
    %add3A_1552 = arith.constant 14336 : i32
    %add3A_1553 = vector.broadcast %add3A_1552 : i32 to vector<16xi32>
    %add3A_1554 = arith.addi %get3A_1531, %add3A_1553 : vector<16xi32>
    %gather3A_1555 = tpu.vector_load_idx %arg9[%add3A_1554] : memref<18432xf32, #tpu.memory_space<vmem>>[vector<16xi32>], vector<16xf32>,
    %sub3A_1556 = arith.subf %get3A_1339, %gather3A_1535 : vector<16xf32>
    %sub3A_1557 = arith.subf %get3A_1343, %gather3A_1539 : vector<16xf32>
    %sub3A_1558 = arith.subf %get3A_1347, %gather3A_1543 : vector<16xf32>
    %sub3A_1559 = arith.subf %get3A_1327, %gather3A_1547 : vector<16xf32>
    %mul3A_1560 = arith.mulf %get3A_1291, %sub3A_1556 : vector<16xf32>
    %mul3A_1561 = arith.mulf %get3A_1295, %sub3A_1557 : vector<16xf32>
    %add3A_1562 = arith.addf %mul3A_1560, %mul3A_1561 : vector<16xf32>
    %mul3A_1563 = arith.mulf %get3A_1299, %sub3A_1558 : vector<16xf32>
    %add3A_1564 = arith.addf %add3A_1562, %mul3A_1563 : vector<16xf32>
    %sub3A_1565 = arith.subf %sub3A_1559, %add3A_1564 : vector<16xf32>
    %sub3A_1566 = arith.subf %get3A_1331, %gather3A_1551 : vector<16xf32>
    %mul3A_1567 = arith.mulf %get3A_1303, %sub3A_1556 : vector<16xf32>
    %mul3A_1568 = arith.mulf %get3A_1307, %sub3A_1557 : vector<16xf32>
    %add3A_1569 = arith.addf %mul3A_1567, %mul3A_1568 : vector<16xf32>
    %mul3A_1570 = arith.mulf %get3A_1311, %sub3A_1558 : vector<16xf32>
    %add3A_1571 = arith.addf %add3A_1569, %mul3A_1570 : vector<16xf32>
    %sub3A_1572 = arith.subf %sub3A_1566, %add3A_1571 : vector<16xf32>
    %sub3A_1573 = arith.subf %get3A_1335, %gather3A_1555 : vector<16xf32>
    %mul3A_1574 = arith.mulf %get3A_1315, %sub3A_1556 : vector<16xf32>
    %mul3A_1575 = arith.mulf %get3A_1319, %sub3A_1557 : vector<16xf32>
    %add3A_1576 = arith.addf %mul3A_1574, %mul3A_1575 : vector<16xf32>
    %mul3A_1577 = arith.mulf %get3A_1323, %sub3A_1558 : vector<16xf32>
    %add3A_1578 = arith.addf %add3A_1576, %mul3A_1577 : vector<16xf32>
    %sub3A_1579 = arith.subf %sub3A_1573, %add3A_1578 : vector<16xf32>
    %mul3A_1580 = arith.mulf %sub3A_1565, %sub3A_1565 : vector<16xf32>
    %mul3A_1581 = arith.mulf %sub3A_1572, %sub3A_1572 : vector<16xf32>
    %add3A_1582 = arith.addf %mul3A_1580, %mul3A_1581 : vector<16xf32>
    %mul3A_1583 = arith.mulf %sub3A_1579, %sub3A_1579 : vector<16xf32>
    %add3A_1584 = arith.addf %add3A_1582, %mul3A_1583 : vector<16xf32>
    %jit3A_1585 = arith.constant 0.000000e+00 : f32
    %broadcast_in_dim3A_1586 = vector.broadcast %jit3A_1585 : f32 to vector<16xf32>
    %select_n3A_1587 = arith.select %lt3A_1352, %add3A_1584, %broadcast_in_dim3A_1586 : vector<16xi1>, vector<16xf32>
    %add3A_1588 = arith.addf %add3A_1529, %select_n3A_1587 : vector<16xf32>
    %get3A_1589 = arith.constant 352 : index
    %get3A_1590 = tpu.vector_load %arg13[%get3A_1589] {strides = array<i32>} : memref<576xi32, #tpu.memory_space<vmem>>, vector<16xi32>,
    %add3A_1591 = arith.constant 15360 : i32
    %add3A_1592 = vector.broadcast %add3A_1591 : i32 to vector<16xi32>
    %add3A_1593 = arith.addi %get3A_1590, %add3A_1592 : vector<16xi32>
    %gather3A_1594 = tpu.vector_load_idx %arg9[%add3A_1593] : memref<18432xf32, #tpu.memory_space<vmem>>[vector<16xi32>], vector<16xf32>,
    %add3A_1595 = arith.constant 16384 : i32
    %add3A_1596 = vector.broadcast %add3A_1595 : i32 to vector<16xi32>
    %add3A_1597 = arith.addi %get3A_1590, %add3A_1596 : vector<16xi32>
    %gather3A_1598 = tpu.vector_load_idx %arg9[%add3A_1597] : memref<18432xf32, #tpu.memory_space<vmem>>[vector<16xi32>], vector<16xf32>,
    %add3A_1599 = arith.constant 17408 : i32
    %add3A_1600 = vector.broadcast %add3A_1599 : i32 to vector<16xi32>
    %add3A_1601 = arith.addi %get3A_1590, %add3A_1600 : vector<16xi32>
    %gather3A_1602 = tpu.vector_load_idx %arg9[%add3A_1601] : memref<18432xf32, #tpu.memory_space<vmem>>[vector<16xi32>], vector<16xf32>,
    %add3A_1603 = arith.constant 12288 : i32
    %add3A_1604 = vector.broadcast %add3A_1603 : i32 to vector<16xi32>
    %add3A_1605 = arith.addi %get3A_1590, %add3A_1604 : vector<16xi32>
    %gather3A_1606 = tpu.vector_load_idx %arg9[%add3A_1605] : memref<18432xf32, #tpu.memory_space<vmem>>[vector<16xi32>], vector<16xf32>,
    %add3A_1607 = arith.constant 13312 : i32
    %add3A_1608 = vector.broadcast %add3A_1607 : i32 to vector<16xi32>
    %add3A_1609 = arith.addi %get3A_1590, %add3A_1608 : vector<16xi32>
    %gather3A_1610 = tpu.vector_load_idx %arg9[%add3A_1609] : memref<18432xf32, #tpu.memory_space<vmem>>[vector<16xi32>], vector<16xf32>,
    %add3A_1611 = arith.constant 14336 : i32
    %add3A_1612 = vector.broadcast %add3A_1611 : i32 to vector<16xi32>
    %add3A_1613 = arith.addi %get3A_1590, %add3A_1612 : vector<16xi32>
    %gather3A_1614 = tpu.vector_load_idx %arg9[%add3A_1613] : memref<18432xf32, #tpu.memory_space<vmem>>[vector<16xi32>], vector<16xf32>,
    %sub3A_1615 = arith.subf %get3A_1339, %gather3A_1594 : vector<16xf32>
    %sub3A_1616 = arith.subf %get3A_1343, %gather3A_1598 : vector<16xf32>
    %sub3A_1617 = arith.subf %get3A_1347, %gather3A_1602 : vector<16xf32>
    %sub3A_1618 = arith.subf %get3A_1327, %gather3A_1606 : vector<16xf32>
    %mul3A_1619 = arith.mulf %get3A_1291, %sub3A_1615 : vector<16xf32>
    %mul3A_1620 = arith.mulf %get3A_1295, %sub3A_1616 : vector<16xf32>
    %add3A_1621 = arith.addf %mul3A_1619, %mul3A_1620 : vector<16xf32>
    %mul3A_1622 = arith.mulf %get3A_1299, %sub3A_1617 : vector<16xf32>
    %add3A_1623 = arith.addf %add3A_1621, %mul3A_1622 : vector<16xf32>
    %sub3A_1624 = arith.subf %sub3A_1618, %add3A_1623 : vector<16xf32>
    %sub3A_1625 = arith.subf %get3A_1331, %gather3A_1610 : vector<16xf32>
    %mul3A_1626 = arith.mulf %get3A_1303, %sub3A_1615 : vector<16xf32>
    %mul3A_1627 = arith.mulf %get3A_1307, %sub3A_1616 : vector<16xf32>
    %add3A_1628 = arith.addf %mul3A_1626, %mul3A_1627 : vector<16xf32>
    %mul3A_1629 = arith.mulf %get3A_1311, %sub3A_1617 : vector<16xf32>
    %add3A_1630 = arith.addf %add3A_1628, %mul3A_1629 : vector<16xf32>
    %sub3A_1631 = arith.subf %sub3A_1625, %add3A_1630 : vector<16xf32>
    %sub3A_1632 = arith.subf %get3A_1335, %gather3A_1614 : vector<16xf32>
    %mul3A_1633 = arith.mulf %get3A_1315, %sub3A_1615 : vector<16xf32>
    %mul3A_1634 = arith.mulf %get3A_1319, %sub3A_1616 : vector<16xf32>
    %add3A_1635 = arith.addf %mul3A_1633, %mul3A_1634 : vector<16xf32>
    %mul3A_1636 = arith.mulf %get3A_1323, %sub3A_1617 : vector<16xf32>
    %add3A_1637 = arith.addf %add3A_1635, %mul3A_1636 : vector<16xf32>
    %sub3A_1638 = arith.subf %sub3A_1632, %add3A_1637 : vector<16xf32>
    %mul3A_1639 = arith.mulf %sub3A_1624, %sub3A_1624 : vector<16xf32>
    %mul3A_1640 = arith.mulf %sub3A_1631, %sub3A_1631 : vector<16xf32>
    %add3A_1641 = arith.addf %mul3A_1639, %mul3A_1640 : vector<16xf32>
    %mul3A_1642 = arith.mulf %sub3A_1638, %sub3A_1638 : vector<16xf32>
    %add3A_1643 = arith.addf %add3A_1641, %mul3A_1642 : vector<16xf32>
    %jit3A_1644 = arith.constant 0.000000e+00 : f32
    %broadcast_in_dim3A_1645 = vector.broadcast %jit3A_1644 : f32 to vector<16xf32>
    %select_n3A_1646 = arith.select %lt3A_1352, %add3A_1643, %broadcast_in_dim3A_1645 : vector<16xi1>, vector<16xf32>
    %add3A_1647 = arith.addf %add3A_1588, %select_n3A_1646 : vector<16xf32>
    %get3A_1648 = arith.constant 368 : index
    %get3A_1649 = tpu.vector_load %arg13[%get3A_1648] {strides = array<i32>} : memref<576xi32, #tpu.memory_space<vmem>>, vector<16xi32>,
    %add3A_1650 = arith.constant 15360 : i32
    %add3A_1651 = vector.broadcast %add3A_1650 : i32 to vector<16xi32>
    %add3A_1652 = arith.addi %get3A_1649, %add3A_1651 : vector<16xi32>
    %gather3A_1653 = tpu.vector_load_idx %arg9[%add3A_1652] : memref<18432xf32, #tpu.memory_space<vmem>>[vector<16xi32>], vector<16xf32>,
    %add3A_1654 = arith.constant 16384 : i32
    %add3A_1655 = vector.broadcast %add3A_1654 : i32 to vector<16xi32>
    %add3A_1656 = arith.addi %get3A_1649, %add3A_1655 : vector<16xi32>
    %gather3A_1657 = tpu.vector_load_idx %arg9[%add3A_1656] : memref<18432xf32, #tpu.memory_space<vmem>>[vector<16xi32>], vector<16xf32>,
    %add3A_1658 = arith.constant 17408 : i32
    %add3A_1659 = vector.broadcast %add3A_1658 : i32 to vector<16xi32>
    %add3A_1660 = arith.addi %get3A_1649, %add3A_1659 : vector<16xi32>
    %gather3A_1661 = tpu.vector_load_idx %arg9[%add3A_1660] : memref<18432xf32, #tpu.memory_space<vmem>>[vector<16xi32>], vector<16xf32>,
    %add3A_1662 = arith.constant 12288 : i32
    %add3A_1663 = vector.broadcast %add3A_1662 : i32 to vector<16xi32>
    %add3A_1664 = arith.addi %get3A_1649, %add3A_1663 : vector<16xi32>
    %gather3A_1665 = tpu.vector_load_idx %arg9[%add3A_1664] : memref<18432xf32, #tpu.memory_space<vmem>>[vector<16xi32>], vector<16xf32>,
    %add3A_1666 = arith.constant 13312 : i32
    %add3A_1667 = vector.broadcast %add3A_1666 : i32 to vector<16xi32>
    %add3A_1668 = arith.addi %get3A_1649, %add3A_1667 : vector<16xi32>
    %gather3A_1669 = tpu.vector_load_idx %arg9[%add3A_1668] : memref<18432xf32, #tpu.memory_space<vmem>>[vector<16xi32>], vector<16xf32>,
    %add3A_1670 = arith.constant 14336 : i32
    %add3A_1671 = vector.broadcast %add3A_1670 : i32 to vector<16xi32>
    %add3A_1672 = arith.addi %get3A_1649, %add3A_1671 : vector<16xi32>
    %gather3A_1673 = tpu.vector_load_idx %arg9[%add3A_1672] : memref<18432xf32, #tpu.memory_space<vmem>>[vector<16xi32>], vector<16xf32>,
    %sub3A_1674 = arith.subf %get3A_1339, %gather3A_1653 : vector<16xf32>
    %sub3A_1675 = arith.subf %get3A_1343, %gather3A_1657 : vector<16xf32>
    %sub3A_1676 = arith.subf %get3A_1347, %gather3A_1661 : vector<16xf32>
    %sub3A_1677 = arith.subf %get3A_1327, %gather3A_1665 : vector<16xf32>
    %mul3A_1678 = arith.mulf %get3A_1291, %sub3A_1674 : vector<16xf32>
    %mul3A_1679 = arith.mulf %get3A_1295, %sub3A_1675 : vector<16xf32>
    %add3A_1680 = arith.addf %mul3A_1678, %mul3A_1679 : vector<16xf32>
    %mul3A_1681 = arith.mulf %get3A_1299, %sub3A_1676 : vector<16xf32>
    %add3A_1682 = arith.addf %add3A_1680, %mul3A_1681 : vector<16xf32>
    %sub3A_1683 = arith.subf %sub3A_1677, %add3A_1682 : vector<16xf32>
    %sub3A_1684 = arith.subf %get3A_1331, %gather3A_1669 : vector<16xf32>
    %mul3A_1685 = arith.mulf %get3A_1303, %sub3A_1674 : vector<16xf32>
    %mul3A_1686 = arith.mulf %get3A_1307, %sub3A_1675 : vector<16xf32>
    %add3A_1687 = arith.addf %mul3A_1685, %mul3A_1686 : vector<16xf32>
    %mul3A_1688 = arith.mulf %get3A_1311, %sub3A_1676 : vector<16xf32>
    %add3A_1689 = arith.addf %add3A_1687, %mul3A_1688 : vector<16xf32>
    %sub3A_1690 = arith.subf %sub3A_1684, %add3A_1689 : vector<16xf32>
    %sub3A_1691 = arith.subf %get3A_1335, %gather3A_1673 : vector<16xf32>
    %mul3A_1692 = arith.mulf %get3A_1315, %sub3A_1674 : vector<16xf32>
    %mul3A_1693 = arith.mulf %get3A_1319, %sub3A_1675 : vector<16xf32>
    %add3A_1694 = arith.addf %mul3A_1692, %mul3A_1693 : vector<16xf32>
    %mul3A_1695 = arith.mulf %get3A_1323, %sub3A_1676 : vector<16xf32>
    %add3A_1696 = arith.addf %add3A_1694, %mul3A_1695 : vector<16xf32>
    %sub3A_1697 = arith.subf %sub3A_1691, %add3A_1696 : vector<16xf32>
    %mul3A_1698 = arith.mulf %sub3A_1683, %sub3A_1683 : vector<16xf32>
    %mul3A_1699 = arith.mulf %sub3A_1690, %sub3A_1690 : vector<16xf32>
    %add3A_1700 = arith.addf %mul3A_1698, %mul3A_1699 : vector<16xf32>
    %mul3A_1701 = arith.mulf %sub3A_1697, %sub3A_1697 : vector<16xf32>
    %add3A_1702 = arith.addf %add3A_1700, %mul3A_1701 : vector<16xf32>
    %jit3A_1703 = arith.constant 0.000000e+00 : f32
    %broadcast_in_dim3A_1704 = vector.broadcast %jit3A_1703 : f32 to vector<16xf32>
    %select_n3A_1705 = arith.select %lt3A_1352, %add3A_1702, %broadcast_in_dim3A_1704 : vector<16xi1>, vector<16xf32>
    %add3A_1706 = arith.addf %add3A_1647, %select_n3A_1705 : vector<16xf32>
    %get3A_1707 = arith.constant 384 : index
    %get3A_1708 = tpu.vector_load %arg13[%get3A_1707] {strides = array<i32>} : memref<576xi32, #tpu.memory_space<vmem>>, vector<16xi32>,
    %add3A_1709 = arith.constant 15360 : i32
    %add3A_1710 = vector.broadcast %add3A_1709 : i32 to vector<16xi32>
    %add3A_1711 = arith.addi %get3A_1708, %add3A_1710 : vector<16xi32>
    %gather3A_1712 = tpu.vector_load_idx %arg9[%add3A_1711] : memref<18432xf32, #tpu.memory_space<vmem>>[vector<16xi32>], vector<16xf32>,
    %add3A_1713 = arith.constant 16384 : i32
    %add3A_1714 = vector.broadcast %add3A_1713 : i32 to vector<16xi32>
    %add3A_1715 = arith.addi %get3A_1708, %add3A_1714 : vector<16xi32>
    %gather3A_1716 = tpu.vector_load_idx %arg9[%add3A_1715] : memref<18432xf32, #tpu.memory_space<vmem>>[vector<16xi32>], vector<16xf32>,
    %add3A_1717 = arith.constant 17408 : i32
    %add3A_1718 = vector.broadcast %add3A_1717 : i32 to vector<16xi32>
    %add3A_1719 = arith.addi %get3A_1708, %add3A_1718 : vector<16xi32>
    %gather3A_1720 = tpu.vector_load_idx %arg9[%add3A_1719] : memref<18432xf32, #tpu.memory_space<vmem>>[vector<16xi32>], vector<16xf32>,
    %add3A_1721 = arith.constant 12288 : i32
    %add3A_1722 = vector.broadcast %add3A_1721 : i32 to vector<16xi32>
    %add3A_1723 = arith.addi %get3A_1708, %add3A_1722 : vector<16xi32>
    %gather3A_1724 = tpu.vector_load_idx %arg9[%add3A_1723] : memref<18432xf32, #tpu.memory_space<vmem>>[vector<16xi32>], vector<16xf32>,
    %add3A_1725 = arith.constant 13312 : i32
    %add3A_1726 = vector.broadcast %add3A_1725 : i32 to vector<16xi32>
    %add3A_1727 = arith.addi %get3A_1708, %add3A_1726 : vector<16xi32>
    %gather3A_1728 = tpu.vector_load_idx %arg9[%add3A_1727] : memref<18432xf32, #tpu.memory_space<vmem>>[vector<16xi32>], vector<16xf32>,
    %add3A_1729 = arith.constant 14336 : i32
    %add3A_1730 = vector.broadcast %add3A_1729 : i32 to vector<16xi32>
    %add3A_1731 = arith.addi %get3A_1708, %add3A_1730 : vector<16xi32>
    %gather3A_1732 = tpu.vector_load_idx %arg9[%add3A_1731] : memref<18432xf32, #tpu.memory_space<vmem>>[vector<16xi32>], vector<16xf32>,
    %sub3A_1733 = arith.subf %get3A_1339, %gather3A_1712 : vector<16xf32>
    %sub3A_1734 = arith.subf %get3A_1343, %gather3A_1716 : vector<16xf32>
    %sub3A_1735 = arith.subf %get3A_1347, %gather3A_1720 : vector<16xf32>
    %sub3A_1736 = arith.subf %get3A_1327, %gather3A_1724 : vector<16xf32>
    %mul3A_1737 = arith.mulf %get3A_1291, %sub3A_1733 : vector<16xf32>
    %mul3A_1738 = arith.mulf %get3A_1295, %sub3A_1734 : vector<16xf32>
    %add3A_1739 = arith.addf %mul3A_1737, %mul3A_1738 : vector<16xf32>
    %mul3A_1740 = arith.mulf %get3A_1299, %sub3A_1735 : vector<16xf32>
    %add3A_1741 = arith.addf %add3A_1739, %mul3A_1740 : vector<16xf32>
    %sub3A_1742 = arith.subf %sub3A_1736, %add3A_1741 : vector<16xf32>
    %sub3A_1743 = arith.subf %get3A_1331, %gather3A_1728 : vector<16xf32>
    %mul3A_1744 = arith.mulf %get3A_1303, %sub3A_1733 : vector<16xf32>
    %mul3A_1745 = arith.mulf %get3A_1307, %sub3A_1734 : vector<16xf32>
    %add3A_1746 = arith.addf %mul3A_1744, %mul3A_1745 : vector<16xf32>
    %mul3A_1747 = arith.mulf %get3A_1311, %sub3A_1735 : vector<16xf32>
    %add3A_1748 = arith.addf %add3A_1746, %mul3A_1747 : vector<16xf32>
    %sub3A_1749 = arith.subf %sub3A_1743, %add3A_1748 : vector<16xf32>
    %sub3A_1750 = arith.subf %get3A_1335, %gather3A_1732 : vector<16xf32>
    %mul3A_1751 = arith.mulf %get3A_1315, %sub3A_1733 : vector<16xf32>
    %mul3A_1752 = arith.mulf %get3A_1319, %sub3A_1734 : vector<16xf32>
    %add3A_1753 = arith.addf %mul3A_1751, %mul3A_1752 : vector<16xf32>
    %mul3A_1754 = arith.mulf %get3A_1323, %sub3A_1735 : vector<16xf32>
    %add3A_1755 = arith.addf %add3A_1753, %mul3A_1754 : vector<16xf32>
    %sub3A_1756 = arith.subf %sub3A_1750, %add3A_1755 : vector<16xf32>
    %mul3A_1757 = arith.mulf %sub3A_1742, %sub3A_1742 : vector<16xf32>
    %mul3A_1758 = arith.mulf %sub3A_1749, %sub3A_1749 : vector<16xf32>
    %add3A_1759 = arith.addf %mul3A_1757, %mul3A_1758 : vector<16xf32>
    %mul3A_1760 = arith.mulf %sub3A_1756, %sub3A_1756 : vector<16xf32>
    %add3A_1761 = arith.addf %add3A_1759, %mul3A_1760 : vector<16xf32>
    %jit3A_1762 = arith.constant 0.000000e+00 : f32
    %broadcast_in_dim3A_1763 = vector.broadcast %jit3A_1762 : f32 to vector<16xf32>
    %select_n3A_1764 = arith.select %lt3A_1352, %add3A_1761, %broadcast_in_dim3A_1763 : vector<16xi1>, vector<16xf32>
    %add3A_1765 = arith.addf %add3A_1706, %select_n3A_1764 : vector<16xf32>
    %get3A_1766 = arith.constant 400 : index
    %get3A_1767 = tpu.vector_load %arg13[%get3A_1766] {strides = array<i32>} : memref<576xi32, #tpu.memory_space<vmem>>, vector<16xi32>,
    %add3A_1768 = arith.constant 15360 : i32
    %add3A_1769 = vector.broadcast %add3A_1768 : i32 to vector<16xi32>
    %add3A_1770 = arith.addi %get3A_1767, %add3A_1769 : vector<16xi32>
    %gather3A_1771 = tpu.vector_load_idx %arg9[%add3A_1770] : memref<18432xf32, #tpu.memory_space<vmem>>[vector<16xi32>], vector<16xf32>,
    %add3A_1772 = arith.constant 16384 : i32
    %add3A_1773 = vector.broadcast %add3A_1772 : i32 to vector<16xi32>
    %add3A_1774 = arith.addi %get3A_1767, %add3A_1773 : vector<16xi32>
    %gather3A_1775 = tpu.vector_load_idx %arg9[%add3A_1774] : memref<18432xf32, #tpu.memory_space<vmem>>[vector<16xi32>], vector<16xf32>,
    %add3A_1776 = arith.constant 17408 : i32
    %add3A_1777 = vector.broadcast %add3A_1776 : i32 to vector<16xi32>
    %add3A_1778 = arith.addi %get3A_1767, %add3A_1777 : vector<16xi32>
    %gather3A_1779 = tpu.vector_load_idx %arg9[%add3A_1778] : memref<18432xf32, #tpu.memory_space<vmem>>[vector<16xi32>], vector<16xf32>,
    %add3A_1780 = arith.constant 12288 : i32
    %add3A_1781 = vector.broadcast %add3A_1780 : i32 to vector<16xi32>
    %add3A_1782 = arith.addi %get3A_1767, %add3A_1781 : vector<16xi32>
    %gather3A_1783 = tpu.vector_load_idx %arg9[%add3A_1782] : memref<18432xf32, #tpu.memory_space<vmem>>[vector<16xi32>], vector<16xf32>,
    %add3A_1784 = arith.constant 13312 : i32
    %add3A_1785 = vector.broadcast %add3A_1784 : i32 to vector<16xi32>
    %add3A_1786 = arith.addi %get3A_1767, %add3A_1785 : vector<16xi32>
    %gather3A_1787 = tpu.vector_load_idx %arg9[%add3A_1786] : memref<18432xf32, #tpu.memory_space<vmem>>[vector<16xi32>], vector<16xf32>,
    %add3A_1788 = arith.constant 14336 : i32
    %add3A_1789 = vector.broadcast %add3A_1788 : i32 to vector<16xi32>
    %add3A_1790 = arith.addi %get3A_1767, %add3A_1789 : vector<16xi32>
    %gather3A_1791 = tpu.vector_load_idx %arg9[%add3A_1790] : memref<18432xf32, #tpu.memory_space<vmem>>[vector<16xi32>], vector<16xf32>,
    %sub3A_1792 = arith.subf %get3A_1339, %gather3A_1771 : vector<16xf32>
    %sub3A_1793 = arith.subf %get3A_1343, %gather3A_1775 : vector<16xf32>
    %sub3A_1794 = arith.subf %get3A_1347, %gather3A_1779 : vector<16xf32>
    %sub3A_1795 = arith.subf %get3A_1327, %gather3A_1783 : vector<16xf32>
    %mul3A_1796 = arith.mulf %get3A_1291, %sub3A_1792 : vector<16xf32>
    %mul3A_1797 = arith.mulf %get3A_1295, %sub3A_1793 : vector<16xf32>
    %add3A_1798 = arith.addf %mul3A_1796, %mul3A_1797 : vector<16xf32>
    %mul3A_1799 = arith.mulf %get3A_1299, %sub3A_1794 : vector<16xf32>
    %add3A_1800 = arith.addf %add3A_1798, %mul3A_1799 : vector<16xf32>
    %sub3A_1801 = arith.subf %sub3A_1795, %add3A_1800 : vector<16xf32>
    %sub3A_1802 = arith.subf %get3A_1331, %gather3A_1787 : vector<16xf32>
    %mul3A_1803 = arith.mulf %get3A_1303, %sub3A_1792 : vector<16xf32>
    %mul3A_1804 = arith.mulf %get3A_1307, %sub3A_1793 : vector<16xf32>
    %add3A_1805 = arith.addf %mul3A_1803, %mul3A_1804 : vector<16xf32>
    %mul3A_1806 = arith.mulf %get3A_1311, %sub3A_1794 : vector<16xf32>
    %add3A_1807 = arith.addf %add3A_1805, %mul3A_1806 : vector<16xf32>
    %sub3A_1808 = arith.subf %sub3A_1802, %add3A_1807 : vector<16xf32>
    %sub3A_1809 = arith.subf %get3A_1335, %gather3A_1791 : vector<16xf32>
    %mul3A_1810 = arith.mulf %get3A_1315, %sub3A_1792 : vector<16xf32>
    %mul3A_1811 = arith.mulf %get3A_1319, %sub3A_1793 : vector<16xf32>
    %add3A_1812 = arith.addf %mul3A_1810, %mul3A_1811 : vector<16xf32>
    %mul3A_1813 = arith.mulf %get3A_1323, %sub3A_1794 : vector<16xf32>
    %add3A_1814 = arith.addf %add3A_1812, %mul3A_1813 : vector<16xf32>
    %sub3A_1815 = arith.subf %sub3A_1809, %add3A_1814 : vector<16xf32>
    %mul3A_1816 = arith.mulf %sub3A_1801, %sub3A_1801 : vector<16xf32>
    %mul3A_1817 = arith.mulf %sub3A_1808, %sub3A_1808 : vector<16xf32>
    %add3A_1818 = arith.addf %mul3A_1816, %mul3A_1817 : vector<16xf32>
    %mul3A_1819 = arith.mulf %sub3A_1815, %sub3A_1815 : vector<16xf32>
    %add3A_1820 = arith.addf %add3A_1818, %mul3A_1819 : vector<16xf32>
    %jit3A_1821 = arith.constant 0.000000e+00 : f32
    %broadcast_in_dim3A_1822 = vector.broadcast %jit3A_1821 : f32 to vector<16xf32>
    %select_n3A_1823 = arith.select %lt3A_1352, %add3A_1820, %broadcast_in_dim3A_1822 : vector<16xi1>, vector<16xf32>
    %add3A_1824 = arith.addf %add3A_1765, %select_n3A_1823 : vector<16xf32>
    %get3A_1825 = arith.constant 416 : index
    %get3A_1826 = tpu.vector_load %arg13[%get3A_1825] {strides = array<i32>} : memref<576xi32, #tpu.memory_space<vmem>>, vector<16xi32>,
    %add3A_1827 = arith.constant 15360 : i32
    %add3A_1828 = vector.broadcast %add3A_1827 : i32 to vector<16xi32>
    %add3A_1829 = arith.addi %get3A_1826, %add3A_1828 : vector<16xi32>
    %gather3A_1830 = tpu.vector_load_idx %arg9[%add3A_1829] : memref<18432xf32, #tpu.memory_space<vmem>>[vector<16xi32>], vector<16xf32>,
    %add3A_1831 = arith.constant 16384 : i32
    %add3A_1832 = vector.broadcast %add3A_1831 : i32 to vector<16xi32>
    %add3A_1833 = arith.addi %get3A_1826, %add3A_1832 : vector<16xi32>
    %gather3A_1834 = tpu.vector_load_idx %arg9[%add3A_1833] : memref<18432xf32, #tpu.memory_space<vmem>>[vector<16xi32>], vector<16xf32>,
    %add3A_1835 = arith.constant 17408 : i32
    %add3A_1836 = vector.broadcast %add3A_1835 : i32 to vector<16xi32>
    %add3A_1837 = arith.addi %get3A_1826, %add3A_1836 : vector<16xi32>
    %gather3A_1838 = tpu.vector_load_idx %arg9[%add3A_1837] : memref<18432xf32, #tpu.memory_space<vmem>>[vector<16xi32>], vector<16xf32>,
    %add3A_1839 = arith.constant 12288 : i32
    %add3A_1840 = vector.broadcast %add3A_1839 : i32 to vector<16xi32>
    %add3A_1841 = arith.addi %get3A_1826, %add3A_1840 : vector<16xi32>
    %gather3A_1842 = tpu.vector_load_idx %arg9[%add3A_1841] : memref<18432xf32, #tpu.memory_space<vmem>>[vector<16xi32>], vector<16xf32>,
    %add3A_1843 = arith.constant 13312 : i32
    %add3A_1844 = vector.broadcast %add3A_1843 : i32 to vector<16xi32>
    %add3A_1845 = arith.addi %get3A_1826, %add3A_1844 : vector<16xi32>
    %gather3A_1846 = tpu.vector_load_idx %arg9[%add3A_1845] : memref<18432xf32, #tpu.memory_space<vmem>>[vector<16xi32>], vector<16xf32>,
    %add3A_1847 = arith.constant 14336 : i32
    %add3A_1848 = vector.broadcast %add3A_1847 : i32 to vector<16xi32>
    %add3A_1849 = arith.addi %get3A_1826, %add3A_1848 : vector<16xi32>
    %gather3A_1850 = tpu.vector_load_idx %arg9[%add3A_1849] : memref<18432xf32, #tpu.memory_space<vmem>>[vector<16xi32>], vector<16xf32>,
    %sub3A_1851 = arith.subf %get3A_1339, %gather3A_1830 : vector<16xf32>
    %sub3A_1852 = arith.subf %get3A_1343, %gather3A_1834 : vector<16xf32>
    %sub3A_1853 = arith.subf %get3A_1347, %gather3A_1838 : vector<16xf32>
    %sub3A_1854 = arith.subf %get3A_1327, %gather3A_1842 : vector<16xf32>
    %mul3A_1855 = arith.mulf %get3A_1291, %sub3A_1851 : vector<16xf32>
    %mul3A_1856 = arith.mulf %get3A_1295, %sub3A_1852 : vector<16xf32>
    %add3A_1857 = arith.addf %mul3A_1855, %mul3A_1856 : vector<16xf32>
    %mul3A_1858 = arith.mulf %get3A_1299, %sub3A_1853 : vector<16xf32>
    %add3A_1859 = arith.addf %add3A_1857, %mul3A_1858 : vector<16xf32>
    %sub3A_1860 = arith.subf %sub3A_1854, %add3A_1859 : vector<16xf32>
    %sub3A_1861 = arith.subf %get3A_1331, %gather3A_1846 : vector<16xf32>
    %mul3A_1862 = arith.mulf %get3A_1303, %sub3A_1851 : vector<16xf32>
    %mul3A_1863 = arith.mulf %get3A_1307, %sub3A_1852 : vector<16xf32>
    %add3A_1864 = arith.addf %mul3A_1862, %mul3A_1863 : vector<16xf32>
    %mul3A_1865 = arith.mulf %get3A_1311, %sub3A_1853 : vector<16xf32>
    %add3A_1866 = arith.addf %add3A_1864, %mul3A_1865 : vector<16xf32>
    %sub3A_1867 = arith.subf %sub3A_1861, %add3A_1866 : vector<16xf32>
    %sub3A_1868 = arith.subf %get3A_1335, %gather3A_1850 : vector<16xf32>
    %mul3A_1869 = arith.mulf %get3A_1315, %sub3A_1851 : vector<16xf32>
    %mul3A_1870 = arith.mulf %get3A_1319, %sub3A_1852 : vector<16xf32>
    %add3A_1871 = arith.addf %mul3A_1869, %mul3A_1870 : vector<16xf32>
    %mul3A_1872 = arith.mulf %get3A_1323, %sub3A_1853 : vector<16xf32>
    %add3A_1873 = arith.addf %add3A_1871, %mul3A_1872 : vector<16xf32>
    %sub3A_1874 = arith.subf %sub3A_1868, %add3A_1873 : vector<16xf32>
    %mul3A_1875 = arith.mulf %sub3A_1860, %sub3A_1860 : vector<16xf32>
    %mul3A_1876 = arith.mulf %sub3A_1867, %sub3A_1867 : vector<16xf32>
    %add3A_1877 = arith.addf %mul3A_1875, %mul3A_1876 : vector<16xf32>
    %mul3A_1878 = arith.mulf %sub3A_1874, %sub3A_1874 : vector<16xf32>
    %add3A_1879 = arith.addf %add3A_1877, %mul3A_1878 : vector<16xf32>
    %jit3A_1880 = arith.constant 0.000000e+00 : f32
    %broadcast_in_dim3A_1881 = vector.broadcast %jit3A_1880 : f32 to vector<16xf32>
    %select_n3A_1882 = arith.select %lt3A_1352, %add3A_1879, %broadcast_in_dim3A_1881 : vector<16xi1>, vector<16xf32>
    %add3A_1883 = arith.addf %add3A_1824, %select_n3A_1882 : vector<16xf32>
    %get3A_1884 = arith.constant 432 : index
    %get3A_1885 = tpu.vector_load %arg13[%get3A_1884] {strides = array<i32>} : memref<576xi32, #tpu.memory_space<vmem>>, vector<16xi32>,
    %add3A_1886 = arith.constant 15360 : i32
    %add3A_1887 = vector.broadcast %add3A_1886 : i32 to vector<16xi32>
    %add3A_1888 = arith.addi %get3A_1885, %add3A_1887 : vector<16xi32>
    %gather3A_1889 = tpu.vector_load_idx %arg9[%add3A_1888] : memref<18432xf32, #tpu.memory_space<vmem>>[vector<16xi32>], vector<16xf32>,
    %add3A_1890 = arith.constant 16384 : i32
    %add3A_1891 = vector.broadcast %add3A_1890 : i32 to vector<16xi32>
    %add3A_1892 = arith.addi %get3A_1885, %add3A_1891 : vector<16xi32>
    %gather3A_1893 = tpu.vector_load_idx %arg9[%add3A_1892] : memref<18432xf32, #tpu.memory_space<vmem>>[vector<16xi32>], vector<16xf32>,
    %add3A_1894 = arith.constant 17408 : i32
    %add3A_1895 = vector.broadcast %add3A_1894 : i32 to vector<16xi32>
    %add3A_1896 = arith.addi %get3A_1885, %add3A_1895 : vector<16xi32>
    %gather3A_1897 = tpu.vector_load_idx %arg9[%add3A_1896] : memref<18432xf32, #tpu.memory_space<vmem>>[vector<16xi32>], vector<16xf32>,
    %add3A_1898 = arith.constant 12288 : i32
    %add3A_1899 = vector.broadcast %add3A_1898 : i32 to vector<16xi32>
    %add3A_1900 = arith.addi %get3A_1885, %add3A_1899 : vector<16xi32>
    %gather3A_1901 = tpu.vector_load_idx %arg9[%add3A_1900] : memref<18432xf32, #tpu.memory_space<vmem>>[vector<16xi32>], vector<16xf32>,
    %add3A_1902 = arith.constant 13312 : i32
    %add3A_1903 = vector.broadcast %add3A_1902 : i32 to vector<16xi32>
    %add3A_1904 = arith.addi %get3A_1885, %add3A_1903 : vector<16xi32>
    %gather3A_1905 = tpu.vector_load_idx %arg9[%add3A_1904] : memref<18432xf32, #tpu.memory_space<vmem>>[vector<16xi32>], vector<16xf32>,
    %add3A_1906 = arith.constant 14336 : i32
    %add3A_1907 = vector.broadcast %add3A_1906 : i32 to vector<16xi32>
    %add3A_1908 = arith.addi %get3A_1885, %add3A_1907 : vector<16xi32>
    %gather3A_1909 = tpu.vector_load_idx %arg9[%add3A_1908] : memref<18432xf32, #tpu.memory_space<vmem>>[vector<16xi32>], vector<16xf32>,
    %sub3A_1910 = arith.subf %get3A_1339, %gather3A_1889 : vector<16xf32>
    %sub3A_1911 = arith.subf %get3A_1343, %gather3A_1893 : vector<16xf32>
    %sub3A_1912 = arith.subf %get3A_1347, %gather3A_1897 : vector<16xf32>
    %sub3A_1913 = arith.subf %get3A_1327, %gather3A_1901 : vector<16xf32>
    %mul3A_1914 = arith.mulf %get3A_1291, %sub3A_1910 : vector<16xf32>
    %mul3A_1915 = arith.mulf %get3A_1295, %sub3A_1911 : vector<16xf32>
    %add3A_1916 = arith.addf %mul3A_1914, %mul3A_1915 : vector<16xf32>
    %mul3A_1917 = arith.mulf %get3A_1299, %sub3A_1912 : vector<16xf32>
    %add3A_1918 = arith.addf %add3A_1916, %mul3A_1917 : vector<16xf32>
    %sub3A_1919 = arith.subf %sub3A_1913, %add3A_1918 : vector<16xf32>
    %sub3A_1920 = arith.subf %get3A_1331, %gather3A_1905 : vector<16xf32>
    %mul3A_1921 = arith.mulf %get3A_1303, %sub3A_1910 : vector<16xf32>
    %mul3A_1922 = arith.mulf %get3A_1307, %sub3A_1911 : vector<16xf32>
    %add3A_1923 = arith.addf %mul3A_1921, %mul3A_1922 : vector<16xf32>
    %mul3A_1924 = arith.mulf %get3A_1311, %sub3A_1912 : vector<16xf32>
    %add3A_1925 = arith.addf %add3A_1923, %mul3A_1924 : vector<16xf32>
    %sub3A_1926 = arith.subf %sub3A_1920, %add3A_1925 : vector<16xf32>
    %sub3A_1927 = arith.subf %get3A_1335, %gather3A_1909 : vector<16xf32>
    %mul3A_1928 = arith.mulf %get3A_1315, %sub3A_1910 : vector<16xf32>
    %mul3A_1929 = arith.mulf %get3A_1319, %sub3A_1911 : vector<16xf32>
    %add3A_1930 = arith.addf %mul3A_1928, %mul3A_1929 : vector<16xf32>
    %mul3A_1931 = arith.mulf %get3A_1323, %sub3A_1912 : vector<16xf32>
    %add3A_1932 = arith.addf %add3A_1930, %mul3A_1931 : vector<16xf32>
    %sub3A_1933 = arith.subf %sub3A_1927, %add3A_1932 : vector<16xf32>
    %mul3A_1934 = arith.mulf %sub3A_1919, %sub3A_1919 : vector<16xf32>
    %mul3A_1935 = arith.mulf %sub3A_1926, %sub3A_1926 : vector<16xf32>
    %add3A_1936 = arith.addf %mul3A_1934, %mul3A_1935 : vector<16xf32>
    %mul3A_1937 = arith.mulf %sub3A_1933, %sub3A_1933 : vector<16xf32>
    %add3A_1938 = arith.addf %add3A_1936, %mul3A_1937 : vector<16xf32>
    %jit3A_1939 = arith.constant 0.000000e+00 : f32
    %broadcast_in_dim3A_1940 = vector.broadcast %jit3A_1939 : f32 to vector<16xf32>
    %select_n3A_1941 = arith.select %lt3A_1352, %add3A_1938, %broadcast_in_dim3A_1940 : vector<16xi1>, vector<16xf32>
    %add3A_1942 = arith.addf %add3A_1883, %select_n3A_1941 : vector<16xf32>
    %get3A_1943 = arith.constant 448 : index
    %get3A_1944 = tpu.vector_load %arg13[%get3A_1943] {strides = array<i32>} : memref<576xi32, #tpu.memory_space<vmem>>, vector<16xi32>,
    %add3A_1945 = arith.constant 15360 : i32
    %add3A_1946 = vector.broadcast %add3A_1945 : i32 to vector<16xi32>
    %add3A_1947 = arith.addi %get3A_1944, %add3A_1946 : vector<16xi32>
    %gather3A_1948 = tpu.vector_load_idx %arg9[%add3A_1947] : memref<18432xf32, #tpu.memory_space<vmem>>[vector<16xi32>], vector<16xf32>,
    %add3A_1949 = arith.constant 16384 : i32
    %add3A_1950 = vector.broadcast %add3A_1949 : i32 to vector<16xi32>
    %add3A_1951 = arith.addi %get3A_1944, %add3A_1950 : vector<16xi32>
    %gather3A_1952 = tpu.vector_load_idx %arg9[%add3A_1951] : memref<18432xf32, #tpu.memory_space<vmem>>[vector<16xi32>], vector<16xf32>,
    %add3A_1953 = arith.constant 17408 : i32
    %add3A_1954 = vector.broadcast %add3A_1953 : i32 to vector<16xi32>
    %add3A_1955 = arith.addi %get3A_1944, %add3A_1954 : vector<16xi32>
    %gather3A_1956 = tpu.vector_load_idx %arg9[%add3A_1955] : memref<18432xf32, #tpu.memory_space<vmem>>[vector<16xi32>], vector<16xf32>,
    %add3A_1957 = arith.constant 12288 : i32
    %add3A_1958 = vector.broadcast %add3A_1957 : i32 to vector<16xi32>
    %add3A_1959 = arith.addi %get3A_1944, %add3A_1958 : vector<16xi32>
    %gather3A_1960 = tpu.vector_load_idx %arg9[%add3A_1959] : memref<18432xf32, #tpu.memory_space<vmem>>[vector<16xi32>], vector<16xf32>,
    %add3A_1961 = arith.constant 13312 : i32
    %add3A_1962 = vector.broadcast %add3A_1961 : i32 to vector<16xi32>
    %add3A_1963 = arith.addi %get3A_1944, %add3A_1962 : vector<16xi32>
    %gather3A_1964 = tpu.vector_load_idx %arg9[%add3A_1963] : memref<18432xf32, #tpu.memory_space<vmem>>[vector<16xi32>], vector<16xf32>,
    %add3A_1965 = arith.constant 14336 : i32
    %add3A_1966 = vector.broadcast %add3A_1965 : i32 to vector<16xi32>
    %add3A_1967 = arith.addi %get3A_1944, %add3A_1966 : vector<16xi32>
    %gather3A_1968 = tpu.vector_load_idx %arg9[%add3A_1967] : memref<18432xf32, #tpu.memory_space<vmem>>[vector<16xi32>], vector<16xf32>,
    %sub3A_1969 = arith.subf %get3A_1339, %gather3A_1948 : vector<16xf32>
    %sub3A_1970 = arith.subf %get3A_1343, %gather3A_1952 : vector<16xf32>
    %sub3A_1971 = arith.subf %get3A_1347, %gather3A_1956 : vector<16xf32>
    %sub3A_1972 = arith.subf %get3A_1327, %gather3A_1960 : vector<16xf32>
    %mul3A_1973 = arith.mulf %get3A_1291, %sub3A_1969 : vector<16xf32>
    %mul3A_1974 = arith.mulf %get3A_1295, %sub3A_1970 : vector<16xf32>
    %add3A_1975 = arith.addf %mul3A_1973, %mul3A_1974 : vector<16xf32>
    %mul3A_1976 = arith.mulf %get3A_1299, %sub3A_1971 : vector<16xf32>
    %add3A_1977 = arith.addf %add3A_1975, %mul3A_1976 : vector<16xf32>
    %sub3A_1978 = arith.subf %sub3A_1972, %add3A_1977 : vector<16xf32>
    %sub3A_1979 = arith.subf %get3A_1331, %gather3A_1964 : vector<16xf32>
    %mul3A_1980 = arith.mulf %get3A_1303, %sub3A_1969 : vector<16xf32>
    %mul3A_1981 = arith.mulf %get3A_1307, %sub3A_1970 : vector<16xf32>
    %add3A_1982 = arith.addf %mul3A_1980, %mul3A_1981 : vector<16xf32>
    %mul3A_1983 = arith.mulf %get3A_1311, %sub3A_1971 : vector<16xf32>
    %add3A_1984 = arith.addf %add3A_1982, %mul3A_1983 : vector<16xf32>
    %sub3A_1985 = arith.subf %sub3A_1979, %add3A_1984 : vector<16xf32>
    %sub3A_1986 = arith.subf %get3A_1335, %gather3A_1968 : vector<16xf32>
    %mul3A_1987 = arith.mulf %get3A_1315, %sub3A_1969 : vector<16xf32>
    %mul3A_1988 = arith.mulf %get3A_1319, %sub3A_1970 : vector<16xf32>
    %add3A_1989 = arith.addf %mul3A_1987, %mul3A_1988 : vector<16xf32>
    %mul3A_1990 = arith.mulf %get3A_1323, %sub3A_1971 : vector<16xf32>
    %add3A_1991 = arith.addf %add3A_1989, %mul3A_1990 : vector<16xf32>
    %sub3A_1992 = arith.subf %sub3A_1986, %add3A_1991 : vector<16xf32>
    %mul3A_1993 = arith.mulf %sub3A_1978, %sub3A_1978 : vector<16xf32>
    %mul3A_1994 = arith.mulf %sub3A_1985, %sub3A_1985 : vector<16xf32>
    %add3A_1995 = arith.addf %mul3A_1993, %mul3A_1994 : vector<16xf32>
    %mul3A_1996 = arith.mulf %sub3A_1992, %sub3A_1992 : vector<16xf32>
    %add3A_1997 = arith.addf %add3A_1995, %mul3A_1996 : vector<16xf32>
    %jit3A_1998 = arith.constant 0.000000e+00 : f32
    %broadcast_in_dim3A_1999 = vector.broadcast %jit3A_1998 : f32 to vector<16xf32>
    %select_n3A_2000 = arith.select %lt3A_1352, %add3A_1997, %broadcast_in_dim3A_1999 : vector<16xi1>, vector<16xf32>
    %add3A_2001 = arith.addf %add3A_1942, %select_n3A_2000 : vector<16xf32>
    %get3A_2002 = arith.constant 464 : index
    %get3A_2003 = tpu.vector_load %arg13[%get3A_2002] {strides = array<i32>} : memref<576xi32, #tpu.memory_space<vmem>>, vector<16xi32>,
    %add3A_2004 = arith.constant 15360 : i32
    %add3A_2005 = vector.broadcast %add3A_2004 : i32 to vector<16xi32>
    %add3A_2006 = arith.addi %get3A_2003, %add3A_2005 : vector<16xi32>
    %gather3A_2007 = tpu.vector_load_idx %arg9[%add3A_2006] : memref<18432xf32, #tpu.memory_space<vmem>>[vector<16xi32>], vector<16xf32>,
    %add3A_2008 = arith.constant 16384 : i32
    %add3A_2009 = vector.broadcast %add3A_2008 : i32 to vector<16xi32>
    %add3A_2010 = arith.addi %get3A_2003, %add3A_2009 : vector<16xi32>
    %gather3A_2011 = tpu.vector_load_idx %arg9[%add3A_2010] : memref<18432xf32, #tpu.memory_space<vmem>>[vector<16xi32>], vector<16xf32>,
    %add3A_2012 = arith.constant 17408 : i32
    %add3A_2013 = vector.broadcast %add3A_2012 : i32 to vector<16xi32>
    %add3A_2014 = arith.addi %get3A_2003, %add3A_2013 : vector<16xi32>
    %gather3A_2015 = tpu.vector_load_idx %arg9[%add3A_2014] : memref<18432xf32, #tpu.memory_space<vmem>>[vector<16xi32>], vector<16xf32>,
    %add3A_2016 = arith.constant 12288 : i32
    %add3A_2017 = vector.broadcast %add3A_2016 : i32 to vector<16xi32>
    %add3A_2018 = arith.addi %get3A_2003, %add3A_2017 : vector<16xi32>
    %gather3A_2019 = tpu.vector_load_idx %arg9[%add3A_2018] : memref<18432xf32, #tpu.memory_space<vmem>>[vector<16xi32>], vector<16xf32>,
    %add3A_2020 = arith.constant 13312 : i32
    %add3A_2021 = vector.broadcast %add3A_2020 : i32 to vector<16xi32>
    %add3A_2022 = arith.addi %get3A_2003, %add3A_2021 : vector<16xi32>
    %gather3A_2023 = tpu.vector_load_idx %arg9[%add3A_2022] : memref<18432xf32, #tpu.memory_space<vmem>>[vector<16xi32>], vector<16xf32>,
    %add3A_2024 = arith.constant 14336 : i32
    %add3A_2025 = vector.broadcast %add3A_2024 : i32 to vector<16xi32>
    %add3A_2026 = arith.addi %get3A_2003, %add3A_2025 : vector<16xi32>
    %gather3A_2027 = tpu.vector_load_idx %arg9[%add3A_2026] : memref<18432xf32, #tpu.memory_space<vmem>>[vector<16xi32>], vector<16xf32>,
    %sub3A_2028 = arith.subf %get3A_1339, %gather3A_2007 : vector<16xf32>
    %sub3A_2029 = arith.subf %get3A_1343, %gather3A_2011 : vector<16xf32>
    %sub3A_2030 = arith.subf %get3A_1347, %gather3A_2015 : vector<16xf32>
    %sub3A_2031 = arith.subf %get3A_1327, %gather3A_2019 : vector<16xf32>
    %mul3A_2032 = arith.mulf %get3A_1291, %sub3A_2028 : vector<16xf32>
    %mul3A_2033 = arith.mulf %get3A_1295, %sub3A_2029 : vector<16xf32>
    %add3A_2034 = arith.addf %mul3A_2032, %mul3A_2033 : vector<16xf32>
    %mul3A_2035 = arith.mulf %get3A_1299, %sub3A_2030 : vector<16xf32>
    %add3A_2036 = arith.addf %add3A_2034, %mul3A_2035 : vector<16xf32>
    %sub3A_2037 = arith.subf %sub3A_2031, %add3A_2036 : vector<16xf32>
    %sub3A_2038 = arith.subf %get3A_1331, %gather3A_2023 : vector<16xf32>
    %mul3A_2039 = arith.mulf %get3A_1303, %sub3A_2028 : vector<16xf32>
    %mul3A_2040 = arith.mulf %get3A_1307, %sub3A_2029 : vector<16xf32>
    %add3A_2041 = arith.addf %mul3A_2039, %mul3A_2040 : vector<16xf32>
    %mul3A_2042 = arith.mulf %get3A_1311, %sub3A_2030 : vector<16xf32>
    %add3A_2043 = arith.addf %add3A_2041, %mul3A_2042 : vector<16xf32>
    %sub3A_2044 = arith.subf %sub3A_2038, %add3A_2043 : vector<16xf32>
    %sub3A_2045 = arith.subf %get3A_1335, %gather3A_2027 : vector<16xf32>
    %mul3A_2046 = arith.mulf %get3A_1315, %sub3A_2028 : vector<16xf32>
    %mul3A_2047 = arith.mulf %get3A_1319, %sub3A_2029 : vector<16xf32>
    %add3A_2048 = arith.addf %mul3A_2046, %mul3A_2047 : vector<16xf32>
    %mul3A_2049 = arith.mulf %get3A_1323, %sub3A_2030 : vector<16xf32>
    %add3A_2050 = arith.addf %add3A_2048, %mul3A_2049 : vector<16xf32>
    %sub3A_2051 = arith.subf %sub3A_2045, %add3A_2050 : vector<16xf32>
    %mul3A_2052 = arith.mulf %sub3A_2037, %sub3A_2037 : vector<16xf32>
    %mul3A_2053 = arith.mulf %sub3A_2044, %sub3A_2044 : vector<16xf32>
    %add3A_2054 = arith.addf %mul3A_2052, %mul3A_2053 : vector<16xf32>
    %mul3A_2055 = arith.mulf %sub3A_2051, %sub3A_2051 : vector<16xf32>
    %add3A_2056 = arith.addf %add3A_2054, %mul3A_2055 : vector<16xf32>
    %jit3A_2057 = arith.constant 0.000000e+00 : f32
    %broadcast_in_dim3A_2058 = vector.broadcast %jit3A_2057 : f32 to vector<16xf32>
    %select_n3A_2059 = arith.select %lt3A_1352, %add3A_2056, %broadcast_in_dim3A_2058 : vector<16xi1>, vector<16xf32>
    %add3A_2060 = arith.addf %add3A_2001, %select_n3A_2059 : vector<16xf32>
    %get3A_2061 = arith.constant 480 : index
    %get3A_2062 = tpu.vector_load %arg13[%get3A_2061] {strides = array<i32>} : memref<576xi32, #tpu.memory_space<vmem>>, vector<16xi32>,
    %add3A_2063 = arith.constant 15360 : i32
    %add3A_2064 = vector.broadcast %add3A_2063 : i32 to vector<16xi32>
    %add3A_2065 = arith.addi %get3A_2062, %add3A_2064 : vector<16xi32>
    %gather3A_2066 = tpu.vector_load_idx %arg9[%add3A_2065] : memref<18432xf32, #tpu.memory_space<vmem>>[vector<16xi32>], vector<16xf32>,
    %add3A_2067 = arith.constant 16384 : i32
    %add3A_2068 = vector.broadcast %add3A_2067 : i32 to vector<16xi32>
    %add3A_2069 = arith.addi %get3A_2062, %add3A_2068 : vector<16xi32>
    %gather3A_2070 = tpu.vector_load_idx %arg9[%add3A_2069] : memref<18432xf32, #tpu.memory_space<vmem>>[vector<16xi32>], vector<16xf32>,
    %add3A_2071 = arith.constant 17408 : i32
    %add3A_2072 = vector.broadcast %add3A_2071 : i32 to vector<16xi32>
    %add3A_2073 = arith.addi %get3A_2062, %add3A_2072 : vector<16xi32>
    %gather3A_2074 = tpu.vector_load_idx %arg9[%add3A_2073] : memref<18432xf32, #tpu.memory_space<vmem>>[vector<16xi32>], vector<16xf32>,
    %add3A_2075 = arith.constant 12288 : i32
    %add3A_2076 = vector.broadcast %add3A_2075 : i32 to vector<16xi32>
    %add3A_2077 = arith.addi %get3A_2062, %add3A_2076 : vector<16xi32>
    %gather3A_2078 = tpu.vector_load_idx %arg9[%add3A_2077] : memref<18432xf32, #tpu.memory_space<vmem>>[vector<16xi32>], vector<16xf32>,
    %add3A_2079 = arith.constant 13312 : i32
    %add3A_2080 = vector.broadcast %add3A_2079 : i32 to vector<16xi32>
    %add3A_2081 = arith.addi %get3A_2062, %add3A_2080 : vector<16xi32>
    %gather3A_2082 = tpu.vector_load_idx %arg9[%add3A_2081] : memref<18432xf32, #tpu.memory_space<vmem>>[vector<16xi32>], vector<16xf32>,
    %add3A_2083 = arith.constant 14336 : i32
    %add3A_2084 = vector.broadcast %add3A_2083 : i32 to vector<16xi32>
    %add3A_2085 = arith.addi %get3A_2062, %add3A_2084 : vector<16xi32>
    %gather3A_2086 = tpu.vector_load_idx %arg9[%add3A_2085] : memref<18432xf32, #tpu.memory_space<vmem>>[vector<16xi32>], vector<16xf32>,
    %sub3A_2087 = arith.subf %get3A_1339, %gather3A_2066 : vector<16xf32>
    %sub3A_2088 = arith.subf %get3A_1343, %gather3A_2070 : vector<16xf32>
    %sub3A_2089 = arith.subf %get3A_1347, %gather3A_2074 : vector<16xf32>
    %sub3A_2090 = arith.subf %get3A_1327, %gather3A_2078 : vector<16xf32>
    %mul3A_2091 = arith.mulf %get3A_1291, %sub3A_2087 : vector<16xf32>
    %mul3A_2092 = arith.mulf %get3A_1295, %sub3A_2088 : vector<16xf32>
    %add3A_2093 = arith.addf %mul3A_2091, %mul3A_2092 : vector<16xf32>
    %mul3A_2094 = arith.mulf %get3A_1299, %sub3A_2089 : vector<16xf32>
    %add3A_2095 = arith.addf %add3A_2093, %mul3A_2094 : vector<16xf32>
    %sub3A_2096 = arith.subf %sub3A_2090, %add3A_2095 : vector<16xf32>
    %sub3A_2097 = arith.subf %get3A_1331, %gather3A_2082 : vector<16xf32>
    %mul3A_2098 = arith.mulf %get3A_1303, %sub3A_2087 : vector<16xf32>
    %mul3A_2099 = arith.mulf %get3A_1307, %sub3A_2088 : vector<16xf32>
    %add3A_2100 = arith.addf %mul3A_2098, %mul3A_2099 : vector<16xf32>
    %mul3A_2101 = arith.mulf %get3A_1311, %sub3A_2089 : vector<16xf32>
    %add3A_2102 = arith.addf %add3A_2100, %mul3A_2101 : vector<16xf32>
    %sub3A_2103 = arith.subf %sub3A_2097, %add3A_2102 : vector<16xf32>
    %sub3A_2104 = arith.subf %get3A_1335, %gather3A_2086 : vector<16xf32>
    %mul3A_2105 = arith.mulf %get3A_1315, %sub3A_2087 : vector<16xf32>
    %mul3A_2106 = arith.mulf %get3A_1319, %sub3A_2088 : vector<16xf32>
    %add3A_2107 = arith.addf %mul3A_2105, %mul3A_2106 : vector<16xf32>
    %mul3A_2108 = arith.mulf %get3A_1323, %sub3A_2089 : vector<16xf32>
    %add3A_2109 = arith.addf %add3A_2107, %mul3A_2108 : vector<16xf32>
    %sub3A_2110 = arith.subf %sub3A_2104, %add3A_2109 : vector<16xf32>
    %mul3A_2111 = arith.mulf %sub3A_2096, %sub3A_2096 : vector<16xf32>
    %mul3A_2112 = arith.mulf %sub3A_2103, %sub3A_2103 : vector<16xf32>
    %add3A_2113 = arith.addf %mul3A_2111, %mul3A_2112 : vector<16xf32>
    %mul3A_2114 = arith.mulf %sub3A_2110, %sub3A_2110 : vector<16xf32>
    %add3A_2115 = arith.addf %add3A_2113, %mul3A_2114 : vector<16xf32>
    %jit3A_2116 = arith.constant 0.000000e+00 : f32
    %broadcast_in_dim3A_2117 = vector.broadcast %jit3A_2116 : f32 to vector<16xf32>
    %select_n3A_2118 = arith.select %lt3A_1352, %add3A_2115, %broadcast_in_dim3A_2117 : vector<16xi1>, vector<16xf32>
    %add3A_2119 = arith.addf %add3A_2060, %select_n3A_2118 : vector<16xf32>
    %get3A_2120 = arith.constant 496 : index
    %get3A_2121 = tpu.vector_load %arg13[%get3A_2120] {strides = array<i32>} : memref<576xi32, #tpu.memory_space<vmem>>, vector<16xi32>,
    %add3A_2122 = arith.constant 15360 : i32
    %add3A_2123 = vector.broadcast %add3A_2122 : i32 to vector<16xi32>
    %add3A_2124 = arith.addi %get3A_2121, %add3A_2123 : vector<16xi32>
    %gather3A_2125 = tpu.vector_load_idx %arg9[%add3A_2124] : memref<18432xf32, #tpu.memory_space<vmem>>[vector<16xi32>], vector<16xf32>,
    %add3A_2126 = arith.constant 16384 : i32
    %add3A_2127 = vector.broadcast %add3A_2126 : i32 to vector<16xi32>
    %add3A_2128 = arith.addi %get3A_2121, %add3A_2127 : vector<16xi32>
    %gather3A_2129 = tpu.vector_load_idx %arg9[%add3A_2128] : memref<18432xf32, #tpu.memory_space<vmem>>[vector<16xi32>], vector<16xf32>,
    %add3A_2130 = arith.constant 17408 : i32
    %add3A_2131 = vector.broadcast %add3A_2130 : i32 to vector<16xi32>
    %add3A_2132 = arith.addi %get3A_2121, %add3A_2131 : vector<16xi32>
    %gather3A_2133 = tpu.vector_load_idx %arg9[%add3A_2132] : memref<18432xf32, #tpu.memory_space<vmem>>[vector<16xi32>], vector<16xf32>,
    %add3A_2134 = arith.constant 12288 : i32
    %add3A_2135 = vector.broadcast %add3A_2134 : i32 to vector<16xi32>
    %add3A_2136 = arith.addi %get3A_2121, %add3A_2135 : vector<16xi32>
    %gather3A_2137 = tpu.vector_load_idx %arg9[%add3A_2136] : memref<18432xf32, #tpu.memory_space<vmem>>[vector<16xi32>], vector<16xf32>,
    %add3A_2138 = arith.constant 13312 : i32
    %add3A_2139 = vector.broadcast %add3A_2138 : i32 to vector<16xi32>
    %add3A_2140 = arith.addi %get3A_2121, %add3A_2139 : vector<16xi32>
    %gather3A_2141 = tpu.vector_load_idx %arg9[%add3A_2140] : memref<18432xf32, #tpu.memory_space<vmem>>[vector<16xi32>], vector<16xf32>,
    %add3A_2142 = arith.constant 14336 : i32
    %add3A_2143 = vector.broadcast %add3A_2142 : i32 to vector<16xi32>
    %add3A_2144 = arith.addi %get3A_2121, %add3A_2143 : vector<16xi32>
    %gather3A_2145 = tpu.vector_load_idx %arg9[%add3A_2144] : memref<18432xf32, #tpu.memory_space<vmem>>[vector<16xi32>], vector<16xf32>,
    %sub3A_2146 = arith.subf %get3A_1339, %gather3A_2125 : vector<16xf32>
    %sub3A_2147 = arith.subf %get3A_1343, %gather3A_2129 : vector<16xf32>
    %sub3A_2148 = arith.subf %get3A_1347, %gather3A_2133 : vector<16xf32>
    %sub3A_2149 = arith.subf %get3A_1327, %gather3A_2137 : vector<16xf32>
    %mul3A_2150 = arith.mulf %get3A_1291, %sub3A_2146 : vector<16xf32>
    %mul3A_2151 = arith.mulf %get3A_1295, %sub3A_2147 : vector<16xf32>
    %add3A_2152 = arith.addf %mul3A_2150, %mul3A_2151 : vector<16xf32>
    %mul3A_2153 = arith.mulf %get3A_1299, %sub3A_2148 : vector<16xf32>
    %add3A_2154 = arith.addf %add3A_2152, %mul3A_2153 : vector<16xf32>
    %sub3A_2155 = arith.subf %sub3A_2149, %add3A_2154 : vector<16xf32>
    %sub3A_2156 = arith.subf %get3A_1331, %gather3A_2141 : vector<16xf32>
    %mul3A_2157 = arith.mulf %get3A_1303, %sub3A_2146 : vector<16xf32>
    %mul3A_2158 = arith.mulf %get3A_1307, %sub3A_2147 : vector<16xf32>
    %add3A_2159 = arith.addf %mul3A_2157, %mul3A_2158 : vector<16xf32>
    %mul3A_2160 = arith.mulf %get3A_1311, %sub3A_2148 : vector<16xf32>
    %add3A_2161 = arith.addf %add3A_2159, %mul3A_2160 : vector<16xf32>
    %sub3A_2162 = arith.subf %sub3A_2156, %add3A_2161 : vector<16xf32>
    %sub3A_2163 = arith.subf %get3A_1335, %gather3A_2145 : vector<16xf32>
    %mul3A_2164 = arith.mulf %get3A_1315, %sub3A_2146 : vector<16xf32>
    %mul3A_2165 = arith.mulf %get3A_1319, %sub3A_2147 : vector<16xf32>
    %add3A_2166 = arith.addf %mul3A_2164, %mul3A_2165 : vector<16xf32>
    %mul3A_2167 = arith.mulf %get3A_1323, %sub3A_2148 : vector<16xf32>
    %add3A_2168 = arith.addf %add3A_2166, %mul3A_2167 : vector<16xf32>
    %sub3A_2169 = arith.subf %sub3A_2163, %add3A_2168 : vector<16xf32>
    %mul3A_2170 = arith.mulf %sub3A_2155, %sub3A_2155 : vector<16xf32>
    %mul3A_2171 = arith.mulf %sub3A_2162, %sub3A_2162 : vector<16xf32>
    %add3A_2172 = arith.addf %mul3A_2170, %mul3A_2171 : vector<16xf32>
    %mul3A_2173 = arith.mulf %sub3A_2169, %sub3A_2169 : vector<16xf32>
    %add3A_2174 = arith.addf %add3A_2172, %mul3A_2173 : vector<16xf32>
    %jit3A_2175 = arith.constant 0.000000e+00 : f32
    %broadcast_in_dim3A_2176 = vector.broadcast %jit3A_2175 : f32 to vector<16xf32>
    %select_n3A_2177 = arith.select %lt3A_1352, %add3A_2174, %broadcast_in_dim3A_2176 : vector<16xi1>, vector<16xf32>
    %add3A_2178 = arith.addf %add3A_2119, %select_n3A_2177 : vector<16xf32>
    %get3A_2179 = arith.constant 512 : index
    %get3A_2180 = tpu.vector_load %arg13[%get3A_2179] {strides = array<i32>} : memref<576xi32, #tpu.memory_space<vmem>>, vector<16xi32>,
    %add3A_2181 = arith.constant 15360 : i32
    %add3A_2182 = vector.broadcast %add3A_2181 : i32 to vector<16xi32>
    %add3A_2183 = arith.addi %get3A_2180, %add3A_2182 : vector<16xi32>
    %gather3A_2184 = tpu.vector_load_idx %arg9[%add3A_2183] : memref<18432xf32, #tpu.memory_space<vmem>>[vector<16xi32>], vector<16xf32>,
    %add3A_2185 = arith.constant 16384 : i32
    %add3A_2186 = vector.broadcast %add3A_2185 : i32 to vector<16xi32>
    %add3A_2187 = arith.addi %get3A_2180, %add3A_2186 : vector<16xi32>
    %gather3A_2188 = tpu.vector_load_idx %arg9[%add3A_2187] : memref<18432xf32, #tpu.memory_space<vmem>>[vector<16xi32>], vector<16xf32>,
    %add3A_2189 = arith.constant 17408 : i32
    %add3A_2190 = vector.broadcast %add3A_2189 : i32 to vector<16xi32>
    %add3A_2191 = arith.addi %get3A_2180, %add3A_2190 : vector<16xi32>
    %gather3A_2192 = tpu.vector_load_idx %arg9[%add3A_2191] : memref<18432xf32, #tpu.memory_space<vmem>>[vector<16xi32>], vector<16xf32>,
    %add3A_2193 = arith.constant 12288 : i32
    %add3A_2194 = vector.broadcast %add3A_2193 : i32 to vector<16xi32>
    %add3A_2195 = arith.addi %get3A_2180, %add3A_2194 : vector<16xi32>
    %gather3A_2196 = tpu.vector_load_idx %arg9[%add3A_2195] : memref<18432xf32, #tpu.memory_space<vmem>>[vector<16xi32>], vector<16xf32>,
    %add3A_2197 = arith.constant 13312 : i32
    %add3A_2198 = vector.broadcast %add3A_2197 : i32 to vector<16xi32>
    %add3A_2199 = arith.addi %get3A_2180, %add3A_2198 : vector<16xi32>
    %gather3A_2200 = tpu.vector_load_idx %arg9[%add3A_2199] : memref<18432xf32, #tpu.memory_space<vmem>>[vector<16xi32>], vector<16xf32>,
    %add3A_2201 = arith.constant 14336 : i32
    %add3A_2202 = vector.broadcast %add3A_2201 : i32 to vector<16xi32>
    %add3A_2203 = arith.addi %get3A_2180, %add3A_2202 : vector<16xi32>
    %gather3A_2204 = tpu.vector_load_idx %arg9[%add3A_2203] : memref<18432xf32, #tpu.memory_space<vmem>>[vector<16xi32>], vector<16xf32>,
    %sub3A_2205 = arith.subf %get3A_1339, %gather3A_2184 : vector<16xf32>
    %sub3A_2206 = arith.subf %get3A_1343, %gather3A_2188 : vector<16xf32>
    %sub3A_2207 = arith.subf %get3A_1347, %gather3A_2192 : vector<16xf32>
    %sub3A_2208 = arith.subf %get3A_1327, %gather3A_2196 : vector<16xf32>
    %mul3A_2209 = arith.mulf %get3A_1291, %sub3A_2205 : vector<16xf32>
    %mul3A_2210 = arith.mulf %get3A_1295, %sub3A_2206 : vector<16xf32>
    %add3A_2211 = arith.addf %mul3A_2209, %mul3A_2210 : vector<16xf32>
    %mul3A_2212 = arith.mulf %get3A_1299, %sub3A_2207 : vector<16xf32>
    %add3A_2213 = arith.addf %add3A_2211, %mul3A_2212 : vector<16xf32>
    %sub3A_2214 = arith.subf %sub3A_2208, %add3A_2213 : vector<16xf32>
    %sub3A_2215 = arith.subf %get3A_1331, %gather3A_2200 : vector<16xf32>
    %mul3A_2216 = arith.mulf %get3A_1303, %sub3A_2205 : vector<16xf32>
    %mul3A_2217 = arith.mulf %get3A_1307, %sub3A_2206 : vector<16xf32>
    %add3A_2218 = arith.addf %mul3A_2216, %mul3A_2217 : vector<16xf32>
    %mul3A_2219 = arith.mulf %get3A_1311, %sub3A_2207 : vector<16xf32>
    %add3A_2220 = arith.addf %add3A_2218, %mul3A_2219 : vector<16xf32>
    %sub3A_2221 = arith.subf %sub3A_2215, %add3A_2220 : vector<16xf32>
    %sub3A_2222 = arith.subf %get3A_1335, %gather3A_2204 : vector<16xf32>
    %mul3A_2223 = arith.mulf %get3A_1315, %sub3A_2205 : vector<16xf32>
    %mul3A_2224 = arith.mulf %get3A_1319, %sub3A_2206 : vector<16xf32>
    %add3A_2225 = arith.addf %mul3A_2223, %mul3A_2224 : vector<16xf32>
    %mul3A_2226 = arith.mulf %get3A_1323, %sub3A_2207 : vector<16xf32>
    %add3A_2227 = arith.addf %add3A_2225, %mul3A_2226 : vector<16xf32>
    %sub3A_2228 = arith.subf %sub3A_2222, %add3A_2227 : vector<16xf32>
    %mul3A_2229 = arith.mulf %sub3A_2214, %sub3A_2214 : vector<16xf32>
    %mul3A_2230 = arith.mulf %sub3A_2221, %sub3A_2221 : vector<16xf32>
    %add3A_2231 = arith.addf %mul3A_2229, %mul3A_2230 : vector<16xf32>
    %mul3A_2232 = arith.mulf %sub3A_2228, %sub3A_2228 : vector<16xf32>
    %add3A_2233 = arith.addf %add3A_2231, %mul3A_2232 : vector<16xf32>
    %jit3A_2234 = arith.constant 0.000000e+00 : f32
    %broadcast_in_dim3A_2235 = vector.broadcast %jit3A_2234 : f32 to vector<16xf32>
    %select_n3A_2236 = arith.select %lt3A_1352, %add3A_2233, %broadcast_in_dim3A_2235 : vector<16xi1>, vector<16xf32>
    %add3A_2237 = arith.addf %add3A_2178, %select_n3A_2236 : vector<16xf32>
    %get3A_2238 = arith.constant 528 : index
    %get3A_2239 = tpu.vector_load %arg13[%get3A_2238] {strides = array<i32>} : memref<576xi32, #tpu.memory_space<vmem>>, vector<16xi32>,
    %add3A_2240 = arith.constant 15360 : i32
    %add3A_2241 = vector.broadcast %add3A_2240 : i32 to vector<16xi32>
    %add3A_2242 = arith.addi %get3A_2239, %add3A_2241 : vector<16xi32>
    %gather3A_2243 = tpu.vector_load_idx %arg9[%add3A_2242] : memref<18432xf32, #tpu.memory_space<vmem>>[vector<16xi32>], vector<16xf32>,
    %add3A_2244 = arith.constant 16384 : i32
    %add3A_2245 = vector.broadcast %add3A_2244 : i32 to vector<16xi32>
    %add3A_2246 = arith.addi %get3A_2239, %add3A_2245 : vector<16xi32>
    %gather3A_2247 = tpu.vector_load_idx %arg9[%add3A_2246] : memref<18432xf32, #tpu.memory_space<vmem>>[vector<16xi32>], vector<16xf32>,
    %add3A_2248 = arith.constant 17408 : i32
    %add3A_2249 = vector.broadcast %add3A_2248 : i32 to vector<16xi32>
    %add3A_2250 = arith.addi %get3A_2239, %add3A_2249 : vector<16xi32>
    %gather3A_2251 = tpu.vector_load_idx %arg9[%add3A_2250] : memref<18432xf32, #tpu.memory_space<vmem>>[vector<16xi32>], vector<16xf32>,
    %add3A_2252 = arith.constant 12288 : i32
    %add3A_2253 = vector.broadcast %add3A_2252 : i32 to vector<16xi32>
    %add3A_2254 = arith.addi %get3A_2239, %add3A_2253 : vector<16xi32>
    %gather3A_2255 = tpu.vector_load_idx %arg9[%add3A_2254] : memref<18432xf32, #tpu.memory_space<vmem>>[vector<16xi32>], vector<16xf32>,
    %add3A_2256 = arith.constant 13312 : i32
    %add3A_2257 = vector.broadcast %add3A_2256 : i32 to vector<16xi32>
    %add3A_2258 = arith.addi %get3A_2239, %add3A_2257 : vector<16xi32>
    %gather3A_2259 = tpu.vector_load_idx %arg9[%add3A_2258] : memref<18432xf32, #tpu.memory_space<vmem>>[vector<16xi32>], vector<16xf32>,
    %add3A_2260 = arith.constant 14336 : i32
    %add3A_2261 = vector.broadcast %add3A_2260 : i32 to vector<16xi32>
    %add3A_2262 = arith.addi %get3A_2239, %add3A_2261 : vector<16xi32>
    %gather3A_2263 = tpu.vector_load_idx %arg9[%add3A_2262] : memref<18432xf32, #tpu.memory_space<vmem>>[vector<16xi32>], vector<16xf32>,
    %sub3A_2264 = arith.subf %get3A_1339, %gather3A_2243 : vector<16xf32>
    %sub3A_2265 = arith.subf %get3A_1343, %gather3A_2247 : vector<16xf32>
    %sub3A_2266 = arith.subf %get3A_1347, %gather3A_2251 : vector<16xf32>
    %sub3A_2267 = arith.subf %get3A_1327, %gather3A_2255 : vector<16xf32>
    %mul3A_2268 = arith.mulf %get3A_1291, %sub3A_2264 : vector<16xf32>
    %mul3A_2269 = arith.mulf %get3A_1295, %sub3A_2265 : vector<16xf32>
    %add3A_2270 = arith.addf %mul3A_2268, %mul3A_2269 : vector<16xf32>
    %mul3A_2271 = arith.mulf %get3A_1299, %sub3A_2266 : vector<16xf32>
    %add3A_2272 = arith.addf %add3A_2270, %mul3A_2271 : vector<16xf32>
    %sub3A_2273 = arith.subf %sub3A_2267, %add3A_2272 : vector<16xf32>
    %sub3A_2274 = arith.subf %get3A_1331, %gather3A_2259 : vector<16xf32>
    %mul3A_2275 = arith.mulf %get3A_1303, %sub3A_2264 : vector<16xf32>
    %mul3A_2276 = arith.mulf %get3A_1307, %sub3A_2265 : vector<16xf32>
    %add3A_2277 = arith.addf %mul3A_2275, %mul3A_2276 : vector<16xf32>
    %mul3A_2278 = arith.mulf %get3A_1311, %sub3A_2266 : vector<16xf32>
    %add3A_2279 = arith.addf %add3A_2277, %mul3A_2278 : vector<16xf32>
    %sub3A_2280 = arith.subf %sub3A_2274, %add3A_2279 : vector<16xf32>
    %sub3A_2281 = arith.subf %get3A_1335, %gather3A_2263 : vector<16xf32>
    %mul3A_2282 = arith.mulf %get3A_1315, %sub3A_2264 : vector<16xf32>
    %mul3A_2283 = arith.mulf %get3A_1319, %sub3A_2265 : vector<16xf32>
    %add3A_2284 = arith.addf %mul3A_2282, %mul3A_2283 : vector<16xf32>
    %mul3A_2285 = arith.mulf %get3A_1323, %sub3A_2266 : vector<16xf32>
    %add3A_2286 = arith.addf %add3A_2284, %mul3A_2285 : vector<16xf32>
    %sub3A_2287 = arith.subf %sub3A_2281, %add3A_2286 : vector<16xf32>
    %mul3A_2288 = arith.mulf %sub3A_2273, %sub3A_2273 : vector<16xf32>
    %mul3A_2289 = arith.mulf %sub3A_2280, %sub3A_2280 : vector<16xf32>
    %add3A_2290 = arith.addf %mul3A_2288, %mul3A_2289 : vector<16xf32>
    %mul3A_2291 = arith.mulf %sub3A_2287, %sub3A_2287 : vector<16xf32>
    %add3A_2292 = arith.addf %add3A_2290, %mul3A_2291 : vector<16xf32>
    %jit3A_2293 = arith.constant 0.000000e+00 : f32
    %broadcast_in_dim3A_2294 = vector.broadcast %jit3A_2293 : f32 to vector<16xf32>
    %select_n3A_2295 = arith.select %lt3A_1352, %add3A_2292, %broadcast_in_dim3A_2294 : vector<16xi1>, vector<16xf32>
    %add3A_2296 = arith.addf %add3A_2237, %select_n3A_2295 : vector<16xf32>
    %get3A_2297 = arith.constant 544 : index
    %get3A_2298 = tpu.vector_load %arg13[%get3A_2297] {strides = array<i32>} : memref<576xi32, #tpu.memory_space<vmem>>, vector<16xi32>,
    %add3A_2299 = arith.constant 15360 : i32
    %add3A_2300 = vector.broadcast %add3A_2299 : i32 to vector<16xi32>
    %add3A_2301 = arith.addi %get3A_2298, %add3A_2300 : vector<16xi32>
    %gather3A_2302 = tpu.vector_load_idx %arg9[%add3A_2301] : memref<18432xf32, #tpu.memory_space<vmem>>[vector<16xi32>], vector<16xf32>,
    %add3A_2303 = arith.constant 16384 : i32
    %add3A_2304 = vector.broadcast %add3A_2303 : i32 to vector<16xi32>
    %add3A_2305 = arith.addi %get3A_2298, %add3A_2304 : vector<16xi32>
    %gather3A_2306 = tpu.vector_load_idx %arg9[%add3A_2305] : memref<18432xf32, #tpu.memory_space<vmem>>[vector<16xi32>], vector<16xf32>,
    %add3A_2307 = arith.constant 17408 : i32
    %add3A_2308 = vector.broadcast %add3A_2307 : i32 to vector<16xi32>
    %add3A_2309 = arith.addi %get3A_2298, %add3A_2308 : vector<16xi32>
    %gather3A_2310 = tpu.vector_load_idx %arg9[%add3A_2309] : memref<18432xf32, #tpu.memory_space<vmem>>[vector<16xi32>], vector<16xf32>,
    %add3A_2311 = arith.constant 12288 : i32
    %add3A_2312 = vector.broadcast %add3A_2311 : i32 to vector<16xi32>
    %add3A_2313 = arith.addi %get3A_2298, %add3A_2312 : vector<16xi32>
    %gather3A_2314 = tpu.vector_load_idx %arg9[%add3A_2313] : memref<18432xf32, #tpu.memory_space<vmem>>[vector<16xi32>], vector<16xf32>,
    %add3A_2315 = arith.constant 13312 : i32
    %add3A_2316 = vector.broadcast %add3A_2315 : i32 to vector<16xi32>
    %add3A_2317 = arith.addi %get3A_2298, %add3A_2316 : vector<16xi32>
    %gather3A_2318 = tpu.vector_load_idx %arg9[%add3A_2317] : memref<18432xf32, #tpu.memory_space<vmem>>[vector<16xi32>], vector<16xf32>,
    %add3A_2319 = arith.constant 14336 : i32
    %add3A_2320 = vector.broadcast %add3A_2319 : i32 to vector<16xi32>
    %add3A_2321 = arith.addi %get3A_2298, %add3A_2320 : vector<16xi32>
    %gather3A_2322 = tpu.vector_load_idx %arg9[%add3A_2321] : memref<18432xf32, #tpu.memory_space<vmem>>[vector<16xi32>], vector<16xf32>,
    %sub3A_2323 = arith.subf %get3A_1339, %gather3A_2302 : vector<16xf32>
    %sub3A_2324 = arith.subf %get3A_1343, %gather3A_2306 : vector<16xf32>
    %sub3A_2325 = arith.subf %get3A_1347, %gather3A_2310 : vector<16xf32>
    %sub3A_2326 = arith.subf %get3A_1327, %gather3A_2314 : vector<16xf32>
    %mul3A_2327 = arith.mulf %get3A_1291, %sub3A_2323 : vector<16xf32>
    %mul3A_2328 = arith.mulf %get3A_1295, %sub3A_2324 : vector<16xf32>
    %add3A_2329 = arith.addf %mul3A_2327, %mul3A_2328 : vector<16xf32>
    %mul3A_2330 = arith.mulf %get3A_1299, %sub3A_2325 : vector<16xf32>
    %add3A_2331 = arith.addf %add3A_2329, %mul3A_2330 : vector<16xf32>
    %sub3A_2332 = arith.subf %sub3A_2326, %add3A_2331 : vector<16xf32>
    %sub3A_2333 = arith.subf %get3A_1331, %gather3A_2318 : vector<16xf32>
    %mul3A_2334 = arith.mulf %get3A_1303, %sub3A_2323 : vector<16xf32>
    %mul3A_2335 = arith.mulf %get3A_1307, %sub3A_2324 : vector<16xf32>
    %add3A_2336 = arith.addf %mul3A_2334, %mul3A_2335 : vector<16xf32>
    %mul3A_2337 = arith.mulf %get3A_1311, %sub3A_2325 : vector<16xf32>
    %add3A_2338 = arith.addf %add3A_2336, %mul3A_2337 : vector<16xf32>
    %sub3A_2339 = arith.subf %sub3A_2333, %add3A_2338 : vector<16xf32>
    %sub3A_2340 = arith.subf %get3A_1335, %gather3A_2322 : vector<16xf32>
    %mul3A_2341 = arith.mulf %get3A_1315, %sub3A_2323 : vector<16xf32>
    %mul3A_2342 = arith.mulf %get3A_1319, %sub3A_2324 : vector<16xf32>
    %add3A_2343 = arith.addf %mul3A_2341, %mul3A_2342 : vector<16xf32>
    %mul3A_2344 = arith.mulf %get3A_1323, %sub3A_2325 : vector<16xf32>
    %add3A_2345 = arith.addf %add3A_2343, %mul3A_2344 : vector<16xf32>
    %sub3A_2346 = arith.subf %sub3A_2340, %add3A_2345 : vector<16xf32>
    %mul3A_2347 = arith.mulf %sub3A_2332, %sub3A_2332 : vector<16xf32>
    %mul3A_2348 = arith.mulf %sub3A_2339, %sub3A_2339 : vector<16xf32>
    %add3A_2349 = arith.addf %mul3A_2347, %mul3A_2348 : vector<16xf32>
    %mul3A_2350 = arith.mulf %sub3A_2346, %sub3A_2346 : vector<16xf32>
    %add3A_2351 = arith.addf %add3A_2349, %mul3A_2350 : vector<16xf32>
    %jit3A_2352 = arith.constant 0.000000e+00 : f32
    %broadcast_in_dim3A_2353 = vector.broadcast %jit3A_2352 : f32 to vector<16xf32>
    %select_n3A_2354 = arith.select %lt3A_1352, %add3A_2351, %broadcast_in_dim3A_2353 : vector<16xi1>, vector<16xf32>
    %add3A_2355 = arith.addf %add3A_2296, %select_n3A_2354 : vector<16xf32>
    %get3A_2356 = arith.constant 560 : index
    %get3A_2357 = tpu.vector_load %arg13[%get3A_2356] {strides = array<i32>} : memref<576xi32, #tpu.memory_space<vmem>>, vector<16xi32>,
    %add3A_2358 = arith.constant 15360 : i32
    %add3A_2359 = vector.broadcast %add3A_2358 : i32 to vector<16xi32>
    %add3A_2360 = arith.addi %get3A_2357, %add3A_2359 : vector<16xi32>
    %gather3A_2361 = tpu.vector_load_idx %arg9[%add3A_2360] : memref<18432xf32, #tpu.memory_space<vmem>>[vector<16xi32>], vector<16xf32>,
    %add3A_2362 = arith.constant 16384 : i32
    %add3A_2363 = vector.broadcast %add3A_2362 : i32 to vector<16xi32>
    %add3A_2364 = arith.addi %get3A_2357, %add3A_2363 : vector<16xi32>
    %gather3A_2365 = tpu.vector_load_idx %arg9[%add3A_2364] : memref<18432xf32, #tpu.memory_space<vmem>>[vector<16xi32>], vector<16xf32>,
    %add3A_2366 = arith.constant 17408 : i32
    %add3A_2367 = vector.broadcast %add3A_2366 : i32 to vector<16xi32>
    %add3A_2368 = arith.addi %get3A_2357, %add3A_2367 : vector<16xi32>
    %gather3A_2369 = tpu.vector_load_idx %arg9[%add3A_2368] : memref<18432xf32, #tpu.memory_space<vmem>>[vector<16xi32>], vector<16xf32>,
    %add3A_2370 = arith.constant 12288 : i32
    %add3A_2371 = vector.broadcast %add3A_2370 : i32 to vector<16xi32>
    %add3A_2372 = arith.addi %get3A_2357, %add3A_2371 : vector<16xi32>
    %gather3A_2373 = tpu.vector_load_idx %arg9[%add3A_2372] : memref<18432xf32, #tpu.memory_space<vmem>>[vector<16xi32>], vector<16xf32>,
    %add3A_2374 = arith.constant 13312 : i32
    %add3A_2375 = vector.broadcast %add3A_2374 : i32 to vector<16xi32>
    %add3A_2376 = arith.addi %get3A_2357, %add3A_2375 : vector<16xi32>
    %gather3A_2377 = tpu.vector_load_idx %arg9[%add3A_2376] : memref<18432xf32, #tpu.memory_space<vmem>>[vector<16xi32>], vector<16xf32>,
    %add3A_2378 = arith.constant 14336 : i32
    %add3A_2379 = vector.broadcast %add3A_2378 : i32 to vector<16xi32>
    %add3A_2380 = arith.addi %get3A_2357, %add3A_2379 : vector<16xi32>
    %gather3A_2381 = tpu.vector_load_idx %arg9[%add3A_2380] : memref<18432xf32, #tpu.memory_space<vmem>>[vector<16xi32>], vector<16xf32>,
    %sub3A_2382 = arith.subf %get3A_1339, %gather3A_2361 : vector<16xf32>
    %sub3A_2383 = arith.subf %get3A_1343, %gather3A_2365 : vector<16xf32>
    %sub3A_2384 = arith.subf %get3A_1347, %gather3A_2369 : vector<16xf32>
    %sub3A_2385 = arith.subf %get3A_1327, %gather3A_2373 : vector<16xf32>
    %mul3A_2386 = arith.mulf %get3A_1291, %sub3A_2382 : vector<16xf32>
    %mul3A_2387 = arith.mulf %get3A_1295, %sub3A_2383 : vector<16xf32>
    %add3A_2388 = arith.addf %mul3A_2386, %mul3A_2387 : vector<16xf32>
    %mul3A_2389 = arith.mulf %get3A_1299, %sub3A_2384 : vector<16xf32>
    %add3A_2390 = arith.addf %add3A_2388, %mul3A_2389 : vector<16xf32>
    %sub3A_2391 = arith.subf %sub3A_2385, %add3A_2390 : vector<16xf32>
    %sub3A_2392 = arith.subf %get3A_1331, %gather3A_2377 : vector<16xf32>
    %mul3A_2393 = arith.mulf %get3A_1303, %sub3A_2382 : vector<16xf32>
    %mul3A_2394 = arith.mulf %get3A_1307, %sub3A_2383 : vector<16xf32>
    %add3A_2395 = arith.addf %mul3A_2393, %mul3A_2394 : vector<16xf32>
    %mul3A_2396 = arith.mulf %get3A_1311, %sub3A_2384 : vector<16xf32>
    %add3A_2397 = arith.addf %add3A_2395, %mul3A_2396 : vector<16xf32>
    %sub3A_2398 = arith.subf %sub3A_2392, %add3A_2397 : vector<16xf32>
    %sub3A_2399 = arith.subf %get3A_1335, %gather3A_2381 : vector<16xf32>
    %mul3A_2400 = arith.mulf %get3A_1315, %sub3A_2382 : vector<16xf32>
    %mul3A_2401 = arith.mulf %get3A_1319, %sub3A_2383 : vector<16xf32>
    %add3A_2402 = arith.addf %mul3A_2400, %mul3A_2401 : vector<16xf32>
    %mul3A_2403 = arith.mulf %get3A_1323, %sub3A_2384 : vector<16xf32>
    %add3A_2404 = arith.addf %add3A_2402, %mul3A_2403 : vector<16xf32>
    %sub3A_2405 = arith.subf %sub3A_2399, %add3A_2404 : vector<16xf32>
    %mul3A_2406 = arith.mulf %sub3A_2391, %sub3A_2391 : vector<16xf32>
    %mul3A_2407 = arith.mulf %sub3A_2398, %sub3A_2398 : vector<16xf32>
    %add3A_2408 = arith.addf %mul3A_2406, %mul3A_2407 : vector<16xf32>
    %mul3A_2409 = arith.mulf %sub3A_2405, %sub3A_2405 : vector<16xf32>
    %add3A_2410 = arith.addf %add3A_2408, %mul3A_2409 : vector<16xf32>
    %jit3A_2411 = arith.constant 0.000000e+00 : f32
    %broadcast_in_dim3A_2412 = vector.broadcast %jit3A_2411 : f32 to vector<16xf32>
    %select_n3A_2413 = arith.select %lt3A_1352, %add3A_2410, %broadcast_in_dim3A_2412 : vector<16xi1>, vector<16xf32>
    %add3A_2414 = arith.addf %add3A_2355, %select_n3A_2413 : vector<16xf32>
    %swap3A = arith.constant 0 : index
    %swap3A_2415 = tpu.vector_load %arg15[%swap3A] {strides = array<i32>} : memref<16xf32, #tpu.memory_space<vmem>>, vector<16xf32>,
    tpu.vector_store %arg15[%swap3A], %add3A_2414 {strides = array<i32>} : memref<16xf32, #tpu.memory_space<vmem>>, vector<16xf32>,
    %mul3A_2416 = arith.constant 16 : i32
    %mul3A_2417 = arith.muli %add3A, %mul3A_2416 : i32
    %dma_start3A_2418 = tpu.memref_slice %arg8[%mul3A_2417] : memref<512xf32, #tpu.memory_space<hbm>> -> memref<16xf32, #tpu.memory_space<hbm>>
    %dma_start3A_2419 = tpu.memref_slice %arg8[%mul3A_2417] : memref<512xf32, #tpu.memory_space<hbm>> -> memref<16xf32, #tpu.memory_space<hbm>>
    tpu.enqueue_dma source(%arg15 : memref<16xf32, #tpu.memory_space<vmem>>) target(%dma_start3A_2419 : memref<16xf32, #tpu.memory_space<hbm>>) target_semaphore(%arg16 : memref<!tpu.dma_semaphore, #tpu.memory_space<semaphore_mem>>)
    %dma_wait3A_2420 = arith.constant 0 : i32
    %dma_wait3A_2421 = tpu.memref_slice %arg14[%dma_wait3A_2420] : memref<672xf32, #tpu.memory_space<vmem>> -> memref<224xf32, #tpu.memory_space<vmem>>
    %dma_wait3A_2422 = tpu.memref_slice %arg7[%add3A_131] : memref<21504xf32, #tpu.memory_space<hbm>> -> memref<224xf32, #tpu.memory_space<hbm>>
    %dma_wait3A_2423 = tpu.memref_slice %arg7[%add3A_131] : memref<21504xf32, #tpu.memory_space<hbm>> -> memref<224xf32, #tpu.memory_space<hbm>>
    %dma_wait3A_2424 = arith.constant 0 : i32
    %dma_wait3A_2425 = tpu.memref_slice %arg14[%dma_wait3A_2424] : memref<672xf32, #tpu.memory_space<vmem>> -> memref<224xf32, #tpu.memory_space<vmem>>
    tpu.wait_dma2 semaphore(%arg16 : memref<!tpu.dma_semaphore, #tpu.memory_space<semaphore_mem>>) src(%dma_wait3A_2425 : memref<224xf32, #tpu.memory_space<vmem>>) dst(%dma_wait3A_2423 : memref<224xf32, #tpu.memory_space<hbm>>)
    %dma_wait3A_2426 = arith.constant 224 : i32
    %dma_wait3A_2427 = tpu.memref_slice %arg14[%dma_wait3A_2426] : memref<672xf32, #tpu.memory_space<vmem>> -> memref<224xf32, #tpu.memory_space<vmem>>
    %dma_wait3A_2428 = tpu.memref_slice %arg7[%add3A_139] : memref<21504xf32, #tpu.memory_space<hbm>> -> memref<224xf32, #tpu.memory_space<hbm>>
    %dma_wait3A_2429 = tpu.memref_slice %arg7[%add3A_139] : memref<21504xf32, #tpu.memory_space<hbm>> -> memref<224xf32, #tpu.memory_space<hbm>>
    %dma_wait3A_2430 = arith.constant 224 : i32
    %dma_wait3A_2431 = tpu.memref_slice %arg14[%dma_wait3A_2430] : memref<672xf32, #tpu.memory_space<vmem>> -> memref<224xf32, #tpu.memory_space<vmem>>
    tpu.wait_dma2 semaphore(%arg16 : memref<!tpu.dma_semaphore, #tpu.memory_space<semaphore_mem>>) src(%dma_wait3A_2431 : memref<224xf32, #tpu.memory_space<vmem>>) dst(%dma_wait3A_2429 : memref<224xf32, #tpu.memory_space<hbm>>)
    %dma_wait3A_2432 = arith.constant 448 : i32
    %dma_wait3A_2433 = tpu.memref_slice %arg14[%dma_wait3A_2432] : memref<672xf32, #tpu.memory_space<vmem>> -> memref<224xf32, #tpu.memory_space<vmem>>
    %dma_wait3A_2434 = tpu.memref_slice %arg7[%add3A_147] : memref<21504xf32, #tpu.memory_space<hbm>> -> memref<224xf32, #tpu.memory_space<hbm>>
    %dma_wait3A_2435 = tpu.memref_slice %arg7[%add3A_147] : memref<21504xf32, #tpu.memory_space<hbm>> -> memref<224xf32, #tpu.memory_space<hbm>>
    %dma_wait3A_2436 = arith.constant 448 : i32
    %dma_wait3A_2437 = tpu.memref_slice %arg14[%dma_wait3A_2436] : memref<672xf32, #tpu.memory_space<vmem>> -> memref<224xf32, #tpu.memory_space<vmem>>
    tpu.wait_dma2 semaphore(%arg16 : memref<!tpu.dma_semaphore, #tpu.memory_space<semaphore_mem>>) src(%dma_wait3A_2437 : memref<224xf32, #tpu.memory_space<vmem>>) dst(%dma_wait3A_2435 : memref<224xf32, #tpu.memory_space<hbm>>)
    %dma_wait3A_2438 = tpu.memref_slice %arg8[%mul3A_2417] : memref<512xf32, #tpu.memory_space<hbm>> -> memref<16xf32, #tpu.memory_space<hbm>>
    %dma_wait3A_2439 = tpu.memref_slice %arg8[%mul3A_2417] : memref<512xf32, #tpu.memory_space<hbm>> -> memref<16xf32, #tpu.memory_space<hbm>>
    tpu.wait_dma2 semaphore(%arg16 : memref<!tpu.dma_semaphore, #tpu.memory_space<semaphore_mem>>) src(%arg15 : memref<16xf32, #tpu.memory_space<vmem>>) dst(%dma_wait3A_2439 : memref<16xf32, #tpu.memory_space<hbm>>)
    return
  }
}

module attributes {stable_mosaic.version = 14 : i64} {
  func.func @_tc_body(%arg0: memref<3x8x128xf32, #tpu.memory_space<vmem>>, %arg1: memref<3x8x128xf32, #tpu.memory_space<vmem>>, %arg2: memref<3x8x128xf32, #tpu.memory_space<vmem>>, %arg3: memref<18x8x128xf32, #tpu.memory_space<vmem>>) attributes {dimension_semantics = [], scalar_prefetch = 0 : i64, scratch_operands = 0 : i64, tpu.core_type = #tpu.core_type<tc>} {
    %get3A = arith.constant 0 : index
    %get3A_0 = arith.constant 0 : index
    %get3A_1 = arith.constant 0 : index
    %get3A_2 = vector.load %arg0[%get3A, %get3A_0, %get3A_1] : memref<3x8x128xf32, #tpu.memory_space<vmem>>, vector<1x8x128xf32>
    %get3A_3 = vector.shape_cast %get3A_2 : vector<1x8x128xf32> to vector<8x128xf32>
    %get3A_4 = arith.constant 1 : index
    %get3A_5 = arith.constant 0 : index
    %get3A_6 = arith.constant 0 : index
    %get3A_7 = vector.load %arg0[%get3A_4, %get3A_5, %get3A_6] : memref<3x8x128xf32, #tpu.memory_space<vmem>>, vector<1x8x128xf32>
    %get3A_8 = vector.shape_cast %get3A_7 : vector<1x8x128xf32> to vector<8x128xf32>
    %get3A_9 = arith.constant 2 : index
    %get3A_10 = arith.constant 0 : index
    %get3A_11 = arith.constant 0 : index
    %get3A_12 = vector.load %arg0[%get3A_9, %get3A_10, %get3A_11] : memref<3x8x128xf32, #tpu.memory_space<vmem>>, vector<1x8x128xf32>
    %get3A_13 = vector.shape_cast %get3A_12 : vector<1x8x128xf32> to vector<8x128xf32>
    %add3A = arith.constant 9.99999993E-9 : f32
    %add3A_14 = vector.broadcast %add3A : f32 to vector<8x128xf32>
    %add3A_15 = arith.addf %get3A_3, %add3A_14 : vector<8x128xf32>
    %add3A_16 = arith.constant 9.99999993E-9 : f32
    %add3A_17 = vector.broadcast %add3A_16 : f32 to vector<8x128xf32>
    %add3A_18 = arith.addf %get3A_8, %add3A_17 : vector<8x128xf32>
    %add3A_19 = arith.constant 9.99999993E-9 : f32
    %add3A_20 = vector.broadcast %add3A_19 : f32 to vector<8x128xf32>
    %add3A_21 = arith.addf %get3A_13, %add3A_20 : vector<8x128xf32>
    %mul3A = arith.mulf %add3A_15, %add3A_15 : vector<8x128xf32>
    %mul3A_22 = arith.mulf %add3A_18, %add3A_18 : vector<8x128xf32>
    %add3A_23 = arith.addf %mul3A, %mul3A_22 : vector<8x128xf32>
    %mul3A_24 = arith.mulf %add3A_21, %add3A_21 : vector<8x128xf32>
    %add3A_25 = arith.addf %add3A_23, %mul3A_24 : vector<8x128xf32>
    %sqrt3A = math.sqrt %add3A_25 : vector<8x128xf32>
    %div3A = arith.divf %get3A_3, %sqrt3A : vector<8x128xf32>
    %div3A_26 = arith.divf %get3A_8, %sqrt3A : vector<8x128xf32>
    %div3A_27 = arith.divf %get3A_13, %sqrt3A : vector<8x128xf32>
    %cos3A = math.cos %sqrt3A : vector<8x128xf32>
    %sin3A = math.sin %sqrt3A : vector<8x128xf32>
    %sub3A = arith.constant 1.000000e+00 : f32
    %sub3A_28 = vector.broadcast %sub3A : f32 to vector<8x128xf32>
    %sub3A_29 = arith.subf %sub3A_28, %cos3A : vector<8x128xf32>
    %mul3A_30 = arith.mulf %sub3A_29, %div3A : vector<8x128xf32>
    %mul3A_31 = arith.mulf %mul3A_30, %div3A : vector<8x128xf32>
    %add3A_32 = arith.addf %cos3A, %mul3A_31 : vector<8x128xf32>
    %mul3A_33 = arith.mulf %sub3A_29, %div3A : vector<8x128xf32>
    %mul3A_34 = arith.mulf %mul3A_33, %div3A_26 : vector<8x128xf32>
    %mul3A_35 = arith.mulf %sin3A, %div3A_27 : vector<8x128xf32>
    %sub3A_36 = arith.subf %mul3A_34, %mul3A_35 : vector<8x128xf32>
    %mul3A_37 = arith.mulf %sub3A_29, %div3A : vector<8x128xf32>
    %mul3A_38 = arith.mulf %mul3A_37, %div3A_27 : vector<8x128xf32>
    %mul3A_39 = arith.mulf %sin3A, %div3A_26 : vector<8x128xf32>
    %add3A_40 = arith.addf %mul3A_38, %mul3A_39 : vector<8x128xf32>
    %mul3A_41 = arith.mulf %sub3A_29, %div3A : vector<8x128xf32>
    %mul3A_42 = arith.mulf %mul3A_41, %div3A_26 : vector<8x128xf32>
    %mul3A_43 = arith.mulf %sin3A, %div3A_27 : vector<8x128xf32>
    %add3A_44 = arith.addf %mul3A_42, %mul3A_43 : vector<8x128xf32>
    %mul3A_45 = arith.mulf %sub3A_29, %div3A_26 : vector<8x128xf32>
    %mul3A_46 = arith.mulf %mul3A_45, %div3A_26 : vector<8x128xf32>
    %add3A_47 = arith.addf %cos3A, %mul3A_46 : vector<8x128xf32>
    %mul3A_48 = arith.mulf %sub3A_29, %div3A_26 : vector<8x128xf32>
    %mul3A_49 = arith.mulf %mul3A_48, %div3A_27 : vector<8x128xf32>
    %mul3A_50 = arith.mulf %sin3A, %div3A : vector<8x128xf32>
    %sub3A_51 = arith.subf %mul3A_49, %mul3A_50 : vector<8x128xf32>
    %mul3A_52 = arith.mulf %sub3A_29, %div3A : vector<8x128xf32>
    %mul3A_53 = arith.mulf %mul3A_52, %div3A_27 : vector<8x128xf32>
    %mul3A_54 = arith.mulf %sin3A, %div3A_26 : vector<8x128xf32>
    %sub3A_55 = arith.subf %mul3A_53, %mul3A_54 : vector<8x128xf32>
    %mul3A_56 = arith.mulf %sub3A_29, %div3A_26 : vector<8x128xf32>
    %mul3A_57 = arith.mulf %mul3A_56, %div3A_27 : vector<8x128xf32>
    %mul3A_58 = arith.mulf %sin3A, %div3A : vector<8x128xf32>
    %add3A_59 = arith.addf %mul3A_57, %mul3A_58 : vector<8x128xf32>
    %mul3A_60 = arith.mulf %sub3A_29, %div3A_27 : vector<8x128xf32>
    %mul3A_61 = arith.mulf %mul3A_60, %div3A_27 : vector<8x128xf32>
    %add3A_62 = arith.addf %cos3A, %mul3A_61 : vector<8x128xf32>
    %get3A_63 = arith.constant 0 : index
    %get3A_64 = arith.constant 0 : index
    %get3A_65 = arith.constant 0 : index
    %get3A_66 = vector.load %arg2[%get3A_63, %get3A_64, %get3A_65] : memref<3x8x128xf32, #tpu.memory_space<vmem>>, vector<1x8x128xf32>
    %get3A_67 = vector.shape_cast %get3A_66 : vector<1x8x128xf32> to vector<8x128xf32>
    %get3A_68 = arith.constant 1 : index
    %get3A_69 = arith.constant 0 : index
    %get3A_70 = arith.constant 0 : index
    %get3A_71 = vector.load %arg2[%get3A_68, %get3A_69, %get3A_70] : memref<3x8x128xf32, #tpu.memory_space<vmem>>, vector<1x8x128xf32>
    %get3A_72 = vector.shape_cast %get3A_71 : vector<1x8x128xf32> to vector<8x128xf32>
    %get3A_73 = arith.constant 2 : index
    %get3A_74 = arith.constant 0 : index
    %get3A_75 = arith.constant 0 : index
    %get3A_76 = vector.load %arg2[%get3A_73, %get3A_74, %get3A_75] : memref<3x8x128xf32, #tpu.memory_space<vmem>>, vector<1x8x128xf32>
    %get3A_77 = vector.shape_cast %get3A_76 : vector<1x8x128xf32> to vector<8x128xf32>
    %get3A_78 = arith.constant 0 : index
    %get3A_79 = arith.constant 0 : index
    %get3A_80 = arith.constant 0 : index
    %get3A_81 = vector.load %arg1[%get3A_78, %get3A_79, %get3A_80] : memref<3x8x128xf32, #tpu.memory_space<vmem>>, vector<1x8x128xf32>
    %get3A_82 = vector.shape_cast %get3A_81 : vector<1x8x128xf32> to vector<8x128xf32>
    %add3A_83 = arith.addf %get3A_67, %get3A_82 : vector<8x128xf32>
    %get3A_84 = arith.constant 1 : index
    %get3A_85 = arith.constant 0 : index
    %get3A_86 = arith.constant 0 : index
    %get3A_87 = vector.load %arg1[%get3A_84, %get3A_85, %get3A_86] : memref<3x8x128xf32, #tpu.memory_space<vmem>>, vector<1x8x128xf32>
    %get3A_88 = vector.shape_cast %get3A_87 : vector<1x8x128xf32> to vector<8x128xf32>
    %add3A_89 = arith.addf %get3A_72, %get3A_88 : vector<8x128xf32>
    %get3A_90 = arith.constant 2 : index
    %get3A_91 = arith.constant 0 : index
    %get3A_92 = arith.constant 0 : index
    %get3A_93 = vector.load %arg1[%get3A_90, %get3A_91, %get3A_92] : memref<3x8x128xf32, #tpu.memory_space<vmem>>, vector<1x8x128xf32>
    %get3A_94 = vector.shape_cast %get3A_93 : vector<1x8x128xf32> to vector<8x128xf32>
    %add3A_95 = arith.addf %get3A_77, %get3A_94 : vector<8x128xf32>
    %swap3A = arith.constant 0 : index
    %swap3A_96 = arith.constant 0 : index
    %swap3A_97 = arith.constant 0 : index
    %swap3A_98 = vector.load %arg3[%swap3A, %swap3A_96, %swap3A_97] : memref<18x8x128xf32, #tpu.memory_space<vmem>>, vector<1x8x128xf32>
    %swap3A_99 = vector.shape_cast %swap3A_98 : vector<1x8x128xf32> to vector<8x128xf32>
    %swap3A_100 = vector.shape_cast %add3A_32 : vector<8x128xf32> to vector<1x8x128xf32>
    tpu.vector_store %arg3[%swap3A, %swap3A_96, %swap3A_97], %swap3A_100 {strides = array<i32>} : memref<18x8x128xf32, #tpu.memory_space<vmem>>, vector<1x8x128xf32>,
    %swap3A_101 = arith.constant 1 : index
    %swap3A_102 = arith.constant 0 : index
    %swap3A_103 = arith.constant 0 : index
    %swap3A_104 = vector.load %arg3[%swap3A_101, %swap3A_102, %swap3A_103] : memref<18x8x128xf32, #tpu.memory_space<vmem>>, vector<1x8x128xf32>
    %swap3A_105 = vector.shape_cast %swap3A_104 : vector<1x8x128xf32> to vector<8x128xf32>
    %swap3A_106 = vector.shape_cast %sub3A_36 : vector<8x128xf32> to vector<1x8x128xf32>
    tpu.vector_store %arg3[%swap3A_101, %swap3A_102, %swap3A_103], %swap3A_106 {strides = array<i32>} : memref<18x8x128xf32, #tpu.memory_space<vmem>>, vector<1x8x128xf32>,
    %swap3A_107 = arith.constant 2 : index
    %swap3A_108 = arith.constant 0 : index
    %swap3A_109 = arith.constant 0 : index
    %swap3A_110 = vector.load %arg3[%swap3A_107, %swap3A_108, %swap3A_109] : memref<18x8x128xf32, #tpu.memory_space<vmem>>, vector<1x8x128xf32>
    %swap3A_111 = vector.shape_cast %swap3A_110 : vector<1x8x128xf32> to vector<8x128xf32>
    %swap3A_112 = vector.shape_cast %add3A_40 : vector<8x128xf32> to vector<1x8x128xf32>
    tpu.vector_store %arg3[%swap3A_107, %swap3A_108, %swap3A_109], %swap3A_112 {strides = array<i32>} : memref<18x8x128xf32, #tpu.memory_space<vmem>>, vector<1x8x128xf32>,
    %swap3A_113 = arith.constant 3 : index
    %swap3A_114 = arith.constant 0 : index
    %swap3A_115 = arith.constant 0 : index
    %swap3A_116 = vector.load %arg3[%swap3A_113, %swap3A_114, %swap3A_115] : memref<18x8x128xf32, #tpu.memory_space<vmem>>, vector<1x8x128xf32>
    %swap3A_117 = vector.shape_cast %swap3A_116 : vector<1x8x128xf32> to vector<8x128xf32>
    %swap3A_118 = vector.shape_cast %add3A_44 : vector<8x128xf32> to vector<1x8x128xf32>
    tpu.vector_store %arg3[%swap3A_113, %swap3A_114, %swap3A_115], %swap3A_118 {strides = array<i32>} : memref<18x8x128xf32, #tpu.memory_space<vmem>>, vector<1x8x128xf32>,
    %swap3A_119 = arith.constant 4 : index
    %swap3A_120 = arith.constant 0 : index
    %swap3A_121 = arith.constant 0 : index
    %swap3A_122 = vector.load %arg3[%swap3A_119, %swap3A_120, %swap3A_121] : memref<18x8x128xf32, #tpu.memory_space<vmem>>, vector<1x8x128xf32>
    %swap3A_123 = vector.shape_cast %swap3A_122 : vector<1x8x128xf32> to vector<8x128xf32>
    %swap3A_124 = vector.shape_cast %add3A_47 : vector<8x128xf32> to vector<1x8x128xf32>
    tpu.vector_store %arg3[%swap3A_119, %swap3A_120, %swap3A_121], %swap3A_124 {strides = array<i32>} : memref<18x8x128xf32, #tpu.memory_space<vmem>>, vector<1x8x128xf32>,
    %swap3A_125 = arith.constant 5 : index
    %swap3A_126 = arith.constant 0 : index
    %swap3A_127 = arith.constant 0 : index
    %swap3A_128 = vector.load %arg3[%swap3A_125, %swap3A_126, %swap3A_127] : memref<18x8x128xf32, #tpu.memory_space<vmem>>, vector<1x8x128xf32>
    %swap3A_129 = vector.shape_cast %swap3A_128 : vector<1x8x128xf32> to vector<8x128xf32>
    %swap3A_130 = vector.shape_cast %sub3A_51 : vector<8x128xf32> to vector<1x8x128xf32>
    tpu.vector_store %arg3[%swap3A_125, %swap3A_126, %swap3A_127], %swap3A_130 {strides = array<i32>} : memref<18x8x128xf32, #tpu.memory_space<vmem>>, vector<1x8x128xf32>,
    %swap3A_131 = arith.constant 6 : index
    %swap3A_132 = arith.constant 0 : index
    %swap3A_133 = arith.constant 0 : index
    %swap3A_134 = vector.load %arg3[%swap3A_131, %swap3A_132, %swap3A_133] : memref<18x8x128xf32, #tpu.memory_space<vmem>>, vector<1x8x128xf32>
    %swap3A_135 = vector.shape_cast %swap3A_134 : vector<1x8x128xf32> to vector<8x128xf32>
    %swap3A_136 = vector.shape_cast %sub3A_55 : vector<8x128xf32> to vector<1x8x128xf32>
    tpu.vector_store %arg3[%swap3A_131, %swap3A_132, %swap3A_133], %swap3A_136 {strides = array<i32>} : memref<18x8x128xf32, #tpu.memory_space<vmem>>, vector<1x8x128xf32>,
    %swap3A_137 = arith.constant 7 : index
    %swap3A_138 = arith.constant 0 : index
    %swap3A_139 = arith.constant 0 : index
    %swap3A_140 = vector.load %arg3[%swap3A_137, %swap3A_138, %swap3A_139] : memref<18x8x128xf32, #tpu.memory_space<vmem>>, vector<1x8x128xf32>
    %swap3A_141 = vector.shape_cast %swap3A_140 : vector<1x8x128xf32> to vector<8x128xf32>
    %swap3A_142 = vector.shape_cast %add3A_59 : vector<8x128xf32> to vector<1x8x128xf32>
    tpu.vector_store %arg3[%swap3A_137, %swap3A_138, %swap3A_139], %swap3A_142 {strides = array<i32>} : memref<18x8x128xf32, #tpu.memory_space<vmem>>, vector<1x8x128xf32>,
    %swap3A_143 = arith.constant 8 : index
    %swap3A_144 = arith.constant 0 : index
    %swap3A_145 = arith.constant 0 : index
    %swap3A_146 = vector.load %arg3[%swap3A_143, %swap3A_144, %swap3A_145] : memref<18x8x128xf32, #tpu.memory_space<vmem>>, vector<1x8x128xf32>
    %swap3A_147 = vector.shape_cast %swap3A_146 : vector<1x8x128xf32> to vector<8x128xf32>
    %swap3A_148 = vector.shape_cast %add3A_62 : vector<8x128xf32> to vector<1x8x128xf32>
    tpu.vector_store %arg3[%swap3A_143, %swap3A_144, %swap3A_145], %swap3A_148 {strides = array<i32>} : memref<18x8x128xf32, #tpu.memory_space<vmem>>, vector<1x8x128xf32>,
    %mul3A_149 = arith.mulf %add3A_32, %get3A_67 : vector<8x128xf32>
    %mul3A_150 = arith.mulf %sub3A_36, %get3A_72 : vector<8x128xf32>
    %add3A_151 = arith.addf %mul3A_149, %mul3A_150 : vector<8x128xf32>
    %mul3A_152 = arith.mulf %add3A_40, %get3A_77 : vector<8x128xf32>
    %add3A_153 = arith.addf %add3A_151, %mul3A_152 : vector<8x128xf32>
    %sub3A_154 = arith.subf %add3A_83, %add3A_153 : vector<8x128xf32>
    %swap3A_155 = arith.constant 9 : index
    %swap3A_156 = arith.constant 0 : index
    %swap3A_157 = arith.constant 0 : index
    %swap3A_158 = vector.load %arg3[%swap3A_155, %swap3A_156, %swap3A_157] : memref<18x8x128xf32, #tpu.memory_space<vmem>>, vector<1x8x128xf32>
    %swap3A_159 = vector.shape_cast %swap3A_158 : vector<1x8x128xf32> to vector<8x128xf32>
    %swap3A_160 = vector.shape_cast %sub3A_154 : vector<8x128xf32> to vector<1x8x128xf32>
    tpu.vector_store %arg3[%swap3A_155, %swap3A_156, %swap3A_157], %swap3A_160 {strides = array<i32>} : memref<18x8x128xf32, #tpu.memory_space<vmem>>, vector<1x8x128xf32>,
    %mul3A_161 = arith.mulf %add3A_44, %get3A_67 : vector<8x128xf32>
    %mul3A_162 = arith.mulf %add3A_47, %get3A_72 : vector<8x128xf32>
    %add3A_163 = arith.addf %mul3A_161, %mul3A_162 : vector<8x128xf32>
    %mul3A_164 = arith.mulf %sub3A_51, %get3A_77 : vector<8x128xf32>
    %add3A_165 = arith.addf %add3A_163, %mul3A_164 : vector<8x128xf32>
    %sub3A_166 = arith.subf %add3A_89, %add3A_165 : vector<8x128xf32>
    %swap3A_167 = arith.constant 10 : index
    %swap3A_168 = arith.constant 0 : index
    %swap3A_169 = arith.constant 0 : index
    %swap3A_170 = vector.load %arg3[%swap3A_167, %swap3A_168, %swap3A_169] : memref<18x8x128xf32, #tpu.memory_space<vmem>>, vector<1x8x128xf32>
    %swap3A_171 = vector.shape_cast %swap3A_170 : vector<1x8x128xf32> to vector<8x128xf32>
    %swap3A_172 = vector.shape_cast %sub3A_166 : vector<8x128xf32> to vector<1x8x128xf32>
    tpu.vector_store %arg3[%swap3A_167, %swap3A_168, %swap3A_169], %swap3A_172 {strides = array<i32>} : memref<18x8x128xf32, #tpu.memory_space<vmem>>, vector<1x8x128xf32>,
    %mul3A_173 = arith.mulf %sub3A_55, %get3A_67 : vector<8x128xf32>
    %mul3A_174 = arith.mulf %add3A_59, %get3A_72 : vector<8x128xf32>
    %add3A_175 = arith.addf %mul3A_173, %mul3A_174 : vector<8x128xf32>
    %mul3A_176 = arith.mulf %add3A_62, %get3A_77 : vector<8x128xf32>
    %add3A_177 = arith.addf %add3A_175, %mul3A_176 : vector<8x128xf32>
    %sub3A_178 = arith.subf %add3A_95, %add3A_177 : vector<8x128xf32>
    %swap3A_179 = arith.constant 11 : index
    %swap3A_180 = arith.constant 0 : index
    %swap3A_181 = arith.constant 0 : index
    %swap3A_182 = vector.load %arg3[%swap3A_179, %swap3A_180, %swap3A_181] : memref<18x8x128xf32, #tpu.memory_space<vmem>>, vector<1x8x128xf32>
    %swap3A_183 = vector.shape_cast %swap3A_182 : vector<1x8x128xf32> to vector<8x128xf32>
    %swap3A_184 = vector.shape_cast %sub3A_178 : vector<8x128xf32> to vector<1x8x128xf32>
    tpu.vector_store %arg3[%swap3A_179, %swap3A_180, %swap3A_181], %swap3A_184 {strides = array<i32>} : memref<18x8x128xf32, #tpu.memory_space<vmem>>, vector<1x8x128xf32>,
    %swap3A_185 = arith.constant 12 : index
    %swap3A_186 = arith.constant 0 : index
    %swap3A_187 = arith.constant 0 : index
    %swap3A_188 = vector.load %arg3[%swap3A_185, %swap3A_186, %swap3A_187] : memref<18x8x128xf32, #tpu.memory_space<vmem>>, vector<1x8x128xf32>
    %swap3A_189 = vector.shape_cast %swap3A_188 : vector<1x8x128xf32> to vector<8x128xf32>
    %swap3A_190 = vector.shape_cast %add3A_83 : vector<8x128xf32> to vector<1x8x128xf32>
    tpu.vector_store %arg3[%swap3A_185, %swap3A_186, %swap3A_187], %swap3A_190 {strides = array<i32>} : memref<18x8x128xf32, #tpu.memory_space<vmem>>, vector<1x8x128xf32>,
    %swap3A_191 = arith.constant 13 : index
    %swap3A_192 = arith.constant 0 : index
    %swap3A_193 = arith.constant 0 : index
    %swap3A_194 = vector.load %arg3[%swap3A_191, %swap3A_192, %swap3A_193] : memref<18x8x128xf32, #tpu.memory_space<vmem>>, vector<1x8x128xf32>
    %swap3A_195 = vector.shape_cast %swap3A_194 : vector<1x8x128xf32> to vector<8x128xf32>
    %swap3A_196 = vector.shape_cast %add3A_89 : vector<8x128xf32> to vector<1x8x128xf32>
    tpu.vector_store %arg3[%swap3A_191, %swap3A_192, %swap3A_193], %swap3A_196 {strides = array<i32>} : memref<18x8x128xf32, #tpu.memory_space<vmem>>, vector<1x8x128xf32>,
    %swap3A_197 = arith.constant 14 : index
    %swap3A_198 = arith.constant 0 : index
    %swap3A_199 = arith.constant 0 : index
    %swap3A_200 = vector.load %arg3[%swap3A_197, %swap3A_198, %swap3A_199] : memref<18x8x128xf32, #tpu.memory_space<vmem>>, vector<1x8x128xf32>
    %swap3A_201 = vector.shape_cast %swap3A_200 : vector<1x8x128xf32> to vector<8x128xf32>
    %swap3A_202 = vector.shape_cast %add3A_95 : vector<8x128xf32> to vector<1x8x128xf32>
    tpu.vector_store %arg3[%swap3A_197, %swap3A_198, %swap3A_199], %swap3A_202 {strides = array<i32>} : memref<18x8x128xf32, #tpu.memory_space<vmem>>, vector<1x8x128xf32>,
    %swap3A_203 = arith.constant 15 : index
    %swap3A_204 = arith.constant 0 : index
    %swap3A_205 = arith.constant 0 : index
    %swap3A_206 = vector.load %arg3[%swap3A_203, %swap3A_204, %swap3A_205] : memref<18x8x128xf32, #tpu.memory_space<vmem>>, vector<1x8x128xf32>
    %swap3A_207 = vector.shape_cast %swap3A_206 : vector<1x8x128xf32> to vector<8x128xf32>
    %swap3A_208 = vector.shape_cast %get3A_67 : vector<8x128xf32> to vector<1x8x128xf32>
    tpu.vector_store %arg3[%swap3A_203, %swap3A_204, %swap3A_205], %swap3A_208 {strides = array<i32>} : memref<18x8x128xf32, #tpu.memory_space<vmem>>, vector<1x8x128xf32>,
    %swap3A_209 = arith.constant 16 : index
    %swap3A_210 = arith.constant 0 : index
    %swap3A_211 = arith.constant 0 : index
    %swap3A_212 = vector.load %arg3[%swap3A_209, %swap3A_210, %swap3A_211] : memref<18x8x128xf32, #tpu.memory_space<vmem>>, vector<1x8x128xf32>
    %swap3A_213 = vector.shape_cast %swap3A_212 : vector<1x8x128xf32> to vector<8x128xf32>
    %swap3A_214 = vector.shape_cast %get3A_72 : vector<8x128xf32> to vector<1x8x128xf32>
    tpu.vector_store %arg3[%swap3A_209, %swap3A_210, %swap3A_211], %swap3A_214 {strides = array<i32>} : memref<18x8x128xf32, #tpu.memory_space<vmem>>, vector<1x8x128xf32>,
    %swap3A_215 = arith.constant 17 : index
    %swap3A_216 = arith.constant 0 : index
    %swap3A_217 = arith.constant 0 : index
    %swap3A_218 = vector.load %arg3[%swap3A_215, %swap3A_216, %swap3A_217] : memref<18x8x128xf32, #tpu.memory_space<vmem>>, vector<1x8x128xf32>
    %swap3A_219 = vector.shape_cast %swap3A_218 : vector<1x8x128xf32> to vector<8x128xf32>
    %swap3A_220 = vector.shape_cast %get3A_77 : vector<8x128xf32> to vector<1x8x128xf32>
    tpu.vector_store %arg3[%swap3A_215, %swap3A_216, %swap3A_217], %swap3A_220 {strides = array<i32>} : memref<18x8x128xf32, #tpu.memory_space<vmem>>, vector<1x8x128xf32>,
    return
  }
}

</mosaic_0001>

<sc_bundles>
// kernel: kernel.5.cloned.1.call-start
scs
__scs_entry_jumppad:
0x0: {  	(pc) =	sbr.rel $0x88, $3  }
0x1: {  	(tag) =	ssettag $0x0;
	lr =	simm.s32 $0x1  }
0x2: {  	[smem:$0x3F9A] =	sst lr;
	_ =	strace $0xD0000000  }
0x3: {  	_ = 	snop  }
0x4: {  	_ = 	snop  }
0x5: {  	_ = 	snop  }
0x6: {  	_ = 	snop  }
0x7: {  	_ = 	snop  }
__scs_overlays_trampoline_lowered:
0x8: {  	[smem:$0x3FA9] =	sst s0  }
0x9: {  	[smem:$0x3FAA] =	sst s1  }
0xa: {  	[smem:$0x3FAB] =	sst s2  }
0xb: {  	[smem:$0x3FAC] =	sst s3  }
0xc: {  	[smem:$0x3FAD] =	sst s4  }
0xd: {  	[smem:$0x3FAE] =	sst s5  }
0xe: {  	[smem:$0x3FAF] =	sst s6  }
0xf: {  	[smem:$0x3FB0] =	sst s7  }
0x10: {  	[smem:$0x3FB1] =	sst s8  }
0x11: {  	[smem:$0x3FB2] =	sst s9;
	s0 =	simm.s32 @!p0 $0x0  }
0x12: {  	s1 =	sld [smem:$0x3F98];
	s0 =	simm.s32 @p0 $0x1  }
0x13: {  	[smem:$0x3FB3] =	sst s0;
	s0 =	simm.s32 @!p1 $0x0  }
0x14: {  	s2 =	sld [smem:$0x3F97];
	s0 =	simm.s32 @p1 $0x1  }
0x15: {  	[smem:$0x3FB4] =	sst s0;
	s0 =	simm.s32 @!p2 $0x0  }
0x16: {  	s3 =	sld [smem:$0x3FDB];
	s0 =	simm.s32 @p2 $0x1  }
0x17: {  	s4 =	simm.s32 $0x1BF5;
	[smem:$0x3FB6] =	sst s0  }
0x18: {  	s0 =	sld [smem:$0x3F99];
	_ =	swait.ge [sflag:s4], $0x0  }
0x19: {  	s7 =	sld [smem:$0x3F9A]  }
0x1a: {  	s8 =	sadd.s32 $0xFFFFE003, lr  }
0x1b: {  	s9 =	sadd.s32 $0xFFFFFEF7, lr;
	s5 =	simm.s32 $0xFFFFFFFF;
	p2 =	slt.u32 s8, $0xFFFFF086  }
0x1c: {  	p1 =	slt.u32 s9, $0xF7A;
	s5 =	simm.s32 @!p2 $0x0  }
0x1d: {  	s5 =	simm.s32 @p1 $0x1;
	p0 =	seq.s32 s7, s2  }
0x1e: {  	s7 =	smul.u32 @!p0 $0xF7A, s2;
	p2 =	seq.s32 @!p0 s5, $0x0  }
0x1f: {  	s9 =	smul.u32 $0xF7A, s1;
	s8 =	simm.s32 @!p0 $0x1BF5;
	p2 =	por !p2, p0  }
0x20: {  	[sflag:s8] =	ssyncset.s32 @!p0 $0xFFFFF086;
	s6 =	sadd.s32 @!p0 s3, s7;
	s7 =	simm.s32 @!p0 $0x108  }
0x21: {  	s3 =	sadd.s32 s3, s9;
	s6 =	sadd.s32 @!p0 $0x88, s6;
	s7 =	simm.s32 @p2 $0x1082  }
0x22: {  	[simem:s7], [sflag:s8] =	dma.local @!p0 [hbm:s6], $0xF7A  }
0x23: {  	s9 =	sor.u32 $0xD0000000, s2;
	s6 =	simm.s32 $0x108;
	_ =	swait.ge @!p0 [sflag:s8], $0x0  }
0x24: {  	s3 =	sadd.s32 $0x88, s3;
	s6 =	simm.s32 @!p1 $0x1082;
	[sflag:s4] =	ssyncset.s32 $0xFFFFF086  }
0x25: {  	[simem:s6], [sflag:s4] =	dma.local [hbm:s3], $0xF7A  }
0x26: {  	[smem:$0x3F9A] =	sst s1;
	(tag) =	ssettag s2;
	_ =	strace s9  }
0x27: {  	s1 =	sld [smem:$0x3FAA]  }
0x28: {  	s2 =	sld [smem:$0x3FAB]  }
0x29: {  	s4 =	sld [smem:$0x3FAD]  }
0x2a: {  	p0 =	seq.s32 s5, $0x0;
	s5 =	sld [smem:$0x3FAE]  }
0x2b: {  	s6 =	sld [smem:$0x3FAF]  }
0x2c: {  	s7 =	sld [smem:$0x3FB0]  }
0x2d: {  	s3 =	simm.s32 $0x108;
	s8 =	sld [smem:$0x3FB1]  }
0x2e: {  	s3 =	simm.s32 @!p0 $0x1082;
	s9 =	sld [smem:$0x3FB2]  }
0x2f: {  	lr =	sadd.s32 s0, s3;
	s0 =	sld [smem:$0x3FA9]  }
0x30: {  	s3 =	sld [smem:$0x3FAC]  }
0x31: {  	[smem:$0x3FB5] =	sst s10  }
0x32: {  	s10 =	sld [smem:$0x3FB3];
	_ =	sdelay $0x3  }
0x33: {  	p0 =	seq.s32 s10, $0x1;
	s10 =	sld [smem:$0x3FB5];
	_ =	sdelay $0x3  }
0x34: {  	[smem:$0x3FB5] =	sst s10  }
0x35: {  	s10 =	sld [smem:$0x3FB4];
	_ =	sdelay $0x3  }
0x36: {  	p1 =	seq.s32 s10, $0x1;
	s10 =	sld [smem:$0x3FB5];
	_ =	sdelay $0x3  }
0x37: {  	[smem:$0x3FB5] =	sst s10  }
0x38: {  	s10 =	sld [smem:$0x3FB6]  }
0x39: {  	_ = 	snop;
	(pc) =	sbr.ind lr, $3  }
0x3a: {  	_ = 	snop  }
0x3b: {  	_ = 	snop  }
0x3c: {  	p2 =	seq.s32 s10, $0x1;
	s10 =	sld [smem:$0x3FB5]  }
0x3d: {  	_ =	shalt  }
0x3e: {  	_ =	shalt  }
0x3f: {  	_ =	shalt  }
0x40: {  	_ =	shalt  }
0x41: {  	_ =	shalt  }
0x42: {  	_ =	shalt  }
0x43: {  	_ =	shalt  }
0x44: {  	_ =	shalt  }
0x45: {  	_ =	shalt  }
0x46: {  	_ =	shalt  }
0x47: {  	_ =	shalt  }
0x48: {  	_ =	shalt  }
0x49: {  	_ =	shalt  }
0x4a: {  	_ =	shalt  }
0x4b: {  	_ =	shalt  }
0x4c: {  	_ =	shalt  }
0x4d: {  	_ =	shalt  }
0x4e: {  	_ =	shalt  }
0x4f: {  	_ =	shalt  }
0x50: {  	_ =	shalt  }
0x51: {  	_ =	shalt  }
0x52: {  	_ =	shalt  }
0x53: {  	_ =	shalt  }
0x54: {  	_ =	shalt  }
0x55: {  	_ =	shalt  }
0x56: {  	_ =	shalt  }
0x57: {  	_ =	shalt  }
0x58: {  	_ =	shalt  }
0x59: {  	_ =	shalt  }
0x5a: {  	_ =	shalt  }
0x5b: {  	_ =	shalt  }
0x5c: {  	_ =	shalt  }
0x5d: {  	_ =	shalt  }
0x5e: {  	_ =	shalt  }
0x5f: {  	_ =	shalt  }
0x60: {  	_ =	shalt  }
0x61: {  	_ =	shalt  }
0x62: {  	_ =	shalt  }
0x63: {  	_ =	shalt  }
0x64: {  	_ =	shalt  }
0x65: {  	_ =	shalt  }
0x66: {  	_ =	shalt  }
0x67: {  	_ =	shalt  }
0x68: {  	_ =	shalt  }
0x69: {  	_ =	shalt  }
0x6a: {  	_ =	shalt  }
0x6b: {  	_ =	shalt  }
0x6c: {  	_ =	shalt  }
0x6d: {  	_ =	shalt  }
0x6e: {  	_ =	shalt  }
0x6f: {  	_ =	shalt  }
0x70: {  	_ =	shalt  }
0x71: {  	_ =	shalt  }
0x72: {  	_ =	shalt  }
0x73: {  	_ =	shalt  }
0x74: {  	_ =	shalt  }
0x75: {  	_ =	shalt  }
0x76: {  	_ =	shalt  }
0x77: {  	_ =	shalt  }
0x78: {  	_ =	shalt  }
0x79: {  	_ =	shalt  }
0x7a: {  	_ =	shalt  }
0x7b: {  	_ =	shalt  }
0x7c: {  	_ =	shalt  }
0x7d: {  	_ =	shalt  }
0x7e: {  	_ =	shalt  }
0x7f: {  	_ =	shalt  }
0x80: {  	_ =	shalt  }
0x81: {  	_ =	shalt  }
0x82: {  	_ =	shalt  }
0x83: {  	_ =	shalt  }
0x84: {  	_ =	shalt  }
0x85: {  	_ =	shalt  }
0x86: {  	_ =	shalt  }
0x87: {  	_ =	shalt  }
.Lfunc_end0:
.L_simem_size_0:
called_computation_lowered:
.L_overlay_start_0:
0x88: {  	s2 =	sld [smem:$0x3FD9]  }
0x89: {  	s3 =	sld [smem:$0x3FFE];
	_ =	sdelay $0x1  }
0x8a: {  	s1 =	srdreg.scid  }
0x8b: {  	s0 =	sand.u32 $0x1, s1  }
0x8c: {  	s14 =	sshll.u32 s0, $0xA;
	s2 =	sadd.s32 s3, s2  }
0x8d: {  	s2 =	sadd.s32 s2, s14  }
0x8e: {  	[smem:$0x3FC1] =	sst s2  }
0x8f: {  	_ = 	snop  }
0x90: {  	s2 =	sld [smem:$0x3FD0];
	_ =	sdelay $0x2  }
0x91: {  	s15 =	simm.s32 $0xA;
	s4 =	simm.s32 $0x10  }
0x92: {  	[smem:s4], [sflag:s15] =	dma.local [hbm:s2], $0x1  }
0x93: {  	_ =	swait.eq [sflag:s15], $0x1  }
0x94: {  	[sflag:s15] =	ssyncset.done $0x0  }
0x95: {  	[sflag:s15] =	ssyncadd.s32 $0xFFFFFFFF  }
0x96: {  	s16 =	sld [smem:$0x10];
	(tm) =	ssettm $0x1  }
0x97: {  	s17 =	sld [smem:$0x3FFB];
	_ =	sdelay $0x3  }
0x98: {  	_ =	strace s17  }
0x99: {  	s3 =	sld [smem:$0x3FFC];
	_ =	sdelay $0x3  }
0x9a: {  	_ =	strace s3  }
0x9b: {  	s3 =	sld [smem:$0x3FFD];
	_ =	sdelay $0x3  }
0x9c: {  	_ =	strace s3  }
0x9d: {  	_ =	strace $0x8FFFFFFF  }
0x9e: {  	s18 =	sld [smem:$0x3FDB];
	_ =	sdelay $0x1  }
0x9f: {  	s19 =	simm.s32 $_scs_section_size  }
0xa0: {  	s5 =	simm.s32 $_size__tile_overlayer_lowered;
	s6 =	simm.s32 $_tile_overlayer_lowered  }
0xa1: {  	s22 =	simm.s32 $0x1BFF;
	s21 =	sshll.u32 s6, $0x1;
	s3 =	sadd.s32 s19, s18  }
0xa2: {  	s7 =	simm.s32 $0x0;
	s20 =	sshll.u32 s5, $0x1;
	s5 =	sadd.s32 s21, s3  }
0xa3: {  	[timem:s7], [sflag:s22] =	dma.local [hbm:s5], s20  }
0xa4: {  	_ =	swait.ge [sflag:s22], s20  }
0xa5: {  	s4 =	ssub.s32 $0x0, s20;
	[sflag:s22] =	ssyncset.done $0x0  }
0xa6: {  	[sflag:s22] =	ssyncadd.s32 s4;
	_ =	sdelay $0x1  }
0xa7: {  	s23 =	simm.s32 $0x1B8B  }
0xa8: {  	_ =	swait.ge [sflag:s23], $0x1  }
0xa9: {  	[sflag:s23] =	ssyncset.done $0x0  }
0xaa: {  	s25 =	simm.s32 $0x1B8E;
	s24 =	sld [smem:$0x3FFE];
	[sflag:s23] =	ssyncadd.s32 $0xFFFFFFFF  }
0xab: {  	s26 =	simm.s32 $execute0_lowered;
	[smem:$0x3FD2] =	sst s25  }
0xac: {  	s5 =	sshll.u32 s26, $0x1;
	_ =	strace $0x80000046;
	[dreg:$0x1] =	wrdreg $0xFFFFFFFF  }
0xad: {  	s28 =	simm.s32 $_size_execute0_lowered;
	s3 =	sadd.s32 s3, s5;
	[dreg:$0x0] =	wrdreg $0x0  }
0xae: {  	s5 =	sshll.u32 s28, $0x1;
	[dreg:$0x2] =	wrdreg s3  }
0xaf: {  	[dreg:$0x3] =	wrdreg s5  }
0xb0: {  	[dreg:$0x4] =	wrdreg $0xC0  }
0xb1: {  	_ =	task [dreg:s7], $0x5FFFF  }
0xb2: {  	[dreg:$0x1] =	wrdreg $0xFFFFFFFF  }
0xb3: {  	[dreg:$0x0] =	wrdreg $0x60  }
0xb4: {  	[dreg:$0x2] =	wrdreg s24  }
0xb5: {  	[dreg:$0x3] =	wrdreg s16  }
0xb6: {  	[dreg:$0x4] =	wrdreg $0x9  }
0xb7: {  	_ =	task.clear_ibuf [dreg:s7], $0x5FFFF;
	_ =	strace $0x90000046  }
0xb8: {  	s29 =	simm.s32 $0x9;
	_ =	strace $0x80000048  }
0xb9: {  	_ =	swait.ge [sflag:s29], $0x1  }
0xba: {  	[sflag:s29] =	ssyncadd.s32 $0xFFFFFFFF  }
0xbb: {  	_ =	strace $0x90000048  }
0xbc: {  	_ =	sfence  }
0xbd: {  	s30 =	sld [smem:$0x0];
	_ =	sdelay $0x2  }
0xbe: {  	s31 =	sshll.u32 s1, $0xD;
	s1 =	sshrl.u32 s1, $0x2  }
0xbf: {  	s3 =	sand.u32 $0x4000, s31;
	s1 =	sadd.s32 s1, s30  }
0xc0: {  	s0 =	sor.u32 s3, s0;
	s1 =	sshll.u32 s1, $0x11  }
0xc1: {  	s0 =	sor.u32 s1, s0  }
0xc2: {  	s0 =	sadd.s32 $0x8F2B, s0  }
0xc3: {  	[sflag:s0] =	ssyncadd.remote.s32 $0x1  }
0xc4: {  	_ =	sfence.sel $0xFFFF  }
0xc5: {  	[dreg:$0x0] =	wrdreg $0xFFFFFFFF;
	(pc) =	sbr.abs _section_cstart, $3  }
0xc6: {  	[dreg:$0x1] =	wrdreg $0xFFFFFFFF  }
0xc7: {  	_ =	task.clear_ibuf [dreg:s7], $0x2FFFF;
	_ =	strace $0x9FFFFFFF  }
0xc8: {  	(tm) =	ssettm $0x7FFFFFFF  }
0xc9: {  	_ =	shalt  }
tec
execute0_lowered:
.L_overlay_start_1:
0x0: {  	(tag) =	ssettag $0x1  }
0x1: {  	s4 =	rddreg [dreg:$0x0]  }
0x2: {  	s7 =	rddreg [dreg:$0x1];
	s2 =	srdreg.scid  }
0x3: {  	s0 =	rddreg [dreg:$0x2];
	s1 =	stileid.u32;
	s13 =	sand.u32 $0x1, s2  }
0x4: {  	s2 =	simm.s32 $0x0;
	s3 =	sshll.u32 s1, $0x3;
	s5 =	sshll.u32 s13, $0x2  }
0x5: {  	[smem:$0x7FF] =	sst s2;
	s8 =	sor.u32 s5, s3  }
0x6: {  	_ =	strace $0x80000047;
	s3 =	sadd.s32 $0xE00, s4;
	s4 =	sadd.s32 s8, s4  }
0x7: {  	[tilespmem:s2], [sflag:$0x1] =	stream.linear.gather [hbm4b:s3+s2], $0x5400, $0x38;
	[tilespmem:$0x5500] =	vst v63  }
0x8: {  	s6 =	simm.s32 $0x5400;
	s5 =	simm.s32 $0x1;
	s4 =	sadd.s32 $0x1A00, s4  }
0x9: {  	[tilespmem:s6], [sflag:$0x1] =	stream.linear.gather [hbm4b:s4+s2], $0x20, $0x38;
	[tilespmem:$0x5500] =	vst v63  }
0xa: {  	_ =	swait.ge [sflag:s5], $0x5400  }
0xb: {  	[sflag:s5] =	ssyncset.done $0x0  }
0xc: {  	[sflag:s5] =	ssyncadd.s32 $0xFFFFAC00  }
0xd: {  	_ =	swait.ge [sflag:s5], $0x20  }
0xe: {  	[sflag:s5] =	ssyncset.done $0x0  }
0xf: {  	[sflag:s5] =	ssyncadd.s32 $0xFFFFFFE0  }
0x10: {  	v0 =	vld [tilespmem:$0x5400];
	_ =	sdelay $0x7  }
0x11: {  	v1 =	vld.idx.msk [tilespmem:v0+s2+$0x0], $0xffff  }
0x12: {  	v2 =	vadd.s32 $0x1C00, v0;
	_ =	sdelay $0x3  }
0x13: {  	[tilespmem:$0x5480] =	vst v1  }
0x14: {  	v1 =	vld.idx.msk [tilespmem:v2+s2+$0x0], $0xffff  }
0x15: {  	v0 =	vadd.s32 $0x3800, v0;
	_ =	sdelay $0x2  }
0x16: {  	v61 =	vld [tilespmem:$0x5410]  }
0x17: {  	[tilespmem:$0x54A0] =	vst v1  }
0x18: {  	v0 =	vld.idx.msk [tilespmem:v0+s2+$0x0], $0xffff;
	_ =	sdelay $0x4  }
0x19: {  	[tilespmem:$0x54C0] =	vst v0  }
0x1a: {  	v0 =	vld.idx.msk [tilespmem:v61+s2+$0x0], $0xffff  }
0x1b: {  	v62 =	vadd.s32 $0x1C00, v61;
	_ =	sdelay $0x3  }
0x1c: {  	[tilespmem:$0x5490] =	vst v0  }
0x1d: {  	v0 =	vld.idx.msk [tilespmem:v62+s2+$0x0], $0xffff  }
0x1e: {  	v63 =	vadd.s32 $0x3800, v61;
	_ =	sdelay $0x3  }
0x1f: {  	[tilespmem:$0x54B0] =	vst v0  }
0x20: {  	v0 =	vld.idx.msk [tilespmem:v63+s2+$0x0], $0xffff;
	_ =	sdelay $0x4  }
0x21: {  	s7 =	sadd.s32 s7, s8;
	s8 =	simm.s32 $0x5480;
	[tilespmem:$0x54D0] =	vst v0  }
0x22: {  	[hbm4b:s7+s2] =	stream.linear.scatter [tilespmem:s8], [sflag:$0x1], $0x20, $0x38;
	[tilespmem:$0x5500] =	vst v63  }
0x23: {  	s10 =	simm.s32 $0x54A0;
	s13 =	ssub.s32 $0x2, s13;
	s9 =	sadd.s32 $0x80, s7  }
0x24: {  	[hbm4b:s9+s2] =	stream.linear.scatter [tilespmem:s10], [sflag:$0x1], $0x20, $0x38;
	[tilespmem:$0x5500] =	vst v63  }
0x25: {  	s12 =	simm.s32 $0x54C0;
	s14 =	sshrl.u32 s13, $0x1;
	s11 =	sadd.s32 $0x100, s7  }
0x26: {  	[hbm4b:s11+s2] =	stream.linear.scatter [tilespmem:s12], [sflag:$0x1], $0x20, $0x38;
	[tilespmem:$0x5500] =	vst v63  }
0x27: {  	s13 =	ssub.s32 s13, s14;
	_ =	swait.ge [sflag:s5], $0x20  }
0x28: {  	s13 =	smax.u32 s13, $0x1;
	[sflag:s5] =	ssyncset.done $0x0  }
0x29: {  	p0 =	sne.s32 s13, $0x1;
	[sflag:s5] =	ssyncadd.s32 $0xFFFFFFE0  }
.Ltmp0:
0x2a: {  	_ =	swait.ge [sflag:s5], $0x20;
	(pc) =	sbr.rel @!p0 .LBB2_2-.Ltmp0, $4  }
0x2b: {  	[sflag:s5] =	ssyncset.done $0x0  }
0x2c: {  	[sflag:s5] =	ssyncadd.s32 $0xFFFFFFE0  }
0x2d: {  	_ =	swait.ge [sflag:s5], $0x20  }
0x2e: {  	s13 =	sadd.s32 $0xFFFFFFFF, s13;
	[sflag:s5] =	ssyncset.done $0x0  }
.LBB2_1:
0x2f: {  	p0 =	sne.s32 s13, $0x1;
	s13 =	sadd.s32 $0xFFFFFFFF, s13;
	[sflag:s5] =	ssyncadd.s32 $0xFFFFFFE0  }
0x30: {  	[tilespmem:s2], [sflag:$0x1] =	stream.linear.gather [hbm4b:s3+s2], $0x5400, $0x38;
	[tilespmem:$0x5500] =	vst v63  }
0x31: {  	_ = 	snop  }
0x32: {  	[tilespmem:s6], [sflag:$0x1] =	stream.linear.gather [hbm4b:s4+s2], $0x20, $0x38;
	[tilespmem:$0x5500] =	vst v63  }
0x33: {  	_ =	swait.ge [sflag:s5], $0x5400  }
0x34: {  	[sflag:s5] =	ssyncset.done $0x0  }
0x35: {  	[sflag:s5] =	ssyncadd.s32 $0xFFFFAC00  }
0x36: {  	_ =	swait.ge [sflag:s5], $0x20  }
0x37: {  	[sflag:s5] =	ssyncset.done $0x0  }
0x38: {  	[sflag:s5] =	ssyncadd.s32 $0xFFFFFFE0  }
0x39: {  	v0 =	vld [tilespmem:$0x5400];
	_ =	sdelay $0x7  }
0x3a: {  	v1 =	vld.idx.msk [tilespmem:v0+s2+$0x0], $0xffff;
	_ =	sdelay $0x1  }
0x3b: {  	v2 =	vadd.s32 $0x1C00, v0;
	_ =	sdelay $0x3  }
0x3c: {  	[tilespmem:$0x5480] =	vst v1  }
0x3d: {  	v1 =	vld.idx.msk [tilespmem:v2+s2+$0x0], $0xffff;
	_ =	sdelay $0x1  }
0x3e: {  	v0 =	vadd.s32 $0x3800, v0;
	_ =	sdelay $0x3  }
0x3f: {  	[tilespmem:$0x54A0] =	vst v1;
	v1 =	vld [tilespmem:$0x5410]  }
0x40: {  	v0 =	vld.idx.msk [tilespmem:v0+s2+$0x0], $0xffff;
	_ =	sdelay $0x5  }
0x41: {  	[tilespmem:$0x54C0] =	vst v0  }
0x42: {  	v0 =	vld.idx.msk [tilespmem:v1+s2+$0x0], $0xffff;
	_ =	sdelay $0x1  }
0x43: {  	v2 =	vadd.s32 $0x1C00, v1;
	_ =	sdelay $0x3  }
0x44: {  	[tilespmem:$0x5490] =	vst v0  }
0x45: {  	v0 =	vld.idx.msk [tilespmem:v2+s2+$0x0], $0xffff;
	_ =	sdelay $0x1  }
0x46: {  	v1 =	vadd.s32 $0x3800, v1;
	_ =	sdelay $0x3  }
0x47: {  	[tilespmem:$0x54B0] =	vst v0  }
0x48: {  	v0 =	vld.idx.msk [tilespmem:v1+s2+$0x0], $0xffff;
	_ =	sdelay $0x5  }
0x49: {  	[tilespmem:$0x54D0] =	vst v0  }
0x4a: {  	[hbm4b:s7+s2] =	stream.linear.scatter [tilespmem:s8], [sflag:$0x1], $0x20, $0x38;
	[tilespmem:$0x5500] =	vst v63  }
0x4b: {  	_ = 	snop  }
0x4c: {  	[hbm4b:s9+s2] =	stream.linear.scatter [tilespmem:s10], [sflag:$0x1], $0x20, $0x38;
	[tilespmem:$0x5500] =	vst v63  }
0x4d: {  	_ = 	snop  }
0x4e: {  	[hbm4b:s11+s2] =	stream.linear.scatter [tilespmem:s12], [sflag:$0x1], $0x20, $0x38;
	[tilespmem:$0x5500] =	vst v63  }
0x4f: {  	_ =	swait.ge [sflag:s5], $0x20  }
0x50: {  	[sflag:s5] =	ssyncset.done $0x0  }
0x51: {  	[sflag:s5] =	ssyncadd.s32 $0xFFFFFFE0  }
.Ltmp1:
0x52: {  	_ =	swait.ge [sflag:s5], $0x20;
	(pc) =	sbr.rel @p0 .LBB2_1-.Ltmp1, $4  }
0x53: {  	[sflag:s5] =	ssyncset.done $0x0  }
0x54: {  	[sflag:s5] =	ssyncadd.s32 $0xFFFFFFE0  }
0x55: {  	_ =	swait.ge [sflag:s5], $0x20  }
0x56: {  	[sflag:s5] =	ssyncset.done $0x0  }
.LBB2_2:
0x57: {  	[sflag:s5] =	ssyncadd.s32 $0xFFFFFFE0  }
0x58: {  	_ =	sfence.sel $0x180000  }
0x59: {  	[bflag:$0x0] =	sbarrier.arrive $0xFFFF  }
0x5a: {  	p0 =	sne.s32 s1, $0x0;
	_ =	strace $0x90000047  }
0x5b: {  	s0 =	sadd.s32 @!p0 $0x100000, s0;
	[bflag:$0x2] =	sbarrier.arrive $0xFFFF  }
0x5c: {  	[sflag:s0] =	ssyncadd.tile.s32 @!p0 $0x1;
	_ =	shalt  }
.Lfunc_end2:
_tile_overlayer_lowered:
.L_overlay_start_2:
0x5d: {  	(tag) =	ssettag $0x2  }
0x5e: {  	s0 =	rddreg [dreg:$0x0];
	s2 =	stileid.u32  }
0x5f: {  	s1 =	rddreg [dreg:$0x1];
	p0 =	sne.s32 s2, $0x0  }
0x60: {  	s3 =	rddreg [dreg:$0x2];
	[bflag:$0x3] =	sbarrier.arrive $0xFFFF;
	s2 =	simm.s32 @!p0 $0x1C02  }
0x61: {  	[timem:s3], [sflag:s2] =	dma.local @!p0 [hbm:s0], s1  }
0x62: {  	s0 =	simm.s32 @!p0 $0x2  }
0x63: {  	_ =	swait.ge @!p0 [sflag:s0], s1  }
0x64: {  	s1 =	ssub.s32 @!p0 $0x0, s1;
	[sflag:s0] =	ssyncset.done @!p0 $0x0  }
0x65: {  	[sflag:s0] =	ssyncadd.s32 @!p0 s1  }
0x66: {  	[bflag:$0x3] =	sbarrier.arrive $0xFFFF  }
0x67: {  	_ =	shalt  }

// kernel: kernel.8.cloned.1.call-start
scs
__scs_entry_jumppad:
0x0: {  	(pc) =	sbr.rel $0x88, $3  }
0x1: {  	(tag) =	ssettag $0x0;
	lr =	simm.s32 $0x1  }
0x2: {  	[smem:$0x3F9A] =	sst lr;
	_ =	strace $0xD0000000  }
0x3: {  	_ = 	snop  }
0x4: {  	_ = 	snop  }
0x5: {  	_ = 	snop  }
0x6: {  	_ = 	snop  }
0x7: {  	_ = 	snop  }
__scs_overlays_trampoline_lowered:
0x8: {  	[smem:$0x3FA9] =	sst s0  }
0x9: {  	[smem:$0x3FAA] =	sst s1  }
0xa: {  	[smem:$0x3FAB] =	sst s2  }
0xb: {  	[smem:$0x3FAC] =	sst s3  }
0xc: {  	[smem:$0x3FAD] =	sst s4  }
0xd: {  	[smem:$0x3FAE] =	sst s5  }
0xe: {  	[smem:$0x3FAF] =	sst s6  }
0xf: {  	[smem:$0x3FB0] =	sst s7  }
0x10: {  	[smem:$0x3FB1] =	sst s8  }
0x11: {  	[smem:$0x3FB2] =	sst s9;
	s0 =	simm.s32 @!p0 $0x0  }
0x12: {  	s1 =	sld [smem:$0x3F98];
	s0 =	simm.s32 @p0 $0x1  }
0x13: {  	[smem:$0x3FB3] =	sst s0;
	s0 =	simm.s32 @!p1 $0x0  }
0x14: {  	s2 =	sld [smem:$0x3F97];
	s0 =	simm.s32 @p1 $0x1  }
0x15: {  	[smem:$0x3FB4] =	sst s0;
	s0 =	simm.s32 @!p2 $0x0  }
0x16: {  	s3 =	sld [smem:$0x3FDB];
	s0 =	simm.s32 @p2 $0x1  }
0x17: {  	s4 =	simm.s32 $0x1BF5;
	[smem:$0x3FB6] =	sst s0  }
0x18: {  	s0 =	sld [smem:$0x3F99];
	_ =	swait.ge [sflag:s4], $0x0  }
0x19: {  	s7 =	sld [smem:$0x3F9A]  }
0x1a: {  	s8 =	sadd.s32 $0xFFFFE003, lr  }
0x1b: {  	s9 =	sadd.s32 $0xFFFFFEF7, lr;
	s5 =	simm.s32 $0xFFFFFFFF;
	p2 =	slt.u32 s8, $0xFFFFF086  }
0x1c: {  	p1 =	slt.u32 s9, $0xF7A;
	s5 =	simm.s32 @!p2 $0x0  }
0x1d: {  	s5 =	simm.s32 @p1 $0x1;
	p0 =	seq.s32 s7, s2  }
0x1e: {  	s7 =	smul.u32 @!p0 $0xF7A, s2;
	p2 =	seq.s32 @!p0 s5, $0x0  }
0x1f: {  	s9 =	smul.u32 $0xF7A, s1;
	s8 =	simm.s32 @!p0 $0x1BF5;
	p2 =	por !p2, p0  }
0x20: {  	[sflag:s8] =	ssyncset.s32 @!p0 $0xFFFFF086;
	s6 =	sadd.s32 @!p0 s3, s7;
	s7 =	simm.s32 @!p0 $0x108  }
0x21: {  	s3 =	sadd.s32 s3, s9;
	s6 =	sadd.s32 @!p0 $0x88, s6;
	s7 =	simm.s32 @p2 $0x1082  }
0x22: {  	[simem:s7], [sflag:s8] =	dma.local @!p0 [hbm:s6], $0xF7A  }
0x23: {  	s9 =	sor.u32 $0xD0000000, s2;
	s6 =	simm.s32 $0x108;
	_ =	swait.ge @!p0 [sflag:s8], $0x0  }
0x24: {  	s3 =	sadd.s32 $0x88, s3;
	s6 =	simm.s32 @!p1 $0x1082;
	[sflag:s4] =	ssyncset.s32 $0xFFFFF086  }
0x25: {  	[simem:s6], [sflag:s4] =	dma.local [hbm:s3], $0xF7A  }
0x26: {  	[smem:$0x3F9A] =	sst s1;
	(tag) =	ssettag s2;
	_ =	strace s9  }
0x27: {  	s1 =	sld [smem:$0x3FAA]  }
0x28: {  	s2 =	sld [smem:$0x3FAB]  }
0x29: {  	s4 =	sld [smem:$0x3FAD]  }
0x2a: {  	p0 =	seq.s32 s5, $0x0;
	s5 =	sld [smem:$0x3FAE]  }
0x2b: {  	s6 =	sld [smem:$0x3FAF]  }
0x2c: {  	s7 =	sld [smem:$0x3FB0]  }
0x2d: {  	s3 =	simm.s32 $0x108;
	s8 =	sld [smem:$0x3FB1]  }
0x2e: {  	s3 =	simm.s32 @!p0 $0x1082;
	s9 =	sld [smem:$0x3FB2]  }
0x2f: {  	lr =	sadd.s32 s0, s3;
	s0 =	sld [smem:$0x3FA9]  }
0x30: {  	s3 =	sld [smem:$0x3FAC]  }
0x31: {  	[smem:$0x3FB5] =	sst s10  }
0x32: {  	s10 =	sld [smem:$0x3FB3];
	_ =	sdelay $0x3  }
0x33: {  	p0 =	seq.s32 s10, $0x1;
	s10 =	sld [smem:$0x3FB5];
	_ =	sdelay $0x3  }
0x34: {  	[smem:$0x3FB5] =	sst s10  }
0x35: {  	s10 =	sld [smem:$0x3FB4];
	_ =	sdelay $0x3  }
0x36: {  	p1 =	seq.s32 s10, $0x1;
	s10 =	sld [smem:$0x3FB5];
	_ =	sdelay $0x3  }
0x37: {  	[smem:$0x3FB5] =	sst s10  }
0x38: {  	s10 =	sld [smem:$0x3FB6]  }
0x39: {  	_ = 	snop;
	(pc) =	sbr.ind lr, $3  }
0x3a: {  	_ = 	snop  }
0x3b: {  	_ = 	snop  }
0x3c: {  	p2 =	seq.s32 s10, $0x1;
	s10 =	sld [smem:$0x3FB5]  }
0x3d: {  	_ =	shalt  }
0x3e: {  	_ =	shalt  }
0x3f: {  	_ =	shalt  }
0x40: {  	_ =	shalt  }
0x41: {  	_ =	shalt  }
0x42: {  	_ =	shalt  }
0x43: {  	_ =	shalt  }
0x44: {  	_ =	shalt  }
0x45: {  	_ =	shalt  }
0x46: {  	_ =	shalt  }
0x47: {  	_ =	shalt  }
0x48: {  	_ =	shalt  }
0x49: {  	_ =	shalt  }
0x4a: {  	_ =	shalt  }
0x4b: {  	_ =	shalt  }
0x4c: {  	_ =	shalt  }
0x4d: {  	_ =	shalt  }
0x4e: {  	_ =	shalt  }
0x4f: {  	_ =	shalt  }
0x50: {  	_ =	shalt  }
0x51: {  	_ =	shalt  }
0x52: {  	_ =	shalt  }
0x53: {  	_ =	shalt  }
0x54: {  	_ =	shalt  }
0x55: {  	_ =	shalt  }
0x56: {  	_ =	shalt  }
0x57: {  	_ =	shalt  }
0x58: {  	_ =	shalt  }
0x59: {  	_ =	shalt  }
0x5a: {  	_ =	shalt  }
0x5b: {  	_ =	shalt  }
0x5c: {  	_ =	shalt  }
0x5d: {  	_ =	shalt  }
0x5e: {  	_ =	shalt  }
0x5f: {  	_ =	shalt  }
0x60: {  	_ =	shalt  }
0x61: {  	_ =	shalt  }
0x62: {  	_ =	shalt  }
0x63: {  	_ =	shalt  }
0x64: {  	_ =	shalt  }
0x65: {  	_ =	shalt  }
0x66: {  	_ =	shalt  }
0x67: {  	_ =	shalt  }
0x68: {  	_ =	shalt  }
0x69: {  	_ =	shalt  }
0x6a: {  	_ =	shalt  }
0x6b: {  	_ =	shalt  }
0x6c: {  	_ =	shalt  }
0x6d: {  	_ =	shalt  }
0x6e: {  	_ =	shalt  }
0x6f: {  	_ =	shalt  }
0x70: {  	_ =	shalt  }
0x71: {  	_ =	shalt  }
0x72: {  	_ =	shalt  }
0x73: {  	_ =	shalt  }
0x74: {  	_ =	shalt  }
0x75: {  	_ =	shalt  }
0x76: {  	_ =	shalt  }
0x77: {  	_ =	shalt  }
0x78: {  	_ =	shalt  }
0x79: {  	_ =	shalt  }
0x7a: {  	_ =	shalt  }
0x7b: {  	_ =	shalt  }
0x7c: {  	_ =	shalt  }
0x7d: {  	_ =	shalt  }
0x7e: {  	_ =	shalt  }
0x7f: {  	_ =	shalt  }
0x80: {  	_ =	shalt  }
0x81: {  	_ =	shalt  }
0x82: {  	_ =	shalt  }
0x83: {  	_ =	shalt  }
0x84: {  	_ =	shalt  }
0x85: {  	_ =	shalt  }
0x86: {  	_ =	shalt  }
0x87: {  	_ =	shalt  }
.Lfunc_end0:
.L_simem_size_0:
called_computation.1_lowered:
.L_overlay_start_0:
0x88: {  	s2 =	sld [smem:$0x3FD9]  }
0x89: {  	s3 =	sld [smem:$0x3FFE];
	_ =	sdelay $0x1  }
0x8a: {  	s1 =	srdreg.scid  }
0x8b: {  	s0 =	sand.u32 $0x1, s1  }
0x8c: {  	s14 =	sshll.u32 s0, $0xA;
	s2 =	sadd.s32 s3, s2  }
0x8d: {  	s2 =	sadd.s32 s2, s14  }
0x8e: {  	[smem:$0x3FC1] =	sst s2  }
0x8f: {  	_ = 	snop  }
0x90: {  	s2 =	sld [smem:$0x3FD0];
	_ =	sdelay $0x2  }
0x91: {  	s15 =	simm.s32 $0xA;
	s4 =	simm.s32 $0x10  }
0x92: {  	[smem:s4], [sflag:s15] =	dma.local [hbm:s2], $0x1  }
0x93: {  	_ =	swait.eq [sflag:s15], $0x1  }
0x94: {  	[sflag:s15] =	ssyncset.done $0x0  }
0x95: {  	[sflag:s15] =	ssyncadd.s32 $0xFFFFFFFF  }
0x96: {  	s16 =	sld [smem:$0x10];
	(tm) =	ssettm $0x1  }
0x97: {  	s17 =	sld [smem:$0x3FFB];
	_ =	sdelay $0x3  }
0x98: {  	_ =	strace s17  }
0x99: {  	s3 =	sld [smem:$0x3FFC];
	_ =	sdelay $0x3  }
0x9a: {  	_ =	strace s3  }
0x9b: {  	s3 =	sld [smem:$0x3FFD];
	_ =	sdelay $0x3  }
0x9c: {  	_ =	strace s3  }
0x9d: {  	_ =	strace $0x8FFFFFFF  }
0x9e: {  	s18 =	sld [smem:$0x3FDB];
	_ =	sdelay $0x1  }
0x9f: {  	s19 =	simm.s32 $_scs_section_size  }
0xa0: {  	s5 =	simm.s32 $_size__tile_overlayer_lowered;
	s6 =	simm.s32 $_tile_overlayer_lowered  }
0xa1: {  	s22 =	simm.s32 $0x1BFF;
	s21 =	sshll.u32 s6, $0x1;
	s3 =	sadd.s32 s19, s18  }
0xa2: {  	s7 =	simm.s32 $0x0;
	s20 =	sshll.u32 s5, $0x1;
	s5 =	sadd.s32 s21, s3  }
0xa3: {  	[timem:s7], [sflag:s22] =	dma.local [hbm:s5], s20  }
0xa4: {  	_ =	swait.ge [sflag:s22], s20  }
0xa5: {  	s4 =	ssub.s32 $0x0, s20;
	[sflag:s22] =	ssyncset.done $0x0  }
0xa6: {  	[sflag:s22] =	ssyncadd.s32 s4;
	_ =	sdelay $0x1  }
0xa7: {  	s23 =	simm.s32 $0x1B8B  }
0xa8: {  	_ =	swait.ge [sflag:s23], $0x1  }
0xa9: {  	[sflag:s23] =	ssyncset.done $0x0  }
0xaa: {  	s25 =	simm.s32 $0x1B8E;
	s24 =	sld [smem:$0x3FFE];
	[sflag:s23] =	ssyncadd.s32 $0xFFFFFFFF  }
0xab: {  	s26 =	simm.s32 $execute0_lowered;
	[smem:$0x3FD2] =	sst s25  }
0xac: {  	s5 =	sshll.u32 s26, $0x1;
	_ =	strace $0x80000049;
	[dreg:$0x1] =	wrdreg $0xFFFFFFFF  }
0xad: {  	s28 =	simm.s32 $_size_execute0_lowered;
	s3 =	sadd.s32 s3, s5;
	[dreg:$0x0] =	wrdreg $0x0  }
0xae: {  	s5 =	sshll.u32 s28, $0x1;
	[dreg:$0x2] =	wrdreg s3  }
0xaf: {  	[dreg:$0x3] =	wrdreg s5  }
0xb0: {  	[dreg:$0x4] =	wrdreg $0xC0  }
0xb1: {  	_ =	task [dreg:s7], $0x5FFFF  }
0xb2: {  	[dreg:$0x1] =	wrdreg $0xFFFFFFFF  }
0xb3: {  	[dreg:$0x0] =	wrdreg $0x60  }
0xb4: {  	[dreg:$0x2] =	wrdreg s24  }
0xb5: {  	[dreg:$0x3] =	wrdreg s16  }
0xb6: {  	[dreg:$0x4] =	wrdreg $0x9  }
0xb7: {  	_ =	task.clear_ibuf [dreg:s7], $0x5FFFF;
	_ =	strace $0x90000049  }
0xb8: {  	s29 =	simm.s32 $0x9;
	_ =	strace $0x8000004B  }
0xb9: {  	_ =	swait.ge [sflag:s29], $0x1  }
0xba: {  	[sflag:s29] =	ssyncadd.s32 $0xFFFFFFFF  }
0xbb: {  	_ =	strace $0x9000004B  }
0xbc: {  	_ =	sfence  }
0xbd: {  	s30 =	sld [smem:$0x0];
	_ =	sdelay $0x2  }
0xbe: {  	s31 =	sshll.u32 s1, $0xD;
	s1 =	sshrl.u32 s1, $0x2  }
0xbf: {  	s3 =	sand.u32 $0x4000, s31;
	s1 =	sadd.s32 s1, s30  }
0xc0: {  	s0 =	sor.u32 s3, s0;
	s1 =	sshll.u32 s1, $0x11  }
0xc1: {  	s0 =	sor.u32 s1, s0  }
0xc2: {  	s0 =	sadd.s32 $0x8F2B, s0  }
0xc3: {  	[sflag:s0] =	ssyncadd.remote.s32 $0x1  }
0xc4: {  	_ =	sfence.sel $0xFFFF  }
0xc5: {  	[dreg:$0x0] =	wrdreg $0xFFFFFFFF;
	(pc) =	sbr.abs _section_cstart, $3  }
0xc6: {  	[dreg:$0x1] =	wrdreg $0xFFFFFFFF  }
0xc7: {  	_ =	task.clear_ibuf [dreg:s7], $0x2FFFF;
	_ =	strace $0x9FFFFFFF  }
0xc8: {  	(tm) =	ssettm $0x7FFFFFFF  }
0xc9: {  	_ =	shalt  }
tec
execute0_lowered:
.L_overlay_start_1:
0x0: {  	(tag) =	ssettag $0x1  }
0x1: {  	s0 =	rddreg [dreg:$0x0];
	s1 =	srdreg.scid  }
0x2: {  	s2 =	stileid.u32;
	s3 =	simm.s32 $0x0;
	s1 =	sand.u32 $0x1, s1  }
0x3: {  	s2 =	sshll.u32 s2, $0x1;
	[smem:$0x7FF] =	sst s3;
	s4 =	sadd.s32 $0xE00, s0  }
0x4: {  	s6 =	sadd.s32 $0x2800, s0;
	s7 =	sadd.s32 $0x1C00, s0;
	s2 =	sor.u32 s1, s2  }
0x5: {  	s9 =	sadd.s32 $0x3E00, s0;
	s1 =	ssub.s32 $0x2, s1;
	s5 =	smul.u32 $0x48, s2  }
0x6: {  	_ =	strace $0x8000004A;
	s8 =	smul.u32 $0xE0, s2;
	s11 =	sshrl.u32 s1, $0x1  }
0x7: {  	s10 =	sshll.u32 s2, $0x1;
	s17 =	sshll.u32 s2, $0x5;
	s1 =	ssub.s32 s1, s11  }
0x8: {  	s18 =	sor.u32 $0x400, s17;
	s28 =	sor.u32 $0x2000, s17;
	s29 =	sor.u32 $0x3000, s17  }
0x9: {  	s30 =	sor.u32 $0x3400, s17;
	s31 =	sor.u32 $0x3800, s17;
	s2 =	sor.u32 $0x4400, s17  }
0xa: {  	s5 =	sadd.s32 s5, s0;
	s8 =	sshrl.u32 s8, $0x3;
	s0 =	sadd.s32 s10, s0  }
0xb: {  	s19 =	sadd.s32 s4, s8;
	s20 =	sadd.s32 s6, s8;
	s21 =	sadd.s32 s7, s8  }
0xc: {  	s22 =	sadd.s32 $0x380, s8;
	s25 =	sadd.s32 $0x700, s8;
	[dreg:$0x3] =	wrdreg s19  }
0xd: {  	s13 =	sadd.s32 $0x3400, s5;
	s14 =	sadd.s32 s9, s8;
	[dreg:$0x4] =	wrdreg s20  }
0xe: {  	s5 =	simm.s32 $0x1;
	[dreg:$0x5] =	wrdreg s21;
	s23 =	sadd.s32 s4, s22  }
0xf: {  	s24 =	sadd.s32 s6, s22;
	s12 =	sadd.s32 s7, s22;
	s4 =	sadd.s32 s4, s25  }
0x10: {  	s26 =	sadd.s32 s6, s25;
	s15 =	sadd.s32 s9, s22;
	[dreg:$0x6] =	wrdreg s23  }
0x11: {  	s16 =	sadd.s32 s9, s25;
	s19 =	sor.u32 $0x800, s17;
	[dreg:$0x7] =	wrdreg s24  }
0x12: {  	v0 =	vlaneseq.u32;
	s20 =	sor.u32 $0xC00, s17;
	s21 =	sor.u32 $0x1000, s17;
	[dreg:$0x8] =	wrdreg s12  }
0x13: {  	v0 =	vmul.u32 $0xFFFFFFFF, v0;
	s22 =	sor.u32 $0x1400, s17;
	s6 =	simm.s32 $0x0;
	[dreg:$0x9] =	wrdreg s4  }
0x14: {  	[dreg:$0xa] =	wrdreg s26;
	s12 =	sadd.s32 s7, s25;
	s4 =	sor.u32 $0x10, s17  }
0x15: {  	v0 =	vadd.s32 $0x2B1, v0;
	v1 =	vmov s17;
	s23 =	sor.u32 $0x1800, s17;
	s24 =	sadd.s32 $0x1A00, s0;
	s25 =	smax.u32 s1, $0x1;
	v2 =	vmov s4  }
0x16: {  	vm1 =	vlt.u32 v1, v0;
	s26 =	sor.u32 $0x1C00, s17;
	s0 =	sor.u32 $0x3C00, s17;
	s1 =	sor.u32 $0x4000, s17;
	vm0 =	vlt.u32 v2, v0  }
.LBB2_1:
0x17: {  	s7 =	rddreg [dreg:$0x1]  }
0x18: {  	[tilespmem:s3], [sflag:$0x1] =	stream.linear.gather [hbm4b:s7+s3], $0x4800, $0x38;
	[tilespmem:$0x5700] =	vst v63  }
0x19: {  	s11 =	rddreg [dreg:$0x3];
	s8 =	simm.s32 $0x4800  }
0x1a: {  	[tilespmem:s8], [sflag:$0x1] =	stream.linear.gather [hbm4b:s11+s3], $0xE0, $0x38;
	[tilespmem:$0x5700] =	vst v63  }
0x1b: {  	s9 =	simm.s32 $0x4B00;
	s8 =	rddreg [dreg:$0x4]  }
0x1c: {  	[tilespmem:s9], [sflag:$0x1] =	stream.linear.gather [hbm4b:s8+s3], $0xE0, $0x38;
	[tilespmem:$0x5700] =	vst v63  }
0x1d: {  	s10 =	rddreg [dreg:$0x5];
	s11 =	simm.s32 $0x4E00  }
0x1e: {  	[tilespmem:s11], [sflag:$0x1] =	stream.linear.gather [hbm4b:s10+s3], $0xE0, $0x38;
	[tilespmem:$0x5700] =	vst v63  }
0x1f: {  	s8 =	rddreg [dreg:$0x6];
	s9 =	simm.s32 $0x48E0  }
0x20: {  	[tilespmem:s9], [sflag:$0x1] =	stream.linear.gather [hbm4b:s8+s3], $0xE0, $0x38;
	[tilespmem:$0x5700] =	vst v63  }
0x21: {  	s10 =	rddreg [dreg:$0x7];
	s11 =	simm.s32 $0x4BE0  }
0x22: {  	[tilespmem:s11], [sflag:$0x1] =	stream.linear.gather [hbm4b:s10+s3], $0xE0, $0x38;
	[tilespmem:$0x5700] =	vst v63  }
0x23: {  	s8 =	rddreg [dreg:$0x8];
	s9 =	simm.s32 $0x4EE0  }
0x24: {  	[tilespmem:s9], [sflag:$0x1] =	stream.linear.gather [hbm4b:s8+s3], $0xE0, $0x38;
	[tilespmem:$0x5700] =	vst v63  }
0x25: {  	s10 =	rddreg [dreg:$0x9];
	s11 =	simm.s32 $0x49C0  }
0x26: {  	[tilespmem:s11], [sflag:$0x1] =	stream.linear.gather [hbm4b:s10+s3], $0xE0, $0x38;
	[tilespmem:$0x5700] =	vst v63  }
0x27: {  	s8 =	rddreg [dreg:$0xa];
	s9 =	simm.s32 $0x4CC0  }
0x28: {  	[tilespmem:s9], [sflag:$0x1] =	stream.linear.gather [hbm4b:s8+s3], $0xE0, $0x38;
	[tilespmem:$0x5700] =	vst v63  }
0x29: {  	s10 =	simm.s32 $0x4FC0  }
0x2a: {  	[tilespmem:s10], [sflag:$0x1] =	stream.linear.gather [hbm4b:s12+s3], $0xE0, $0x38;
	[tilespmem:$0x5700] =	vst v63  }
0x2b: {  	s11 =	simm.s32 $0x5100  }
0x2c: {  	[tilespmem:s11], [sflag:$0x1] =	stream.linear.gather [hbm4b:s13+s3], $0x240, $0x38;
	[tilespmem:$0x5700] =	vst v63  }
0x2d: {  	_ =	swait.ge [sflag:s5], $0x4800  }
0x2e: {  	[sflag:s5] =	ssyncset.done $0x0  }
0x2f: {  	[sflag:s5] =	ssyncadd.s32 $0xFFFFB800  }
0x30: {  	_ =	swait.ge [sflag:s5], $0xE0  }
0x31: {  	[sflag:s5] =	ssyncset.done $0x0  }
0x32: {  	[sflag:s5] =	ssyncadd.s32 $0xFFFFFF20  }
0x33: {  	_ =	swait.ge [sflag:s5], $0xE0  }
0x34: {  	[sflag:s5] =	ssyncset.done $0x0  }
0x35: {  	[sflag:s5] =	ssyncadd.s32 $0xFFFFFF20  }
0x36: {  	_ =	swait.ge [sflag:s5], $0xE0  }
0x37: {  	[sflag:s5] =	ssyncset.done $0x0  }
0x38: {  	[sflag:s5] =	ssyncadd.s32 $0xFFFFFF20  }
0x39: {  	_ =	swait.ge [sflag:s5], $0xE0  }
0x3a: {  	[sflag:s5] =	ssyncset.done $0x0  }
0x3b: {  	[sflag:s5] =	ssyncadd.s32 $0xFFFFFF20  }
0x3c: {  	_ =	swait.ge [sflag:s5], $0xE0  }
0x3d: {  	[sflag:s5] =	ssyncset.done $0x0  }
0x3e: {  	[sflag:s5] =	ssyncadd.s32 $0xFFFFFF20  }
0x3f: {  	_ =	swait.ge [sflag:s5], $0xE0  }
0x40: {  	[sflag:s5] =	ssyncset.done $0x0  }
0x41: {  	[sflag:s5] =	ssyncadd.s32 $0xFFFFFF20  }
0x42: {  	_ =	swait.ge [sflag:s5], $0xE0  }
0x43: {  	[sflag:s5] =	ssyncset.done $0x0  }
0x44: {  	[sflag:s5] =	ssyncadd.s32 $0xFFFFFF20  }
0x45: {  	_ =	swait.ge [sflag:s5], $0xE0  }
0x46: {  	[sflag:s5] =	ssyncset.done $0x0  }
0x47: {  	[sflag:s5] =	ssyncadd.s32 $0xFFFFFF20  }
0x48: {  	_ =	swait.ge [sflag:s5], $0xE0  }
0x49: {  	[sflag:s5] =	ssyncset.done $0x0  }
0x4a: {  	[sflag:s5] =	ssyncadd.s32 $0xFFFFFF20  }
0x4b: {  	s7 =	simm.s32 $0xFFFFFFFE;
	_ =	swait.ge [sflag:s5], $0x240  }
0x4c: {  	s8 =	simm.s32 $0x5470;
	s9 =	simm.s32 $0x4BF0;
	[sflag:s5] =	ssyncset.done $0x0  }
0x4d: {  	s10 =	simm.s32 $0x4EF0;
	s11 =	simm.s32 $0x48F0;
	[sflag:s5] =	ssyncadd.s32 $0xFFFFFDC0  }
.LBB2_2:
0x4e: {  	v2 =	vld [tilespmem:s10+$0xFFFFFF10]  }
0x4f: {  	v14 =	vld [tilespmem:s10+$0xFFFFFFF0];
	_ =	sdelay $0x2  }
0x50: {  	v6 =	vld [tilespmem:s9+$0xFFFFFF10]  }
0x51: {  	v19 =	vld [tilespmem:s9+$0xFFFFFFF0];
	v3 =	vadd.s32 $0x400, v2  }
0x52: {  	v27 =	vld [tilespmem:s10+$0xD0];
	v4 =	vadd.s32 $0x800, v2  }
0x53: {  	v59 =	vld [tilespmem:s9+$0xD0];
	v5 =	vadd.s32 $0xC00, v2  }
0x54: {  	v7 =	vadd.s32 $0x1000, v2;
	v8 =	vld.idx.msk [tilespmem:v2+s3+$0x0], $0xffff  }
0x55: {  	v9 =	vadd.s32 $0x1400, v2;
	v21 =	vld.idx.msk [tilespmem:v14+s3+$0x0], $0xffff  }
0x56: {  	v10 =	vadd.s32 $0x1800, v2;
	v3 =	vld.idx.msk [tilespmem:v3+s3+$0x0], $0xffff  }
0x57: {  	v11 =	vadd.s32 $0x1C00, v2;
	v4 =	vld.idx.msk [tilespmem:v4+s3+$0x0], $0xffff  }
0x58: {  	v12 =	vadd.s32 $0x2000, v2;
	v5 =	vld.idx.msk [tilespmem:v5+s3+$0x0], $0xffff  }
0x59: {  	v13 =	vadd.s32 $0x2400, v2;
	v7 =	vld.idx.msk [tilespmem:v7+s3+$0x0], $0xffff  }
0x5a: {  	v15 =	vadd.s32 $0x2800, v2;
	v9 =	vld.idx.msk [tilespmem:v9+s3+$0x0], $0xffff  }
0x5b: {  	v16 =	vadd.s32 $0x400, v14;
	v10 =	vld.idx.msk [tilespmem:v10+s3+$0x0], $0xffff  }
0x5c: {  	v17 =	vadd.s32 $0x800, v14;
	v11 =	vld.idx.msk [tilespmem:v11+s3+$0x0], $0xffff  }
0x5d: {  	v18 =	vadd.s32 $0xC00, v14;
	v12 =	vld.idx.msk [tilespmem:v12+s3+$0x0], $0xffff  }
0x5e: {  	v20 =	vadd.s32 $0x1000, v14;
	v13 =	vld.idx.msk [tilespmem:v13+s3+$0x0], $0xffff  }
0x5f: {  	v22 =	vadd.s32 $0x1400, v14;
	v15 =	vld.idx.msk [tilespmem:v15+s3+$0x0], $0xffff  }
0x60: {  	v23 =	vadd.s32 $0x1800, v14;
	v16 =	vld.idx.msk [tilespmem:v16+s3+$0x0], $0xffff  }
0x61: {  	v24 =	vadd.s32 $0x1C00, v14;
	v17 =	vld.idx.msk [tilespmem:v17+s3+$0x0], $0xffff  }
0x62: {  	v25 =	vadd.s32 $0x2000, v14;
	v18 =	vld.idx.msk [tilespmem:v18+s3+$0x0], $0xffff  }
0x63: {  	v26 =	vadd.s32 $0x2400, v14;
	v20 =	vld.idx.msk [tilespmem:v20+s3+$0x0], $0xffff  }
0x64: {  	v28 =	vadd.s32 $0x2800, v14;
	v55 =	vadd.s32 $0x400, v27;
	v22 =	vld.idx.msk [tilespmem:v22+s3+$0x0], $0xffff  }
0x65: {  	v57 =	vadd.s32 $0x800, v27;
	v29 =	vadd.s32 $0xC00, v27;
	v30 =	vadd.s32 $0x1000, v27;
	v23 =	vld.idx.msk [tilespmem:v23+s3+$0x0], $0xffff  }
0x66: {  	v61 =	vadd.s32 $0x1400, v27;
	v24 =	vld.idx.msk [tilespmem:v24+s3+$0x0], $0xffff;
	v8 =	vmul.f32 v8, v6;
	v21 =	vmul.f32 v21, v19  }
0x67: {  	v33 =	vadd.s32 $0x1800, v27;
	v25 =	vld.idx.msk [tilespmem:v25+s3+$0x0], $0xffff;
	v3 =	vmul.f32 v3, v6;
	v4 =	vmul.f32 v4, v6  }
0x68: {  	v31 =	vadd.s32 $0x1C00, v27;
	v54 =	vld.idx.msk [tilespmem:v26+s3+$0x0], $0xffff;
	v5 =	vmul.f32 v5, v6;
	v7 =	vmul.f32 v7, v6  }
0x69: {  	v35 =	vadd.s32 $0x2000, v27;
	v56 =	vld.idx.msk [tilespmem:v28+s3+$0x0], $0xffff;
	v9 =	vmul.f32 v9, v6;
	v10 =	vmul.f32 v10, v6  }
0x6a: {  	v37 =	vadd.s32 $0x2400, v27;
	v63 =	vld.idx.msk [tilespmem:v55+s3+$0x0], $0xffff;
	v11 =	vmul.f32 v11, v6;
	v12 =	vmul.f32 v12, v6  }
0x6b: {  	v38 =	vadd.s32 $0x2800, v27;
	v28 =	vld.idx.msk [tilespmem:v57+s3+$0x0], $0xffff;
	v13 =	vmul.f32 v13, v6;
	v15 =	vmul.f32 v15, v6  }
0x6c: {  	v45 =	vadd.s32 $0x2C00, v27;
	v36 =	vld.idx.msk [tilespmem:v30+s3+$0x0], $0xffff;
	v16 =	vmul.f32 v16, v19;
	v17 =	vmul.f32 v17, v19  }
0x6d: {  	v2 =	vadd.s32 $0x2C00, v2;
	v26 =	vld.idx.msk [tilespmem:v33+s3+$0x0], $0xffff;
	v18 =	vmul.f32 v18, v19;
	v58 =	vmul.f32 v20, v19  }
0x6e: {  	v14 =	vadd.s32 $0x2C00, v14;
	v42 =	vld.idx.msk [tilespmem:v35+s3+$0x0], $0xffff;
	v62 =	vmul.f32 v22, v19;
	v23 =	vmul.f32 v23, v19  }
0x6f: {  	v44 =	vld.idx.msk [tilespmem:v37+s3+$0x0], $0xffff;
	v8 =	vadd.f32 $0.0e+00, v8;
	v24 =	vmul.f32 v24, v19;
	v25 =	vmul.f32 v25, v19  }
0x70: {  	v46 =	vld.idx.msk [tilespmem:v38+s3+$0x0], $0xffff;
	v41 =	vmul.f32 v63, v59;
	v43 =	vmul.f32 v28, v59;
	v3 =	vadd.f32 $0.0e+00, v3  }
0x71: {  	v48 =	vmul.f32 v36, v59;
	v4 =	vadd.f32 $0.0e+00, v4;
	v5 =	vadd.f32 $0.0e+00, v5  }
0x72: {  	v2 =	vld.idx.msk [tilespmem:v2+s3+$0x0], $0xffff;
	v49 =	vmul.f32 v26, v59;
	v7 =	vadd.f32 $0.0e+00, v7;
	v9 =	vadd.f32 $0.0e+00, v9  }
0x73: {  	v50 =	vmul.f32 v42, v59;
	v10 =	vadd.f32 $0.0e+00, v10;
	v11 =	vadd.f32 $0.0e+00, v11  }
0x74: {  	v60 =	vld.idx.msk [tilespmem:v27+s3+$0x0], $0xffff;
	v51 =	vmul.f32 v44, v59;
	v12 =	vadd.f32 $0.0e+00, v12;
	v8 =	vadd.f32 v21, v8  }
0x75: {  	v14 =	vld.idx.msk [tilespmem:v14+s3+$0x0], $0xffff;
	v53 =	vmul.f32 v46, v59;
	v13 =	vadd.f32 $0.0e+00, v13;
	v15 =	vadd.f32 $0.0e+00, v15  }
0x76: {  	v34 =	vld.idx.msk [tilespmem:v29+s3+$0x0], $0xffff;
	v21 =	vmul.f32 v56, v19;
	v3 =	vadd.f32 v16, v3;
	v4 =	vadd.f32 v17, v4  }
0x77: {  	v40 =	vld.idx.msk [tilespmem:v31+s3+$0x0], $0xffff;
	v2 =	vmul.f32 v2, v6;
	v5 =	vadd.f32 v18, v5;
	v7 =	vadd.f32 v58, v7  }
0x78: {  	v52 =	vld.idx.msk [tilespmem:v45+s3+$0x0], $0xffff;
	v6 =	vmul.f32 v54, v19;
	v9 =	vadd.f32 v62, v9;
	v10 =	vadd.f32 v23, v10  }
0x79: {  	v0 =	vld [tilespmem:s11+$0xFFFFFF10];
	v11 =	vadd.f32 v24, v11;
	v12 =	vadd.f32 v25, v12;
	v17 =	vmul.f32 v60, v59  }
0x7a: {  	v1 =	vld [tilespmem:s11+$0xFFFFFFF0];
	v39 =	vmul.f32 v14, v19;
	v15 =	vadd.f32 v21, v15;
	v2 =	vadd.f32 $0.0e+00, v2  }
0x7b: {  	v18 =	vld.idx.msk [tilespmem:v61+s3+$0x0], $0xffff;
	v16 =	vmul.f32 v34, v59;
	v6 =	vadd.f32 v6, v13;
	v8 =	vadd.f32 v17, v8  }
0x7c: {  	v14 =	vmul.f32 v40, v59;
	v3 =	vadd.f32 v41, v3;
	v4 =	vadd.f32 v43, v4  }
0x7d: {  	v47 =	vld [tilespmem:s11+$0xD0];
	v54 =	vmul.f32 v52, v59;
	v5 =	vadd.f32 v16, v5;
	v7 =	vadd.f32 v48, v7  }
0x7e: {  	v10 =	vadd.f32 v49, v10;
	v11 =	vadd.f32 v14, v11;
	v8 =	vmul.f32 v8, v0  }
0x7f: {  	v12 =	vadd.f32 v50, v12;
	v3 =	vmul.f32 v3, v1;
	v5 =	vmul.f32 v5, v0  }
0x80: {  	v13 =	vadd.f32 v53, v15;
	v7 =	vmul.f32 v7, v1;
	v18 =	vmul.f32 v18, v59  }
0x81: {  	v2 =	vadd.f32 v39, v2;
	v0 =	vmul.f32 v10, v0;
	v1 =	vmul.f32 v11, v1  }
0x82: {  	v4 =	vmul.f32 v4, v47;
	v3 =	vadd.f32 v3, v8;
	v9 =	vadd.f32 v18, v9  }
0x83: {  	v6 =	vadd.f32 v51, v6;
	v56 =	vmul.f32 v12, v47;
	v0 =	vadd.f32 v1, v0  }
0x84: {  	v5 =	vadd.f32 v7, v5;
	v3 =	vadd.f32 v4, v3;
	v55 =	vmul.f32 v9, v47  }
0x85: {  	v2 =	vadd.f32 v54, v2;
	v0 =	vadd.f32 v56, v0  }
0x86: {  	v3 =	vadd.f32 v6, v3;
	v57 =	vadd.f32 v55, v5  }
0x87: {  	v0 =	vadd.f32 v2, v0  }
0x88: {  	[tilespmem:s8+$0xFFFFFF10] =	vst v3;
	v58 =	vadd.f32 v13, v57  }
0x89: {  	[tilespmem:s8+$0xD0] =	vst v0  }
0x8a: {  	[tilespmem:s8+$0xFFFFFFF0] =	vst v58  }
0x8b: {  	v59 =	vld [tilespmem:s10+$0xFFFFFF20]  }
0x8c: {  	v34 =	vld [tilespmem:s10+$0x0];
	_ =	sdelay $0x3  }
0x8d: {  	v0 =	vld [tilespmem:s11+$0xFFFFFF20];
	v60 =	vadd.s32 $0x400, v59  }
0x8e: {  	v63 =	vld [tilespmem:s9+$0xFFFFFF20];
	v61 =	vadd.s32 $0x800, v59  }
0x8f: {  	v19 =	vld [tilespmem:s9+$0x0];
	v62 =	vadd.s32 $0xC00, v59  }
0x90: {  	v27 =	vadd.s32 $0x1000, v59;
	v28 =	vld.idx.msk [tilespmem:v59+s3+$0x0], $0xffff  }
0x91: {  	v29 =	vadd.s32 $0x1400, v59;
	v40 =	vld.idx.msk [tilespmem:v34+s3+$0x0], $0xffff  }
0x92: {  	v30 =	vadd.s32 $0x1800, v59;
	v3 =	vld.idx.msk [tilespmem:v60+s3+$0x0], $0xffff  }
0x93: {  	v31 =	vadd.s32 $0x1C00, v59;
	v4 =	vld.idx.msk [tilespmem:v61+s3+$0x0], $0xffff  }
0x94: {  	v32 =	vadd.s32 $0x2000, v59;
	v5 =	vld.idx.msk [tilespmem:v62+s3+$0x0], $0xffff  }
0x95: {  	v33 =	vadd.s32 $0x2400, v59;
	v7 =	vld.idx.msk [tilespmem:v27+s3+$0x0], $0xffff  }
0x96: {  	v35 =	vadd.s32 $0x2800, v59;
	v9 =	vld.idx.msk [tilespmem:v29+s3+$0x0], $0xffff  }
0x97: {  	v2 =	vadd.s32 $0x2C00, v59;
	v10 =	vld.idx.msk [tilespmem:v30+s3+$0x0], $0xffff  }
0x98: {  	v36 =	vadd.s32 $0x400, v34;
	v11 =	vld.idx.msk [tilespmem:v31+s3+$0x0], $0xffff  }
0x99: {  	v37 =	vadd.s32 $0x800, v34;
	v12 =	vld.idx.msk [tilespmem:v32+s3+$0x0], $0xffff  }
0x9a: {  	v13 =	vld.idx.msk [tilespmem:v33+s3+$0x0], $0xffff  }
0x9b: {  	v38 =	vadd.s32 $0xC00, v34;
	v15 =	vld.idx.msk [tilespmem:v35+s3+$0x0], $0xffff  }
0x9c: {  	v39 =	vadd.s32 $0x1000, v34;
	v2 =	vld.idx.msk [tilespmem:v2+s3+$0x0], $0xffff  }
0x9d: {  	v41 =	vadd.s32 $0x1400, v34;
	v16 =	vld.idx.msk [tilespmem:v36+s3+$0x0], $0xffff  }
0x9e: {  	v42 =	vadd.s32 $0x1800, v34;
	v43 =	vadd.s32 $0x1C00, v34;
	v17 =	vld.idx.msk [tilespmem:v37+s3+$0x0], $0xffff  }
0x9f: {  	v44 =	vadd.s32 $0x2000, v34;
	v27 =	vld [tilespmem:s10+$0xE0];
	v8 =	vmul.f32 v28, v63;
	v21 =	vmul.f32 v40, v19  }
0xa0: {  	v45 =	vadd.s32 $0x2400, v34;
	v18 =	vld.idx.msk [tilespmem:v38+s3+$0x0], $0xffff;
	v3 =	vmul.f32 v3, v63;
	v4 =	vmul.f32 v4, v63  }
0xa1: {  	v46 =	vadd.s32 $0x2800, v34;
	v20 =	vld.idx.msk [tilespmem:v39+s3+$0x0], $0xffff;
	v5 =	vmul.f32 v5, v63;
	v7 =	vmul.f32 v7, v63  }
0xa2: {  	v14 =	vadd.s32 $0x2C00, v34;
	v22 =	vld.idx.msk [tilespmem:v41+s3+$0x0], $0xffff;
	v9 =	vmul.f32 v9, v63;
	v10 =	vmul.f32 v10, v63  }
0xa3: {  	v23 =	vld.idx.msk [tilespmem:v42+s3+$0x0], $0xffff;
	v8 =	vadd.f32 $0.0e+00, v8;
	v11 =	vmul.f32 v11, v63;
	v12 =	vmul.f32 v12, v63  }
0xa4: {  	v24 =	vld.idx.msk [tilespmem:v43+s3+$0x0], $0xffff;
	v13 =	vmul.f32 v13, v63;
	v15 =	vmul.f32 v15, v63;
	v47 =	vadd.s32 $0x400, v27  }
0xa5: {  	v25 =	vld.idx.msk [tilespmem:v44+s3+$0x0], $0xffff;
	v2 =	vmul.f32 v2, v63;
	v48 =	vmul.f32 v16, v19;
	v50 =	vadd.s32 $0x800, v27  }
0xa6: {  	v26 =	vld.idx.msk [tilespmem:v45+s3+$0x0], $0xffff;
	v17 =	vmul.f32 v17, v19;
	v51 =	vadd.s32 $0xC00, v27;
	v52 =	vmul.f32 v18, v19  }
0xa7: {  	v49 =	vld.idx.msk [tilespmem:v46+s3+$0x0], $0xffff;
	v53 =	vadd.s32 $0x1000, v27;
	v54 =	vmul.f32 v20, v19;
	v56 =	vadd.s32 $0x1400, v27  }
0xa8: {  	v14 =	vld.idx.msk [tilespmem:v14+s3+$0x0], $0xffff;
	v57 =	vmul.f32 v22, v19;
	v59 =	vadd.s32 $0x1800, v27;
	v3 =	vadd.f32 $0.0e+00, v3  }
0xa9: {  	v18 =	vld [tilespmem:s9+$0xE0];
	v60 =	vmul.f32 v23, v19;
	v4 =	vadd.f32 $0.0e+00, v4;
	v5 =	vadd.f32 $0.0e+00, v5  }
0xaa: {  	v62 =	vadd.s32 $0x1C00, v27;
	v7 =	vadd.f32 $0.0e+00, v7;
	v9 =	vadd.f32 $0.0e+00, v9;
	v55 =	vld.idx.msk [tilespmem:v27+s3+$0x0], $0xffff  }
0xab: {  	v63 =	vmul.f32 v24, v19;
	v10 =	vadd.f32 $0.0e+00, v10;
	v11 =	vadd.f32 $0.0e+00, v11;
	v58 =	vld.idx.msk [tilespmem:v47+s3+$0x0], $0xffff  }
0xac: {  	v33 =	vadd.s32 $0x2000, v27;
	v12 =	vadd.f32 $0.0e+00, v12;
	v13 =	vadd.f32 $0.0e+00, v13;
	v61 =	vld.idx.msk [tilespmem:v50+s3+$0x0], $0xffff  }
0xad: {  	v34 =	vmul.f32 v25, v19;
	v8 =	vadd.f32 v21, v8;
	v15 =	vadd.f32 $0.0e+00, v15;
	v21 =	vld.idx.msk [tilespmem:v51+s3+$0x0], $0xffff  }
0xae: {  	v36 =	vadd.s32 $0x2400, v27;
	v2 =	vadd.f32 $0.0e+00, v2;
	v3 =	vadd.f32 v48, v3;
	v35 =	vld.idx.msk [tilespmem:v53+s3+$0x0], $0xffff  }
0xaf: {  	v39 =	vadd.s32 $0x2800, v27;
	v4 =	vadd.f32 v17, v4;
	v5 =	vadd.f32 v52, v5;
	v38 =	vld.idx.msk [tilespmem:v56+s3+$0x0], $0xffff  }
0xb0: {  	v37 =	vmul.f32 v26, v19;
	v7 =	vadd.f32 v54, v7;
	v6 =	vadd.f32 v57, v9;
	v40 =	vld.idx.msk [tilespmem:v59+s3+$0x0], $0xffff  }
0xb1: {  	v16 =	vmul.f32 v49, v19;
	v10 =	vadd.f32 v60, v10;
	v9 =	vadd.f32 v63, v11;
	v42 =	vld.idx.msk [tilespmem:v62+s3+$0x0], $0xffff  }
0xb2: {  	v41 =	vmul.f32 v14, v19;
	v12 =	vadd.f32 v34, v12;
	v11 =	vadd.f32 v37, v13;
	v45 =	vld.idx.msk [tilespmem:v33+s3+$0x0], $0xffff  }
0xb3: {  	v15 =	vadd.f32 v16, v15;
	v47 =	vld.idx.msk [tilespmem:v36+s3+$0x0], $0xffff;
	v43 =	vmul.f32 v55, v18;
	v44 =	vmul.f32 v58, v18  }
0xb4: {  	v48 =	vadd.s32 $0x2C00, v27;
	v50 =	vld.idx.msk [tilespmem:v39+s3+$0x0], $0xffff;
	v46 =	vmul.f32 v61, v18;
	v49 =	vmul.f32 v21, v18  }
0xb5: {  	v1 =	vld [tilespmem:s11+$0x0];
	v2 =	vadd.f32 v41, v2;
	v52 =	vmul.f32 v35, v18;
	v53 =	vmul.f32 v38, v18  }
0xb6: {  	v51 =	vld [tilespmem:s11+$0xE0];
	v8 =	vadd.f32 v43, v8;
	v54 =	vmul.f32 v40, v18;
	v14 =	vmul.f32 v42, v18  }
0xb7: {  	v55 =	vmul.f32 v45, v18;
	v3 =	vadd.f32 v44, v3;
	v4 =	vadd.f32 v46, v4  }
0xb8: {  	v56 =	vmul.f32 v47, v18;
	v5 =	vadd.f32 v49, v5;
	v7 =	vadd.f32 v52, v7  }
0xb9: {  	v57 =	vld.idx.msk [tilespmem:v48+s3+$0x0], $0xffff;
	v58 =	vmul.f32 v50, v18;
	v6 =	vadd.f32 v53, v6;
	v10 =	vadd.f32 v54, v10  }
0xba: {  	v9 =	vadd.f32 v14, v9;
	v12 =	vadd.f32 v55, v12;
	v8 =	vmul.f32 v8, v0  }
0xbb: {  	v11 =	vadd.f32 v56, v11;
	v3 =	vmul.f32 v3, v1;
	v4 =	vmul.f32 v4, v51  }
0xbc: {  	v59 =	vadd.f32 v58, v15;
	v5 =	vmul.f32 v5, v0;
	v7 =	vmul.f32 v7, v1  }
0xbd: {  	v0 =	vmul.f32 v10, v0;
	v1 =	vmul.f32 v9, v1;
	v3 =	vadd.f32 v3, v8  }
0xbe: {  	v60 =	vmul.f32 v57, v18;
	v6 =	vmul.f32 v6, v51;
	v5 =	vadd.f32 v7, v5  }
0xbf: {  	s7 =	sadd.s32 $0x2, s7;
	v61 =	vmul.f32 v12, v51;
	v0 =	vadd.f32 v1, v0;
	v3 =	vadd.f32 v4, v3  }
0xc0: {  	p0 =	slt.u32 s7, $0xC;
	v2 =	vadd.f32 v60, v2;
	v62 =	vadd.f32 v6, v5  }
.Ltmp0:
0xc1: {  	v0 =	vadd.f32 v61, v0;
	v3 =	vadd.f32 v11, v3;
	(pc) =	sbr.rel @p0 .LBB2_2-.Ltmp0, $4  }
0xc2: {  	v63 =	vadd.f32 v59, v62  }
0xc3: {  	v0 =	vadd.f32 v2, v0;
	[tilespmem:s8+$0xFFFFFF20] =	vst v3  }
0xc4: {  	s10 =	sadd.s32 $0x20, s10;
	[tilespmem:s8+$0x0] =	vst v63  }
0xc5: {  	s9 =	sadd.s32 $0x20, s9;
	s11 =	sadd.s32 $0x20, s11;
	[tilespmem:s8+$0xE0] =	vst v0;
	s8 =	sadd.s32 $0x20, s8  }
0xc6: {  	s7 =	simm.s32 $0x5380  }
0xc7: {  	[hbm4b:s14+s3] =	stream.linear.scatter [tilespmem:s7], [sflag:$0x1], $0xE0, $0x38;
	[tilespmem:$0x5700] =	vst v63  }
0xc8: {  	s9 =	simm.s32 $0x5460  }
0xc9: {  	[hbm4b:s15+s3] =	stream.linear.scatter [tilespmem:s9], [sflag:$0x1], $0xE0, $0x38;
	[tilespmem:$0x5700] =	vst v63  }
0xca: {  	s10 =	simm.s32 $0x5540  }
0xcb: {  	[hbm4b:s16+s3] =	stream.linear.scatter [tilespmem:s10], [sflag:$0x1], $0xE0, $0x38;
	[tilespmem:$0x5700] =	vst v63  }
0xcc: {  	v12 =	vld [tilespmem:s17+$0x0]  }
0xcd: {  	v13 =	vld [tilespmem:s18+$0x0]  }
0xce: {  	v0 =	vld [tilespmem:$0x5100]  }
0xcf: {  	v10 =	vld [tilespmem:s19+$0x0]  }
0xd0: {  	v15 =	vld [tilespmem:s20+$0x0]  }
0xd1: {  	v16 =	vld [tilespmem:s21+$0x0]  }
0xd2: {  	v9 =	vld [tilespmem:s22+$0x0]  }
0xd3: {  	v7 =	vld [tilespmem:s23+$0x0]  }
0xd4: {  	v8 =	vld [tilespmem:s26+$0x0]  }
0xd5: {  	v3 =	vld [tilespmem:s0+$0x0]  }
0xd6: {  	v5 =	vld [tilespmem:s1+$0x0]  }
0xd7: {  	v19 =	vld [tilespmem:s2+$0x0];
	v1 =	vadd.s32 $0x3C00, v0  }
0xd8: {  	v6 =	vld [tilespmem:$0x5110];
	v2 =	vadd.s32 $0x4000, v0  }
0xd9: {  	v18 =	vld [tilespmem:s29+$0x0];
	v4 =	vadd.s32 $0x4400, v0  }
0xda: {  	v17 =	vld [tilespmem:s30+$0x0];
	v14 =	vadd.s32 $0x3000, v0  }
0xdb: {  	v48 =	vld [tilespmem:$0x5130]  }
0xdc: {  	v20 =	vadd.s32 $0x3400, v0;
	v1 =	vld.idx.msk [tilespmem:v1+s3+$0x0], $0xffff  }
0xdd: {  	v0 =	vadd.s32 $0x3800, v0;
	v2 =	vld.idx.msk [tilespmem:v2+s3+$0x0], $0xffff  }
0xde: {  	v23 =	vadd.s32 $0x4000, v6;
	v4 =	vld.idx.msk [tilespmem:v4+s3+$0x0], $0xffff  }
0xdf: {  	v21 =	vadd.s32 $0x3C00, v6;
	v22 =	vld.idx.msk [tilespmem:v14+s3+$0x0], $0xffff  }
0xe0: {  	v36 =	vadd.s32 $0x3400, v6;
	v14 =	vld [tilespmem:s31+$0x0]  }
0xe1: {  	v26 =	vadd.s32 $0x4400, v6;
	v20 =	vld.idx.msk [tilespmem:v20+s3+$0x0], $0xffff  }
0xe2: {  	v0 =	vld.idx.msk [tilespmem:v0+s3+$0x0], $0xffff  }
0xe3: {  	v33 =	vadd.s32 $0x3000, v6;
	v37 =	vadd.s32 $0x3800, v6;
	v23 =	vld.idx.msk [tilespmem:v23+s3+$0x0], $0xffff  }
0xe4: {  	v54 =	vadd.s32 $0x3C00, v48;
	v56 =	vadd.s32 $0x4000, v48;
	v21 =	vld.idx.msk [tilespmem:v21+s3+$0x0], $0xffff;
	v1 =	vsub.f32 v3, v1  }
0xe5: {  	v59 =	vadd.s32 $0x4400, v48;
	v43 =	vld.idx.msk [tilespmem:v36+s3+$0x0], $0xffff;
	v36 =	vadd.s32 $0x3400, v48;
	v2 =	vsub.f32 v5, v2  }
0xe6: {  	v26 =	vld.idx.msk [tilespmem:v26+s3+$0x0], $0xffff;
	v4 =	vsub.f32 v19, v4;
	v22 =	vsub.f32 v18, v22;
	v24 =	vmul.f32 v1, v12  }
0xe7: {  	v20 =	vsub.f32 v17, v20;
	v25 =	vmul.f32 v2, v13;
	v27 =	vmul.f32 v1, v15  }
0xe8: {  	v11 =	vld [tilespmem:s28+$0x0];
	v23 =	vsub.f32 v5, v23;
	v28 =	vmul.f32 v2, v16;
	v63 =	vmul.f32 v4, v10  }
0xe9: {  	v38 =	vsub.f32 v3, v21;
	v32 =	vmul.f32 v4, v9;
	v1 =	vmul.f32 v1, v7  }
0xea: {  	v0 =	vsub.f32 v14, v0;
	v2 =	vmul.f32 v2, v8;
	v44 =	vmul.f32 v23, v13  }
0xeb: {  	v26 =	vsub.f32 v19, v26;
	v30 =	vmul.f32 v38, v15;
	v31 =	vmul.f32 v23, v16  }
0xec: {  	v6 =	vmul.f32 v38, v7;
	v23 =	vmul.f32 v23, v8;
	v24 =	vadd.f32 v25, v24  }
0xed: {  	v34 =	vmul.f32 v4, v11;
	v27 =	vadd.f32 v28, v27;
	v25 =	vld [tilespmem:$0x5120];
	v1 =	vadd.f32 v2, v1  }
0xee: {  	v46 =	vmul.f32 v26, v9;
	v45 =	vadd.f32 v31, v30;
	v6 =	vadd.f32 v23, v6  }
0xef: {  	v40 =	vld.idx.msk [tilespmem:v33+s3+$0x0], $0xffff;
	v47 =	vmul.f32 v26, v11;
	v24 =	vadd.f32 v63, v24;
	v27 =	vadd.f32 v32, v27  }
0xf0: {  	v42 =	vmul.f32 v38, v12;
	v2 =	vld.idx.msk [tilespmem:v37+s3+$0x0], $0xffff;
	v1 =	vadd.f32 v34, v1;
	v28 =	vadd.f32 v46, v45  }
0xf1: {  	v29 =	vmul.f32 v26, v10;
	v6 =	vadd.f32 v47, v6;
	v35 =	vsub.f32 v22, v24  }
0xf2: {  	v20 =	vsub.f32 v20, v27;
	v22 =	vadd.f32 v44, v42;
	v39 =	vadd.s32 $0x3C00, v25  }
0xf3: {  	v37 =	vld [tilespmem:$0x5140];
	v0 =	vsub.f32 v0, v1;
	v1 =	vsub.f32 v17, v43;
	v41 =	vadd.s32 $0x4000, v25  }
0xf4: {  	v24 =	vsub.f32 v18, v40;
	v44 =	vld.idx.msk [tilespmem:v36+s3+$0x0], $0xffff;
	v32 =	vadd.s32 $0x4400, v25;
	v22 =	vadd.f32 v29, v22  }
0xf5: {  	v49 =	vadd.s32 $0x3000, v25;
	v2 =	vsub.f32 v14, v2;
	v1 =	vsub.f32 v1, v28;
	v28 =	vld.idx.msk [tilespmem:v56+s3+$0x0], $0xffff  }
0xf6: {  	v43 =	vadd.s32 $0x3800, v48;
	v52 =	vadd.s32 $0x3400, v25;
	v51 =	vsub.f32 v24, v22;
	v24 =	vld.idx.msk [tilespmem:v54+s3+$0x0], $0xffff  }
0xf7: {  	v4 =	vmul.f32 v35, v35;
	v20 =	vmul.f32 v20, v20;
	v2 =	vsub.f32 v2, v6;
	v21 =	vld.idx.msk [tilespmem:v39+s3+$0x0], $0xffff  }
0xf8: {  	v25 =	vadd.s32 $0x3800, v25;
	v0 =	vmul.f32 v0, v0;
	v35 =	vadd.s32 $0x3000, v48;
	v27 =	vld.idx.msk [tilespmem:v41+s3+$0x0], $0xffff  }
0xf9: {  	v4 =	vadd.f32 v20, v4;
	v1 =	vmul.f32 v1, v1;
	v2 =	vmul.f32 v2, v2;
	v50 =	vld.idx.msk [tilespmem:v32+s3+$0x0], $0xffff  }
0xfa: {  	v26 =	vsub.f32 v17, v44;
	v20 =	vmul.f32 v51, v51;
	v55 =	vld.idx.msk [tilespmem:v49+s3+$0x0], $0xffff;
	v40 =	vsub.f32 v5, v28  }
0xfb: {  	v0 =	vadd.f32 v0, v4;
	v60 =	vld.idx.msk [tilespmem:v52+s3+$0x0], $0xffff;
	v49 =	vadd.s32 $0x3C00, v37;
	v52 =	vadd.s32 $0x4400, v37  }
0xfc: {  	v1 =	vadd.f32 v1, v20;
	v24 =	vsub.f32 v3, v24;
	v46 =	vmul.f32 v40, v13  }
0xfd: {  	v48 =	vmul.f32 v40, v16;
	v54 =	vmul.f32 v40, v8;
	v21 =	vsub.f32 v3, v21  }
0xfe: {  	v20 =	vld.idx.msk [tilespmem:v59+s3+$0x0], $0xffff;
	v53 =	vsub.f32 v5, v27;
	v23 =	vsub.f32 v19, v50;
	v45 =	vmul.f32 v24, v12  }
0xff: {  	v39 =	vld.idx.msk [tilespmem:v25+s3+$0x0], $0xffff;
	v1 =	vadd.f32 v2, v1;
	v47 =	vmul.f32 v24, v15;
	v57 =	vmul.f32 v21, v12  }
0x100: {  	v27 =	vsub.f32 v18, v55;
	v58 =	vmul.f32 v53, v13;
	v62 =	vmul.f32 v23, v10  }
0x101: {  	v4 =	vsub.f32 v17, v60;
	v63 =	vmul.f32 v21, v15;
	v33 =	vmul.f32 v53, v16  }
0x102: {  	v55 =	vld.idx.msk [tilespmem:v49+s3+$0x0], $0xffff;
	v0 =	vadd.f32 v1, v0;
	v34 =	vmul.f32 v23, v9;
	v21 =	vmul.f32 v21, v7  }
0x103: {  	v22 =	vmul.f32 v53, v8;
	v20 =	vsub.f32 v19, v20;
	v28 =	vadd.f32 v46, v45  }
0x104: {  	v42 =	vld.idx.msk [tilespmem:v35+s3+$0x0], $0xffff;
	v38 =	vmul.f32 v23, v11;
	v23 =	vsub.f32 v14, v39;
	v30 =	vadd.f32 v48, v47  }
0x105: {  	v53 =	vmul.f32 v24, v7;
	v61 =	vadd.f32 v58, v57;
	v2 =	vadd.f32 v33, v63  }
0x106: {  	v21 =	vadd.f32 v22, v21;
	v50 =	vmul.f32 v20, v10;
	v33 =	vadd.s32 $0x4000, v37  }
0x107: {  	v60 =	vld.idx.msk [tilespmem:v52+s3+$0x0], $0xffff;
	v51 =	vmul.f32 v20, v9;
	v36 =	vsub.f32 v3, v55;
	v6 =	vadd.f32 v62, v61  }
0x108: {  	v22 =	vld.idx.msk [tilespmem:v43+s3+$0x0], $0xffff;
	v20 =	vmul.f32 v20, v11;
	v2 =	vadd.f32 v34, v2;
	v41 =	vadd.f32 v38, v21  }
0x109: {  	v57 =	vadd.s32 $0x3000, v37;
	v58 =	vld [tilespmem:$0x5150];
	v21 =	vsub.f32 v18, v42;
	v28 =	vadd.f32 v50, v28  }
0x10a: {  	v63 =	vadd.s32 $0x3400, v37;
	v30 =	vadd.f32 v51, v30;
	v6 =	vsub.f32 v27, v6  }
0x10b: {  	v34 =	vadd.s32 $0x3800, v37;
	v2 =	vsub.f32 v4, v2;
	v4 =	vsub.f32 v23, v41  }
0x10c: {  	v40 =	vmul.f32 v36, v12;
	v21 =	vsub.f32 v21, v28;
	v26 =	vsub.f32 v26, v30  }
0x10d: {  	v46 =	vmul.f32 v36, v15;
	v23 =	vadd.f32 v54, v53;
	v59 =	vsub.f32 v14, v22  }
0x10e: {  	v54 =	vld [tilespmem:$0x5160];
	v38 =	vadd.s32 $0x3C00, v58;
	v22 =	vsub.f32 v19, v60;
	v39 =	vadd.s32 $0x4000, v58  }
0x10f: {  	v56 =	vld.idx.msk [tilespmem:v33+s3+$0x0], $0xffff;
	v41 =	vadd.s32 $0x4400, v58;
	v6 =	vmul.f32 v6, v6;
	v2 =	vmul.f32 v2, v2  }
0x110: {  	v35 =	vld.idx.msk [tilespmem:v57+s3+$0x0], $0xffff;
	v4 =	vmul.f32 v4, v4;
	v20 =	vadd.f32 v20, v23;
	v21 =	vmul.f32 v21, v21  }
0x111: {  	v53 =	vadd.s32 $0x3000, v58;
	v61 =	vmul.f32 v26, v26;
	v23 =	vmul.f32 v36, v7  }
0x112: {  	v43 =	vmul.f32 v22, v10;
	v44 =	vld.idx.msk [tilespmem:v34+s3+$0x0], $0xffff;
	v2 =	vadd.f32 v2, v6;
	v32 =	vsub.f32 v59, v20  }
0x113: {  	v51 =	vmul.f32 v22, v9;
	v22 =	vmul.f32 v22, v11;
	v33 =	vadd.f32 v61, v21;
	v49 =	vld.idx.msk [tilespmem:v38+s3+$0x0], $0xffff  }
0x114: {  	v62 =	vadd.f32 v4, v2;
	v37 =	vsub.f32 v5, v56;
	v4 =	vmul.f32 v32, v32;
	v26 =	vld.idx.msk [tilespmem:v39+s3+$0x0], $0xffff  }
0x115: {  	v61 =	vadd.s32 $0x3C00, v54;
	v48 =	vsub.f32 v18, v35;
	v52 =	vld.idx.msk [tilespmem:v41+s3+$0x0], $0xffff;
	v56 =	vadd.s32 $0x3400, v58  }
0x116: {  	v2 =	vld.idx.msk [tilespmem:v63+s3+$0x0], $0xffff;
	v28 =	vmul.f32 v37, v13;
	v0 =	vadd.f32 v62, v0;
	v42 =	vadd.f32 v4, v33  }
0x117: {  	v58 =	vadd.s32 $0x3800, v58;
	v47 =	vmul.f32 v37, v16;
	v6 =	vsub.f32 v14, v44  }
0x118: {  	v24 =	vmul.f32 v37, v8;
	v45 =	vadd.f32 v28, v40;
	v0 =	vadd.f32 v42, v0  }
0x119: {  	v33 =	vadd.s32 $0x4000, v54;
	v50 =	vadd.f32 v47, v46;
	v21 =	vsub.f32 v3, v49  }
0x11a: {  	v37 =	vadd.s32 $0x4400, v54;
	v59 =	vsub.f32 v5, v26;
	v60 =	vsub.f32 v19, v52  }
0x11b: {  	v57 =	vld.idx.msk [tilespmem:v53+s3+$0x0], $0xffff;
	v55 =	vadd.f32 v24, v23;
	v2 =	vsub.f32 v17, v2;
	v62 =	vmul.f32 v21, v12  }
0x11c: {  	v4 =	vadd.f32 v43, v45;
	v63 =	vmul.f32 v59, v13;
	v36 =	vmul.f32 v60, v10  }
0x11d: {  	v42 =	vld.idx.msk [tilespmem:v61+s3+$0x0], $0xffff;
	v20 =	vadd.f32 v51, v50;
	v38 =	vmul.f32 v21, v15;
	v39 =	vmul.f32 v59, v16  }
0x11e: {  	v23 =	vld.idx.msk [tilespmem:v58+s3+$0x0], $0xffff;
	v40 =	vmul.f32 v21, v7;
	v41 =	vmul.f32 v59, v8;
	v1 =	vsub.f32 v48, v4  }
0x11f: {  	v44 =	vmul.f32 v60, v9;
	v2 =	vsub.f32 v2, v20;
	v4 =	vadd.f32 v22, v55  }
0x120: {  	v34 =	vld.idx.msk [tilespmem:v56+s3+$0x0], $0xffff;
	v45 =	vmul.f32 v60, v11;
	v22 =	vsub.f32 v18, v57;
	v35 =	vadd.f32 v63, v62  }
0x121: {  	v30 =	vld.idx.msk [tilespmem:v33+s3+$0x0], $0xffff;
	v48 =	vadd.s32 $0x3000, v54;
	v43 =	vadd.f32 v39, v38;
	v20 =	vadd.f32 v41, v40  }
0x122: {  	v51 =	vsub.f32 v3, v42;
	v1 =	vmul.f32 v1, v1;
	v4 =	vsub.f32 v6, v4  }
0x123: {  	v47 =	vld.idx.msk [tilespmem:v37+s3+$0x0], $0xffff;
	v2 =	vmul.f32 v2, v2;
	v23 =	vsub.f32 v14, v23;
	v6 =	vadd.f32 v36, v35  }
0x124: {  	v49 =	vadd.s32 $0x3400, v54;
	v37 =	vld [tilespmem:$0x5180];
	v46 =	vadd.f32 v44, v43;
	v20 =	vadd.f32 v45, v20  }
0x125: {  	v50 =	vadd.s32 $0x3800, v54;
	v1 =	vadd.f32 v2, v1;
	v2 =	vsub.f32 v17, v34  }
0x126: {  	v57 =	vmul.f32 v51, v12;
	v60 =	vmul.f32 v51, v15;
	v54 =	vsub.f32 v5, v30  }
0x127: {  	v63 =	vmul.f32 v51, v7;
	v6 =	vsub.f32 v22, v6;
	v22 =	vld [tilespmem:$0x5170];
	v2 =	vsub.f32 v2, v46  }
0x128: {  	v4 =	vmul.f32 v4, v4;
	v27 =	vsub.f32 v19, v47;
	v53 =	vld.idx.msk [tilespmem:v48+s3+$0x0], $0xffff;
	v58 =	vmul.f32 v54, v13  }
0x129: {  	v45 =	vadd.s32 $0x3C00, v37;
	v6 =	vmul.f32 v6, v6;
	v2 =	vmul.f32 v2, v2  }
0x12a: {  	v51 =	vadd.s32 $0x4400, v37;
	v20 =	vsub.f32 v23, v20;
	v1 =	vadd.f32 v4, v1  }
0x12b: {  	v4 =	vld.idx.msk [tilespmem:v49+s3+$0x0], $0xffff;
	v59 =	vmul.f32 v27, v10;
	v2 =	vadd.f32 v2, v6;
	v6 =	vadd.f32 v58, v57  }
0x12c: {  	v61 =	vmul.f32 v54, v16;
	v33 =	vmul.f32 v54, v8;
	v52 =	vadd.s32 $0x3C00, v22  }
0x12d: {  	v21 =	vld.idx.msk [tilespmem:v50+s3+$0x0], $0xffff;
	v55 =	vadd.s32 $0x4000, v22;
	v25 =	vsub.f32 v18, v53;
	v6 =	vadd.f32 v59, v6  }
0x12e: {  	v35 =	vmul.f32 v27, v9;
	v34 =	vadd.f32 v61, v60;
	v60 =	vld [tilespmem:$0x5190];
	v62 =	vadd.s32 $0x4400, v22  }
0x12f: {  	v36 =	vmul.f32 v27, v11;
	v56 =	vmul.f32 v20, v20;
	v40 =	vsub.f32 v25, v6;
	v25 =	vld.idx.msk [tilespmem:v45+s3+$0x0], $0xffff  }
0x130: {  	v26 =	vadd.f32 v35, v34;
	v38 =	vadd.s32 $0x3000, v22;
	v4 =	vsub.f32 v17, v4;
	v6 =	vld.idx.msk [tilespmem:v51+s3+$0x0], $0xffff  }
0x131: {  	v0 =	vadd.f32 v1, v0;
	v20 =	vadd.f32 v33, v63;
	v42 =	vadd.s32 $0x3400, v22;
	v24 =	vld.idx.msk [tilespmem:v52+s3+$0x0], $0xffff  }
0x132: {  	v21 =	vsub.f32 v14, v21;
	v22 =	vadd.s32 $0x3800, v22;
	v4 =	vsub.f32 v4, v26;
	v28 =	vld.idx.msk [tilespmem:v55+s3+$0x0], $0xffff  }
0x133: {  	v47 =	vadd.s32 $0x4000, v37;
	v20 =	vadd.f32 v36, v20;
	v1 =	vadd.f32 v56, v2;
	v39 =	vld.idx.msk [tilespmem:v62+s3+$0x0], $0xffff  }
0x134: {  	v58 =	vadd.s32 $0x3000, v37;
	v4 =	vmul.f32 v4, v4;
	v2 =	vmul.f32 v40, v40  }
0x135: {  	v41 =	vsub.f32 v21, v20;
	v59 =	vadd.s32 $0x3400, v37;
	v0 =	vadd.f32 v1, v0;
	v46 =	vld.idx.msk [tilespmem:v38+s3+$0x0], $0xffff  }
0x136: {  	v37 =	vadd.s32 $0x3800, v37;
	v52 =	vld.idx.msk [tilespmem:v42+s3+$0x0], $0xffff;
	v2 =	vadd.f32 v4, v2;
	v61 =	vsub.f32 v3, v25  }
0x137: {  	v50 =	vmul.f32 v41, v41;
	v22 =	vld.idx.msk [tilespmem:v22+s3+$0x0], $0xffff;
	v6 =	vsub.f32 v19, v6;
	v43 =	vsub.f32 v3, v24  }
0x138: {  	v45 =	vadd.s32 $0x4000, v60;
	v44 =	vsub.f32 v5, v28;
	v23 =	vsub.f32 v19, v39  }
0x139: {  	v2 =	vadd.f32 v50, v2;
	v39 =	vmul.f32 v61, v12;
	v41 =	vmul.f32 v61, v15  }
0x13a: {  	v38 =	vld.idx.msk [tilespmem:v59+s3+$0x0], $0xffff;
	v26 =	vsub.f32 v18, v46;
	v46 =	vmul.f32 v6, v9;
	v48 =	vmul.f32 v43, v12  }
0x13b: {  	v1 =	vsub.f32 v17, v52;
	v49 =	vmul.f32 v44, v13;
	v54 =	vmul.f32 v23, v10  }
0x13c: {  	v28 =	vld.idx.msk [tilespmem:v47+s3+$0x0], $0xffff;
	v22 =	vsub.f32 v14, v22;
	v55 =	vmul.f32 v43, v15;
	v56 =	vmul.f32 v44, v16  }
0x13d: {  	v47 =	vadd.s32 $0x4400, v60;
	v57 =	vmul.f32 v23, v9;
	v21 =	vmul.f32 v43, v7  }
0x13e: {  	v36 =	vld.idx.msk [tilespmem:v58+s3+$0x0], $0xffff;
	v52 =	vadd.s32 $0x3000, v60;
	v24 =	vmul.f32 v44, v8;
	v23 =	vmul.f32 v23, v11  }
0x13f: {  	v43 =	vadd.s32 $0x3C00, v60;
	v27 =	vsub.f32 v17, v38;
	v0 =	vadd.f32 v2, v0  }
0x140: {  	v44 =	vmul.f32 v6, v10;
	v53 =	vadd.f32 v49, v48;
	v4 =	vadd.f32 v56, v55  }
0x141: {  	v51 =	vld.idx.msk [tilespmem:v45+s3+$0x0], $0xffff;
	v6 =	vmul.f32 v6, v11;
	v21 =	vadd.f32 v24, v21;
	v62 =	vsub.f32 v5, v28  }
0x142: {  	v48 =	vmul.f32 v61, v7;
	v20 =	vadd.f32 v54, v53;
	v4 =	vadd.f32 v57, v4  }
0x143: {  	v61 =	vld.idx.msk [tilespmem:v52+s3+$0x0], $0xffff;
	v63 =	vadd.f32 v23, v21;
	v21 =	vsub.f32 v18, v36;
	v57 =	vadd.s32 $0x3400, v60  }
0x144: {  	v55 =	vld.idx.msk [tilespmem:v47+s3+$0x0], $0xffff;
	v40 =	vmul.f32 v62, v13;
	v42 =	vmul.f32 v62, v16;
	v20 =	vsub.f32 v26, v20  }
0x145: {  	v23 =	vld.idx.msk [tilespmem:v37+s3+$0x0], $0xffff;
	v49 =	vmul.f32 v62, v8;
	v1 =	vsub.f32 v1, v4;
	v4 =	vsub.f32 v22, v63  }
0x146: {  	v53 =	vld [tilespmem:$0x51A0];
	v60 =	vadd.s32 $0x3800, v60;
	v63 =	vsub.f32 v5, v51;
	v28 =	vadd.f32 v40, v39  }
0x147: {  	v30 =	vadd.f32 v42, v41;
	v22 =	vadd.f32 v49, v48;
	v20 =	vmul.f32 v20, v20  }
0x148: {  	v50 =	vld.idx.msk [tilespmem:v43+s3+$0x0], $0xffff;
	v1 =	vmul.f32 v1, v1;
	v4 =	vmul.f32 v4, v4;
	v42 =	vsub.f32 v18, v61  }
0x149: {  	v41 =	vmul.f32 v63, v16;
	v28 =	vadd.f32 v44, v28;
	v30 =	vadd.f32 v46, v30  }
0x14a: {  	v24 =	vmul.f32 v63, v8;
	v54 =	vsub.f32 v14, v23;
	v6 =	vadd.f32 v6, v22  }
0x14b: {  	v32 =	vadd.s32 $0x3C00, v53;
	v23 =	vsub.f32 v19, v55;
	v33 =	vadd.s32 $0x4000, v53  }
0x14c: {  	v35 =	vadd.s32 $0x4400, v53;
	v47 =	vadd.s32 $0x3000, v53;
	v51 =	vadd.s32 $0x3400, v53  }
0x14d: {  	v53 =	vadd.s32 $0x3800, v53;
	v1 =	vadd.f32 v1, v20;
	v62 =	vsub.f32 v3, v50  }
0x14e: {  	v2 =	vld.idx.msk [tilespmem:v57+s3+$0x0], $0xffff;
	v21 =	vsub.f32 v21, v28;
	v27 =	vsub.f32 v27, v30;
	v28 =	vmul.f32 v63, v13  }
0x14f: {  	v48 =	vld [tilespmem:$0x51B0];
	v37 =	vmul.f32 v23, v10;
	v45 =	vmul.f32 v23, v9;
	v1 =	vadd.f32 v4, v1  }
0x150: {  	v38 =	vld.idx.msk [tilespmem:v60+s3+$0x0], $0xffff;
	v58 =	vsub.f32 v54, v6;
	v34 =	vmul.f32 v62, v12;
	v40 =	vmul.f32 v62, v15  }
0x151: {  	v21 =	vmul.f32 v21, v21;
	v56 =	vmul.f32 v27, v27;
	v0 =	vadd.f32 v1, v0;
	v43 =	vld.idx.msk [tilespmem:v32+s3+$0x0], $0xffff  }
0x152: {  	v22 =	vmul.f32 v62, v7;
	v39 =	vadd.f32 v28, v34;
	v44 =	vadd.f32 v41, v40;
	v26 =	vld.idx.msk [tilespmem:v33+s3+$0x0], $0xffff  }
0x153: {  	v4 =	vmul.f32 v58, v58;
	v46 =	vld.idx.msk [tilespmem:v35+s3+$0x0], $0xffff;
	v2 =	vsub.f32 v17, v2;
	v59 =	vadd.f32 v56, v21  }
0x154: {  	v49 =	vadd.f32 v24, v22;
	v52 =	vld.idx.msk [tilespmem:v47+s3+$0x0], $0xffff;
	v20 =	vadd.f32 v45, v44  }
0x155: {  	v50 =	vmul.f32 v23, v11;
	v23 =	vld.idx.msk [tilespmem:v53+s3+$0x0], $0xffff;
	v36 =	vadd.f32 v4, v59;
	v4 =	vadd.f32 v37, v39  }
0x156: {  	v63 =	vadd.s32 $0x4400, v48;
	v6 =	vsub.f32 v14, v38;
	v2 =	vsub.f32 v2, v20  }
0x157: {  	v41 =	vld [tilespmem:$0x51C0];
	v56 =	vadd.s32 $0x3C00, v48;
	v0 =	vadd.f32 v36, v0;
	v1 =	vsub.f32 v42, v4  }
0x158: {  	v44 =	vadd.s32 $0x3000, v48;
	v4 =	vadd.f32 v50, v49;
	v21 =	vsub.f32 v3, v43  }
0x159: {  	v59 =	vadd.s32 $0x4000, v48;
	v54 =	vsub.f32 v5, v26;
	v55 =	vsub.f32 v19, v46  }
0x15a: {  	v22 =	vsub.f32 v18, v52;
	v23 =	vsub.f32 v14, v23;
	v2 =	vmul.f32 v2, v2  }
0x15b: {  	v60 =	vld.idx.msk [tilespmem:v51+s3+$0x0], $0xffff;
	v46 =	vadd.s32 $0x3800, v48;
	v1 =	vmul.f32 v1, v1;
	v57 =	vmul.f32 v21, v12  }
0x15c: {  	v43 =	vld.idx.msk [tilespmem:v63+s3+$0x0], $0xffff;
	v49 =	vadd.s32 $0x3C00, v41;
	v58 =	vmul.f32 v54, v13;
	v62 =	vmul.f32 v55, v10  }
0x15d: {  	v51 =	vadd.s32 $0x4000, v41;
	v33 =	vmul.f32 v21, v15;
	v34 =	vmul.f32 v54, v16  }
0x15e: {  	v4 =	vsub.f32 v6, v4;
	v35 =	vmul.f32 v21, v7;
	v36 =	vmul.f32 v54, v8  }
0x15f: {  	v37 =	vld.idx.msk [tilespmem:v56+s3+$0x0], $0xffff;
	v39 =	vmul.f32 v55, v9;
	v1 =	vadd.f32 v2, v1;
	v61 =	vadd.f32 v58, v57  }
0x160: {  	v40 =	vmul.f32 v55, v11;
	v50 =	vld.idx.msk [tilespmem:v44+s3+$0x0], $0xffff;
	v38 =	vadd.f32 v34, v33;
	v20 =	vadd.f32 v36, v35  }
0x161: {  	v4 =	vmul.f32 v4, v4;
	v2 =	vsub.f32 v17, v60;
	v27 =	vsub.f32 v19, v43  }
0x162: {  	v53 =	vadd.s32 $0x4400, v41;
	v30 =	vld.idx.msk [tilespmem:v59+s3+$0x0], $0xffff;
	v6 =	vadd.f32 v62, v61;
	v42 =	vadd.f32 v39, v38  }
0x163: {  	v45 =	vadd.s32 $0x3400, v48;
	v33 =	vld [tilespmem:$0x51D0];
	v20 =	vadd.f32 v40, v20;
	v1 =	vadd.f32 v4, v1  }
0x164: {  	v55 =	vld.idx.msk [tilespmem:v46+s3+$0x0], $0xffff;
	v47 =	vsub.f32 v3, v37;
	v61 =	vadd.s32 $0x3000, v41;
	v37 =	vadd.s32 $0x3400, v41  }
0x165: {  	v25 =	vld.idx.msk [tilespmem:v49+s3+$0x0], $0xffff;
	v57 =	vmul.f32 v27, v10;
	v26 =	vsub.f32 v18, v50;
	v63 =	vmul.f32 v27, v9  }
0x166: {  	v60 =	vld.idx.msk [tilespmem:v51+s3+$0x0], $0xffff;
	v35 =	vmul.f32 v27, v11;
	v6 =	vsub.f32 v22, v6;
	v2 =	vsub.f32 v2, v42  }
0x167: {  	v32 =	vld.idx.msk [tilespmem:v53+s3+$0x0], $0xffff;
	v20 =	vsub.f32 v23, v20;
	v48 =	vsub.f32 v5, v30;
	v52 =	vmul.f32 v47, v12  }
0x168: {  	v4 =	vld.idx.msk [tilespmem:v45+s3+$0x0], $0xffff;
	v0 =	vadd.f32 v1, v0;
	v58 =	vmul.f32 v47, v15;
	v23 =	vmul.f32 v47, v7  }
0x169: {  	v22 =	vadd.s32 $0x3800, v41;
	v41 =	vadd.s32 $0x3C00, v33;
	v42 =	vadd.s32 $0x4000, v33  }
0x16a: {  	v45 =	vadd.s32 $0x4400, v33;
	v6 =	vmul.f32 v6, v6;
	v2 =	vmul.f32 v2, v2  }
0x16b: {  	v30 =	vmul.f32 v48, v13;
	v54 =	vmul.f32 v20, v20;
	v1 =	vsub.f32 v14, v55  }
0x16c: {  	v59 =	vmul.f32 v48, v16;
	v25 =	vsub.f32 v3, v25;
	v21 =	vsub.f32 v5, v60  }
0x16d: {  	v24 =	vmul.f32 v48, v8;
	v38 =	vsub.f32 v19, v32;
	v4 =	vsub.f32 v17, v4  }
0x16e: {  	v2 =	vadd.f32 v2, v6;
	v39 =	vmul.f32 v25, v12;
	v40 =	vmul.f32 v21, v13  }
0x16f: {  	v56 =	vadd.f32 v30, v52;
	v44 =	vmul.f32 v38, v10;
	v46 =	vmul.f32 v25, v15  }
0x170: {  	v55 =	vld [tilespmem:$0x51E0];
	v62 =	vadd.f32 v59, v58;
	v47 =	vmul.f32 v21, v16;
	v48 =	vmul.f32 v25, v7  }
0x171: {  	v34 =	vadd.f32 v24, v23;
	v21 =	vmul.f32 v21, v8;
	v51 =	vmul.f32 v38, v9  }
0x172: {  	v36 =	vld.idx.msk [tilespmem:v61+s3+$0x0], $0xffff;
	v52 =	vmul.f32 v38, v11;
	v2 =	vadd.f32 v54, v2;
	v20 =	vadd.f32 v57, v56  }
0x173: {  	v27 =	vld.idx.msk [tilespmem:v37+s3+$0x0], $0xffff;
	v59 =	vadd.s32 $0x3800, v33;
	v6 =	vadd.f32 v35, v34;
	v43 =	vadd.f32 v40, v39  }
0x174: {  	v49 =	vld.idx.msk [tilespmem:v41+s3+$0x0], $0xffff;
	v50 =	vadd.f32 v47, v46;
	v54 =	vadd.s32 $0x3000, v33;
	v57 =	vadd.s32 $0x3400, v33  }
0x175: {  	v53 =	vld.idx.msk [tilespmem:v45+s3+$0x0], $0xffff;
	v60 =	vadd.s32 $0x3C00, v55;
	v0 =	vadd.f32 v2, v0;
	v20 =	vsub.f32 v26, v20  }
0x176: {  	v32 =	vadd.s32 $0x4400, v55;
	v2 =	vadd.f32 v63, v62;
	v1 =	vsub.f32 v1, v6  }
0x177: {  	v22 =	vld.idx.msk [tilespmem:v22+s3+$0x0], $0xffff;
	v45 =	vadd.s32 $0x3800, v55;
	v24 =	vsub.f32 v18, v36;
	v6 =	vadd.f32 v44, v43  }
0x178: {  	v27 =	vsub.f32 v17, v27;
	v63 =	vadd.s32 $0x4000, v55;
	v44 =	vadd.s32 $0x3400, v55  }
0x179: {  	v43 =	vld [tilespmem:$0x51F0];
	v2 =	vsub.f32 v4, v2;
	v20 =	vmul.f32 v20, v20;
	v6 =	vsub.f32 v24, v6  }
0x17a: {  	v36 =	vld.idx.msk [tilespmem:v59+s3+$0x0], $0xffff;
	v1 =	vmul.f32 v1, v1;
	v25 =	vsub.f32 v3, v49;
	v23 =	vsub.f32 v19, v53  }
0x17b: {  	v4 =	vld.idx.msk [tilespmem:v42+s3+$0x0], $0xffff;
	v24 =	vadd.f32 v51, v50;
	v2 =	vmul.f32 v2, v2;
	v6 =	vmul.f32 v6, v6  }
0x17c: {  	v22 =	vsub.f32 v14, v22;
	v58 =	vld.idx.msk [tilespmem:v54+s3+$0x0], $0xffff;
	v61 =	vmul.f32 v25, v12;
	v35 =	vmul.f32 v23, v10  }
0x17d: {  	v42 =	vadd.s32 $0x3000, v55;
	v26 =	vld.idx.msk [tilespmem:v60+s3+$0x0], $0xffff;
	v37 =	vmul.f32 v25, v15;
	v41 =	vmul.f32 v23, v9  }
0x17e: {  	v33 =	vld.idx.msk [tilespmem:v57+s3+$0x0], $0xffff;
	v56 =	vsub.f32 v27, v24;
	v25 =	vmul.f32 v25, v7;
	v23 =	vmul.f32 v23, v11  }
0x17f: {  	v39 =	vld.idx.msk [tilespmem:v63+s3+$0x0], $0xffff;
	v50 =	vadd.s32 $0x4000, v43;
	v2 =	vadd.f32 v2, v20;
	v20 =	vadd.f32 v21, v48  }
0x180: {  	v60 =	vadd.s32 $0x3000, v43;
	v63 =	vld [tilespmem:$0x5200];
	v48 =	vadd.s32 $0x3C00, v43;
	v4 =	vsub.f32 v5, v4  }
0x181: {  	v20 =	vadd.f32 v52, v20;
	v1 =	vadd.f32 v1, v2;
	v2 =	vmul.f32 v56, v56  }
0x182: {  	v56 =	vadd.s32 $0x4400, v43;
	v62 =	vmul.f32 v4, v13;
	v46 =	vsub.f32 v3, v26  }
0x183: {  	v47 =	vld.idx.msk [tilespmem:v42+s3+$0x0], $0xffff;
	v38 =	vmul.f32 v4, v16;
	v20 =	vsub.f32 v22, v20;
	v2 =	vadd.f32 v2, v6  }
0x184: {  	v4 =	vmul.f32 v4, v8;
	v0 =	vadd.f32 v1, v0;
	v22 =	vsub.f32 v18, v58  }
0x185: {  	v51 =	vld.idx.msk [tilespmem:v44+s3+$0x0], $0xffff;
	v1 =	vsub.f32 v17, v33;
	v6 =	vsub.f32 v14, v36;
	v44 =	vadd.s32 $0x3C00, v63  }
0x186: {  	v34 =	vadd.f32 v62, v61;
	v40 =	vadd.f32 v38, v37;
	v49 =	vmul.f32 v46, v12  }
0x187: {  	v4 =	vadd.f32 v4, v25;
	v54 =	vmul.f32 v46, v15;
	v26 =	vld.idx.msk [tilespmem:v48+s3+$0x0], $0xffff;
	v31 =	vmul.f32 v20, v20  }
0x188: {  	v37 =	vld.idx.msk [tilespmem:v60+s3+$0x0], $0xffff;
	v38 =	vadd.s32 $0x3800, v43;
	v25 =	vsub.f32 v18, v47;
	v21 =	vadd.f32 v35, v34  }
0x189: {  	v47 =	vadd.s32 $0x4000, v63;
	v4 =	vadd.f32 v23, v4;
	v2 =	vadd.f32 v31, v2  }
0x18a: {  	v20 =	vld.idx.msk [tilespmem:v32+s3+$0x0], $0xffff;
	v23 =	vmul.f32 v46, v7;
	v21 =	vsub.f32 v22, v21;
	v22 =	vadd.f32 v41, v40  }
0x18b: {  	v35 =	vadd.s32 $0x3400, v43;
	v4 =	vsub.f32 v6, v4;
	v6 =	vsub.f32 v17, v51  }
0x18c: {  	v61 =	vld.idx.msk [tilespmem:v56+s3+$0x0], $0xffff;
	v56 =	vadd.s32 $0x3400, v63;
	v0 =	vadd.f32 v2, v0;
	v2 =	vsub.f32 v5, v39  }
0x18d: {  	v59 =	vld.idx.msk [tilespmem:v50+s3+$0x0], $0xffff;
	v36 =	vsub.f32 v3, v26;
	v48 =	vsub.f32 v18, v37;
	v21 =	vmul.f32 v21, v21  }
0x18e: {  	v50 =	vld.idx.msk [tilespmem:v38+s3+$0x0], $0xffff;
	v1 =	vsub.f32 v1, v22;
	v4 =	vmul.f32 v4, v4;
	v52 =	vmul.f32 v2, v13  }
0x18f: {  	v20 =	vsub.f32 v19, v20;
	v22 =	vld.idx.msk [tilespmem:v45+s3+$0x0], $0xffff;
	v55 =	vmul.f32 v2, v16;
	v2 =	vmul.f32 v2, v8  }
0x190: {  	v39 =	vmul.f32 v36, v12;
	v1 =	vmul.f32 v1, v1;
	v24 =	vadd.f32 v52, v49  }
0x191: {  	v53 =	vmul.f32 v20, v10;
	v57 =	vadd.f32 v55, v54;
	v2 =	vadd.f32 v2, v23  }
0x192: {  	v58 =	vmul.f32 v20, v9;
	v23 =	vsub.f32 v5, v59;
	v1 =	vadd.f32 v1, v21  }
0x193: {  	v20 =	vmul.f32 v20, v11;
	v26 =	vsub.f32 v14, v50;
	v24 =	vadd.f32 v53, v24  }
0x194: {  	v51 =	vmul.f32 v36, v15;
	v27 =	vadd.f32 v58, v57;
	v22 =	vsub.f32 v14, v22  }
0x195: {  	v49 =	vld [tilespmem:$0x5210];
	v54 =	vadd.s32 $0x3000, v63;
	v2 =	vadd.f32 v20, v2;
	v20 =	vsub.f32 v19, v61  }
0x196: {  	v28 =	vld.idx.msk [tilespmem:v44+s3+$0x0], $0xffff;
	v40 =	vmul.f32 v23, v13;
	v52 =	vmul.f32 v23, v16;
	v1 =	vadd.f32 v4, v1  }
0x197: {  	v37 =	vld.idx.msk [tilespmem:v56+s3+$0x0], $0xffff;
	v53 =	vadd.s32 $0x4400, v63;
	v62 =	vsub.f32 v25, v24;
	v6 =	vsub.f32 v6, v27  }
0x198: {  	v23 =	vmul.f32 v23, v8;
	v2 =	vsub.f32 v22, v2;
	v42 =	vadd.f32 v40, v39  }
0x199: {  	v46 =	vld.idx.msk [tilespmem:v35+s3+$0x0], $0xffff;
	v43 =	vmul.f32 v20, v10;
	v25 =	vmul.f32 v36, v7;
	v22 =	vadd.s32 $0x3800, v63  }
0x19a: {  	v50 =	vld [tilespmem:$0x5220];
	v27 =	vadd.f32 v52, v51;
	v55 =	vmul.f32 v20, v9;
	v58 =	vadd.s32 $0x3C00, v49  }
0x19b: {  	v4 =	vld.idx.msk [tilespmem:v47+s3+$0x0], $0xffff;
	v20 =	vmul.f32 v20, v11;
	v39 =	vsub.f32 v3, v28;
	v60 =	vadd.s32 $0x4000, v49  }
0x19c: {  	v24 =	vsub.f32 v17, v37;
	v0 =	vadd.f32 v1, v0;
	v63 =	vld.idx.msk [tilespmem:v54+s3+$0x0], $0xffff;
	v36 =	vadd.s32 $0x4400, v49  }
0x19d: {  	v38 =	vadd.s32 $0x3000, v49;
	v21 =	vmul.f32 v62, v62;
	v6 =	vmul.f32 v6, v6;
	v59 =	vld.idx.msk [tilespmem:v53+s3+$0x0], $0xffff  }
0x19e: {  	v40 =	vadd.s32 $0x3400, v49;
	v2 =	vmul.f32 v2, v2;
	v23 =	vadd.f32 v23, v25;
	v22 =	vld.idx.msk [tilespmem:v22+s3+$0x0], $0xffff  }
0x19f: {  	v57 =	vadd.f32 v55, v27;
	v54 =	vadd.s32 $0x3C00, v50;
	v41 =	vadd.f32 v6, v21;
	v27 =	vld.idx.msk [tilespmem:v58+s3+$0x0], $0xffff  }
0x1a0: {  	v20 =	vadd.f32 v20, v23;
	v4 =	vsub.f32 v5, v4;
	v21 =	vadd.s32 $0x3800, v49;
	v29 =	vld.idx.msk [tilespmem:v60+s3+$0x0], $0xffff  }
0x1a1: {  	v55 =	vadd.s32 $0x4000, v50;
	v6 =	vadd.f32 v43, v42;
	v45 =	vadd.f32 v2, v41;
	v34 =	vld.idx.msk [tilespmem:v36+s3+$0x0], $0xffff  }
0x1a2: {  	v2 =	vsub.f32 v17, v46;
	v20 =	vsub.f32 v26, v20;
	v42 =	vmul.f32 v4, v13;
	v25 =	vld.idx.msk [tilespmem:v38+s3+$0x0], $0xffff  }
0x1a3: {  	v44 =	vmul.f32 v4, v16;
	v1 =	vsub.f32 v18, v63;
	v28 =	vld.idx.msk [tilespmem:v40+s3+$0x0], $0xffff;
	v58 =	vadd.s32 $0x4400, v50  }
0x1a4: {  	v26 =	vmul.f32 v39, v7;
	v4 =	vmul.f32 v4, v8;
	v63 =	vld [tilespmem:$0x5230];
	v23 =	vsub.f32 v19, v59  }
0x1a5: {  	v33 =	vadd.s32 $0x3400, v50;
	v62 =	vsub.f32 v48, v6;
	v2 =	vsub.f32 v2, v57;
	v21 =	vld.idx.msk [tilespmem:v21+s3+$0x0], $0xffff  }
0x1a6: {  	v4 =	vadd.f32 v4, v26;
	v47 =	vmul.f32 v23, v10;
	v52 =	vsub.f32 v3, v27;
	v3 =	vld [tilespmem:s17+$0x1410]  }
0x1a7: {  	v48 =	vmul.f32 v23, v9;
	v23 =	vmul.f32 v23, v11;
	v53 =	vsub.f32 v5, v29;
	v5 =	vld [tilespmem:s17+$0x1810]  }
0x1a8: {  	v43 =	vmul.f32 v39, v15;
	v41 =	vmul.f32 v39, v12;
	v61 =	vadd.f32 v45, v0;
	v31 =	vld.idx.msk [tilespmem:v58+s3+$0x0], $0xffff  }
0x1a9: {  	v0 =	vmul.f32 v62, v62;
	v2 =	vmul.f32 v2, v2;
	v23 =	vadd.f32 v23, v4;
	v4 =	vld [tilespmem:s17+$0xC10]  }
0x1aa: {  	v46 =	vadd.f32 v42, v41;
	v19 =	vsub.f32 v19, v34;
	v56 =	vmul.f32 v52, v12;
	v12 =	vld [tilespmem:s17+$0x3C10]  }
0x1ab: {  	v2 =	vadd.f32 v2, v0;
	v0 =	vadd.f32 v44, v43;
	v57 =	vmul.f32 v53, v13;
	v13 =	vld [tilespmem:s17+$0x4010]  }
0x1ac: {  	v45 =	vmul.f32 v20, v20;
	v22 =	vsub.f32 v14, v22;
	v60 =	vmul.f32 v19, v10;
	v10 =	vld [tilespmem:s17+$0x4410]  }
0x1ad: {  	v62 =	vadd.s32 $0x3000, v50;
	v20 =	vadd.f32 v47, v46;
	v49 =	vadd.f32 v48, v0;
	v0 =	vld [tilespmem:s4+$0x0]  }
0x1ae: {  	v18 =	vsub.f32 v18, v25;
	v36 =	vadd.s32 $0x4000, v63;
	v6 =	vadd.f32 v45, v2;
	v2 =	vld [tilespmem:s17+$0x410]  }
0x1af: {  	v7 =	vmul.f32 v52, v7;
	v8 =	vmul.f32 v53, v8;
	v20 =	vsub.f32 v1, v20;
	v1 =	vld [tilespmem:s17+$0x810]  }
0x1b0: {  	v17 =	vsub.f32 v17, v28;
	v40 =	vadd.s32 $0x4400, v63;
	v22 =	vsub.f32 v22, v23;
	v23 =	vld.idx.msk [tilespmem:v55+s3+$0x0], $0xffff  }
0x1b1: {  	v15 =	vmul.f32 v52, v15;
	v16 =	vmul.f32 v53, v16;
	v7 =	vadd.f32 v8, v7;
	v8 =	vld [tilespmem:s17+$0x1C10]  }
0x1b2: {  	v34 =	vadd.s32 $0x3800, v50;
	v35 =	vadd.s32 $0x3C00, v63;
	v30 =	vadd.f32 v6, v61;
	v6 =	vld [tilespmem:s17+$0x1010]  }
0x1b3: {  	v47 =	vadd.s32 $0x3000, v63;
	v9 =	vmul.f32 v19, v9;
	v15 =	vadd.f32 v16, v15;
	v61 =	vld.idx.msk [tilespmem:v54+s3+$0x0], $0xffff  }
0x1b4: {  	v11 =	vmul.f32 v19, v11;
	v14 =	vsub.f32 v14, v21;
	v24 =	vsub.f32 v24, v49;
	v26 =	vld.idx.msk [tilespmem:v36+s3+$0x0], $0xffff  }
0x1b5: {  	v59 =	vadd.f32 v57, v56;
	v20 =	vmul.f32 v20, v20;
	v48 =	vld.idx.msk [tilespmem:v40+s3+$0x0], $0xffff;
	v9 =	vadd.f32 v9, v15  }
0x1b6: {  	v32 =	vadd.f32 v11, v7;
	v7 =	vld [tilespmem:s17+$0x2010];
	v51 =	vmul.f32 v24, v24;
	v19 =	vsub.f32 v10, v31  }
0x1b7: {  	v50 =	vadd.s32 $0x3400, v63;
	v11 =	vld [tilespmem:s17+$0x3010];
	v9 =	vsub.f32 v17, v9;
	v23 =	vsub.f32 v13, v23  }
0x1b8: {  	v22 =	vmul.f32 v22, v22;
	v15 =	vld.idx.msk [tilespmem:v62+s3+$0x0], $0xffff;
	v17 =	vsub.f32 v14, v32;
	v20 =	vadd.f32 v51, v20  }
0x1b9: {  	v52 =	vld.idx.msk [tilespmem:v47+s3+$0x0], $0xffff;
	v39 =	vmul.f32 v19, v1;
	v46 =	vmul.f32 v19, v3;
	v51 =	vadd.s32 $0x3800, v63  }
0x1ba: {  	v31 =	vld [tilespmem:$0x5240];
	v9 =	vmul.f32 v9, v9;
	v16 =	vsub.f32 v12, v61;
	v38 =	vmul.f32 v23, v2  }
0x1bb: {  	v17 =	vmul.f32 v17, v17;
	v42 =	vmul.f32 v23, v6;
	v53 =	vsub.f32 v13, v26  }
0x1bc: {  	v23 =	vmul.f32 v23, v8;
	v55 =	vsub.f32 v10, v48;
	v20 =	vadd.f32 v22, v20  }
0x1bd: {  	v22 =	vadd.f32 v60, v59;
	v15 =	vsub.f32 v11, v15;
	v19 =	vmul.f32 v19, v7  }
0x1be: {  	v21 =	vld.idx.msk [tilespmem:v33+s3+$0x0], $0xffff;
	v63 =	vsub.f32 v11, v52;
	v37 =	vmul.f32 v16, v0;
	v41 =	vmul.f32 v16, v4  }
0x1bf: {  	v43 =	vld.idx.msk [tilespmem:v35+s3+$0x0], $0xffff;
	v16 =	vmul.f32 v16, v5;
	v54 =	vadd.s32 $0x3C00, v31;
	v56 =	vadd.s32 $0x4000, v31  }
0x1c0: {  	v14 =	vld [tilespmem:s17+$0x3410];
	v58 =	vmul.f32 v53, v2;
	v59 =	vadd.s32 $0x4400, v31;
	v18 =	vsub.f32 v18, v22  }
0x1c1: {  	v60 =	vmul.f32 v55, v1;
	v62 =	vmul.f32 v53, v6;
	v22 =	vld.idx.msk [tilespmem:v34+s3+$0x0], $0xffff;
	v16 =	vadd.f32 v23, v16  }
0x1c2: {  	v35 =	vmul.f32 v55, v3;
	v27 =	vadd.f32 v38, v37;
	v38 =	vld [tilespmem:$0x5250];
	v18 =	vmul.f32 v18, v18  }
0x1c3: {  	v24 =	vmul.f32 v53, v8;
	v45 =	vadd.f32 v42, v41;
	v16 =	vadd.f32 v19, v16;
	v19 =	vld.idx.msk [tilespmem:v51+s3+$0x0], $0xffff  }
0x1c4: {  	v40 =	vmul.f32 v55, v7;
	v44 =	vadd.f32 v39, v27;
	v18 =	vadd.f32 v9, v18;
	v9 =	vld [tilespmem:s17+$0x3810]  }
0x1c5: {  	v48 =	vadd.s32 $0x3800, v31;
	v20 =	vadd.f32 v20, v30;
	v21 =	vsub.f32 v14, v21;
	v33 =	vld.idx.msk [tilespmem:v54+s3+$0x0], $0xffff  }
0x1c6: {  	v37 =	vadd.s32 $0x3000, v31;
	v27 =	vadd.f32 v46, v45;
	v36 =	vld.idx.msk [tilespmem:v59+s3+$0x0], $0xffff;
	v15 =	vsub.f32 v15, v44  }
0x1c7: {  	v42 =	vadd.s32 $0x3400, v31;
	v17 =	vadd.f32 v17, v18;
	v18 =	vsub.f32 v12, v43  }
0x1c8: {  	v49 =	vsub.f32 v21, v27;
	v21 =	vld.idx.msk [tilespmem:v50+s3+$0x0], $0xffff;
	v45 =	vadd.s32 $0x3C00, v38;
	v47 =	vadd.s32 $0x4000, v38  }
0x1c9: {  	v27 =	vld.idx.msk [tilespmem:v56+s3+$0x0], $0xffff;
	v15 =	vmul.f32 v15, v15;
	v17 =	vadd.f32 v17, v20;
	v57 =	vmul.f32 v18, v0  }
0x1ca: {  	v20 =	vmul.f32 v49, v49;
	v22 =	vsub.f32 v9, v22;
	v19 =	vsub.f32 v9, v19  }
0x1cb: {  	v41 =	vld.idx.msk [tilespmem:v37+s3+$0x0], $0xffff;
	v61 =	vmul.f32 v18, v4;
	v23 =	vsub.f32 v12, v33;
	v44 =	vsub.f32 v10, v36  }
0x1cc: {  	v18 =	vmul.f32 v18, v5;
	v28 =	vadd.f32 v58, v57;
	v15 =	vadd.f32 v20, v15  }
0x1cd: {  	v50 =	vadd.s32 $0x4400, v38;
	v34 =	vadd.f32 v62, v61;
	v21 =	vsub.f32 v14, v21  }
0x1ce: {  	v39 =	vadd.f32 v24, v18;
	v17 =	vnsel vm1, $0x0, v17;
	v43 =	vsub.f32 v13, v27  }
0x1cf: {  	v61 =	vadd.s32 $0x3400, v38;
	v16 =	vsub.f32 v22, v16;
	v46 =	vmul.f32 v23, v0  }
0x1d0: {  	v49 =	vmul.f32 v44, v1;
	v18 =	vsub.f32 v11, v41;
	v53 =	vmul.f32 v23, v4  }
0x1d1: {  	v62 =	vld [tilespmem:$0x5260];
	v58 =	vmul.f32 v44, v3;
	v23 =	vmul.f32 v23, v5;
	v22 =	vadd.f32 v60, v28  }
0x1d2: {  	v25 =	vadd.f32 v35, v34;
	v27 =	vmul.f32 v43, v2;
	v54 =	vmul.f32 v43, v6  }
0x1d3: {  	v59 =	vld.idx.msk [tilespmem:v50+s3+$0x0], $0xffff;
	v24 =	vmul.f32 v43, v8;
	v60 =	vadd.s32 $0x3000, v38;
	v20 =	vsub.f32 v63, v22  }
0x1d4: {  	v16 =	vmul.f32 v16, v16;
	v21 =	vsub.f32 v21, v25;
	v26 =	vadd.f32 v27, v46  }
0x1d5: {  	v51 =	vld.idx.msk [tilespmem:v42+s3+$0x0], $0xffff;
	v28 =	vadd.s32 $0x3800, v38;
	v57 =	vadd.f32 v54, v53;
	v23 =	vadd.f32 v24, v23  }
0x1d6: {  	v55 =	vld.idx.msk [tilespmem:v47+s3+$0x0], $0xffff;
	v15 =	vadd.f32 v16, v15;
	v16 =	vadd.f32 v40, v39;
	v40 =	vadd.s32 $0x3C00, v62  }
0x1d7: {  	v20 =	vmul.f32 v20, v20;
	v21 =	vmul.f32 v21, v21;
	v52 =	vadd.f32 v49, v26  }
0x1d8: {  	v25 =	vld.idx.msk [tilespmem:v45+s3+$0x0], $0xffff;
	v43 =	vadd.s32 $0x4000, v62;
	v22 =	vadd.f32 v58, v57;
	v27 =	vsub.f32 v10, v59  }
0x1d9: {  	v15 =	vnsel vm0, $0x0, v15;
	v16 =	vsub.f32 v19, v16;
	v20 =	vadd.f32 v21, v20  }
0x1da: {  	v56 =	vld.idx.msk [tilespmem:v48+s3+$0x0], $0xffff;
	v19 =	vmul.f32 v44, v7;
	v15 =	vadd.f32 v15, v17;
	v18 =	vsub.f32 v18, v52  }
0x1db: {  	v63 =	vld.idx.msk [tilespmem:v60+s3+$0x0], $0xffff;
	v44 =	vadd.s32 $0x4400, v62;
	v21 =	vsub.f32 v14, v51;
	v17 =	vsub.f32 v13, v55  }
0x1dc: {  	v28 =	vld.idx.msk [tilespmem:v28+s3+$0x0], $0xffff;
	v39 =	vmul.f32 v27, v1;
	v45 =	vmul.f32 v27, v3;
	v52 =	vadd.s32 $0x3400, v62  }
0x1dd: {  	v16 =	vmul.f32 v16, v16;
	v25 =	vsub.f32 v12, v25;
	v19 =	vadd.f32 v19, v23  }
0x1de: {  	v36 =	vmul.f32 v17, v2;
	v21 =	vsub.f32 v21, v22;
	v42 =	vmul.f32 v17, v6  }
0x1df: {  	v37 =	vld.idx.msk [tilespmem:v61+s3+$0x0], $0xffff;
	v17 =	vmul.f32 v17, v8;
	v18 =	vmul.f32 v18, v18;
	v16 =	vadd.f32 v16, v20  }
0x1e0: {  	v20 =	vsub.f32 v9, v56;
	v35 =	vmul.f32 v25, v0;
	v41 =	vmul.f32 v25, v4  }
0x1e1: {  	v48 =	vld.idx.msk [tilespmem:v40+s3+$0x0], $0xffff;
	v25 =	vmul.f32 v25, v5;
	v23 =	vsub.f32 v11, v63;
	v28 =	vsub.f32 v9, v28  }
0x1e2: {  	v49 =	vld.idx.msk [tilespmem:v43+s3+$0x0], $0xffff;
	v21 =	vmul.f32 v21, v21;
	v19 =	vsub.f32 v20, v19;
	v38 =	vadd.f32 v36, v35  }
0x1e3: {  	v46 =	vmul.f32 v27, v7;
	v30 =	vadd.f32 v42, v41;
	v17 =	vadd.f32 v17, v25  }
0x1e4: {  	v16 =	vnsel vm0, $0x0, v16;
	v20 =	vsub.f32 v14, v37;
	v18 =	vadd.f32 v21, v18  }
0x1e5: {  	v50 =	vld.idx.msk [tilespmem:v44+s3+$0x0], $0xffff;
	v15 =	vadd.f32 v16, v15;
	v22 =	vadd.f32 v39, v38  }
0x1e6: {  	v51 =	vadd.s32 $0x3000, v62;
	v60 =	vld.idx.msk [tilespmem:v52+s3+$0x0], $0xffff;
	v47 =	vadd.f32 v45, v30;
	v17 =	vadd.f32 v46, v17  }
0x1e7: {  	v21 =	vld [tilespmem:$0x5270];
	v19 =	vmul.f32 v19, v19;
	v56 =	vsub.f32 v12, v48;
	v24 =	vsub.f32 v13, v49  }
0x1e8: {  	v54 =	vadd.s32 $0x3800, v62;
	v22 =	vsub.f32 v23, v22;
	v20 =	vsub.f32 v20, v47  }
0x1e9: {  	v17 =	vsub.f32 v28, v17;
	v53 =	vadd.f32 v19, v18;
	v58 =	vmul.f32 v56, v0  }
0x1ea: {  	v23 =	vsub.f32 v10, v50;
	v61 =	vmul.f32 v24, v2;
	v36 =	vmul.f32 v56, v4  }
0x1eb: {  	v37 =	vmul.f32 v24, v6;
	v24 =	vmul.f32 v24, v8;
	v42 =	vsub.f32 v14, v60  }
0x1ec: {  	v57 =	vld.idx.msk [tilespmem:v51+s3+$0x0], $0xffff;
	v22 =	vmul.f32 v22, v22;
	v20 =	vmul.f32 v20, v20;
	v59 =	vadd.s32 $0x3C00, v21  }
0x1ed: {  	v17 =	vmul.f32 v17, v17;
	v62 =	vmul.f32 v23, v1;
	v63 =	vadd.s32 $0x4000, v21  }
0x1ee: {  	v48 =	vld [tilespmem:$0x5280];
	v38 =	vadd.s32 $0x4400, v21;
	v19 =	vadd.f32 v61, v58;
	v39 =	vadd.f32 v37, v36  }
0x1ef: {  	v40 =	vmul.f32 v23, v3;
	v46 =	vadd.s32 $0x3000, v21;
	v16 =	vnsel vm0, $0x0, v53  }
0x1f0: {  	v18 =	vld.idx.msk [tilespmem:v54+s3+$0x0], $0xffff;
	v53 =	vadd.s32 $0x3400, v21;
	v21 =	vadd.s32 $0x3800, v21;
	v15 =	vadd.f32 v16, v15  }
0x1f1: {  	v55 =	vadd.f32 v20, v22;
	v20 =	vmul.f32 v56, v5;
	v22 =	vsub.f32 v11, v57;
	v41 =	vld.idx.msk [tilespmem:v59+s3+$0x0], $0xffff  }
0x1f2: {  	v23 =	vmul.f32 v23, v7;
	v19 =	vadd.f32 v62, v19;
	v43 =	vadd.f32 v40, v39;
	v44 =	vld.idx.msk [tilespmem:v63+s3+$0x0], $0xffff  }
0x1f3: {  	v58 =	vadd.s32 $0x3C00, v48;
	v17 =	vadd.f32 v17, v55;
	v20 =	vadd.f32 v24, v20;
	v45 =	vld.idx.msk [tilespmem:v38+s3+$0x0], $0xffff  }
0x1f4: {  	v34 =	vadd.s32 $0x4400, v48;
	v19 =	vsub.f32 v22, v19;
	v47 =	vsub.f32 v42, v43;
	v56 =	vld.idx.msk [tilespmem:v46+s3+$0x0], $0xffff  }
0x1f5: {  	v37 =	vadd.s32 $0x3000, v48;
	v18 =	vsub.f32 v9, v18;
	v21 =	vld.idx.msk [tilespmem:v21+s3+$0x0], $0xffff;
	v20 =	vadd.f32 v23, v20  }
0x1f6: {  	v38 =	vld [tilespmem:$0x5290];
	v49 =	vnsel vm0, $0x0, v17;
	v51 =	vmul.f32 v19, v19;
	v52 =	vmul.f32 v47, v47  }
0x1f7: {  	v40 =	vadd.s32 $0x3400, v48;
	v15 =	vadd.f32 v49, v15;
	v50 =	vsub.f32 v18, v20  }
0x1f8: {  	v43 =	vadd.s32 $0x3800, v48;
	v18 =	vadd.f32 v52, v51;
	v54 =	vsub.f32 v12, v41  }
0x1f9: {  	v59 =	vadd.s32 $0x4000, v48;
	v28 =	vld.idx.msk [tilespmem:v58+s3+$0x0], $0xffff;
	v55 =	vsub.f32 v13, v44;
	v23 =	vsub.f32 v10, v45  }
0x1fa: {  	v17 =	vmul.f32 v50, v50;
	v19 =	vsub.f32 v11, v56;
	v21 =	vsub.f32 v9, v21  }
0x1fb: {  	v60 =	vld.idx.msk [tilespmem:v53+s3+$0x0], $0xffff;
	v45 =	vadd.s32 $0x3C00, v38;
	v46 =	vadd.s32 $0x4000, v38;
	v57 =	vmul.f32 v54, v0  }
0x1fc: {  	v48 =	vadd.s32 $0x4400, v38;
	v27 =	vmul.f32 v55, v2;
	v62 =	vmul.f32 v23, v1  }
0x1fd: {  	v53 =	vadd.s32 $0x3000, v38;
	v63 =	vmul.f32 v54, v4;
	v33 =	vmul.f32 v55, v6  }
0x1fe: {  	v16 =	vld.idx.msk [tilespmem:v59+s3+$0x0], $0xffff;
	v44 =	vsub.f32 v12, v28;
	v22 =	vmul.f32 v54, v5;
	v24 =	vmul.f32 v55, v8  }
0x1ff: {  	v17 =	vadd.f32 v17, v18;
	v36 =	vmul.f32 v23, v3;
	v23 =	vmul.f32 v23, v7  }
0x200: {  	v39 =	vld.idx.msk [tilespmem:v34+s3+$0x0], $0xffff;
	v18 =	vsub.f32 v14, v60;
	v55 =	vadd.s32 $0x3400, v38;
	v60 =	vadd.s32 $0x3800, v38  }
0x201: {  	v61 =	vadd.f32 v27, v57;
	v35 =	vadd.f32 v33, v63;
	v17 =	vnsel vm0, $0x0, v17  }
0x202: {  	v42 =	vld.idx.msk [tilespmem:v37+s3+$0x0], $0xffff;
	v28 =	vmul.f32 v44, v0;
	v22 =	vadd.f32 v24, v22;
	v15 =	vadd.f32 v17, v15  }
0x203: {  	v49 =	vmul.f32 v44, v4;
	v57 =	vld [tilespmem:$0x52A0];
	v16 =	vsub.f32 v13, v16;
	v20 =	vadd.f32 v62, v61  }
0x204: {  	v24 =	vmul.f32 v44, v5;
	v25 =	vld.idx.msk [tilespmem:v45+s3+$0x0], $0xffff;
	v26 =	vadd.f32 v36, v35;
	v22 =	vadd.f32 v23, v22  }
0x205: {  	v54 =	vld.idx.msk [tilespmem:v48+s3+$0x0], $0xffff;
	v23 =	vsub.f32 v10, v39;
	v47 =	vmul.f32 v16, v2;
	v50 =	vmul.f32 v16, v6  }
0x206: {  	v59 =	vld.idx.msk [tilespmem:v53+s3+$0x0], $0xffff;
	v16 =	vmul.f32 v16, v8;
	v19 =	vsub.f32 v19, v20;
	v18 =	vsub.f32 v18, v26  }
0x207: {  	v36 =	vld.idx.msk [tilespmem:v55+s3+$0x0], $0xffff;
	v41 =	vsub.f32 v21, v22;
	v21 =	vsub.f32 v11, v42;
	v51 =	vmul.f32 v23, v1  }
0x208: {  	v20 =	vld.idx.msk [tilespmem:v40+s3+$0x0], $0xffff;
	v52 =	vmul.f32 v23, v3;
	v56 =	vmul.f32 v23, v7;
	v28 =	vadd.f32 v47, v28  }
0x209: {  	v22 =	vld.idx.msk [tilespmem:v43+s3+$0x0], $0xffff;
	v16 =	vadd.f32 v16, v24;
	v40 =	vadd.s32 $0x3C00, v57;
	v43 =	vadd.s32 $0x4000, v57  }
0x20a: {  	v26 =	vld.idx.msk [tilespmem:v46+s3+$0x0], $0xffff;
	v46 =	vadd.s32 $0x4400, v57;
	v53 =	vadd.s32 $0x3400, v57;
	v55 =	vadd.s32 $0x3800, v57  }
0x20b: {  	v19 =	vmul.f32 v19, v19;
	v18 =	vmul.f32 v18, v18;
	v61 =	vsub.f32 v12, v25  }
0x20c: {  	v17 =	vmul.f32 v41, v41;
	v37 =	vsub.f32 v10, v54;
	v28 =	vadd.f32 v51, v28  }
0x20d: {  	v16 =	vadd.f32 v56, v16;
	v18 =	vadd.f32 v18, v19;
	v38 =	vmul.f32 v61, v0  }
0x20e: {  	v19 =	vadd.f32 v50, v49;
	v41 =	vmul.f32 v61, v4;
	v44 =	vmul.f32 v37, v1  }
0x20f: {  	v45 =	vmul.f32 v37, v3;
	v20 =	vsub.f32 v14, v20;
	v21 =	vsub.f32 v21, v28  }
0x210: {  	v24 =	vmul.f32 v61, v5;
	v58 =	vsub.f32 v9, v22;
	v62 =	vsub.f32 v13, v26  }
0x211: {  	v49 =	vmul.f32 v37, v7;
	v50 =	vld [tilespmem:$0x52B0];
	v19 =	vadd.f32 v52, v19;
	v17 =	vadd.f32 v17, v18  }
0x212: {  	v22 =	vld.idx.msk [tilespmem:v60+s3+$0x0], $0xffff;
	v18 =	vsub.f32 v11, v59;
	v52 =	vadd.s32 $0x3000, v57;
	v63 =	vmul.f32 v21, v21  }
0x213: {  	v29 =	vld.idx.msk [tilespmem:v40+s3+$0x0], $0xffff;
	v16 =	vsub.f32 v58, v16;
	v39 =	vmul.f32 v62, v2;
	v42 =	vmul.f32 v62, v6  }
0x214: {  	v48 =	vld.idx.msk [tilespmem:v43+s3+$0x0], $0xffff;
	v21 =	vsub.f32 v14, v36;
	v25 =	vmul.f32 v62, v8;
	v19 =	vsub.f32 v20, v19  }
0x215: {  	v51 =	vld.idx.msk [tilespmem:v46+s3+$0x0], $0xffff;
	v17 =	vnsel vm0, $0x0, v17;
	v27 =	vadd.f32 v39, v38;
	v30 =	vadd.f32 v42, v41  }
0x216: {  	v24 =	vadd.f32 v25, v24;
	v16 =	vmul.f32 v16, v16;
	v15 =	vadd.f32 v17, v15  }
0x217: {  	v57 =	vadd.s32 $0x3C00, v50;
	v60 =	vadd.s32 $0x4000, v50;
	v22 =	vsub.f32 v9, v22  }
0x218: {  	v38 =	vadd.s32 $0x3000, v50;
	v27 =	vadd.f32 v44, v27;
	v47 =	vadd.f32 v45, v30  }
0x219: {  	v19 =	vmul.f32 v19, v19;
	v24 =	vadd.f32 v49, v24;
	v56 =	vsub.f32 v12, v29  }
0x21a: {  	v17 =	vld.idx.msk [tilespmem:v53+s3+$0x0], $0xffff;
	v46 =	vadd.s32 $0x3800, v50;
	v20 =	vsub.f32 v13, v48;
	v59 =	vsub.f32 v10, v51  }
0x21b: {  	v42 =	vld [tilespmem:$0x52C0];
	v45 =	vadd.s32 $0x3400, v50;
	v19 =	vadd.f32 v19, v63;
	v61 =	vmul.f32 v56, v0  }
0x21c: {  	v63 =	vadd.s32 $0x4400, v50;
	v62 =	vmul.f32 v20, v2;
	v34 =	vmul.f32 v59, v1  }
0x21d: {  	v18 =	vsub.f32 v18, v27;
	v35 =	vmul.f32 v56, v4;
	v36 =	vmul.f32 v20, v6  }
0x21e: {  	v58 =	vld.idx.msk [tilespmem:v52+s3+$0x0], $0xffff;
	v54 =	vsub.f32 v22, v24;
	v40 =	vmul.f32 v59, v3;
	v22 =	vmul.f32 v56, v5  }
0x21f: {  	v32 =	vld.idx.msk [tilespmem:v55+s3+$0x0], $0xffff;
	v21 =	vsub.f32 v21, v47;
	v20 =	vmul.f32 v20, v8;
	v43 =	vmul.f32 v59, v7  }
0x220: {  	v16 =	vadd.f32 v16, v19;
	v23 =	vld.idx.msk [tilespmem:v57+s3+$0x0], $0xffff;
	v17 =	vsub.f32 v14, v17;
	v50 =	vadd.s32 $0x3C00, v42  }
0x221: {  	v37 =	vld.idx.msk [tilespmem:v60+s3+$0x0], $0xffff;
	v18 =	vmul.f32 v18, v18;
	v21 =	vmul.f32 v21, v21;
	v33 =	vadd.f32 v62, v61  }
0x222: {  	v44 =	vld.idx.msk [tilespmem:v38+s3+$0x0], $0xffff;
	v19 =	vmul.f32 v54, v54;
	v39 =	vadd.f32 v36, v35;
	v20 =	vadd.f32 v20, v22  }
0x223: {  	v22 =	vld.idx.msk [tilespmem:v46+s3+$0x0], $0xffff;
	v16 =	vnsel vm0, $0x0, v16;
	v24 =	vsub.f32 v11, v58;
	v18 =	vadd.f32 v21, v18  }
0x224: {  	v51 =	vadd.s32 $0x4000, v42;
	v15 =	vadd.f32 v16, v15;
	v16 =	vsub.f32 v9, v32  }
0x225: {  	v38 =	vadd.s32 $0x3800, v42;
	v20 =	vadd.f32 v43, v20;
	v18 =	vadd.f32 v19, v18  }
0x226: {  	v54 =	vadd.s32 $0x4400, v42;
	v27 =	vld.idx.msk [tilespmem:v45+s3+$0x0], $0xffff;
	v19 =	vadd.f32 v34, v33;
	v23 =	vsub.f32 v12, v23  }
0x227: {  	v62 =	vadd.s32 $0x3000, v42;
	v41 =	vld.idx.msk [tilespmem:v63+s3+$0x0], $0xffff;
	v21 =	vsub.f32 v13, v37;
	v16 =	vsub.f32 v16, v20  }
0x228: {  	v63 =	vld [tilespmem:$0x52D0];
	v25 =	vsub.f32 v11, v44;
	v37 =	vadd.s32 $0x3400, v42;
	v22 =	vsub.f32 v9, v22  }
0x229: {  	v18 =	vnsel vm0, $0x0, v18;
	v48 =	vmul.f32 v23, v0;
	v49 =	vmul.f32 v21, v2  }
0x22a: {  	v19 =	vsub.f32 v24, v19;
	v55 =	vmul.f32 v23, v4;
	v56 =	vmul.f32 v21, v6  }
0x22b: {  	v58 =	vld.idx.msk [tilespmem:v50+s3+$0x0], $0xffff;
	v57 =	vmul.f32 v23, v5;
	v21 =	vmul.f32 v21, v8;
	v27 =	vsub.f32 v14, v27  }
0x22c: {  	v35 =	vld.idx.msk [tilespmem:v54+s3+$0x0], $0xffff;
	v16 =	vmul.f32 v16, v16;
	v15 =	vadd.f32 v18, v15;
	v18 =	vadd.f32 v40, v39  }
0x22d: {  	v47 =	vsub.f32 v10, v41;
	v40 =	vadd.s32 $0x3C00, v63;
	v42 =	vadd.s32 $0x4000, v63  }
0x22e: {  	v39 =	vld.idx.msk [tilespmem:v62+s3+$0x0], $0xffff;
	v45 =	vadd.s32 $0x4400, v63;
	v62 =	vadd.s32 $0x3800, v63;
	v52 =	vadd.f32 v49, v48  }
0x22f: {  	v19 =	vmul.f32 v19, v19;
	v59 =	vadd.f32 v56, v55;
	v17 =	vsub.f32 v17, v18  }
0x230: {  	v53 =	vmul.f32 v47, v1;
	v60 =	vmul.f32 v47, v3;
	v23 =	vsub.f32 v12, v58  }
0x231: {  	v56 =	vld [tilespmem:$0x52E0];
	v61 =	vmul.f32 v47, v7;
	v41 =	vsub.f32 v10, v35;
	v17 =	vmul.f32 v17, v17  }
0x232: {  	v55 =	vadd.s32 $0x3000, v63;
	v18 =	vld.idx.msk [tilespmem:v51+s3+$0x0], $0xffff;
	v43 =	vmul.f32 v23, v0;
	v48 =	vmul.f32 v23, v4  }
0x233: {  	v20 =	vadd.f32 v53, v52;
	v23 =	vmul.f32 v23, v5;
	v47 =	vmul.f32 v41, v1  }
0x234: {  	v50 =	vsub.f32 v11, v39;
	v53 =	vmul.f32 v41, v3;
	v17 =	vadd.f32 v17, v19  }
0x235: {  	v51 =	vld.idx.msk [tilespmem:v40+s3+$0x0], $0xffff;
	v58 =	vmul.f32 v41, v7;
	v20 =	vsub.f32 v25, v20;
	v19 =	vadd.f32 v21, v57  }
0x236: {  	v54 =	vld.idx.msk [tilespmem:v45+s3+$0x0], $0xffff;
	v25 =	vadd.f32 v60, v59;
	v60 =	vadd.s32 $0x3400, v63;
	v34 =	vadd.s32 $0x3C00, v56  }
0x237: {  	v46 =	vld.idx.msk [tilespmem:v37+s3+$0x0], $0xffff;
	v37 =	vadd.s32 $0x4000, v56;
	v18 =	vsub.f32 v13, v18;
	v19 =	vadd.f32 v61, v19  }
0x238: {  	v16 =	vadd.f32 v16, v17;
	v36 =	vsub.f32 v27, v25;
	v20 =	vmul.f32 v20, v20  }
0x239: {  	v61 =	vld.idx.msk [tilespmem:v55+s3+$0x0], $0xffff;
	v55 =	vadd.s32 $0x3800, v56;
	v44 =	vmul.f32 v18, v2;
	v49 =	vmul.f32 v18, v6  }
0x23a: {  	v18 =	vmul.f32 v18, v8;
	v19 =	vsub.f32 v22, v19;
	v17 =	vmul.f32 v36, v36  }
0x23b: {  	v27 =	vld.idx.msk [tilespmem:v42+s3+$0x0], $0xffff;
	v16 =	vnsel vm0, $0x0, v16;
	v24 =	vsub.f32 v12, v51;
	v33 =	vsub.f32 v10, v54  }
0x23c: {  	v22 =	vld.idx.msk [tilespmem:v38+s3+$0x0], $0xffff;
	v38 =	vadd.s32 $0x4400, v56;
	v28 =	vadd.f32 v44, v43;
	v52 =	vadd.f32 v49, v48  }
0x23d: {  	v51 =	vadd.s32 $0x3000, v56;
	v15 =	vadd.f32 v16, v15;
	v57 =	vadd.f32 v18, v23  }
0x23e: {  	v17 =	vadd.f32 v17, v20;
	v19 =	vmul.f32 v19, v19;
	v35 =	vmul.f32 v24, v0  }
0x23f: {  	v20 =	vsub.f32 v14, v46;
	v41 =	vmul.f32 v33, v1;
	v43 =	vmul.f32 v24, v4  }
0x240: {  	v26 =	vld.idx.msk [tilespmem:v34+s3+$0x0], $0xffff;
	v45 =	vmul.f32 v24, v5;
	v21 =	vadd.f32 v47, v28;
	v25 =	vadd.f32 v53, v52  }
0x241: {  	v39 =	vld.idx.msk [tilespmem:v60+s3+$0x0], $0xffff;
	v49 =	vmul.f32 v33, v3;
	v16 =	vadd.f32 v58, v57;
	v63 =	vsub.f32 v13, v27  }
0x242: {  	v47 =	vld.idx.msk [tilespmem:v37+s3+$0x0], $0xffff;
	v53 =	vadd.s32 $0x3400, v56;
	v17 =	vadd.f32 v19, v17;
	v19 =	vsub.f32 v50, v21  }
0x243: {  	v52 =	vld [tilespmem:$0x52F0];
	v20 =	vsub.f32 v20, v25;
	v59 =	vsub.f32 v9, v22;
	v36 =	vmul.f32 v63, v2  }
0x244: {  	v22 =	vsub.f32 v11, v61;
	v44 =	vmul.f32 v63, v6;
	v46 =	vmul.f32 v63, v8  }
0x245: {  	v21 =	vmul.f32 v33, v7;
	v17 =	vnsel vm0, $0x0, v17;
	v56 =	vsub.f32 v12, v26  }
0x246: {  	v42 =	vld.idx.msk [tilespmem:v62+s3+$0x0], $0xffff;
	v16 =	vsub.f32 v59, v16;
	v19 =	vmul.f32 v19, v19;
	v15 =	vadd.f32 v17, v15  }
0x247: {  	v50 =	vld.idx.msk [tilespmem:v38+s3+$0x0], $0xffff;
	v20 =	vmul.f32 v20, v20;
	v40 =	vadd.f32 v36, v35;
	v48 =	vadd.f32 v44, v43  }
0x248: {  	v17 =	vsub.f32 v14, v39;
	v58 =	vsub.f32 v13, v47;
	v60 =	vadd.s32 $0x3C00, v52  }
0x249: {  	v26 =	vmul.f32 v56, v0;
	v61 =	vadd.s32 $0x4000, v52;
	v36 =	vadd.s32 $0x4400, v52  }
0x24a: {  	v37 =	vmul.f32 v56, v4;
	v43 =	vadd.s32 $0x3000, v52;
	v19 =	vadd.f32 v20, v19  }
0x24b: {  	v16 =	vmul.f32 v16, v16;
	v18 =	vadd.f32 v41, v40;
	v20 =	vsub.f32 v9, v42  }
0x24c: {  	v44 =	vld [tilespmem:$0x5300];
	v59 =	vsub.f32 v10, v50;
	v62 =	vmul.f32 v58, v2;
	v38 =	vmul.f32 v58, v6  }
0x24d: {  	v57 =	vld.idx.msk [tilespmem:v51+s3+$0x0], $0xffff;
	v23 =	vmul.f32 v58, v8;
	v16 =	vadd.f32 v16, v19;
	v19 =	vadd.f32 v46, v45  }
0x24e: {  	v35 =	vld [tilespmem:$0x5310];
	v18 =	vsub.f32 v22, v18;
	v22 =	vadd.f32 v49, v48;
	v45 =	vadd.s32 $0x3400, v52  }
0x24f: {  	v46 =	vadd.s32 $0x3800, v52;
	v63 =	vmul.f32 v59, v1;
	v19 =	vadd.f32 v21, v19;
	v21 =	vld.idx.msk [tilespmem:v53+s3+$0x0], $0xffff  }
0x250: {  	v26 =	vadd.f32 v62, v26;
	v39 =	vmul.f32 v59, v3;
	v54 =	vsub.f32 v17, v22;
	v17 =	vld.idx.msk [tilespmem:v55+s3+$0x0], $0xffff  }
0x251: {  	v40 =	vmul.f32 v59, v7;
	v52 =	vadd.s32 $0x3C00, v44;
	v58 =	vadd.s32 $0x4400, v44;
	v25 =	vld.idx.msk [tilespmem:v60+s3+$0x0], $0xffff  }
0x252: {  	v16 =	vnsel vm0, $0x0, v16;
	v22 =	vsub.f32 v11, v57;
	v41 =	vld.idx.msk [tilespmem:v61+s3+$0x0], $0xffff;
	v26 =	vadd.f32 v63, v26  }
0x253: {  	v18 =	vmul.f32 v18, v18;
	v42 =	vld.idx.msk [tilespmem:v36+s3+$0x0], $0xffff;
	v15 =	vadd.f32 v16, v15;
	v16 =	vmul.f32 v54, v54  }
0x254: {  	v49 =	vld.idx.msk [tilespmem:v43+s3+$0x0], $0xffff;
	v19 =	vsub.f32 v20, v19;
	v20 =	vmul.f32 v56, v5;
	v22 =	vsub.f32 v22, v26  }
0x255: {  	v34 =	vadd.s32 $0x3000, v44;
	v16 =	vadd.f32 v16, v18;
	v18 =	vadd.f32 v38, v37  }
0x256: {  	v55 =	vadd.s32 $0x4000, v44;
	v20 =	vadd.f32 v23, v20;
	v21 =	vsub.f32 v14, v21  }
0x257: {  	v19 =	vmul.f32 v19, v19;
	v17 =	vsub.f32 v9, v17;
	v48 =	vsub.f32 v12, v25  }
0x258: {  	v33 =	vld.idx.msk [tilespmem:v58+s3+$0x0], $0xffff;
	v58 =	vadd.s32 $0x3000, v35;
	v24 =	vsub.f32 v13, v41;
	v50 =	vsub.f32 v10, v42  }
0x259: {  	v47 =	vmul.f32 v22, v22;
	v25 =	vsub.f32 v11, v49;
	v18 =	vadd.f32 v39, v18  }
0x25a: {  	v20 =	vadd.f32 v40, v20;
	v51 =	vmul.f32 v48, v0;
	v53 =	vmul.f32 v24, v2  }
0x25b: {  	v62 =	vld.idx.msk [tilespmem:v52+s3+$0x0], $0xffff;
	v16 =	vadd.f32 v19, v16;
	v54 =	vmul.f32 v50, v1;
	v56 =	vmul.f32 v48, v4  }
0x25c: {  	v43 =	vld.idx.msk [tilespmem:v34+s3+$0x0], $0xffff;
	v39 =	vadd.s32 $0x3400, v44;
	v57 =	vmul.f32 v24, v6;
	v22 =	vmul.f32 v48, v5  }
0x25d: {  	v32 =	vld.idx.msk [tilespmem:v55+s3+$0x0], $0xffff;
	v40 =	vadd.s32 $0x3800, v44;
	v24 =	vmul.f32 v24, v8;
	v60 =	vmul.f32 v50, v3  }
0x25e: {  	v61 =	vmul.f32 v50, v7;
	v18 =	vsub.f32 v21, v18;
	v17 =	vsub.f32 v17, v20  }
0x25f: {  	v19 =	vld.idx.msk [tilespmem:v46+s3+$0x0], $0xffff;
	v16 =	vnsel vm0, $0x0, v16;
	v20 =	vadd.f32 v53, v51;
	v59 =	vadd.f32 v57, v56  }
0x260: {  	v21 =	vld.idx.msk [tilespmem:v45+s3+$0x0], $0xffff;
	v45 =	vadd.s32 $0x3C00, v35;
	v22 =	vadd.f32 v24, v22;
	v41 =	vsub.f32 v12, v62  }
0x261: {  	v24 =	vsub.f32 v10, v33;
	v15 =	vadd.f32 v16, v15;
	v53 =	vadd.s32 $0x4400, v35  }
0x262: {  	v55 =	vsub.f32 v11, v43;
	v18 =	vmul.f32 v18, v18;
	v42 =	vsub.f32 v13, v32  }
0x263: {  	v17 =	vmul.f32 v17, v17;
	v20 =	vadd.f32 v54, v20;
	v63 =	vadd.f32 v60, v59  }
0x264: {  	v19 =	vsub.f32 v9, v19;
	v44 =	vmul.f32 v41, v0;
	v51 =	vmul.f32 v41, v4  }
0x265: {  	v22 =	vadd.f32 v61, v22;
	v57 =	vmul.f32 v24, v3;
	v23 =	vmul.f32 v41, v5  }
0x266: {  	v59 =	vadd.s32 $0x3400, v35;
	v61 =	vmul.f32 v24, v7;
	v18 =	vadd.f32 v18, v47  }
0x267: {  	v28 =	vmul.f32 v42, v2;
	v52 =	vmul.f32 v42, v6;
	v36 =	vsub.f32 v19, v22;
	v22 =	vld.idx.msk [tilespmem:v40+s3+$0x0], $0xffff  }
0x268: {  	v26 =	vmul.f32 v42, v8;
	v21 =	vsub.f32 v14, v21;
	v20 =	vsub.f32 v25, v20;
	v29 =	vld.idx.msk [tilespmem:v45+s3+$0x0], $0xffff  }
0x269: {  	v47 =	vadd.s32 $0x4000, v35;
	v17 =	vadd.f32 v17, v18;
	v56 =	vadd.f32 v52, v51;
	v62 =	vld.idx.msk [tilespmem:v53+s3+$0x0], $0xffff  }
0x26a: {  	v60 =	vadd.f32 v26, v23;
	v21 =	vsub.f32 v21, v63;
	v37 =	vmul.f32 v20, v20;
	v20 =	vld [tilespmem:$0x5320]  }
0x26b: {  	v50 =	vmul.f32 v24, v1;
	v49 =	vadd.f32 v28, v44;
	v46 =	vnsel vm0, $0x0, v17  }
0x26c: {  	v27 =	vadd.f32 v57, v56;
	v16 =	vadd.f32 v61, v60;
	v38 =	vmul.f32 v21, v21  }
0x26d: {  	v48 =	vld.idx.msk [tilespmem:v39+s3+$0x0], $0xffff;
	v25 =	vadd.s32 $0x3800, v35;
	v15 =	vadd.f32 v46, v15;
	v21 =	vadd.f32 v50, v49  }
0x26e: {  	v18 =	vmul.f32 v36, v36;
	v40 =	vld.idx.msk [tilespmem:v59+s3+$0x0], $0xffff;
	v22 =	vsub.f32 v9, v22;
	v19 =	vadd.f32 v38, v37  }
0x26f: {  	v17 =	vld.idx.msk [tilespmem:v47+s3+$0x0], $0xffff;
	v38 =	vsub.f32 v12, v29;
	v24 =	vsub.f32 v10, v62;
	v63 =	vadd.s32 $0x3C00, v20  }
0x270: {  	v36 =	vadd.s32 $0x4000, v20;
	v39 =	vadd.s32 $0x4400, v20;
	v16 =	vsub.f32 v22, v16  }
0x271: {  	v51 =	vadd.s32 $0x3000, v20;
	v52 =	vadd.s32 $0x3400, v20;
	v20 =	vadd.s32 $0x3800, v20  }
0x272: {  	v18 =	vadd.f32 v18, v19;
	v41 =	vmul.f32 v38, v0;
	v43 =	vmul.f32 v38, v4  }
0x273: {  	v37 =	vld.idx.msk [tilespmem:v58+s3+$0x0], $0xffff;
	v19 =	vsub.f32 v14, v48;
	v46 =	vmul.f32 v24, v1;
	v48 =	vmul.f32 v24, v3  }
0x274: {  	v49 =	vld [tilespmem:$0x5330];
	v22 =	vsub.f32 v14, v40;
	v24 =	vmul.f32 v24, v7;
	v17 =	vsub.f32 v13, v17  }
0x275: {  	v16 =	vmul.f32 v16, v16;
	v54 =	vnsel vm0, $0x0, v18;
	v18 =	vsub.f32 v55, v21  }
0x276: {  	v50 =	vld.idx.msk [tilespmem:v25+s3+$0x0], $0xffff;
	v19 =	vsub.f32 v19, v27;
	v27 =	vmul.f32 v38, v5;
	v42 =	vmul.f32 v17, v2  }
0x277: {  	v15 =	vadd.f32 v54, v15;
	v44 =	vmul.f32 v17, v6;
	v17 =	vmul.f32 v17, v8;
	v21 =	vld.idx.msk [tilespmem:v63+s3+$0x0], $0xffff  }
0x278: {  	v26 =	vsub.f32 v11, v37;
	v18 =	vmul.f32 v18, v18;
	v19 =	vmul.f32 v19, v19;
	v23 =	vld.idx.msk [tilespmem:v36+s3+$0x0], $0xffff  }
0x279: {  	v57 =	vadd.s32 $0x4000, v49;
	v29 =	vld.idx.msk [tilespmem:v39+s3+$0x0], $0xffff;
	v45 =	vadd.f32 v42, v41;
	v47 =	vadd.f32 v44, v43  }
0x27a: {  	v59 =	vadd.s32 $0x4400, v49;
	v17 =	vadd.f32 v17, v27;
	v18 =	vadd.f32 v19, v18  }
0x27b: {  	v54 =	vadd.s32 $0x3C00, v49;
	v58 =	vld.idx.msk [tilespmem:v51+s3+$0x0], $0xffff;
	v19 =	vadd.f32 v46, v45;
	v30 =	vadd.f32 v48, v47  }
0x27c: {  	v39 =	vadd.s32 $0x3000, v49;
	v20 =	vld.idx.msk [tilespmem:v20+s3+$0x0], $0xffff;
	v17 =	vadd.f32 v24, v17;
	v16 =	vadd.f32 v16, v18  }
0x27d: {  	v63 =	vld.idx.msk [tilespmem:v52+s3+$0x0], $0xffff;
	v42 =	vadd.s32 $0x3400, v49;
	v18 =	vsub.f32 v9, v50;
	v21 =	vsub.f32 v12, v21  }
0x27e: {  	v32 =	vld.idx.msk [tilespmem:v57+s3+$0x0], $0xffff;
	v46 =	vadd.s32 $0x3800, v49;
	v23 =	vsub.f32 v13, v23;
	v53 =	vsub.f32 v10, v29  }
0x27f: {  	v25 =	vld.idx.msk [tilespmem:v59+s3+$0x0], $0xffff;
	v19 =	vsub.f32 v26, v19;
	v22 =	vsub.f32 v22, v30;
	v55 =	vmul.f32 v21, v0  }
0x280: {  	v24 =	vsub.f32 v11, v58;
	v56 =	vmul.f32 v23, v2;
	v60 =	vmul.f32 v53, v1  }
0x281: {  	v29 =	vld.idx.msk [tilespmem:v54+s3+$0x0], $0xffff;
	v20 =	vsub.f32 v9, v20;
	v61 =	vmul.f32 v19, v19;
	v62 =	vmul.f32 v22, v22  }
0x282: {  	v45 =	vld.idx.msk [tilespmem:v39+s3+$0x0], $0xffff;
	v17 =	vsub.f32 v18, v17;
	v37 =	vmul.f32 v21, v4;
	v38 =	vmul.f32 v23, v6  }
0x283: {  	v21 =	vmul.f32 v21, v5;
	v23 =	vmul.f32 v23, v8;
	v13 =	vsub.f32 v13, v32  }
0x284: {  	v47 =	vld.idx.msk [tilespmem:v42+s3+$0x0], $0xffff;
	v40 =	vmul.f32 v53, v3;
	v10 =	vsub.f32 v10, v25;
	v22 =	vsub.f32 v14, v63  }
0x285: {  	v41 =	vmul.f32 v53, v7;
	v30 =	vadd.f32 v56, v55;
	v21 =	vadd.f32 v23, v21  }
0x286: {  	v18 =	vadd.f32 v62, v61;
	v2 =	vmul.f32 v13, v2;
	v6 =	vmul.f32 v13, v6  }
0x287: {  	v48 =	vld.idx.msk [tilespmem:v46+s3+$0x0], $0xffff;
	v1 =	vmul.f32 v10, v1;
	v12 =	vsub.f32 v12, v29;
	v11 =	vsub.f32 v11, v45  }
0x288: {  	v3 =	vmul.f32 v10, v3;
	v36 =	vadd.f32 v60, v30;
	v30 =	vadd.f32 v38, v37  }
0x289: {  	v21 =	vadd.f32 v41, v21;
	v52 =	vsub.f32 v14, v47;
	v0 =	vmul.f32 v12, v0  }
0x28a: {  	v4 =	vmul.f32 v12, v4;
	v43 =	vsub.f32 v24, v36;
	v44 =	vadd.f32 v40, v30  }
0x28b: {  	v50 =	vmul.f32 v13, v8;
	v20 =	vsub.f32 v20, v21;
	v0 =	vadd.f32 v2, v0  }
0x28c: {  	v49 =	vmul.f32 v12, v5;
	v4 =	vadd.f32 v6, v4;
	v2 =	vsub.f32 v9, v48  }
0x28d: {  	v51 =	vmul.f32 v17, v17;
	v22 =	vsub.f32 v22, v44;
	v0 =	vadd.f32 v1, v0  }
0x28e: {  	v54 =	vmul.f32 v10, v7;
	v3 =	vadd.f32 v3, v4;
	v1 =	vadd.f32 v50, v49  }
0x28f: {  	v53 =	vmul.f32 v43, v43;
	v55 =	vmul.f32 v22, v22;
	v0 =	vsub.f32 v11, v0  }
0x290: {  	v56 =	vnsel vm0, $0x0, v16;
	v3 =	vsub.f32 v52, v3;
	v1 =	vadd.f32 v54, v1  }
0x291: {  	v57 =	vadd.f32 v51, v18;
	v58 =	vmul.f32 v20, v20;
	v4 =	vadd.f32 v55, v53  }
0x292: {  	v1 =	vsub.f32 v2, v1;
	v0 =	vmul.f32 v0, v0;
	v59 =	vmul.f32 v3, v3  }
0x293: {  	v60 =	vadd.f32 v56, v15;
	v5 =	vnsel vm0, $0x0, v57  }
0x294: {  	v4 =	vadd.f32 v58, v4;
	v0 =	vadd.f32 v59, v0;
	v1 =	vmul.f32 v1, v1  }
0x295: {  	v61 =	vadd.f32 v5, v60  }
0x296: {  	v62 =	vnsel vm0, $0x0, v4;
	v0 =	vadd.f32 v1, v0  }
0x297: {  	v63 =	vadd.f32 v62, v61  }
0x298: {  	v0 =	vnsel vm0, $0x0, v0  }
0x299: {  	v0 =	vadd.f32 v0, v63;
	_ =	sdelay $0x1  }
0x29a: {  	s11 =	simm.s32 $0x5680;
	[tilespmem:$0x5680] =	vst v0  }
0x29b: {  	[hbm4b:s24+s3] =	stream.linear.scatter [tilespmem:s11], [sflag:$0x1], $0x10, $0x38;
	[tilespmem:$0x5700] =	vst v63  }
0x29c: {  	_ =	swait.ge [sflag:s5], $0xE0  }
0x29d: {  	[sflag:s5] =	ssyncset.done $0x0  }
0x29e: {  	[sflag:s5] =	ssyncadd.s32 $0xFFFFFF20  }
0x29f: {  	_ =	swait.ge [sflag:s5], $0xE0  }
0x2a0: {  	[sflag:s5] =	ssyncset.done $0x0  }
0x2a1: {  	s6 =	sadd.s32 $0x1, s6;
	[sflag:s5] =	ssyncadd.s32 $0xFFFFFF20  }
0x2a2: {  	p0 =	sne.s32 s6, s25;
	_ =	swait.ge [sflag:s5], $0xE0  }
.Ltmp1:
0x2a3: {  	[sflag:s5] =	ssyncset.done $0x0;
	(pc) =	sbr.rel @p0 .LBB2_1-.Ltmp1, $4  }
0x2a4: {  	[sflag:s5] =	ssyncadd.s32 $0xFFFFFF20  }
0x2a5: {  	_ =	swait.ge [sflag:s5], $0x10  }
0x2a6: {  	[sflag:s5] =	ssyncset.done $0x0  }
0x2a7: {  	[sflag:s5] =	ssyncadd.s32 $0xFFFFFFF0  }
0x2a8: {  	_ =	sfence.sel $0x180000  }
0x2a9: {  	[bflag:$0x0] =	sbarrier.arrive $0xFFFF  }
0x2aa: {  	_ =	strace $0x9000004A  }
0x2ab: {  	s0 =	stileid.u32;
	[bflag:$0x2] =	sbarrier.arrive $0xFFFF  }
0x2ac: {  	p0 =	sne.s32 s0, $0x0;
	s0 =	rddreg [dreg:$0x2]  }
0x2ad: {  	s0 =	sadd.s32 @!p0 $0x100000, s0  }
0x2ae: {  	[sflag:s0] =	ssyncadd.tile.s32 @!p0 $0x1;
	_ =	shalt  }
.Lfunc_end2:
_tile_overlayer_lowered:
.L_overlay_start_2:
0x2af: {  	(tag) =	ssettag $0x2  }
0x2b0: {  	s0 =	rddreg [dreg:$0x0];
	s2 =	stileid.u32  }
0x2b1: {  	s1 =	rddreg [dreg:$0x1];
	p0 =	sne.s32 s2, $0x0  }
0x2b2: {  	s3 =	rddreg [dreg:$0x2];
	[bflag:$0x3] =	sbarrier.arrive $0xFFFF;
	s2 =	simm.s32 @!p0 $0x1C02  }
0x2b3: {  	[timem:s3], [sflag:s2] =	dma.local @!p0 [hbm:s0], s1  }
0x2b4: {  	s0 =	simm.s32 @!p0 $0x2  }
0x2b5: {  	_ =	swait.ge @!p0 [sflag:s0], s1  }
0x2b6: {  	s1 =	ssub.s32 @!p0 $0x0, s1;
	[sflag:s0] =	ssyncset.done @!p0 $0x0  }
0x2b7: {  	[sflag:s0] =	ssyncadd.s32 @!p0 s1  }
0x2b8: {  	[bflag:$0x3] =	sbarrier.arrive $0xFFFF  }
0x2b9: {  	_ =	shalt  }

</sc_bundles>
